<compile_context>
chip_gen: v7x
topology: tpu7x:2x2x1
jax: 0.10.2.dev20260603
libtpu: 0.0.44.dev20260713+nightly
codegen_flags: <defaults>
</compile_context>

<pallas_src>
import jax
import jax.numpy as jnp
from jax import lax
from jax.experimental import pallas as pl
from jax.experimental.pallas import tpu as pltpu
from jax.experimental.pallas import tpu_sc as plsc

ROWS = 160000
D = 256
HALF = 128
S = 10000
S_PAD = 10240

NC = 2
NS = 16
CH = 128
NCHUNKS = ROWS // CH
NCH_PAD = 1280
BASES = (0, 3456, 6912)
SPANS = (3456, 3456, 3328)
ACC_ROWS = 3456
DUMMY = ACC_ROWS
NTPT = NCH_PAD // NS
DUMMY_ROW = NTPT


def _stripe_subs(span):
  st = span // NS
  return ((0, 128), (128, st - 128))


def _body(x_hbm, idx_hbm, bounds_hbm, out_hbm,
          bounds_v, idx_v, buf0, buf1, sums_buf, cnts_buf, ones_v,
          acc_sh, cnt_sh, sem0, sem1):
  c = lax.axis_index("c")
  t = lax.axis_index("s")
  col0 = c * HALF

  ones16 = jnp.ones((16,), jnp.float32)
  zeros16 = jnp.zeros((16,), jnp.float32)

  def fill(i, _):
    ones_v[i, :] = ones16
    for k in range(HALF // 16):
      sums_buf[i, pl.ds(k * 16, 16)] = zeros16
    cnts_buf[i, :] = zeros16
    return 0
  lax.fori_loop(0, 128, fill, 0)

  def zero_acc():
    base = t * (ACC_ROWS // NS)
    for off, sz in _stripe_subs(ACC_ROWS):
      pltpu.sync_copy(sums_buf.at[pl.ds(0, sz), :],
                      acc_sh.at[pl.ds(base + off, sz), :])
      pltpu.sync_copy(cnts_buf.at[pl.ds(0, sz), :],
                      cnt_sh.at[pl.ds(base + off, sz), :])

  zero_acc()
  pltpu.sync_copy(bounds_hbm.at[t], bounds_v)
  plsc.subcore_barrier()
  bv = bounds_v[:]
  pass_lo = (jnp.int32(0), bv[2], bv[3])
  pass_hi = (bv[0], bv[1], bv[4])

  def x_slice(jj):
    return x_hbm.at[pl.ds(t * CH + jj * (16 * CH), CH), pl.ds(col0, HALF)]

  def run_pass(p, lo, hi):
    pltpu.sync_copy(idx_hbm.at[p * NS + t], idx_v)

    def cl(j):
      return jnp.maximum(jnp.minimum(j, hi - 1), 0)

    def sel(j):
      return jnp.where(j < hi, j, DUMMY_ROW)

    def start_load(j, buf, sem):
      pltpu.async_copy(x_slice(cl(j)), buf, sem)

    def wait_load(j, buf, sem):
      pltpu.make_async_copy(x_slice(cl(j)), buf, sem).wait()

    def scatter(j, buf):
      idx = idx_v.at[sel(j)]
      pltpu.sync_copy(buf, acc_sh.at[idx], add=True)
      pltpu.sync_copy(ones_v, cnt_sh.at[idx], add=True)

    npairs = (hi - lo + 1) // 2
    start_load(lo, buf0, sem0)

    def pair(m, _):
      j0 = lo + 2 * m
      start_load(j0 + 1, buf1, sem1)
      wait_load(j0, buf0, sem0)
      scatter(j0, buf0)
      start_load(j0 + 2, buf0, sem0)
      wait_load(j0 + 1, buf1, sem1)
      scatter(j0 + 1, buf1)
      return 0
    lax.fori_loop(0, npairs, pair, 0)
    wait_load(lo + 2 * npairs, buf0, sem0)

  def finalize(base, span):
    stripe = t * (span // NS)
    for off, sz in _stripe_subs(span):
      pltpu.sync_copy(acc_sh.at[pl.ds(stripe + off, sz), :],
                      sums_buf.at[pl.ds(0, sz), :])
      pltpu.sync_copy(cnt_sh.at[pl.ds(stripe + off, sz), :],
                      cnts_buf.at[pl.ds(0, sz), :])

      def per_seg(i, _):
        cvec = cnts_buf[i, :]
        r = 1.0 / jnp.maximum(cvec, 1.0)
        for k in range(HALF // 16):
          sums_buf[i, pl.ds(k * 16, 16)] = sums_buf[i, pl.ds(k * 16, 16)] * r
        return 0
      lax.fori_loop(0, sz, per_seg, 0)

      pltpu.sync_copy(sums_buf.at[pl.ds(0, sz), :],
                      out_hbm.at[pl.ds(base + stripe + off, sz),
                                 pl.ds(col0, HALF)])

  def refill(i, _):
    for k in range(HALF // 16):
      sums_buf[i, pl.ds(k * 16, 16)] = zeros16
    cnts_buf[i, :] = zeros16
    return 0

  for p in range(3):
    run_pass(p, pass_lo[p], pass_hi[p])
    plsc.subcore_barrier()
    finalize(BASES[p], SPANS[p])
    if p < 2:
      lax.fori_loop(0, 128, refill, 0)
      zero_acc()
      plsc.subcore_barrier()


def _build():
  return pl.kernel(
      _body,
      out_type=jax.ShapeDtypeStruct((S_PAD, D), jnp.float32),
      mesh=plsc.VectorSubcoreMesh(
          core_axis_name="c", subcore_axis_name="s",
          num_cores=NC, num_subcores=NS),
      scratch_types=[
          pltpu.VMEM((16,), jnp.int32),
          pltpu.VMEM((NTPT + 8, CH), jnp.int32),
          pltpu.VMEM((CH, HALF), jnp.float32),
          pltpu.VMEM((CH, HALF), jnp.float32),
          pltpu.VMEM((128, HALF), jnp.float32),
          pltpu.VMEM((128, 16), jnp.float32),
          pltpu.VMEM((CH, 16), jnp.float32),
          pltpu.VMEM_SHARED((ACC_ROWS + 8, HALF), jnp.float32),
          pltpu.VMEM_SHARED((ACC_ROWS + 8, 16), jnp.float32),
          pltpu.SemaphoreType.DMA,
          pltpu.SemaphoreType.DMA,
      ],
      compiler_params=pltpu.CompilerParams(use_tc_tiling_on_sc=False),
  )


def _tileize(a):
  return a.reshape(NCH_PAD // NS, NS, CH).transpose(1, 0, 2)


@jax.jit
def kernel(x, segment_ids):
  ids = jnp.asarray(segment_ids, jnp.int32)
  ids = jnp.concatenate(
      [ids, jnp.full((NCH_PAD * CH - ROWS,), S - 1, jnp.int32)])
  idx = jnp.stack([
      _tileize(jnp.where((ids >= b) & (ids < b + sp), ids - b, DUMMY))
      for b, sp in zip(BASES, SPANS)])
  idx = jnp.concatenate(
      [idx, jnp.full((3, NS, 8, CH), DUMMY, jnp.int32)], axis=2)
  idx = idx.reshape(3 * NS, NTPT + 8, CH)
  firsts = ids[0::CH].reshape(NCH_PAD // NS, NS)
  lasts = ids[CH - 1::CH].reshape(NCH_PAD // NS, NS)
  jj = jnp.arange(NCH_PAD // NS)[:, None]
  tt = jnp.arange(NS)[None, :]
  valid = (tt + NS * jj) < NCHUNKS
  nt = valid.sum(axis=0).astype(jnp.int32)
  hi0 = (valid & (firsts < BASES[1])).sum(axis=0).astype(jnp.int32)
  hi1 = (valid & (firsts < BASES[2])).sum(axis=0).astype(jnp.int32)
  lo1 = (valid & (lasts < BASES[1])).sum(axis=0).astype(jnp.int32)
  lo2 = (valid & (lasts < BASES[2])).sum(axis=0).astype(jnp.int32)
  bounds = jnp.stack(
      [hi0, hi1, lo1, lo2, nt] + [jnp.zeros((NS,), jnp.int32)] * 11,
      axis=1)
  return _build()(x, idx, bounds)[:S]

# --- scband reference (transcript-rebuilt; emitter-appended) ---
"""Pipeline reference for scband-abstract-ioembed-35270271434840 (READ-ONLY COPY).

The authoritative reference and input builder live on the scoring server;
editing this copy changes nothing except your own understanding.
"""

import jax, jax.numpy as jnp
import numpy as np

NUM_SEGMENTS = 10000

def setup_inputs(seed: int = 0) -> dict:
    key = jax.random.key(seed)
    k1, k2 = jax.random.split(key)
    x = jax.random.normal(k1, (160000, 256), dtype=jnp.float32)
    segment_ids = jnp.sort(jax.random.randint(k2, (160000,), 0, NUM_SEGMENTS, dtype=jnp.int64))
    return {"x": x, "segment_ids": segment_ids}

def reference(x, segment_ids):
    # Faithful translation of agg_func = lambda x, idx: scatter_mean(x, idx, dim=0)
    # scatter_mean: per-segment sum divided by per-segment count (count clamped to >=1,
    # matching torch_scatter.scatter_mean semantics where empty segments yield 0).
    sums = jax.ops.segment_sum(x, segment_ids, num_segments=NUM_SEGMENTS)
    counts = jax.ops.segment_sum(jnp.ones((x.shape[0],), dtype=x.dtype), segment_ids, num_segments=NUM_SEGMENTS)
    counts = jnp.clip(counts, 1.0, None)
    return sums / counts[:, None]

if __name__ == "__main__":
    import jax
    _d = setup_inputs()
    print(jax.jit(kernel)(*tuple(_d.values())))

</pallas_src>

<mosaic_0001>
#map = affine_map<(d0, d1) -> (0, 0)>
#map1 = affine_map<(d0, d1) -> (0, 0, 0)>
module attributes {stable_mosaic.version = 14 : i64} {
  func.func @_body(%arg0: i32, %arg1: i32, %arg2: memref<160000x256xf32, #tpu.memory_space<hbm>>, %arg3: memref<48x88x128xi32, #tpu.memory_space<hbm>>, %arg4: memref<16x16xi32, #tpu.memory_space<hbm>>, %arg5: memref<10240x256xf32, #tpu.memory_space<hbm>>, %arg6: memref<16xi32, #tpu.memory_space<vmem>>, %arg7: memref<88x128xi32, #tpu.memory_space<vmem>>, %arg8: memref<128x128xf32, #tpu.memory_space<vmem>>, %arg9: memref<128x128xf32, #tpu.memory_space<vmem>>, %arg10: memref<128x128xf32, #tpu.memory_space<vmem>>, %arg11: memref<128x16xf32, #tpu.memory_space<vmem>>, %arg12: memref<128x16xf32, #tpu.memory_space<vmem>>, %arg13: memref<3464x128xf32, #tpu.memory_space<vmem_shared>>, %arg14: memref<3464x16xf32, #tpu.memory_space<vmem_shared>>, %arg15: memref<!tpu.dma_semaphore, #tpu.memory_space<semaphore_mem>>, %arg16: memref<!tpu.dma_semaphore, #tpu.memory_space<semaphore_mem>>) attributes {dimension_semantics = [#tpu.dimension_semantics<core_parallel>, #tpu.dimension_semantics<subcore_parallel>], iteration_bounds = array<i64: 2, 16>, scalar_prefetch = 0 : i64, scratch_operands = 11 : i64, tpu.core_type = #tpu.core_type<sc_vector_subcore>, window_params = [{transform_indices = #map}, {transform_indices = #map1}, {transform_indices = #map}, {transform_indices = #map}]} {
    %mul3A = arith.constant 128 : i32
    %mul3A_0 = arith.muli %arg0, %mul3A : i32
    %broadcast_in_dim3A = arith.constant 1.000000e+00 : f32
    %broadcast_in_dim3A_1 = vector.broadcast %broadcast_in_dim3A : f32 to vector<16xf32>
    %broadcast_in_dim3A_2 = arith.constant 0.000000e+00 : f32
    %broadcast_in_dim3A_3 = vector.broadcast %broadcast_in_dim3A_2 : f32 to vector<16xf32>
    %scan3A = arith.constant 0 : i32
    %scan3A_4 = arith.constant 0 : i32
    %scan3A_5 = arith.constant 128 : i32
    %scan3A_6 = arith.addi %scan3A_4, %scan3A_5 : i32
    %scan3A_7 = arith.constant 1 : i32
    %scan3A_8 = scf.for %scan3A_359 = %scan3A_4 to %scan3A_6 step %scan3A_7 iter_args(%scan3A_360 = %scan3A) -> (i32)  : i32 {
      %swap3A = arith.index_cast %scan3A_359 : i32 to index
      %swap3A_361 = arith.constant 0 : index
      %swap3A_362 = tpu.vector_load %arg12[%swap3A, %swap3A_361] {strides = array<i32>} : memref<128x16xf32, #tpu.memory_space<vmem>>, vector<1x16xf32>,
      %swap3A_363 = vector.shape_cast %swap3A_362 : vector<1x16xf32> to vector<16xf32>
      %swap3A_364 = vector.shape_cast %broadcast_in_dim3A_1 : vector<16xf32> to vector<1x16xf32>
      tpu.vector_store %arg12[%swap3A, %swap3A_361], %swap3A_364 {strides = array<i32>} : memref<128x16xf32, #tpu.memory_space<vmem>>, vector<1x16xf32>,
      %swap3A_365 = arith.index_cast %scan3A_359 : i32 to index
      %swap3A_366 = arith.constant 0 : index
      %swap3A_367 = tpu.vector_load %arg10[%swap3A_365, %swap3A_366] {strides = array<i32>} : memref<128x128xf32, #tpu.memory_space<vmem>>, vector<1x16xf32>,
      %swap3A_368 = vector.shape_cast %swap3A_367 : vector<1x16xf32> to vector<16xf32>
      %swap3A_369 = vector.shape_cast %broadcast_in_dim3A_3 : vector<16xf32> to vector<1x16xf32>
      tpu.vector_store %arg10[%swap3A_365, %swap3A_366], %swap3A_369 {strides = array<i32>} : memref<128x128xf32, #tpu.memory_space<vmem>>, vector<1x16xf32>,
      %swap3A_370 = arith.index_cast %scan3A_359 : i32 to index
      %swap3A_371 = arith.constant 16 : index
      %swap3A_372 = tpu.vector_load %arg10[%swap3A_370, %swap3A_371] {strides = array<i32>} : memref<128x128xf32, #tpu.memory_space<vmem>>, vector<1x16xf32>,
      %swap3A_373 = vector.shape_cast %swap3A_372 : vector<1x16xf32> to vector<16xf32>
      %swap3A_374 = vector.shape_cast %broadcast_in_dim3A_3 : vector<16xf32> to vector<1x16xf32>
      tpu.vector_store %arg10[%swap3A_370, %swap3A_371], %swap3A_374 {strides = array<i32>} : memref<128x128xf32, #tpu.memory_space<vmem>>, vector<1x16xf32>,
      %swap3A_375 = arith.index_cast %scan3A_359 : i32 to index
      %swap3A_376 = arith.constant 32 : index
      %swap3A_377 = tpu.vector_load %arg10[%swap3A_375, %swap3A_376] {strides = array<i32>} : memref<128x128xf32, #tpu.memory_space<vmem>>, vector<1x16xf32>,
      %swap3A_378 = vector.shape_cast %swap3A_377 : vector<1x16xf32> to vector<16xf32>
      %swap3A_379 = vector.shape_cast %broadcast_in_dim3A_3 : vector<16xf32> to vector<1x16xf32>
      tpu.vector_store %arg10[%swap3A_375, %swap3A_376], %swap3A_379 {strides = array<i32>} : memref<128x128xf32, #tpu.memory_space<vmem>>, vector<1x16xf32>,
      %swap3A_380 = arith.index_cast %scan3A_359 : i32 to index
      %swap3A_381 = arith.constant 48 : index
      %swap3A_382 = tpu.vector_load %arg10[%swap3A_380, %swap3A_381] {strides = array<i32>} : memref<128x128xf32, #tpu.memory_space<vmem>>, vector<1x16xf32>,
      %swap3A_383 = vector.shape_cast %swap3A_382 : vector<1x16xf32> to vector<16xf32>
      %swap3A_384 = vector.shape_cast %broadcast_in_dim3A_3 : vector<16xf32> to vector<1x16xf32>
      tpu.vector_store %arg10[%swap3A_380, %swap3A_381], %swap3A_384 {strides = array<i32>} : memref<128x128xf32, #tpu.memory_space<vmem>>, vector<1x16xf32>,
      %swap3A_385 = arith.index_cast %scan3A_359 : i32 to index
      %swap3A_386 = arith.constant 64 : index
      %swap3A_387 = tpu.vector_load %arg10[%swap3A_385, %swap3A_386] {strides = array<i32>} : memref<128x128xf32, #tpu.memory_space<vmem>>, vector<1x16xf32>,
      %swap3A_388 = vector.shape_cast %swap3A_387 : vector<1x16xf32> to vector<16xf32>
      %swap3A_389 = vector.shape_cast %broadcast_in_dim3A_3 : vector<16xf32> to vector<1x16xf32>
      tpu.vector_store %arg10[%swap3A_385, %swap3A_386], %swap3A_389 {strides = array<i32>} : memref<128x128xf32, #tpu.memory_space<vmem>>, vector<1x16xf32>,
      %swap3A_390 = arith.index_cast %scan3A_359 : i32 to index
      %swap3A_391 = arith.constant 80 : index
      %swap3A_392 = tpu.vector_load %arg10[%swap3A_390, %swap3A_391] {strides = array<i32>} : memref<128x128xf32, #tpu.memory_space<vmem>>, vector<1x16xf32>,
      %swap3A_393 = vector.shape_cast %swap3A_392 : vector<1x16xf32> to vector<16xf32>
      %swap3A_394 = vector.shape_cast %broadcast_in_dim3A_3 : vector<16xf32> to vector<1x16xf32>
      tpu.vector_store %arg10[%swap3A_390, %swap3A_391], %swap3A_394 {strides = array<i32>} : memref<128x128xf32, #tpu.memory_space<vmem>>, vector<1x16xf32>,
      %swap3A_395 = arith.index_cast %scan3A_359 : i32 to index
      %swap3A_396 = arith.constant 96 : index
      %swap3A_397 = tpu.vector_load %arg10[%swap3A_395, %swap3A_396] {strides = array<i32>} : memref<128x128xf32, #tpu.memory_space<vmem>>, vector<1x16xf32>,
      %swap3A_398 = vector.shape_cast %swap3A_397 : vector<1x16xf32> to vector<16xf32>
      %swap3A_399 = vector.shape_cast %broadcast_in_dim3A_3 : vector<16xf32> to vector<1x16xf32>
      tpu.vector_store %arg10[%swap3A_395, %swap3A_396], %swap3A_399 {strides = array<i32>} : memref<128x128xf32, #tpu.memory_space<vmem>>, vector<1x16xf32>,
      %swap3A_400 = arith.index_cast %scan3A_359 : i32 to index
      %swap3A_401 = arith.constant 112 : index
      %swap3A_402 = tpu.vector_load %arg10[%swap3A_400, %swap3A_401] {strides = array<i32>} : memref<128x128xf32, #tpu.memory_space<vmem>>, vector<1x16xf32>,
      %swap3A_403 = vector.shape_cast %swap3A_402 : vector<1x16xf32> to vector<16xf32>
      %swap3A_404 = vector.shape_cast %broadcast_in_dim3A_3 : vector<16xf32> to vector<1x16xf32>
      tpu.vector_store %arg10[%swap3A_400, %swap3A_401], %swap3A_404 {strides = array<i32>} : memref<128x128xf32, #tpu.memory_space<vmem>>, vector<1x16xf32>,
      %swap3A_405 = arith.index_cast %scan3A_359 : i32 to index
      %swap3A_406 = arith.constant 0 : index
      %swap3A_407 = tpu.vector_load %arg11[%swap3A_405, %swap3A_406] {strides = array<i32>} : memref<128x16xf32, #tpu.memory_space<vmem>>, vector<1x16xf32>,
      %swap3A_408 = vector.shape_cast %swap3A_407 : vector<1x16xf32> to vector<16xf32>
      %swap3A_409 = vector.shape_cast %broadcast_in_dim3A_3 : vector<16xf32> to vector<1x16xf32>
      tpu.vector_store %arg11[%swap3A_405, %swap3A_406], %swap3A_409 {strides = array<i32>} : memref<128x16xf32, #tpu.memory_space<vmem>>, vector<1x16xf32>,
      %scan3A_410 = arith.constant 0 : i32
      scf.yield %scan3A_410 : i32
    }
    %scan3A_9 = arith.constant 128 : i32
    %mul3A_10 = arith.constant 216 : i32
    %mul3A_11 = arith.muli %arg1, %mul3A_10 : i32
    %add3A = arith.constant 0 : i32
    %add3A_12 = arith.addi %mul3A_11, %add3A : i32
    "tpu.region"() ({
      %run_scoped3A = tpu.sem_alloc : memref<!tpu.dma_semaphore, #tpu.memory_space<semaphore_mem>>
      %dma_start3A_359 = arith.constant 0 : i32
      %dma_start3A_360 = arith.constant 0 : i32
      %dma_start3A_361 = tpu.memref_slice %arg10[%dma_start3A_359, %dma_start3A_360] : memref<128x128xf32, #tpu.memory_space<vmem>> -> memref<128x128xf32, #tpu.memory_space<vmem>>
      %dma_start3A_362 = arith.constant 0 : i32
      %dma_start3A_363 = tpu.memref_slice %arg13[%add3A_12, %dma_start3A_362] : memref<3464x128xf32, #tpu.memory_space<vmem_shared>> -> memref<128x128xf32, #tpu.memory_space<vmem_shared>>
      %dma_start3A_364 = arith.constant 0 : i32
      %dma_start3A_365 = tpu.memref_slice %arg13[%add3A_12, %dma_start3A_364] : memref<3464x128xf32, #tpu.memory_space<vmem_shared>> -> memref<128x128xf32, #tpu.memory_space<vmem_shared>>
      %dma_start3A_366 = arith.constant 0 : i32
      %dma_start3A_367 = arith.constant 0 : i32
      %dma_start3A_368 = tpu.memref_slice %arg10[%dma_start3A_366, %dma_start3A_367] : memref<128x128xf32, #tpu.memory_space<vmem>> -> memref<128x128xf32, #tpu.memory_space<vmem>>
      tpu.enqueue_dma source(%dma_start3A_368 : memref<128x128xf32, #tpu.memory_space<vmem>>) target(%dma_start3A_365 : memref<128x128xf32, #tpu.memory_space<vmem_shared>>) target_semaphore(%run_scoped3A : memref<!tpu.dma_semaphore, #tpu.memory_space<semaphore_mem>>)
      %dma_wait3A_369 = arith.constant 0 : i32
      %dma_wait3A_370 = arith.constant 0 : i32
      %dma_wait3A_371 = tpu.memref_slice %arg10[%dma_wait3A_369, %dma_wait3A_370] : memref<128x128xf32, #tpu.memory_space<vmem>> -> memref<128x128xf32, #tpu.memory_space<vmem>>
      %dma_wait3A_372 = arith.constant 0 : i32
      %dma_wait3A_373 = tpu.memref_slice %arg13[%add3A_12, %dma_wait3A_372] : memref<3464x128xf32, #tpu.memory_space<vmem_shared>> -> memref<128x128xf32, #tpu.memory_space<vmem_shared>>
      %dma_wait3A_374 = arith.constant 0 : i32
      %dma_wait3A_375 = tpu.memref_slice %arg13[%add3A_12, %dma_wait3A_374] : memref<3464x128xf32, #tpu.memory_space<vmem_shared>> -> memref<128x128xf32, #tpu.memory_space<vmem_shared>>
      %dma_wait3A_376 = arith.constant 0 : i32
      %dma_wait3A_377 = arith.constant 0 : i32
      %dma_wait3A_378 = tpu.memref_slice %arg10[%dma_wait3A_376, %dma_wait3A_377] : memref<128x128xf32, #tpu.memory_space<vmem>> -> memref<128x128xf32, #tpu.memory_space<vmem>>
      tpu.wait_dma2 semaphore(%run_scoped3A : memref<!tpu.dma_semaphore, #tpu.memory_space<semaphore_mem>>) src(%dma_wait3A_378 : memref<128x128xf32, #tpu.memory_space<vmem>>) dst(%dma_wait3A_375 : memref<128x128xf32, #tpu.memory_space<vmem_shared>>)
      tpu.yield
    }) : () -> ()
    %add3A_13 = arith.constant 0 : i32
    %add3A_14 = arith.addi %mul3A_11, %add3A_13 : i32
    "tpu.region"() ({
      %run_scoped3A = tpu.sem_alloc : memref<!tpu.dma_semaphore, #tpu.memory_space<semaphore_mem>>
      %dma_start3A_359 = arith.constant 0 : i32
      %dma_start3A_360 = arith.constant 0 : i32
      %dma_start3A_361 = tpu.memref_slice %arg11[%dma_start3A_359, %dma_start3A_360] : memref<128x16xf32, #tpu.memory_space<vmem>> -> memref<128x16xf32, #tpu.memory_space<vmem>>
      %dma_start3A_362 = arith.constant 0 : i32
      %dma_start3A_363 = tpu.memref_slice %arg14[%add3A_14, %dma_start3A_362] : memref<3464x16xf32, #tpu.memory_space<vmem_shared>> -> memref<128x16xf32, #tpu.memory_space<vmem_shared>>
      %dma_start3A_364 = arith.constant 0 : i32
      %dma_start3A_365 = tpu.memref_slice %arg14[%add3A_14, %dma_start3A_364] : memref<3464x16xf32, #tpu.memory_space<vmem_shared>> -> memref<128x16xf32, #tpu.memory_space<vmem_shared>>
      %dma_start3A_366 = arith.constant 0 : i32
      %dma_start3A_367 = arith.constant 0 : i32
      %dma_start3A_368 = tpu.memref_slice %arg11[%dma_start3A_366, %dma_start3A_367] : memref<128x16xf32, #tpu.memory_space<vmem>> -> memref<128x16xf32, #tpu.memory_space<vmem>>
      tpu.enqueue_dma source(%dma_start3A_368 : memref<128x16xf32, #tpu.memory_space<vmem>>) target(%dma_start3A_365 : memref<128x16xf32, #tpu.memory_space<vmem_shared>>) target_semaphore(%run_scoped3A : memref<!tpu.dma_semaphore, #tpu.memory_space<semaphore_mem>>)
      %dma_wait3A_369 = arith.constant 0 : i32
      %dma_wait3A_370 = arith.constant 0 : i32
      %dma_wait3A_371 = tpu.memref_slice %arg11[%dma_wait3A_369, %dma_wait3A_370] : memref<128x16xf32, #tpu.memory_space<vmem>> -> memref<128x16xf32, #tpu.memory_space<vmem>>
      %dma_wait3A_372 = arith.constant 0 : i32
      %dma_wait3A_373 = tpu.memref_slice %arg14[%add3A_14, %dma_wait3A_372] : memref<3464x16xf32, #tpu.memory_space<vmem_shared>> -> memref<128x16xf32, #tpu.memory_space<vmem_shared>>
      %dma_wait3A_374 = arith.constant 0 : i32
      %dma_wait3A_375 = tpu.memref_slice %arg14[%add3A_14, %dma_wait3A_374] : memref<3464x16xf32, #tpu.memory_space<vmem_shared>> -> memref<128x16xf32, #tpu.memory_space<vmem_shared>>
      %dma_wait3A_376 = arith.constant 0 : i32
      %dma_wait3A_377 = arith.constant 0 : i32
      %dma_wait3A_378 = tpu.memref_slice %arg11[%dma_wait3A_376, %dma_wait3A_377] : memref<128x16xf32, #tpu.memory_space<vmem>> -> memref<128x16xf32, #tpu.memory_space<vmem>>
      tpu.wait_dma2 semaphore(%run_scoped3A : memref<!tpu.dma_semaphore, #tpu.memory_space<semaphore_mem>>) src(%dma_wait3A_378 : memref<128x16xf32, #tpu.memory_space<vmem>>) dst(%dma_wait3A_375 : memref<128x16xf32, #tpu.memory_space<vmem_shared>>)
      tpu.yield
    }) : () -> ()
    %add3A_15 = arith.constant 128 : i32
    %add3A_16 = arith.addi %mul3A_11, %add3A_15 : i32
    "tpu.region"() ({
      %run_scoped3A = tpu.sem_alloc : memref<!tpu.dma_semaphore, #tpu.memory_space<semaphore_mem>>
      %dma_start3A_359 = arith.constant 0 : i32
      %dma_start3A_360 = arith.constant 0 : i32
      %dma_start3A_361 = tpu.memref_slice %arg10[%dma_start3A_359, %dma_start3A_360] : memref<128x128xf32, #tpu.memory_space<vmem>> -> memref<88x128xf32, #tpu.memory_space<vmem>>
      %dma_start3A_362 = arith.constant 0 : i32
      %dma_start3A_363 = tpu.memref_slice %arg13[%add3A_16, %dma_start3A_362] : memref<3464x128xf32, #tpu.memory_space<vmem_shared>> -> memref<88x128xf32, #tpu.memory_space<vmem_shared>>
      %dma_start3A_364 = arith.constant 0 : i32
      %dma_start3A_365 = tpu.memref_slice %arg13[%add3A_16, %dma_start3A_364] : memref<3464x128xf32, #tpu.memory_space<vmem_shared>> -> memref<88x128xf32, #tpu.memory_space<vmem_shared>>
      %dma_start3A_366 = arith.constant 0 : i32
      %dma_start3A_367 = arith.constant 0 : i32
      %dma_start3A_368 = tpu.memref_slice %arg10[%dma_start3A_366, %dma_start3A_367] : memref<128x128xf32, #tpu.memory_space<vmem>> -> memref<88x128xf32, #tpu.memory_space<vmem>>
      tpu.enqueue_dma source(%dma_start3A_368 : memref<88x128xf32, #tpu.memory_space<vmem>>) target(%dma_start3A_365 : memref<88x128xf32, #tpu.memory_space<vmem_shared>>) target_semaphore(%run_scoped3A : memref<!tpu.dma_semaphore, #tpu.memory_space<semaphore_mem>>)
      %dma_wait3A_369 = arith.constant 0 : i32
      %dma_wait3A_370 = arith.constant 0 : i32
      %dma_wait3A_371 = tpu.memref_slice %arg10[%dma_wait3A_369, %dma_wait3A_370] : memref<128x128xf32, #tpu.memory_space<vmem>> -> memref<88x128xf32, #tpu.memory_space<vmem>>
      %dma_wait3A_372 = arith.constant 0 : i32
      %dma_wait3A_373 = tpu.memref_slice %arg13[%add3A_16, %dma_wait3A_372] : memref<3464x128xf32, #tpu.memory_space<vmem_shared>> -> memref<88x128xf32, #tpu.memory_space<vmem_shared>>
      %dma_wait3A_374 = arith.constant 0 : i32
      %dma_wait3A_375 = tpu.memref_slice %arg13[%add3A_16, %dma_wait3A_374] : memref<3464x128xf32, #tpu.memory_space<vmem_shared>> -> memref<88x128xf32, #tpu.memory_space<vmem_shared>>
      %dma_wait3A_376 = arith.constant 0 : i32
      %dma_wait3A_377 = arith.constant 0 : i32
      %dma_wait3A_378 = tpu.memref_slice %arg10[%dma_wait3A_376, %dma_wait3A_377] : memref<128x128xf32, #tpu.memory_space<vmem>> -> memref<88x128xf32, #tpu.memory_space<vmem>>
      tpu.wait_dma2 semaphore(%run_scoped3A : memref<!tpu.dma_semaphore, #tpu.memory_space<semaphore_mem>>) src(%dma_wait3A_378 : memref<88x128xf32, #tpu.memory_space<vmem>>) dst(%dma_wait3A_375 : memref<88x128xf32, #tpu.memory_space<vmem_shared>>)
      tpu.yield
    }) : () -> ()
    %add3A_17 = arith.constant 128 : i32
    %add3A_18 = arith.addi %mul3A_11, %add3A_17 : i32
    "tpu.region"() ({
      %run_scoped3A = tpu.sem_alloc : memref<!tpu.dma_semaphore, #tpu.memory_space<semaphore_mem>>
      %dma_start3A_359 = arith.constant 0 : i32
      %dma_start3A_360 = arith.constant 0 : i32
      %dma_start3A_361 = tpu.memref_slice %arg11[%dma_start3A_359, %dma_start3A_360] : memref<128x16xf32, #tpu.memory_space<vmem>> -> memref<88x16xf32, #tpu.memory_space<vmem>>
      %dma_start3A_362 = arith.constant 0 : i32
      %dma_start3A_363 = tpu.memref_slice %arg14[%add3A_18, %dma_start3A_362] : memref<3464x16xf32, #tpu.memory_space<vmem_shared>> -> memref<88x16xf32, #tpu.memory_space<vmem_shared>>
      %dma_start3A_364 = arith.constant 0 : i32
      %dma_start3A_365 = tpu.memref_slice %arg14[%add3A_18, %dma_start3A_364] : memref<3464x16xf32, #tpu.memory_space<vmem_shared>> -> memref<88x16xf32, #tpu.memory_space<vmem_shared>>
      %dma_start3A_366 = arith.constant 0 : i32
      %dma_start3A_367 = arith.constant 0 : i32
      %dma_start3A_368 = tpu.memref_slice %arg11[%dma_start3A_366, %dma_start3A_367] : memref<128x16xf32, #tpu.memory_space<vmem>> -> memref<88x16xf32, #tpu.memory_space<vmem>>
      tpu.enqueue_dma source(%dma_start3A_368 : memref<88x16xf32, #tpu.memory_space<vmem>>) target(%dma_start3A_365 : memref<88x16xf32, #tpu.memory_space<vmem_shared>>) target_semaphore(%run_scoped3A : memref<!tpu.dma_semaphore, #tpu.memory_space<semaphore_mem>>)
      %dma_wait3A_369 = arith.constant 0 : i32
      %dma_wait3A_370 = arith.constant 0 : i32
      %dma_wait3A_371 = tpu.memref_slice %arg11[%dma_wait3A_369, %dma_wait3A_370] : memref<128x16xf32, #tpu.memory_space<vmem>> -> memref<88x16xf32, #tpu.memory_space<vmem>>
      %dma_wait3A_372 = arith.constant 0 : i32
      %dma_wait3A_373 = tpu.memref_slice %arg14[%add3A_18, %dma_wait3A_372] : memref<3464x16xf32, #tpu.memory_space<vmem_shared>> -> memref<88x16xf32, #tpu.memory_space<vmem_shared>>
      %dma_wait3A_374 = arith.constant 0 : i32
      %dma_wait3A_375 = tpu.memref_slice %arg14[%add3A_18, %dma_wait3A_374] : memref<3464x16xf32, #tpu.memory_space<vmem_shared>> -> memref<88x16xf32, #tpu.memory_space<vmem_shared>>
      %dma_wait3A_376 = arith.constant 0 : i32
      %dma_wait3A_377 = arith.constant 0 : i32
      %dma_wait3A_378 = tpu.memref_slice %arg11[%dma_wait3A_376, %dma_wait3A_377] : memref<128x16xf32, #tpu.memory_space<vmem>> -> memref<88x16xf32, #tpu.memory_space<vmem>>
      tpu.wait_dma2 semaphore(%run_scoped3A : memref<!tpu.dma_semaphore, #tpu.memory_space<semaphore_mem>>) src(%dma_wait3A_378 : memref<88x16xf32, #tpu.memory_space<vmem>>) dst(%dma_wait3A_375 : memref<88x16xf32, #tpu.memory_space<vmem_shared>>)
      tpu.yield
    }) : () -> ()
    "tpu.region"() ({
      %run_scoped3A = tpu.sem_alloc : memref<!tpu.dma_semaphore, #tpu.memory_space<semaphore_mem>>
      %dma_start3A_359 = arith.constant 0 : i32
      %dma_start3A_360 = tpu.memref_slice %arg4[%arg1, %dma_start3A_359] : memref<16x16xi32, #tpu.memory_space<hbm>> -> memref<1x16xi32, #tpu.memory_space<hbm>>
      %dma_start3A_361 = tpu.memref_squeeze %dma_start3A_360 : memref<1x16xi32, #tpu.memory_space<hbm>> -> memref<16xi32, #tpu.memory_space<hbm>>
      %dma_start3A_362 = arith.constant 0 : i32
      %dma_start3A_363 = tpu.memref_slice %arg4[%arg1, %dma_start3A_362] : memref<16x16xi32, #tpu.memory_space<hbm>> -> memref<1x16xi32, #tpu.memory_space<hbm>>
      %dma_start3A_364 = tpu.memref_squeeze %dma_start3A_363 : memref<1x16xi32, #tpu.memory_space<hbm>> -> memref<16xi32, #tpu.memory_space<hbm>>
      tpu.enqueue_dma source(%dma_start3A_364 : memref<16xi32, #tpu.memory_space<hbm>>) target(%arg6 : memref<16xi32, #tpu.memory_space<vmem>>) target_semaphore(%run_scoped3A : memref<!tpu.dma_semaphore, #tpu.memory_space<semaphore_mem>>)
      %dma_wait3A_365 = arith.constant 0 : i32
      %dma_wait3A_366 = tpu.memref_slice %arg4[%arg1, %dma_wait3A_365] : memref<16x16xi32, #tpu.memory_space<hbm>> -> memref<1x16xi32, #tpu.memory_space<hbm>>
      %dma_wait3A_367 = tpu.memref_squeeze %dma_wait3A_366 : memref<1x16xi32, #tpu.memory_space<hbm>> -> memref<16xi32, #tpu.memory_space<hbm>>
      %dma_wait3A_368 = arith.constant 0 : i32
      %dma_wait3A_369 = tpu.memref_slice %arg4[%arg1, %dma_wait3A_368] : memref<16x16xi32, #tpu.memory_space<hbm>> -> memref<1x16xi32, #tpu.memory_space<hbm>>
      %dma_wait3A_370 = tpu.memref_squeeze %dma_wait3A_369 : memref<1x16xi32, #tpu.memory_space<hbm>> -> memref<16xi32, #tpu.memory_space<hbm>>
      tpu.wait_dma2 semaphore(%run_scoped3A : memref<!tpu.dma_semaphore, #tpu.memory_space<semaphore_mem>>) src(%dma_wait3A_370 : memref<16xi32, #tpu.memory_space<hbm>>) dst(%arg6 : memref<16xi32, #tpu.memory_space<vmem>>)
      tpu.yield
    }) : () -> ()
    %barrier3A = arith.constant 0 : index
    tpu.barrier barrier_id(%barrier3A)
    %get3A = arith.constant 0 : index
    %get3A_19 = tpu.vector_load %arg6[%get3A] {strides = array<i32>} : memref<16xi32, #tpu.memory_space<vmem>>, vector<16xi32>,
    %get3A_20 = vector.shape_cast %get3A_19 : vector<16xi32> to vector<16xi32>
    %slice3A = vector.extract_strided_slice %get3A_20 {offsets = [2], sizes = [1], strides = [1]} : vector<16xi32> to vector<1xi32>
    %squeeze3A = vector.extract %slice3A[0] : i32 from vector<1xi32>
    %slice3A_21 = vector.extract_strided_slice %get3A_20 {offsets = [3], sizes = [1], strides = [1]} : vector<16xi32> to vector<1xi32>
    %squeeze3A_22 = vector.extract %slice3A_21[0] : i32 from vector<1xi32>
    %slice3A_23 = vector.extract_strided_slice %get3A_20 {offsets = [0], sizes = [1], strides = [1]} : vector<16xi32> to vector<1xi32>
    %squeeze3A_24 = vector.extract %slice3A_23[0] : i32 from vector<1xi32>
    %slice3A_25 = vector.extract_strided_slice %get3A_20 {offsets = [1], sizes = [1], strides = [1]} : vector<16xi32> to vector<1xi32>
    %squeeze3A_26 = vector.extract %slice3A_25[0] : i32 from vector<1xi32>
    %slice3A_27 = vector.extract_strided_slice %get3A_20 {offsets = [4], sizes = [1], strides = [1]} : vector<16xi32> to vector<1xi32>
    %squeeze3A_28 = vector.extract %slice3A_27[0] : i32 from vector<1xi32>
    %add3A_29 = arith.constant 0 : i32
    %add3A_30 = arith.addi %add3A_29, %arg1 : i32
    "tpu.region"() ({
      %run_scoped3A = tpu.sem_alloc : memref<!tpu.dma_semaphore, #tpu.memory_space<semaphore_mem>>
      %dma_start3A_359 = arith.constant 0 : i32
      %dma_start3A_360 = arith.constant 0 : i32
      %dma_start3A_361 = tpu.memref_slice %arg3[%add3A_30, %dma_start3A_359, %dma_start3A_360] : memref<48x88x128xi32, #tpu.memory_space<hbm>> -> memref<1x88x128xi32, #tpu.memory_space<hbm>>
      %dma_start3A_362 = tpu.memref_squeeze %dma_start3A_361 : memref<1x88x128xi32, #tpu.memory_space<hbm>> -> memref<88x128xi32, #tpu.memory_space<hbm>>
      %dma_start3A_363 = arith.constant 0 : i32
      %dma_start3A_364 = arith.constant 0 : i32
      %dma_start3A_365 = tpu.memref_slice %arg3[%add3A_30, %dma_start3A_363, %dma_start3A_364] : memref<48x88x128xi32, #tpu.memory_space<hbm>> -> memref<1x88x128xi32, #tpu.memory_space<hbm>>
      %dma_start3A_366 = tpu.memref_squeeze %dma_start3A_365 : memref<1x88x128xi32, #tpu.memory_space<hbm>> -> memref<88x128xi32, #tpu.memory_space<hbm>>
      tpu.enqueue_dma source(%dma_start3A_366 : memref<88x128xi32, #tpu.memory_space<hbm>>) target(%arg7 : memref<88x128xi32, #tpu.memory_space<vmem>>) target_semaphore(%run_scoped3A : memref<!tpu.dma_semaphore, #tpu.memory_space<semaphore_mem>>)
      %dma_wait3A_367 = arith.constant 0 : i32
      %dma_wait3A_368 = arith.constant 0 : i32
      %dma_wait3A_369 = tpu.memref_slice %arg3[%add3A_30, %dma_wait3A_367, %dma_wait3A_368] : memref<48x88x128xi32, #tpu.memory_space<hbm>> -> memref<1x88x128xi32, #tpu.memory_space<hbm>>
      %dma_wait3A_370 = tpu.memref_squeeze %dma_wait3A_369 : memref<1x88x128xi32, #tpu.memory_space<hbm>> -> memref<88x128xi32, #tpu.memory_space<hbm>>
      %dma_wait3A_371 = arith.constant 0 : i32
      %dma_wait3A_372 = arith.constant 0 : i32
      %dma_wait3A_373 = tpu.memref_slice %arg3[%add3A_30, %dma_wait3A_371, %dma_wait3A_372] : memref<48x88x128xi32, #tpu.memory_space<hbm>> -> memref<1x88x128xi32, #tpu.memory_space<hbm>>
      %dma_wait3A_374 = tpu.memref_squeeze %dma_wait3A_373 : memref<1x88x128xi32, #tpu.memory_space<hbm>> -> memref<88x128xi32, #tpu.memory_space<hbm>>
      tpu.wait_dma2 semaphore(%run_scoped3A : memref<!tpu.dma_semaphore, #tpu.memory_space<semaphore_mem>>) src(%dma_wait3A_374 : memref<88x128xi32, #tpu.memory_space<hbm>>) dst(%arg7 : memref<88x128xi32, #tpu.memory_space<vmem>>)
      tpu.yield
    }) : () -> ()
    %sub3A = arith.constant 0 : i32
    %sub3A_31 = arith.subi %squeeze3A_24, %sub3A : i32
    %add3A_32 = arith.constant 1 : i32
    %add3A_33 = arith.addi %sub3A_31, %add3A_32 : i32
    %jit3A = arith.constant 2 : i32
    %div3A = arith.divsi %add3A_33, %jit3A : i32
    %sign3A = arith.constant 0 : i32
    %sign3A_34 = arith.cmpi sgt, %add3A_33, %sign3A : i32
    %sign3A_35 = arith.extui %sign3A_34 : i1 to i32
    %sign3A_36 = arith.constant 0 : i32
    %sign3A_37 = arith.cmpi slt, %add3A_33, %sign3A_36 : i32
    %sign3A_38 = arith.extui %sign3A_37 : i1 to i32
    %sign3A_39 = arith.subi %sign3A_35, %sign3A_38 : i32
    %sign3A_40 = arith.constant 0 : i32
    %sign3A_41 = arith.cmpi sgt, %jit3A, %sign3A_40 : i32
    %sign3A_42 = arith.extui %sign3A_41 : i1 to i32
    %sign3A_43 = arith.constant 0 : i32
    %sign3A_44 = arith.cmpi slt, %jit3A, %sign3A_43 : i32
    %sign3A_45 = arith.extui %sign3A_44 : i1 to i32
    %sign3A_46 = arith.subi %sign3A_42, %sign3A_45 : i32
    %ne3A = arith.cmpi ne, %sign3A_39, %sign3A_46 : i32
    %rem3A = arith.remsi %add3A_33, %jit3A : i32
    %ne3A_47 = arith.constant 0 : i32
    %ne3A_48 = arith.cmpi ne, %rem3A, %ne3A_47 : i32
    %and3A = arith.andi %ne3A, %ne3A_48 : i1
    %sub3A_49 = arith.constant 1 : i32
    %sub3A_50 = arith.subi %div3A, %sub3A_49 : i32
    %select_n3A = arith.select %and3A, %sub3A_50, %div3A : i32
    %sub3A_51 = arith.constant 1 : i32
    %sub3A_52 = arith.subi %squeeze3A_24, %sub3A_51 : i32
    %min3A = arith.constant 0 : i32
    %min3A_53 = arith.minsi %min3A, %sub3A_52 : i32
    %max3A = arith.constant 0 : i32
    %max3A_54 = arith.maxsi %min3A_53, %max3A : i32
    %mul3A_55 = arith.constant 128 : i32
    %mul3A_56 = arith.muli %arg1, %mul3A_55 : i32
    %mul3A_57 = arith.constant 2048 : i32
    %mul3A_58 = arith.muli %max3A_54, %mul3A_57 : i32
    %add3A_59 = arith.addi %mul3A_56, %mul3A_58 : i32
    %dma_start3A = tpu.memref_slice %arg2[%add3A_59, %mul3A_0] : memref<160000x256xf32, #tpu.memory_space<hbm>> -> memref<128x128xf32, #tpu.memory_space<hbm>>
    %dma_start3A_60 = tpu.memref_slice %arg2[%add3A_59, %mul3A_0] : memref<160000x256xf32, #tpu.memory_space<hbm>> -> memref<128x128xf32, #tpu.memory_space<hbm>>
    tpu.enqueue_dma source(%dma_start3A_60 : memref<128x128xf32, #tpu.memory_space<hbm>>) target(%arg8 : memref<128x128xf32, #tpu.memory_space<vmem>>) target_semaphore(%arg15 : memref<!tpu.dma_semaphore, #tpu.memory_space<semaphore_mem>>)
    %while3A = arith.constant 0 : i32
    %while3A_61 = arith.constant 0 : i32
    %while3A_62 = arith.constant 0 : i32
    %while3A_63 = arith.subi %select_n3A, %while3A_61 : i32
    %while3A_64 = arith.addi %while3A_61, %while3A_63 : i32
    %while3A_65 = arith.constant 1 : i32
    %while3A_66 = arith.divsi %while3A_63, %while3A_65 : i32
    %while3A_67 = arith.muli %while3A_66, %while3A_65 : i32
    %while3A_68 = arith.addi %while3A_61, %while3A_67 : i32
    %while3A_69 = arith.constant 1 : i32
    %while3A_70 = scf.for %while3A_359 = %while3A_61 to %while3A_68 step %while3A_69 iter_args(%while3A_360 = %while3A_62) -> (i32)  : i32 {
      %mul3A_361 = arith.constant 2 : i32
      %mul3A_362 = arith.muli %mul3A_361, %while3A_359 : i32
      %add3A_363 = arith.addi %while3A, %mul3A_362 : i32
      %add3A_364 = arith.constant 1 : i32
      %add3A_365 = arith.addi %add3A_363, %add3A_364 : i32
      %sub3A_366 = arith.constant 1 : i32
      %sub3A_367 = arith.subi %squeeze3A_24, %sub3A_366 : i32
      %min3A_368 = arith.minsi %add3A_365, %sub3A_367 : i32
      %max3A_369 = arith.constant 0 : i32
      %max3A_370 = arith.maxsi %min3A_368, %max3A_369 : i32
      %mul3A_371 = arith.constant 128 : i32
      %mul3A_372 = arith.muli %arg1, %mul3A_371 : i32
      %mul3A_373 = arith.constant 2048 : i32
      %mul3A_374 = arith.muli %max3A_370, %mul3A_373 : i32
      %add3A_375 = arith.addi %mul3A_372, %mul3A_374 : i32
      %dma_start3A_376 = tpu.memref_slice %arg2[%add3A_375, %mul3A_0] : memref<160000x256xf32, #tpu.memory_space<hbm>> -> memref<128x128xf32, #tpu.memory_space<hbm>>
      %dma_start3A_377 = tpu.memref_slice %arg2[%add3A_375, %mul3A_0] : memref<160000x256xf32, #tpu.memory_space<hbm>> -> memref<128x128xf32, #tpu.memory_space<hbm>>
      tpu.enqueue_dma source(%dma_start3A_377 : memref<128x128xf32, #tpu.memory_space<hbm>>) target(%arg9 : memref<128x128xf32, #tpu.memory_space<vmem>>) target_semaphore(%arg16 : memref<!tpu.dma_semaphore, #tpu.memory_space<semaphore_mem>>)
      %sub3A_378 = arith.constant 1 : i32
      %sub3A_379 = arith.subi %squeeze3A_24, %sub3A_378 : i32
      %min3A_380 = arith.minsi %add3A_363, %sub3A_379 : i32
      %max3A_381 = arith.constant 0 : i32
      %max3A_382 = arith.maxsi %min3A_380, %max3A_381 : i32
      %mul3A_383 = arith.constant 128 : i32
      %mul3A_384 = arith.muli %arg1, %mul3A_383 : i32
      %mul3A_385 = arith.constant 2048 : i32
      %mul3A_386 = arith.muli %max3A_382, %mul3A_385 : i32
      %add3A_387 = arith.addi %mul3A_384, %mul3A_386 : i32
      %dma_wait3A_388 = tpu.memref_slice %arg2[%add3A_387, %mul3A_0] : memref<160000x256xf32, #tpu.memory_space<hbm>> -> memref<128x128xf32, #tpu.memory_space<hbm>>
      %dma_wait3A_389 = tpu.memref_slice %arg2[%add3A_387, %mul3A_0] : memref<160000x256xf32, #tpu.memory_space<hbm>> -> memref<128x128xf32, #tpu.memory_space<hbm>>
      tpu.wait_dma2 semaphore(%arg15 : memref<!tpu.dma_semaphore, #tpu.memory_space<semaphore_mem>>) src(%dma_wait3A_389 : memref<128x128xf32, #tpu.memory_space<hbm>>) dst(%arg8 : memref<128x128xf32, #tpu.memory_space<vmem>>)
      %lt3A = arith.cmpi slt, %add3A_363, %squeeze3A_24 : i32
      %jit3A_390 = arith.constant 80 : i32
      %select_n3A_391 = arith.select %lt3A, %add3A_363, %jit3A_390 : i32
      "tpu.region"() ({
        %run_scoped3A = tpu.sem_alloc : memref<!tpu.dma_semaphore, #tpu.memory_space<semaphore_mem>>
        %dma_start3A_426 = arith.constant 0 : i32
        %dma_start3A_427 = tpu.memref_slice %arg7[%select_n3A_391, %dma_start3A_426] : memref<88x128xi32, #tpu.memory_space<vmem>> -> memref<1x128xi32, #tpu.memory_space<vmem>>
        %dma_start3A_428 = tpu.memref_squeeze %dma_start3A_427 : memref<1x128xi32, #tpu.memory_space<vmem>> -> memref<128xi32, #tpu.memory_space<vmem>>
        %dma_start3A_429 = arith.constant 0 : i32
        %dma_start3A_430 = arith.constant 0 : i32
        %dma_start3A_431 = tpu.memref_slice %arg13[%dma_start3A_429, %dma_start3A_430] : memref<3464x128xf32, #tpu.memory_space<vmem_shared>> -> memref<3464x128xf32, #tpu.memory_space<vmem_shared>>
        tpu.enqueue_indirect_dma source(%arg8 : memref<128x128xf32, #tpu.memory_space<vmem>>) target(%dma_start3A_431 : memref<3464x128xf32, #tpu.memory_space<vmem_shared>>) offsets(%dma_start3A_428 : memref<128xi32, #tpu.memory_space<vmem>>) semaphore(%run_scoped3A : memref<!tpu.dma_semaphore, #tpu.memory_space<semaphore_mem>>) {add = true}
        %dma_wait3A_432 = arith.constant 0 : i32
        %dma_wait3A_433 = tpu.memref_slice %arg7[%select_n3A_391, %dma_wait3A_432] : memref<88x128xi32, #tpu.memory_space<vmem>> -> memref<1x128xi32, #tpu.memory_space<vmem>>
        %dma_wait3A_434 = tpu.memref_squeeze %dma_wait3A_433 : memref<1x128xi32, #tpu.memory_space<vmem>> -> memref<128xi32, #tpu.memory_space<vmem>>
        %dma_wait3A_435 = arith.constant 0 : i32
        %dma_wait3A_436 = arith.constant 0 : i32
        %dma_wait3A_437 = tpu.memref_slice %arg13[%dma_wait3A_435, %dma_wait3A_436] : memref<3464x128xf32, #tpu.memory_space<vmem_shared>> -> memref<3464x128xf32, #tpu.memory_space<vmem_shared>>
        tpu.wait_indirect_dma semaphore(%run_scoped3A : memref<!tpu.dma_semaphore, #tpu.memory_space<semaphore_mem>>) src(%arg8 : memref<128x128xf32, #tpu.memory_space<vmem>>) dst(%dma_wait3A_437 : memref<3464x128xf32, #tpu.memory_space<vmem_shared>>)
        tpu.yield
      }) : () -> ()
      "tpu.region"() ({
        %run_scoped3A = tpu.sem_alloc : memref<!tpu.dma_semaphore, #tpu.memory_space<semaphore_mem>>
        %dma_start3A_426 = arith.constant 0 : i32
        %dma_start3A_427 = tpu.memref_slice %arg7[%select_n3A_391, %dma_start3A_426] : memref<88x128xi32, #tpu.memory_space<vmem>> -> memref<1x128xi32, #tpu.memory_space<vmem>>
        %dma_start3A_428 = tpu.memref_squeeze %dma_start3A_427 : memref<1x128xi32, #tpu.memory_space<vmem>> -> memref<128xi32, #tpu.memory_space<vmem>>
        %dma_start3A_429 = arith.constant 0 : i32
        %dma_start3A_430 = arith.constant 0 : i32
        %dma_start3A_431 = tpu.memref_slice %arg14[%dma_start3A_429, %dma_start3A_430] : memref<3464x16xf32, #tpu.memory_space<vmem_shared>> -> memref<3464x16xf32, #tpu.memory_space<vmem_shared>>
        tpu.enqueue_indirect_dma source(%arg12 : memref<128x16xf32, #tpu.memory_space<vmem>>) target(%dma_start3A_431 : memref<3464x16xf32, #tpu.memory_space<vmem_shared>>) offsets(%dma_start3A_428 : memref<128xi32, #tpu.memory_space<vmem>>) semaphore(%run_scoped3A : memref<!tpu.dma_semaphore, #tpu.memory_space<semaphore_mem>>) {add = true}
        %dma_wait3A_432 = arith.constant 0 : i32
        %dma_wait3A_433 = tpu.memref_slice %arg7[%select_n3A_391, %dma_wait3A_432] : memref<88x128xi32, #tpu.memory_space<vmem>> -> memref<1x128xi32, #tpu.memory_space<vmem>>
        %dma_wait3A_434 = tpu.memref_squeeze %dma_wait3A_433 : memref<1x128xi32, #tpu.memory_space<vmem>> -> memref<128xi32, #tpu.memory_space<vmem>>
        %dma_wait3A_435 = arith.constant 0 : i32
        %dma_wait3A_436 = arith.constant 0 : i32
        %dma_wait3A_437 = tpu.memref_slice %arg14[%dma_wait3A_435, %dma_wait3A_436] : memref<3464x16xf32, #tpu.memory_space<vmem_shared>> -> memref<3464x16xf32, #tpu.memory_space<vmem_shared>>
        tpu.wait_indirect_dma semaphore(%run_scoped3A : memref<!tpu.dma_semaphore, #tpu.memory_space<semaphore_mem>>) src(%arg12 : memref<128x16xf32, #tpu.memory_space<vmem>>) dst(%dma_wait3A_437 : memref<3464x16xf32, #tpu.memory_space<vmem_shared>>)
        tpu.yield
      }) : () -> ()
      %add3A_392 = arith.constant 2 : i32
      %add3A_393 = arith.addi %add3A_363, %add3A_392 : i32
      %sub3A_394 = arith.constant 1 : i32
      %sub3A_395 = arith.subi %squeeze3A_24, %sub3A_394 : i32
      %min3A_396 = arith.minsi %add3A_393, %sub3A_395 : i32
      %max3A_397 = arith.constant 0 : i32
      %max3A_398 = arith.maxsi %min3A_396, %max3A_397 : i32
      %mul3A_399 = arith.constant 128 : i32
      %mul3A_400 = arith.muli %arg1, %mul3A_399 : i32
      %mul3A_401 = arith.constant 2048 : i32
      %mul3A_402 = arith.muli %max3A_398, %mul3A_401 : i32
      %add3A_403 = arith.addi %mul3A_400, %mul3A_402 : i32
      %dma_start3A_404 = tpu.memref_slice %arg2[%add3A_403, %mul3A_0] : memref<160000x256xf32, #tpu.memory_space<hbm>> -> memref<128x128xf32, #tpu.memory_space<hbm>>
      %dma_start3A_405 = tpu.memref_slice %arg2[%add3A_403, %mul3A_0] : memref<160000x256xf32, #tpu.memory_space<hbm>> -> memref<128x128xf32, #tpu.memory_space<hbm>>
      tpu.enqueue_dma source(%dma_start3A_405 : memref<128x128xf32, #tpu.memory_space<hbm>>) target(%arg8 : memref<128x128xf32, #tpu.memory_space<vmem>>) target_semaphore(%arg15 : memref<!tpu.dma_semaphore, #tpu.memory_space<semaphore_mem>>)
      %add3A_406 = arith.constant 1 : i32
      %add3A_407 = arith.addi %add3A_363, %add3A_406 : i32
      %sub3A_408 = arith.constant 1 : i32
      %sub3A_409 = arith.subi %squeeze3A_24, %sub3A_408 : i32
      %min3A_410 = arith.minsi %add3A_407, %sub3A_409 : i32
      %max3A_411 = arith.constant 0 : i32
      %max3A_412 = arith.maxsi %min3A_410, %max3A_411 : i32
      %mul3A_413 = arith.constant 128 : i32
      %mul3A_414 = arith.muli %arg1, %mul3A_413 : i32
      %mul3A_415 = arith.constant 2048 : i32
      %mul3A_416 = arith.muli %max3A_412, %mul3A_415 : i32
      %add3A_417 = arith.addi %mul3A_414, %mul3A_416 : i32
      %dma_wait3A_418 = tpu.memref_slice %arg2[%add3A_417, %mul3A_0] : memref<160000x256xf32, #tpu.memory_space<hbm>> -> memref<128x128xf32, #tpu.memory_space<hbm>>
      %dma_wait3A_419 = tpu.memref_slice %arg2[%add3A_417, %mul3A_0] : memref<160000x256xf32, #tpu.memory_space<hbm>> -> memref<128x128xf32, #tpu.memory_space<hbm>>
      tpu.wait_dma2 semaphore(%arg16 : memref<!tpu.dma_semaphore, #tpu.memory_space<semaphore_mem>>) src(%dma_wait3A_419 : memref<128x128xf32, #tpu.memory_space<hbm>>) dst(%arg9 : memref<128x128xf32, #tpu.memory_space<vmem>>)
      %add3A_420 = arith.constant 1 : i32
      %add3A_421 = arith.addi %add3A_363, %add3A_420 : i32
      %lt3A_422 = arith.cmpi slt, %add3A_421, %squeeze3A_24 : i32
      %jit3A_423 = arith.constant 80 : i32
      %select_n3A_424 = arith.select %lt3A_422, %add3A_421, %jit3A_423 : i32
      "tpu.region"() ({
        %run_scoped3A = tpu.sem_alloc : memref<!tpu.dma_semaphore, #tpu.memory_space<semaphore_mem>>
        %dma_start3A_426 = arith.constant 0 : i32
        %dma_start3A_427 = tpu.memref_slice %arg7[%select_n3A_424, %dma_start3A_426] : memref<88x128xi32, #tpu.memory_space<vmem>> -> memref<1x128xi32, #tpu.memory_space<vmem>>
        %dma_start3A_428 = tpu.memref_squeeze %dma_start3A_427 : memref<1x128xi32, #tpu.memory_space<vmem>> -> memref<128xi32, #tpu.memory_space<vmem>>
        %dma_start3A_429 = arith.constant 0 : i32
        %dma_start3A_430 = arith.constant 0 : i32
        %dma_start3A_431 = tpu.memref_slice %arg13[%dma_start3A_429, %dma_start3A_430] : memref<3464x128xf32, #tpu.memory_space<vmem_shared>> -> memref<3464x128xf32, #tpu.memory_space<vmem_shared>>
        tpu.enqueue_indirect_dma source(%arg9 : memref<128x128xf32, #tpu.memory_space<vmem>>) target(%dma_start3A_431 : memref<3464x128xf32, #tpu.memory_space<vmem_shared>>) offsets(%dma_start3A_428 : memref<128xi32, #tpu.memory_space<vmem>>) semaphore(%run_scoped3A : memref<!tpu.dma_semaphore, #tpu.memory_space<semaphore_mem>>) {add = true}
        %dma_wait3A_432 = arith.constant 0 : i32
        %dma_wait3A_433 = tpu.memref_slice %arg7[%select_n3A_424, %dma_wait3A_432] : memref<88x128xi32, #tpu.memory_space<vmem>> -> memref<1x128xi32, #tpu.memory_space<vmem>>
        %dma_wait3A_434 = tpu.memref_squeeze %dma_wait3A_433 : memref<1x128xi32, #tpu.memory_space<vmem>> -> memref<128xi32, #tpu.memory_space<vmem>>
        %dma_wait3A_435 = arith.constant 0 : i32
        %dma_wait3A_436 = arith.constant 0 : i32
        %dma_wait3A_437 = tpu.memref_slice %arg13[%dma_wait3A_435, %dma_wait3A_436] : memref<3464x128xf32, #tpu.memory_space<vmem_shared>> -> memref<3464x128xf32, #tpu.memory_space<vmem_shared>>
        tpu.wait_indirect_dma semaphore(%run_scoped3A : memref<!tpu.dma_semaphore, #tpu.memory_space<semaphore_mem>>) src(%arg9 : memref<128x128xf32, #tpu.memory_space<vmem>>) dst(%dma_wait3A_437 : memref<3464x128xf32, #tpu.memory_space<vmem_shared>>)
        tpu.yield
      }) : () -> ()
      "tpu.region"() ({
        %run_scoped3A = tpu.sem_alloc : memref<!tpu.dma_semaphore, #tpu.memory_space<semaphore_mem>>
        %dma_start3A_426 = arith.constant 0 : i32
        %dma_start3A_427 = tpu.memref_slice %arg7[%select_n3A_424, %dma_start3A_426] : memref<88x128xi32, #tpu.memory_space<vmem>> -> memref<1x128xi32, #tpu.memory_space<vmem>>
        %dma_start3A_428 = tpu.memref_squeeze %dma_start3A_427 : memref<1x128xi32, #tpu.memory_space<vmem>> -> memref<128xi32, #tpu.memory_space<vmem>>
        %dma_start3A_429 = arith.constant 0 : i32
        %dma_start3A_430 = arith.constant 0 : i32
        %dma_start3A_431 = tpu.memref_slice %arg14[%dma_start3A_429, %dma_start3A_430] : memref<3464x16xf32, #tpu.memory_space<vmem_shared>> -> memref<3464x16xf32, #tpu.memory_space<vmem_shared>>
        tpu.enqueue_indirect_dma source(%arg12 : memref<128x16xf32, #tpu.memory_space<vmem>>) target(%dma_start3A_431 : memref<3464x16xf32, #tpu.memory_space<vmem_shared>>) offsets(%dma_start3A_428 : memref<128xi32, #tpu.memory_space<vmem>>) semaphore(%run_scoped3A : memref<!tpu.dma_semaphore, #tpu.memory_space<semaphore_mem>>) {add = true}
        %dma_wait3A_432 = arith.constant 0 : i32
        %dma_wait3A_433 = tpu.memref_slice %arg7[%select_n3A_424, %dma_wait3A_432] : memref<88x128xi32, #tpu.memory_space<vmem>> -> memref<1x128xi32, #tpu.memory_space<vmem>>
        %dma_wait3A_434 = tpu.memref_squeeze %dma_wait3A_433 : memref<1x128xi32, #tpu.memory_space<vmem>> -> memref<128xi32, #tpu.memory_space<vmem>>
        %dma_wait3A_435 = arith.constant 0 : i32
        %dma_wait3A_436 = arith.constant 0 : i32
        %dma_wait3A_437 = tpu.memref_slice %arg14[%dma_wait3A_435, %dma_wait3A_436] : memref<3464x16xf32, #tpu.memory_space<vmem_shared>> -> memref<3464x16xf32, #tpu.memory_space<vmem_shared>>
        tpu.wait_indirect_dma semaphore(%run_scoped3A : memref<!tpu.dma_semaphore, #tpu.memory_space<semaphore_mem>>) src(%arg12 : memref<128x16xf32, #tpu.memory_space<vmem>>) dst(%dma_wait3A_437 : memref<3464x16xf32, #tpu.memory_space<vmem_shared>>)
        tpu.yield
      }) : () -> ()
      %while3A_425 = arith.constant 0 : i32
      scf.yield %while3A_425 : i32
    }
    %while3A_71 = arith.constant 1 : i32
    %while3A_72 = scf.for %while3A_359 = %while3A_68 to %while3A_64 step %while3A_71 iter_args(%while3A_360 = %while3A_70) -> (i32)  : i32 {
      %mul3A_361 = arith.constant 2 : i32
      %mul3A_362 = arith.muli %mul3A_361, %while3A_359 : i32
      %add3A_363 = arith.addi %while3A, %mul3A_362 : i32
      %add3A_364 = arith.constant 1 : i32
      %add3A_365 = arith.addi %add3A_363, %add3A_364 : i32
      %sub3A_366 = arith.constant 1 : i32
      %sub3A_367 = arith.subi %squeeze3A_24, %sub3A_366 : i32
      %min3A_368 = arith.minsi %add3A_365, %sub3A_367 : i32
      %max3A_369 = arith.constant 0 : i32
      %max3A_370 = arith.maxsi %min3A_368, %max3A_369 : i32
      %mul3A_371 = arith.constant 128 : i32
      %mul3A_372 = arith.muli %arg1, %mul3A_371 : i32
      %mul3A_373 = arith.constant 2048 : i32
      %mul3A_374 = arith.muli %max3A_370, %mul3A_373 : i32
      %add3A_375 = arith.addi %mul3A_372, %mul3A_374 : i32
      %dma_start3A_376 = tpu.memref_slice %arg2[%add3A_375, %mul3A_0] : memref<160000x256xf32, #tpu.memory_space<hbm>> -> memref<128x128xf32, #tpu.memory_space<hbm>>
      %dma_start3A_377 = tpu.memref_slice %arg2[%add3A_375, %mul3A_0] : memref<160000x256xf32, #tpu.memory_space<hbm>> -> memref<128x128xf32, #tpu.memory_space<hbm>>
      tpu.enqueue_dma source(%dma_start3A_377 : memref<128x128xf32, #tpu.memory_space<hbm>>) target(%arg9 : memref<128x128xf32, #tpu.memory_space<vmem>>) target_semaphore(%arg16 : memref<!tpu.dma_semaphore, #tpu.memory_space<semaphore_mem>>)
      %sub3A_378 = arith.constant 1 : i32
      %sub3A_379 = arith.subi %squeeze3A_24, %sub3A_378 : i32
      %min3A_380 = arith.minsi %add3A_363, %sub3A_379 : i32
      %max3A_381 = arith.constant 0 : i32
      %max3A_382 = arith.maxsi %min3A_380, %max3A_381 : i32
      %mul3A_383 = arith.constant 128 : i32
      %mul3A_384 = arith.muli %arg1, %mul3A_383 : i32
      %mul3A_385 = arith.constant 2048 : i32
      %mul3A_386 = arith.muli %max3A_382, %mul3A_385 : i32
      %add3A_387 = arith.addi %mul3A_384, %mul3A_386 : i32
      %dma_wait3A_388 = tpu.memref_slice %arg2[%add3A_387, %mul3A_0] : memref<160000x256xf32, #tpu.memory_space<hbm>> -> memref<128x128xf32, #tpu.memory_space<hbm>>
      %dma_wait3A_389 = tpu.memref_slice %arg2[%add3A_387, %mul3A_0] : memref<160000x256xf32, #tpu.memory_space<hbm>> -> memref<128x128xf32, #tpu.memory_space<hbm>>
      tpu.wait_dma2 semaphore(%arg15 : memref<!tpu.dma_semaphore, #tpu.memory_space<semaphore_mem>>) src(%dma_wait3A_389 : memref<128x128xf32, #tpu.memory_space<hbm>>) dst(%arg8 : memref<128x128xf32, #tpu.memory_space<vmem>>)
      %lt3A = arith.cmpi slt, %add3A_363, %squeeze3A_24 : i32
      %jit3A_390 = arith.constant 80 : i32
      %select_n3A_391 = arith.select %lt3A, %add3A_363, %jit3A_390 : i32
      "tpu.region"() ({
        %run_scoped3A = tpu.sem_alloc : memref<!tpu.dma_semaphore, #tpu.memory_space<semaphore_mem>>
        %dma_start3A_426 = arith.constant 0 : i32
        %dma_start3A_427 = tpu.memref_slice %arg7[%select_n3A_391, %dma_start3A_426] : memref<88x128xi32, #tpu.memory_space<vmem>> -> memref<1x128xi32, #tpu.memory_space<vmem>>
        %dma_start3A_428 = tpu.memref_squeeze %dma_start3A_427 : memref<1x128xi32, #tpu.memory_space<vmem>> -> memref<128xi32, #tpu.memory_space<vmem>>
        %dma_start3A_429 = arith.constant 0 : i32
        %dma_start3A_430 = arith.constant 0 : i32
        %dma_start3A_431 = tpu.memref_slice %arg13[%dma_start3A_429, %dma_start3A_430] : memref<3464x128xf32, #tpu.memory_space<vmem_shared>> -> memref<3464x128xf32, #tpu.memory_space<vmem_shared>>
        tpu.enqueue_indirect_dma source(%arg8 : memref<128x128xf32, #tpu.memory_space<vmem>>) target(%dma_start3A_431 : memref<3464x128xf32, #tpu.memory_space<vmem_shared>>) offsets(%dma_start3A_428 : memref<128xi32, #tpu.memory_space<vmem>>) semaphore(%run_scoped3A : memref<!tpu.dma_semaphore, #tpu.memory_space<semaphore_mem>>) {add = true}
        %dma_wait3A_432 = arith.constant 0 : i32
        %dma_wait3A_433 = tpu.memref_slice %arg7[%select_n3A_391, %dma_wait3A_432] : memref<88x128xi32, #tpu.memory_space<vmem>> -> memref<1x128xi32, #tpu.memory_space<vmem>>
        %dma_wait3A_434 = tpu.memref_squeeze %dma_wait3A_433 : memref<1x128xi32, #tpu.memory_space<vmem>> -> memref<128xi32, #tpu.memory_space<vmem>>
        %dma_wait3A_435 = arith.constant 0 : i32
        %dma_wait3A_436 = arith.constant 0 : i32
        %dma_wait3A_437 = tpu.memref_slice %arg13[%dma_wait3A_435, %dma_wait3A_436] : memref<3464x128xf32, #tpu.memory_space<vmem_shared>> -> memref<3464x128xf32, #tpu.memory_space<vmem_shared>>
        tpu.wait_indirect_dma semaphore(%run_scoped3A : memref<!tpu.dma_semaphore, #tpu.memory_space<semaphore_mem>>) src(%arg8 : memref<128x128xf32, #tpu.memory_space<vmem>>) dst(%dma_wait3A_437 : memref<3464x128xf32, #tpu.memory_space<vmem_shared>>)
        tpu.yield
      }) : () -> ()
      "tpu.region"() ({
        %run_scoped3A = tpu.sem_alloc : memref<!tpu.dma_semaphore, #tpu.memory_space<semaphore_mem>>
        %dma_start3A_426 = arith.constant 0 : i32
        %dma_start3A_427 = tpu.memref_slice %arg7[%select_n3A_391, %dma_start3A_426] : memref<88x128xi32, #tpu.memory_space<vmem>> -> memref<1x128xi32, #tpu.memory_space<vmem>>
        %dma_start3A_428 = tpu.memref_squeeze %dma_start3A_427 : memref<1x128xi32, #tpu.memory_space<vmem>> -> memref<128xi32, #tpu.memory_space<vmem>>
        %dma_start3A_429 = arith.constant 0 : i32
        %dma_start3A_430 = arith.constant 0 : i32
        %dma_start3A_431 = tpu.memref_slice %arg14[%dma_start3A_429, %dma_start3A_430] : memref<3464x16xf32, #tpu.memory_space<vmem_shared>> -> memref<3464x16xf32, #tpu.memory_space<vmem_shared>>
        tpu.enqueue_indirect_dma source(%arg12 : memref<128x16xf32, #tpu.memory_space<vmem>>) target(%dma_start3A_431 : memref<3464x16xf32, #tpu.memory_space<vmem_shared>>) offsets(%dma_start3A_428 : memref<128xi32, #tpu.memory_space<vmem>>) semaphore(%run_scoped3A : memref<!tpu.dma_semaphore, #tpu.memory_space<semaphore_mem>>) {add = true}
        %dma_wait3A_432 = arith.constant 0 : i32
        %dma_wait3A_433 = tpu.memref_slice %arg7[%select_n3A_391, %dma_wait3A_432] : memref<88x128xi32, #tpu.memory_space<vmem>> -> memref<1x128xi32, #tpu.memory_space<vmem>>
        %dma_wait3A_434 = tpu.memref_squeeze %dma_wait3A_433 : memref<1x128xi32, #tpu.memory_space<vmem>> -> memref<128xi32, #tpu.memory_space<vmem>>
        %dma_wait3A_435 = arith.constant 0 : i32
        %dma_wait3A_436 = arith.constant 0 : i32
        %dma_wait3A_437 = tpu.memref_slice %arg14[%dma_wait3A_435, %dma_wait3A_436] : memref<3464x16xf32, #tpu.memory_space<vmem_shared>> -> memref<3464x16xf32, #tpu.memory_space<vmem_shared>>
        tpu.wait_indirect_dma semaphore(%run_scoped3A : memref<!tpu.dma_semaphore, #tpu.memory_space<semaphore_mem>>) src(%arg12 : memref<128x16xf32, #tpu.memory_space<vmem>>) dst(%dma_wait3A_437 : memref<3464x16xf32, #tpu.memory_space<vmem_shared>>)
        tpu.yield
      }) : () -> ()
      %add3A_392 = arith.constant 2 : i32
      %add3A_393 = arith.addi %add3A_363, %add3A_392 : i32
      %sub3A_394 = arith.constant 1 : i32
      %sub3A_395 = arith.subi %squeeze3A_24, %sub3A_394 : i32
      %min3A_396 = arith.minsi %add3A_393, %sub3A_395 : i32
      %max3A_397 = arith.constant 0 : i32
      %max3A_398 = arith.maxsi %min3A_396, %max3A_397 : i32
      %mul3A_399 = arith.constant 128 : i32
      %mul3A_400 = arith.muli %arg1, %mul3A_399 : i32
      %mul3A_401 = arith.constant 2048 : i32
      %mul3A_402 = arith.muli %max3A_398, %mul3A_401 : i32
      %add3A_403 = arith.addi %mul3A_400, %mul3A_402 : i32
      %dma_start3A_404 = tpu.memref_slice %arg2[%add3A_403, %mul3A_0] : memref<160000x256xf32, #tpu.memory_space<hbm>> -> memref<128x128xf32, #tpu.memory_space<hbm>>
      %dma_start3A_405 = tpu.memref_slice %arg2[%add3A_403, %mul3A_0] : memref<160000x256xf32, #tpu.memory_space<hbm>> -> memref<128x128xf32, #tpu.memory_space<hbm>>
      tpu.enqueue_dma source(%dma_start3A_405 : memref<128x128xf32, #tpu.memory_space<hbm>>) target(%arg8 : memref<128x128xf32, #tpu.memory_space<vmem>>) target_semaphore(%arg15 : memref<!tpu.dma_semaphore, #tpu.memory_space<semaphore_mem>>)
      %add3A_406 = arith.constant 1 : i32
      %add3A_407 = arith.addi %add3A_363, %add3A_406 : i32
      %sub3A_408 = arith.constant 1 : i32
      %sub3A_409 = arith.subi %squeeze3A_24, %sub3A_408 : i32
      %min3A_410 = arith.minsi %add3A_407, %sub3A_409 : i32
      %max3A_411 = arith.constant 0 : i32
      %max3A_412 = arith.maxsi %min3A_410, %max3A_411 : i32
      %mul3A_413 = arith.constant 128 : i32
      %mul3A_414 = arith.muli %arg1, %mul3A_413 : i32
      %mul3A_415 = arith.constant 2048 : i32
      %mul3A_416 = arith.muli %max3A_412, %mul3A_415 : i32
      %add3A_417 = arith.addi %mul3A_414, %mul3A_416 : i32
      %dma_wait3A_418 = tpu.memref_slice %arg2[%add3A_417, %mul3A_0] : memref<160000x256xf32, #tpu.memory_space<hbm>> -> memref<128x128xf32, #tpu.memory_space<hbm>>
      %dma_wait3A_419 = tpu.memref_slice %arg2[%add3A_417, %mul3A_0] : memref<160000x256xf32, #tpu.memory_space<hbm>> -> memref<128x128xf32, #tpu.memory_space<hbm>>
      tpu.wait_dma2 semaphore(%arg16 : memref<!tpu.dma_semaphore, #tpu.memory_space<semaphore_mem>>) src(%dma_wait3A_419 : memref<128x128xf32, #tpu.memory_space<hbm>>) dst(%arg9 : memref<128x128xf32, #tpu.memory_space<vmem>>)
      %add3A_420 = arith.constant 1 : i32
      %add3A_421 = arith.addi %add3A_363, %add3A_420 : i32
      %lt3A_422 = arith.cmpi slt, %add3A_421, %squeeze3A_24 : i32
      %jit3A_423 = arith.constant 80 : i32
      %select_n3A_424 = arith.select %lt3A_422, %add3A_421, %jit3A_423 : i32
      "tpu.region"() ({
        %run_scoped3A = tpu.sem_alloc : memref<!tpu.dma_semaphore, #tpu.memory_space<semaphore_mem>>
        %dma_start3A_426 = arith.constant 0 : i32
        %dma_start3A_427 = tpu.memref_slice %arg7[%select_n3A_424, %dma_start3A_426] : memref<88x128xi32, #tpu.memory_space<vmem>> -> memref<1x128xi32, #tpu.memory_space<vmem>>
        %dma_start3A_428 = tpu.memref_squeeze %dma_start3A_427 : memref<1x128xi32, #tpu.memory_space<vmem>> -> memref<128xi32, #tpu.memory_space<vmem>>
        %dma_start3A_429 = arith.constant 0 : i32
        %dma_start3A_430 = arith.constant 0 : i32
        %dma_start3A_431 = tpu.memref_slice %arg13[%dma_start3A_429, %dma_start3A_430] : memref<3464x128xf32, #tpu.memory_space<vmem_shared>> -> memref<3464x128xf32, #tpu.memory_space<vmem_shared>>
        tpu.enqueue_indirect_dma source(%arg9 : memref<128x128xf32, #tpu.memory_space<vmem>>) target(%dma_start3A_431 : memref<3464x128xf32, #tpu.memory_space<vmem_shared>>) offsets(%dma_start3A_428 : memref<128xi32, #tpu.memory_space<vmem>>) semaphore(%run_scoped3A : memref<!tpu.dma_semaphore, #tpu.memory_space<semaphore_mem>>) {add = true}
        %dma_wait3A_432 = arith.constant 0 : i32
        %dma_wait3A_433 = tpu.memref_slice %arg7[%select_n3A_424, %dma_wait3A_432] : memref<88x128xi32, #tpu.memory_space<vmem>> -> memref<1x128xi32, #tpu.memory_space<vmem>>
        %dma_wait3A_434 = tpu.memref_squeeze %dma_wait3A_433 : memref<1x128xi32, #tpu.memory_space<vmem>> -> memref<128xi32, #tpu.memory_space<vmem>>
        %dma_wait3A_435 = arith.constant 0 : i32
        %dma_wait3A_436 = arith.constant 0 : i32
        %dma_wait3A_437 = tpu.memref_slice %arg13[%dma_wait3A_435, %dma_wait3A_436] : memref<3464x128xf32, #tpu.memory_space<vmem_shared>> -> memref<3464x128xf32, #tpu.memory_space<vmem_shared>>
        tpu.wait_indirect_dma semaphore(%run_scoped3A : memref<!tpu.dma_semaphore, #tpu.memory_space<semaphore_mem>>) src(%arg9 : memref<128x128xf32, #tpu.memory_space<vmem>>) dst(%dma_wait3A_437 : memref<3464x128xf32, #tpu.memory_space<vmem_shared>>)
        tpu.yield
      }) : () -> ()
      "tpu.region"() ({
        %run_scoped3A = tpu.sem_alloc : memref<!tpu.dma_semaphore, #tpu.memory_space<semaphore_mem>>
        %dma_start3A_426 = arith.constant 0 : i32
        %dma_start3A_427 = tpu.memref_slice %arg7[%select_n3A_424, %dma_start3A_426] : memref<88x128xi32, #tpu.memory_space<vmem>> -> memref<1x128xi32, #tpu.memory_space<vmem>>
        %dma_start3A_428 = tpu.memref_squeeze %dma_start3A_427 : memref<1x128xi32, #tpu.memory_space<vmem>> -> memref<128xi32, #tpu.memory_space<vmem>>
        %dma_start3A_429 = arith.constant 0 : i32
        %dma_start3A_430 = arith.constant 0 : i32
        %dma_start3A_431 = tpu.memref_slice %arg14[%dma_start3A_429, %dma_start3A_430] : memref<3464x16xf32, #tpu.memory_space<vmem_shared>> -> memref<3464x16xf32, #tpu.memory_space<vmem_shared>>
        tpu.enqueue_indirect_dma source(%arg12 : memref<128x16xf32, #tpu.memory_space<vmem>>) target(%dma_start3A_431 : memref<3464x16xf32, #tpu.memory_space<vmem_shared>>) offsets(%dma_start3A_428 : memref<128xi32, #tpu.memory_space<vmem>>) semaphore(%run_scoped3A : memref<!tpu.dma_semaphore, #tpu.memory_space<semaphore_mem>>) {add = true}
        %dma_wait3A_432 = arith.constant 0 : i32
        %dma_wait3A_433 = tpu.memref_slice %arg7[%select_n3A_424, %dma_wait3A_432] : memref<88x128xi32, #tpu.memory_space<vmem>> -> memref<1x128xi32, #tpu.memory_space<vmem>>
        %dma_wait3A_434 = tpu.memref_squeeze %dma_wait3A_433 : memref<1x128xi32, #tpu.memory_space<vmem>> -> memref<128xi32, #tpu.memory_space<vmem>>
        %dma_wait3A_435 = arith.constant 0 : i32
        %dma_wait3A_436 = arith.constant 0 : i32
        %dma_wait3A_437 = tpu.memref_slice %arg14[%dma_wait3A_435, %dma_wait3A_436] : memref<3464x16xf32, #tpu.memory_space<vmem_shared>> -> memref<3464x16xf32, #tpu.memory_space<vmem_shared>>
        tpu.wait_indirect_dma semaphore(%run_scoped3A : memref<!tpu.dma_semaphore, #tpu.memory_space<semaphore_mem>>) src(%arg12 : memref<128x16xf32, #tpu.memory_space<vmem>>) dst(%dma_wait3A_437 : memref<3464x16xf32, #tpu.memory_space<vmem_shared>>)
        tpu.yield
      }) : () -> ()
      %while3A_425 = arith.constant 0 : i32
      scf.yield %while3A_425 : i32
    }
    %mul3A_73 = arith.constant 2 : i32
    %mul3A_74 = arith.muli %mul3A_73, %select_n3A : i32
    %add3A_75 = arith.constant 0 : i32
    %add3A_76 = arith.addi %add3A_75, %mul3A_74 : i32
    %sub3A_77 = arith.constant 1 : i32
    %sub3A_78 = arith.subi %squeeze3A_24, %sub3A_77 : i32
    %min3A_79 = arith.minsi %add3A_76, %sub3A_78 : i32
    %max3A_80 = arith.constant 0 : i32
    %max3A_81 = arith.maxsi %min3A_79, %max3A_80 : i32
    %mul3A_82 = arith.constant 128 : i32
    %mul3A_83 = arith.muli %arg1, %mul3A_82 : i32
    %mul3A_84 = arith.constant 2048 : i32
    %mul3A_85 = arith.muli %max3A_81, %mul3A_84 : i32
    %add3A_86 = arith.addi %mul3A_83, %mul3A_85 : i32
    %dma_wait3A = tpu.memref_slice %arg2[%add3A_86, %mul3A_0] : memref<160000x256xf32, #tpu.memory_space<hbm>> -> memref<128x128xf32, #tpu.memory_space<hbm>>
    %dma_wait3A_87 = tpu.memref_slice %arg2[%add3A_86, %mul3A_0] : memref<160000x256xf32, #tpu.memory_space<hbm>> -> memref<128x128xf32, #tpu.memory_space<hbm>>
    tpu.wait_dma2 semaphore(%arg15 : memref<!tpu.dma_semaphore, #tpu.memory_space<semaphore_mem>>) src(%dma_wait3A_87 : memref<128x128xf32, #tpu.memory_space<hbm>>) dst(%arg8 : memref<128x128xf32, #tpu.memory_space<vmem>>)
    %barrier3A_88 = arith.constant 0 : index
    tpu.barrier barrier_id(%barrier3A_88)
    %mul3A_89 = arith.constant 216 : i32
    %mul3A_90 = arith.muli %arg1, %mul3A_89 : i32
    %add3A_91 = arith.constant 0 : i32
    %add3A_92 = arith.addi %mul3A_90, %add3A_91 : i32
    "tpu.region"() ({
      %run_scoped3A = tpu.sem_alloc : memref<!tpu.dma_semaphore, #tpu.memory_space<semaphore_mem>>
      %dma_start3A_359 = arith.constant 0 : i32
      %dma_start3A_360 = arith.constant 0 : i32
      %dma_start3A_361 = tpu.memref_slice %arg10[%dma_start3A_359, %dma_start3A_360] : memref<128x128xf32, #tpu.memory_space<vmem>> -> memref<128x128xf32, #tpu.memory_space<vmem>>
      %dma_start3A_362 = arith.constant 0 : i32
      %dma_start3A_363 = tpu.memref_slice %arg13[%add3A_92, %dma_start3A_362] : memref<3464x128xf32, #tpu.memory_space<vmem_shared>> -> memref<128x128xf32, #tpu.memory_space<vmem_shared>>
      %dma_start3A_364 = arith.constant 0 : i32
      %dma_start3A_365 = arith.constant 0 : i32
      %dma_start3A_366 = tpu.memref_slice %arg10[%dma_start3A_364, %dma_start3A_365] : memref<128x128xf32, #tpu.memory_space<vmem>> -> memref<128x128xf32, #tpu.memory_space<vmem>>
      %dma_start3A_367 = arith.constant 0 : i32
      %dma_start3A_368 = tpu.memref_slice %arg13[%add3A_92, %dma_start3A_367] : memref<3464x128xf32, #tpu.memory_space<vmem_shared>> -> memref<128x128xf32, #tpu.memory_space<vmem_shared>>
      tpu.enqueue_dma source(%dma_start3A_368 : memref<128x128xf32, #tpu.memory_space<vmem_shared>>) target(%dma_start3A_366 : memref<128x128xf32, #tpu.memory_space<vmem>>) target_semaphore(%run_scoped3A : memref<!tpu.dma_semaphore, #tpu.memory_space<semaphore_mem>>)
      %dma_wait3A_369 = arith.constant 0 : i32
      %dma_wait3A_370 = arith.constant 0 : i32
      %dma_wait3A_371 = tpu.memref_slice %arg10[%dma_wait3A_369, %dma_wait3A_370] : memref<128x128xf32, #tpu.memory_space<vmem>> -> memref<128x128xf32, #tpu.memory_space<vmem>>
      %dma_wait3A_372 = arith.constant 0 : i32
      %dma_wait3A_373 = tpu.memref_slice %arg13[%add3A_92, %dma_wait3A_372] : memref<3464x128xf32, #tpu.memory_space<vmem_shared>> -> memref<128x128xf32, #tpu.memory_space<vmem_shared>>
      %dma_wait3A_374 = arith.constant 0 : i32
      %dma_wait3A_375 = arith.constant 0 : i32
      %dma_wait3A_376 = tpu.memref_slice %arg10[%dma_wait3A_374, %dma_wait3A_375] : memref<128x128xf32, #tpu.memory_space<vmem>> -> memref<128x128xf32, #tpu.memory_space<vmem>>
      %dma_wait3A_377 = arith.constant 0 : i32
      %dma_wait3A_378 = tpu.memref_slice %arg13[%add3A_92, %dma_wait3A_377] : memref<3464x128xf32, #tpu.memory_space<vmem_shared>> -> memref<128x128xf32, #tpu.memory_space<vmem_shared>>
      tpu.wait_dma2 semaphore(%run_scoped3A : memref<!tpu.dma_semaphore, #tpu.memory_space<semaphore_mem>>) src(%dma_wait3A_378 : memref<128x128xf32, #tpu.memory_space<vmem_shared>>) dst(%dma_wait3A_376 : memref<128x128xf32, #tpu.memory_space<vmem>>)
      tpu.yield
    }) : () -> ()
    %add3A_93 = arith.constant 0 : i32
    %add3A_94 = arith.addi %mul3A_90, %add3A_93 : i32
    "tpu.region"() ({
      %run_scoped3A = tpu.sem_alloc : memref<!tpu.dma_semaphore, #tpu.memory_space<semaphore_mem>>
      %dma_start3A_359 = arith.constant 0 : i32
      %dma_start3A_360 = arith.constant 0 : i32
      %dma_start3A_361 = tpu.memref_slice %arg11[%dma_start3A_359, %dma_start3A_360] : memref<128x16xf32, #tpu.memory_space<vmem>> -> memref<128x16xf32, #tpu.memory_space<vmem>>
      %dma_start3A_362 = arith.constant 0 : i32
      %dma_start3A_363 = tpu.memref_slice %arg14[%add3A_94, %dma_start3A_362] : memref<3464x16xf32, #tpu.memory_space<vmem_shared>> -> memref<128x16xf32, #tpu.memory_space<vmem_shared>>
      %dma_start3A_364 = arith.constant 0 : i32
      %dma_start3A_365 = arith.constant 0 : i32
      %dma_start3A_366 = tpu.memref_slice %arg11[%dma_start3A_364, %dma_start3A_365] : memref<128x16xf32, #tpu.memory_space<vmem>> -> memref<128x16xf32, #tpu.memory_space<vmem>>
      %dma_start3A_367 = arith.constant 0 : i32
      %dma_start3A_368 = tpu.memref_slice %arg14[%add3A_94, %dma_start3A_367] : memref<3464x16xf32, #tpu.memory_space<vmem_shared>> -> memref<128x16xf32, #tpu.memory_space<vmem_shared>>
      tpu.enqueue_dma source(%dma_start3A_368 : memref<128x16xf32, #tpu.memory_space<vmem_shared>>) target(%dma_start3A_366 : memref<128x16xf32, #tpu.memory_space<vmem>>) target_semaphore(%run_scoped3A : memref<!tpu.dma_semaphore, #tpu.memory_space<semaphore_mem>>)
      %dma_wait3A_369 = arith.constant 0 : i32
      %dma_wait3A_370 = arith.constant 0 : i32
      %dma_wait3A_371 = tpu.memref_slice %arg11[%dma_wait3A_369, %dma_wait3A_370] : memref<128x16xf32, #tpu.memory_space<vmem>> -> memref<128x16xf32, #tpu.memory_space<vmem>>
      %dma_wait3A_372 = arith.constant 0 : i32
      %dma_wait3A_373 = tpu.memref_slice %arg14[%add3A_94, %dma_wait3A_372] : memref<3464x16xf32, #tpu.memory_space<vmem_shared>> -> memref<128x16xf32, #tpu.memory_space<vmem_shared>>
      %dma_wait3A_374 = arith.constant 0 : i32
      %dma_wait3A_375 = arith.constant 0 : i32
      %dma_wait3A_376 = tpu.memref_slice %arg11[%dma_wait3A_374, %dma_wait3A_375] : memref<128x16xf32, #tpu.memory_space<vmem>> -> memref<128x16xf32, #tpu.memory_space<vmem>>
      %dma_wait3A_377 = arith.constant 0 : i32
      %dma_wait3A_378 = tpu.memref_slice %arg14[%add3A_94, %dma_wait3A_377] : memref<3464x16xf32, #tpu.memory_space<vmem_shared>> -> memref<128x16xf32, #tpu.memory_space<vmem_shared>>
      tpu.wait_dma2 semaphore(%run_scoped3A : memref<!tpu.dma_semaphore, #tpu.memory_space<semaphore_mem>>) src(%dma_wait3A_378 : memref<128x16xf32, #tpu.memory_space<vmem_shared>>) dst(%dma_wait3A_376 : memref<128x16xf32, #tpu.memory_space<vmem>>)
      tpu.yield
    }) : () -> ()
    %scan3A_95 = arith.constant 0 : i32
    %scan3A_96 = arith.constant 0 : i32
    %scan3A_97 = arith.constant 128 : i32
    %scan3A_98 = arith.addi %scan3A_96, %scan3A_97 : i32
    %scan3A_99 = arith.constant 1 : i32
    %scan3A_100 = scf.for %scan3A_359 = %scan3A_96 to %scan3A_98 step %scan3A_99 iter_args(%scan3A_360 = %scan3A_95) -> (i32)  : i32 {
      %get3A_361 = arith.index_cast %scan3A_359 : i32 to index
      %get3A_362 = arith.constant 0 : index
      %get3A_363 = tpu.vector_load %arg11[%get3A_361, %get3A_362] {strides = array<i32>} : memref<128x16xf32, #tpu.memory_space<vmem>>, vector<1x16xf32>,
      %get3A_364 = vector.shape_cast %get3A_363 : vector<1x16xf32> to vector<16xf32>
      %max3A_365 = arith.constant 1.000000e+00 : f32
      %max3A_366 = vector.broadcast %max3A_365 : f32 to vector<16xf32>
      %max3A_367 = arith.maximumf %get3A_364, %max3A_366 : vector<16xf32>
      %div3A_368 = arith.constant 1.000000e+00 : f32
      %div3A_369 = vector.broadcast %div3A_368 : f32 to vector<16xf32>
      %div3A_370 = arith.divf %div3A_369, %max3A_367 : vector<16xf32>
      %get3A_371 = arith.index_cast %scan3A_359 : i32 to index
      %get3A_372 = arith.constant 0 : index
      %get3A_373 = tpu.vector_load %arg10[%get3A_371, %get3A_372] {strides = array<i32>} : memref<128x128xf32, #tpu.memory_space<vmem>>, vector<1x16xf32>,
      %get3A_374 = vector.shape_cast %get3A_373 : vector<1x16xf32> to vector<16xf32>
      %mul3A_375 = arith.mulf %get3A_374, %div3A_370 : vector<16xf32>
      %swap3A = arith.index_cast %scan3A_359 : i32 to index
      %swap3A_376 = arith.constant 0 : index
      %swap3A_377 = tpu.vector_load %arg10[%swap3A, %swap3A_376] {strides = array<i32>} : memref<128x128xf32, #tpu.memory_space<vmem>>, vector<1x16xf32>,
      %swap3A_378 = vector.shape_cast %swap3A_377 : vector<1x16xf32> to vector<16xf32>
      %swap3A_379 = vector.shape_cast %mul3A_375 : vector<16xf32> to vector<1x16xf32>
      tpu.vector_store %arg10[%swap3A, %swap3A_376], %swap3A_379 {strides = array<i32>} : memref<128x128xf32, #tpu.memory_space<vmem>>, vector<1x16xf32>,
      %get3A_380 = arith.index_cast %scan3A_359 : i32 to index
      %get3A_381 = arith.constant 16 : index
      %get3A_382 = tpu.vector_load %arg10[%get3A_380, %get3A_381] {strides = array<i32>} : memref<128x128xf32, #tpu.memory_space<vmem>>, vector<1x16xf32>,
      %get3A_383 = vector.shape_cast %get3A_382 : vector<1x16xf32> to vector<16xf32>
      %mul3A_384 = arith.mulf %get3A_383, %div3A_370 : vector<16xf32>
      %swap3A_385 = arith.index_cast %scan3A_359 : i32 to index
      %swap3A_386 = arith.constant 16 : index
      %swap3A_387 = tpu.vector_load %arg10[%swap3A_385, %swap3A_386] {strides = array<i32>} : memref<128x128xf32, #tpu.memory_space<vmem>>, vector<1x16xf32>,
      %swap3A_388 = vector.shape_cast %swap3A_387 : vector<1x16xf32> to vector<16xf32>
      %swap3A_389 = vector.shape_cast %mul3A_384 : vector<16xf32> to vector<1x16xf32>
      tpu.vector_store %arg10[%swap3A_385, %swap3A_386], %swap3A_389 {strides = array<i32>} : memref<128x128xf32, #tpu.memory_space<vmem>>, vector<1x16xf32>,
      %get3A_390 = arith.index_cast %scan3A_359 : i32 to index
      %get3A_391 = arith.constant 32 : index
      %get3A_392 = tpu.vector_load %arg10[%get3A_390, %get3A_391] {strides = array<i32>} : memref<128x128xf32, #tpu.memory_space<vmem>>, vector<1x16xf32>,
      %get3A_393 = vector.shape_cast %get3A_392 : vector<1x16xf32> to vector<16xf32>
      %mul3A_394 = arith.mulf %get3A_393, %div3A_370 : vector<16xf32>
      %swap3A_395 = arith.index_cast %scan3A_359 : i32 to index
      %swap3A_396 = arith.constant 32 : index
      %swap3A_397 = tpu.vector_load %arg10[%swap3A_395, %swap3A_396] {strides = array<i32>} : memref<128x128xf32, #tpu.memory_space<vmem>>, vector<1x16xf32>,
      %swap3A_398 = vector.shape_cast %swap3A_397 : vector<1x16xf32> to vector<16xf32>
      %swap3A_399 = vector.shape_cast %mul3A_394 : vector<16xf32> to vector<1x16xf32>
      tpu.vector_store %arg10[%swap3A_395, %swap3A_396], %swap3A_399 {strides = array<i32>} : memref<128x128xf32, #tpu.memory_space<vmem>>, vector<1x16xf32>,
      %get3A_400 = arith.index_cast %scan3A_359 : i32 to index
      %get3A_401 = arith.constant 48 : index
      %get3A_402 = tpu.vector_load %arg10[%get3A_400, %get3A_401] {strides = array<i32>} : memref<128x128xf32, #tpu.memory_space<vmem>>, vector<1x16xf32>,
      %get3A_403 = vector.shape_cast %get3A_402 : vector<1x16xf32> to vector<16xf32>
      %mul3A_404 = arith.mulf %get3A_403, %div3A_370 : vector<16xf32>
      %swap3A_405 = arith.index_cast %scan3A_359 : i32 to index
      %swap3A_406 = arith.constant 48 : index
      %swap3A_407 = tpu.vector_load %arg10[%swap3A_405, %swap3A_406] {strides = array<i32>} : memref<128x128xf32, #tpu.memory_space<vmem>>, vector<1x16xf32>,
      %swap3A_408 = vector.shape_cast %swap3A_407 : vector<1x16xf32> to vector<16xf32>
      %swap3A_409 = vector.shape_cast %mul3A_404 : vector<16xf32> to vector<1x16xf32>
      tpu.vector_store %arg10[%swap3A_405, %swap3A_406], %swap3A_409 {strides = array<i32>} : memref<128x128xf32, #tpu.memory_space<vmem>>, vector<1x16xf32>,
      %get3A_410 = arith.index_cast %scan3A_359 : i32 to index
      %get3A_411 = arith.constant 64 : index
      %get3A_412 = tpu.vector_load %arg10[%get3A_410, %get3A_411] {strides = array<i32>} : memref<128x128xf32, #tpu.memory_space<vmem>>, vector<1x16xf32>,
      %get3A_413 = vector.shape_cast %get3A_412 : vector<1x16xf32> to vector<16xf32>
      %mul3A_414 = arith.mulf %get3A_413, %div3A_370 : vector<16xf32>
      %swap3A_415 = arith.index_cast %scan3A_359 : i32 to index
      %swap3A_416 = arith.constant 64 : index
      %swap3A_417 = tpu.vector_load %arg10[%swap3A_415, %swap3A_416] {strides = array<i32>} : memref<128x128xf32, #tpu.memory_space<vmem>>, vector<1x16xf32>,
      %swap3A_418 = vector.shape_cast %swap3A_417 : vector<1x16xf32> to vector<16xf32>
      %swap3A_419 = vector.shape_cast %mul3A_414 : vector<16xf32> to vector<1x16xf32>
      tpu.vector_store %arg10[%swap3A_415, %swap3A_416], %swap3A_419 {strides = array<i32>} : memref<128x128xf32, #tpu.memory_space<vmem>>, vector<1x16xf32>,
      %get3A_420 = arith.index_cast %scan3A_359 : i32 to index
      %get3A_421 = arith.constant 80 : index
      %get3A_422 = tpu.vector_load %arg10[%get3A_420, %get3A_421] {strides = array<i32>} : memref<128x128xf32, #tpu.memory_space<vmem>>, vector<1x16xf32>,
      %get3A_423 = vector.shape_cast %get3A_422 : vector<1x16xf32> to vector<16xf32>
      %mul3A_424 = arith.mulf %get3A_423, %div3A_370 : vector<16xf32>
      %swap3A_425 = arith.index_cast %scan3A_359 : i32 to index
      %swap3A_426 = arith.constant 80 : index
      %swap3A_427 = tpu.vector_load %arg10[%swap3A_425, %swap3A_426] {strides = array<i32>} : memref<128x128xf32, #tpu.memory_space<vmem>>, vector<1x16xf32>,
      %swap3A_428 = vector.shape_cast %swap3A_427 : vector<1x16xf32> to vector<16xf32>
      %swap3A_429 = vector.shape_cast %mul3A_424 : vector<16xf32> to vector<1x16xf32>
      tpu.vector_store %arg10[%swap3A_425, %swap3A_426], %swap3A_429 {strides = array<i32>} : memref<128x128xf32, #tpu.memory_space<vmem>>, vector<1x16xf32>,
      %get3A_430 = arith.index_cast %scan3A_359 : i32 to index
      %get3A_431 = arith.constant 96 : index
      %get3A_432 = tpu.vector_load %arg10[%get3A_430, %get3A_431] {strides = array<i32>} : memref<128x128xf32, #tpu.memory_space<vmem>>, vector<1x16xf32>,
      %get3A_433 = vector.shape_cast %get3A_432 : vector<1x16xf32> to vector<16xf32>
      %mul3A_434 = arith.mulf %get3A_433, %div3A_370 : vector<16xf32>
      %swap3A_435 = arith.index_cast %scan3A_359 : i32 to index
      %swap3A_436 = arith.constant 96 : index
      %swap3A_437 = tpu.vector_load %arg10[%swap3A_435, %swap3A_436] {strides = array<i32>} : memref<128x128xf32, #tpu.memory_space<vmem>>, vector<1x16xf32>,
      %swap3A_438 = vector.shape_cast %swap3A_437 : vector<1x16xf32> to vector<16xf32>
      %swap3A_439 = vector.shape_cast %mul3A_434 : vector<16xf32> to vector<1x16xf32>
      tpu.vector_store %arg10[%swap3A_435, %swap3A_436], %swap3A_439 {strides = array<i32>} : memref<128x128xf32, #tpu.memory_space<vmem>>, vector<1x16xf32>,
      %get3A_440 = arith.index_cast %scan3A_359 : i32 to index
      %get3A_441 = arith.constant 112 : index
      %get3A_442 = tpu.vector_load %arg10[%get3A_440, %get3A_441] {strides = array<i32>} : memref<128x128xf32, #tpu.memory_space<vmem>>, vector<1x16xf32>,
      %get3A_443 = vector.shape_cast %get3A_442 : vector<1x16xf32> to vector<16xf32>
      %mul3A_444 = arith.mulf %get3A_443, %div3A_370 : vector<16xf32>
      %swap3A_445 = arith.index_cast %scan3A_359 : i32 to index
      %swap3A_446 = arith.constant 112 : index
      %swap3A_447 = tpu.vector_load %arg10[%swap3A_445, %swap3A_446] {strides = array<i32>} : memref<128x128xf32, #tpu.memory_space<vmem>>, vector<1x16xf32>,
      %swap3A_448 = vector.shape_cast %swap3A_447 : vector<1x16xf32> to vector<16xf32>
      %swap3A_449 = vector.shape_cast %mul3A_444 : vector<16xf32> to vector<1x16xf32>
      tpu.vector_store %arg10[%swap3A_445, %swap3A_446], %swap3A_449 {strides = array<i32>} : memref<128x128xf32, #tpu.memory_space<vmem>>, vector<1x16xf32>,
      %scan3A_450 = arith.constant 0 : i32
      scf.yield %scan3A_450 : i32
    }
    %scan3A_101 = arith.constant 128 : i32
    %add3A_102 = arith.constant 0 : i32
    %add3A_103 = arith.addi %add3A_102, %mul3A_90 : i32
    %add3A_104 = arith.constant 0 : i32
    %add3A_105 = arith.addi %add3A_103, %add3A_104 : i32
    "tpu.region"() ({
      %run_scoped3A = tpu.sem_alloc : memref<!tpu.dma_semaphore, #tpu.memory_space<semaphore_mem>>
      %dma_start3A_359 = arith.constant 0 : i32
      %dma_start3A_360 = arith.constant 0 : i32
      %dma_start3A_361 = tpu.memref_slice %arg10[%dma_start3A_359, %dma_start3A_360] : memref<128x128xf32, #tpu.memory_space<vmem>> -> memref<128x128xf32, #tpu.memory_space<vmem>>
      %dma_start3A_362 = tpu.memref_slice %arg5[%add3A_105, %mul3A_0] : memref<10240x256xf32, #tpu.memory_space<hbm>> -> memref<128x128xf32, #tpu.memory_space<hbm>>
      %dma_start3A_363 = tpu.memref_slice %arg5[%add3A_105, %mul3A_0] : memref<10240x256xf32, #tpu.memory_space<hbm>> -> memref<128x128xf32, #tpu.memory_space<hbm>>
      %dma_start3A_364 = arith.constant 0 : i32
      %dma_start3A_365 = arith.constant 0 : i32
      %dma_start3A_366 = tpu.memref_slice %arg10[%dma_start3A_364, %dma_start3A_365] : memref<128x128xf32, #tpu.memory_space<vmem>> -> memref<128x128xf32, #tpu.memory_space<vmem>>
      tpu.enqueue_dma source(%dma_start3A_366 : memref<128x128xf32, #tpu.memory_space<vmem>>) target(%dma_start3A_363 : memref<128x128xf32, #tpu.memory_space<hbm>>) target_semaphore(%run_scoped3A : memref<!tpu.dma_semaphore, #tpu.memory_space<semaphore_mem>>)
      %dma_wait3A_367 = arith.constant 0 : i32
      %dma_wait3A_368 = arith.constant 0 : i32
      %dma_wait3A_369 = tpu.memref_slice %arg10[%dma_wait3A_367, %dma_wait3A_368] : memref<128x128xf32, #tpu.memory_space<vmem>> -> memref<128x128xf32, #tpu.memory_space<vmem>>
      %dma_wait3A_370 = tpu.memref_slice %arg5[%add3A_105, %mul3A_0] : memref<10240x256xf32, #tpu.memory_space<hbm>> -> memref<128x128xf32, #tpu.memory_space<hbm>>
      %dma_wait3A_371 = tpu.memref_slice %arg5[%add3A_105, %mul3A_0] : memref<10240x256xf32, #tpu.memory_space<hbm>> -> memref<128x128xf32, #tpu.memory_space<hbm>>
      %dma_wait3A_372 = arith.constant 0 : i32
      %dma_wait3A_373 = arith.constant 0 : i32
      %dma_wait3A_374 = tpu.memref_slice %arg10[%dma_wait3A_372, %dma_wait3A_373] : memref<128x128xf32, #tpu.memory_space<vmem>> -> memref<128x128xf32, #tpu.memory_space<vmem>>
      tpu.wait_dma2 semaphore(%run_scoped3A : memref<!tpu.dma_semaphore, #tpu.memory_space<semaphore_mem>>) src(%dma_wait3A_374 : memref<128x128xf32, #tpu.memory_space<vmem>>) dst(%dma_wait3A_371 : memref<128x128xf32, #tpu.memory_space<hbm>>)
      tpu.yield
    }) : () -> ()
    %add3A_106 = arith.constant 128 : i32
    %add3A_107 = arith.addi %mul3A_90, %add3A_106 : i32
    "tpu.region"() ({
      %run_scoped3A = tpu.sem_alloc : memref<!tpu.dma_semaphore, #tpu.memory_space<semaphore_mem>>
      %dma_start3A_359 = arith.constant 0 : i32
      %dma_start3A_360 = arith.constant 0 : i32
      %dma_start3A_361 = tpu.memref_slice %arg10[%dma_start3A_359, %dma_start3A_360] : memref<128x128xf32, #tpu.memory_space<vmem>> -> memref<88x128xf32, #tpu.memory_space<vmem>>
      %dma_start3A_362 = arith.constant 0 : i32
      %dma_start3A_363 = tpu.memref_slice %arg13[%add3A_107, %dma_start3A_362] : memref<3464x128xf32, #tpu.memory_space<vmem_shared>> -> memref<88x128xf32, #tpu.memory_space<vmem_shared>>
      %dma_start3A_364 = arith.constant 0 : i32
      %dma_start3A_365 = arith.constant 0 : i32
      %dma_start3A_366 = tpu.memref_slice %arg10[%dma_start3A_364, %dma_start3A_365] : memref<128x128xf32, #tpu.memory_space<vmem>> -> memref<88x128xf32, #tpu.memory_space<vmem>>
      %dma_start3A_367 = arith.constant 0 : i32
      %dma_start3A_368 = tpu.memref_slice %arg13[%add3A_107, %dma_start3A_367] : memref<3464x128xf32, #tpu.memory_space<vmem_shared>> -> memref<88x128xf32, #tpu.memory_space<vmem_shared>>
      tpu.enqueue_dma source(%dma_start3A_368 : memref<88x128xf32, #tpu.memory_space<vmem_shared>>) target(%dma_start3A_366 : memref<88x128xf32, #tpu.memory_space<vmem>>) target_semaphore(%run_scoped3A : memref<!tpu.dma_semaphore, #tpu.memory_space<semaphore_mem>>)
      %dma_wait3A_369 = arith.constant 0 : i32
      %dma_wait3A_370 = arith.constant 0 : i32
      %dma_wait3A_371 = tpu.memref_slice %arg10[%dma_wait3A_369, %dma_wait3A_370] : memref<128x128xf32, #tpu.memory_space<vmem>> -> memref<88x128xf32, #tpu.memory_space<vmem>>
      %dma_wait3A_372 = arith.constant 0 : i32
      %dma_wait3A_373 = tpu.memref_slice %arg13[%add3A_107, %dma_wait3A_372] : memref<3464x128xf32, #tpu.memory_space<vmem_shared>> -> memref<88x128xf32, #tpu.memory_space<vmem_shared>>
      %dma_wait3A_374 = arith.constant 0 : i32
      %dma_wait3A_375 = arith.constant 0 : i32
      %dma_wait3A_376 = tpu.memref_slice %arg10[%dma_wait3A_374, %dma_wait3A_375] : memref<128x128xf32, #tpu.memory_space<vmem>> -> memref<88x128xf32, #tpu.memory_space<vmem>>
      %dma_wait3A_377 = arith.constant 0 : i32
      %dma_wait3A_378 = tpu.memref_slice %arg13[%add3A_107, %dma_wait3A_377] : memref<3464x128xf32, #tpu.memory_space<vmem_shared>> -> memref<88x128xf32, #tpu.memory_space<vmem_shared>>
      tpu.wait_dma2 semaphore(%run_scoped3A : memref<!tpu.dma_semaphore, #tpu.memory_space<semaphore_mem>>) src(%dma_wait3A_378 : memref<88x128xf32, #tpu.memory_space<vmem_shared>>) dst(%dma_wait3A_376 : memref<88x128xf32, #tpu.memory_space<vmem>>)
      tpu.yield
    }) : () -> ()
    %add3A_108 = arith.constant 128 : i32
    %add3A_109 = arith.addi %mul3A_90, %add3A_108 : i32
    "tpu.region"() ({
      %run_scoped3A = tpu.sem_alloc : memref<!tpu.dma_semaphore, #tpu.memory_space<semaphore_mem>>
      %dma_start3A_359 = arith.constant 0 : i32
      %dma_start3A_360 = arith.constant 0 : i32
      %dma_start3A_361 = tpu.memref_slice %arg11[%dma_start3A_359, %dma_start3A_360] : memref<128x16xf32, #tpu.memory_space<vmem>> -> memref<88x16xf32, #tpu.memory_space<vmem>>
      %dma_start3A_362 = arith.constant 0 : i32
      %dma_start3A_363 = tpu.memref_slice %arg14[%add3A_109, %dma_start3A_362] : memref<3464x16xf32, #tpu.memory_space<vmem_shared>> -> memref<88x16xf32, #tpu.memory_space<vmem_shared>>
      %dma_start3A_364 = arith.constant 0 : i32
      %dma_start3A_365 = arith.constant 0 : i32
      %dma_start3A_366 = tpu.memref_slice %arg11[%dma_start3A_364, %dma_start3A_365] : memref<128x16xf32, #tpu.memory_space<vmem>> -> memref<88x16xf32, #tpu.memory_space<vmem>>
      %dma_start3A_367 = arith.constant 0 : i32
      %dma_start3A_368 = tpu.memref_slice %arg14[%add3A_109, %dma_start3A_367] : memref<3464x16xf32, #tpu.memory_space<vmem_shared>> -> memref<88x16xf32, #tpu.memory_space<vmem_shared>>
      tpu.enqueue_dma source(%dma_start3A_368 : memref<88x16xf32, #tpu.memory_space<vmem_shared>>) target(%dma_start3A_366 : memref<88x16xf32, #tpu.memory_space<vmem>>) target_semaphore(%run_scoped3A : memref<!tpu.dma_semaphore, #tpu.memory_space<semaphore_mem>>)
      %dma_wait3A_369 = arith.constant 0 : i32
      %dma_wait3A_370 = arith.constant 0 : i32
      %dma_wait3A_371 = tpu.memref_slice %arg11[%dma_wait3A_369, %dma_wait3A_370] : memref<128x16xf32, #tpu.memory_space<vmem>> -> memref<88x16xf32, #tpu.memory_space<vmem>>
      %dma_wait3A_372 = arith.constant 0 : i32
      %dma_wait3A_373 = tpu.memref_slice %arg14[%add3A_109, %dma_wait3A_372] : memref<3464x16xf32, #tpu.memory_space<vmem_shared>> -> memref<88x16xf32, #tpu.memory_space<vmem_shared>>
      %dma_wait3A_374 = arith.constant 0 : i32
      %dma_wait3A_375 = arith.constant 0 : i32
      %dma_wait3A_376 = tpu.memref_slice %arg11[%dma_wait3A_374, %dma_wait3A_375] : memref<128x16xf32, #tpu.memory_space<vmem>> -> memref<88x16xf32, #tpu.memory_space<vmem>>
      %dma_wait3A_377 = arith.constant 0 : i32
      %dma_wait3A_378 = tpu.memref_slice %arg14[%add3A_109, %dma_wait3A_377] : memref<3464x16xf32, #tpu.memory_space<vmem_shared>> -> memref<88x16xf32, #tpu.memory_space<vmem_shared>>
      tpu.wait_dma2 semaphore(%run_scoped3A : memref<!tpu.dma_semaphore, #tpu.memory_space<semaphore_mem>>) src(%dma_wait3A_378 : memref<88x16xf32, #tpu.memory_space<vmem_shared>>) dst(%dma_wait3A_376 : memref<88x16xf32, #tpu.memory_space<vmem>>)
      tpu.yield
    }) : () -> ()
    %scan3A_110 = arith.constant 0 : i32
    %scan3A_111 = arith.constant 0 : i32
    %scan3A_112 = arith.constant 88 : i32
    %scan3A_113 = arith.addi %scan3A_111, %scan3A_112 : i32
    %scan3A_114 = arith.constant 1 : i32
    %scan3A_115 = scf.for %scan3A_359 = %scan3A_111 to %scan3A_113 step %scan3A_114 iter_args(%scan3A_360 = %scan3A_110) -> (i32)  : i32 {
      %get3A_361 = arith.index_cast %scan3A_359 : i32 to index
      %get3A_362 = arith.constant 0 : index
      %get3A_363 = tpu.vector_load %arg11[%get3A_361, %get3A_362] {strides = array<i32>} : memref<128x16xf32, #tpu.memory_space<vmem>>, vector<1x16xf32>,
      %get3A_364 = vector.shape_cast %get3A_363 : vector<1x16xf32> to vector<16xf32>
      %max3A_365 = arith.constant 1.000000e+00 : f32
      %max3A_366 = vector.broadcast %max3A_365 : f32 to vector<16xf32>
      %max3A_367 = arith.maximumf %get3A_364, %max3A_366 : vector<16xf32>
      %div3A_368 = arith.constant 1.000000e+00 : f32
      %div3A_369 = vector.broadcast %div3A_368 : f32 to vector<16xf32>
      %div3A_370 = arith.divf %div3A_369, %max3A_367 : vector<16xf32>
      %get3A_371 = arith.index_cast %scan3A_359 : i32 to index
      %get3A_372 = arith.constant 0 : index
      %get3A_373 = tpu.vector_load %arg10[%get3A_371, %get3A_372] {strides = array<i32>} : memref<128x128xf32, #tpu.memory_space<vmem>>, vector<1x16xf32>,
      %get3A_374 = vector.shape_cast %get3A_373 : vector<1x16xf32> to vector<16xf32>
      %mul3A_375 = arith.mulf %get3A_374, %div3A_370 : vector<16xf32>
      %swap3A = arith.index_cast %scan3A_359 : i32 to index
      %swap3A_376 = arith.constant 0 : index
      %swap3A_377 = tpu.vector_load %arg10[%swap3A, %swap3A_376] {strides = array<i32>} : memref<128x128xf32, #tpu.memory_space<vmem>>, vector<1x16xf32>,
      %swap3A_378 = vector.shape_cast %swap3A_377 : vector<1x16xf32> to vector<16xf32>
      %swap3A_379 = vector.shape_cast %mul3A_375 : vector<16xf32> to vector<1x16xf32>
      tpu.vector_store %arg10[%swap3A, %swap3A_376], %swap3A_379 {strides = array<i32>} : memref<128x128xf32, #tpu.memory_space<vmem>>, vector<1x16xf32>,
      %get3A_380 = arith.index_cast %scan3A_359 : i32 to index
      %get3A_381 = arith.constant 16 : index
      %get3A_382 = tpu.vector_load %arg10[%get3A_380, %get3A_381] {strides = array<i32>} : memref<128x128xf32, #tpu.memory_space<vmem>>, vector<1x16xf32>,
      %get3A_383 = vector.shape_cast %get3A_382 : vector<1x16xf32> to vector<16xf32>
      %mul3A_384 = arith.mulf %get3A_383, %div3A_370 : vector<16xf32>
      %swap3A_385 = arith.index_cast %scan3A_359 : i32 to index
      %swap3A_386 = arith.constant 16 : index
      %swap3A_387 = tpu.vector_load %arg10[%swap3A_385, %swap3A_386] {strides = array<i32>} : memref<128x128xf32, #tpu.memory_space<vmem>>, vector<1x16xf32>,
      %swap3A_388 = vector.shape_cast %swap3A_387 : vector<1x16xf32> to vector<16xf32>
      %swap3A_389 = vector.shape_cast %mul3A_384 : vector<16xf32> to vector<1x16xf32>
      tpu.vector_store %arg10[%swap3A_385, %swap3A_386], %swap3A_389 {strides = array<i32>} : memref<128x128xf32, #tpu.memory_space<vmem>>, vector<1x16xf32>,
      %get3A_390 = arith.index_cast %scan3A_359 : i32 to index
      %get3A_391 = arith.constant 32 : index
      %get3A_392 = tpu.vector_load %arg10[%get3A_390, %get3A_391] {strides = array<i32>} : memref<128x128xf32, #tpu.memory_space<vmem>>, vector<1x16xf32>,
      %get3A_393 = vector.shape_cast %get3A_392 : vector<1x16xf32> to vector<16xf32>
      %mul3A_394 = arith.mulf %get3A_393, %div3A_370 : vector<16xf32>
      %swap3A_395 = arith.index_cast %scan3A_359 : i32 to index
      %swap3A_396 = arith.constant 32 : index
      %swap3A_397 = tpu.vector_load %arg10[%swap3A_395, %swap3A_396] {strides = array<i32>} : memref<128x128xf32, #tpu.memory_space<vmem>>, vector<1x16xf32>,
      %swap3A_398 = vector.shape_cast %swap3A_397 : vector<1x16xf32> to vector<16xf32>
      %swap3A_399 = vector.shape_cast %mul3A_394 : vector<16xf32> to vector<1x16xf32>
      tpu.vector_store %arg10[%swap3A_395, %swap3A_396], %swap3A_399 {strides = array<i32>} : memref<128x128xf32, #tpu.memory_space<vmem>>, vector<1x16xf32>,
      %get3A_400 = arith.index_cast %scan3A_359 : i32 to index
      %get3A_401 = arith.constant 48 : index
      %get3A_402 = tpu.vector_load %arg10[%get3A_400, %get3A_401] {strides = array<i32>} : memref<128x128xf32, #tpu.memory_space<vmem>>, vector<1x16xf32>,
      %get3A_403 = vector.shape_cast %get3A_402 : vector<1x16xf32> to vector<16xf32>
      %mul3A_404 = arith.mulf %get3A_403, %div3A_370 : vector<16xf32>
      %swap3A_405 = arith.index_cast %scan3A_359 : i32 to index
      %swap3A_406 = arith.constant 48 : index
      %swap3A_407 = tpu.vector_load %arg10[%swap3A_405, %swap3A_406] {strides = array<i32>} : memref<128x128xf32, #tpu.memory_space<vmem>>, vector<1x16xf32>,
      %swap3A_408 = vector.shape_cast %swap3A_407 : vector<1x16xf32> to vector<16xf32>
      %swap3A_409 = vector.shape_cast %mul3A_404 : vector<16xf32> to vector<1x16xf32>
      tpu.vector_store %arg10[%swap3A_405, %swap3A_406], %swap3A_409 {strides = array<i32>} : memref<128x128xf32, #tpu.memory_space<vmem>>, vector<1x16xf32>,
      %get3A_410 = arith.index_cast %scan3A_359 : i32 to index
      %get3A_411 = arith.constant 64 : index
      %get3A_412 = tpu.vector_load %arg10[%get3A_410, %get3A_411] {strides = array<i32>} : memref<128x128xf32, #tpu.memory_space<vmem>>, vector<1x16xf32>,
      %get3A_413 = vector.shape_cast %get3A_412 : vector<1x16xf32> to vector<16xf32>
      %mul3A_414 = arith.mulf %get3A_413, %div3A_370 : vector<16xf32>
      %swap3A_415 = arith.index_cast %scan3A_359 : i32 to index
      %swap3A_416 = arith.constant 64 : index
      %swap3A_417 = tpu.vector_load %arg10[%swap3A_415, %swap3A_416] {strides = array<i32>} : memref<128x128xf32, #tpu.memory_space<vmem>>, vector<1x16xf32>,
      %swap3A_418 = vector.shape_cast %swap3A_417 : vector<1x16xf32> to vector<16xf32>
      %swap3A_419 = vector.shape_cast %mul3A_414 : vector<16xf32> to vector<1x16xf32>
      tpu.vector_store %arg10[%swap3A_415, %swap3A_416], %swap3A_419 {strides = array<i32>} : memref<128x128xf32, #tpu.memory_space<vmem>>, vector<1x16xf32>,
      %get3A_420 = arith.index_cast %scan3A_359 : i32 to index
      %get3A_421 = arith.constant 80 : index
      %get3A_422 = tpu.vector_load %arg10[%get3A_420, %get3A_421] {strides = array<i32>} : memref<128x128xf32, #tpu.memory_space<vmem>>, vector<1x16xf32>,
      %get3A_423 = vector.shape_cast %get3A_422 : vector<1x16xf32> to vector<16xf32>
      %mul3A_424 = arith.mulf %get3A_423, %div3A_370 : vector<16xf32>
      %swap3A_425 = arith.index_cast %scan3A_359 : i32 to index
      %swap3A_426 = arith.constant 80 : index
      %swap3A_427 = tpu.vector_load %arg10[%swap3A_425, %swap3A_426] {strides = array<i32>} : memref<128x128xf32, #tpu.memory_space<vmem>>, vector<1x16xf32>,
      %swap3A_428 = vector.shape_cast %swap3A_427 : vector<1x16xf32> to vector<16xf32>
      %swap3A_429 = vector.shape_cast %mul3A_424 : vector<16xf32> to vector<1x16xf32>
      tpu.vector_store %arg10[%swap3A_425, %swap3A_426], %swap3A_429 {strides = array<i32>} : memref<128x128xf32, #tpu.memory_space<vmem>>, vector<1x16xf32>,
      %get3A_430 = arith.index_cast %scan3A_359 : i32 to index
      %get3A_431 = arith.constant 96 : index
      %get3A_432 = tpu.vector_load %arg10[%get3A_430, %get3A_431] {strides = array<i32>} : memref<128x128xf32, #tpu.memory_space<vmem>>, vector<1x16xf32>,
      %get3A_433 = vector.shape_cast %get3A_432 : vector<1x16xf32> to vector<16xf32>
      %mul3A_434 = arith.mulf %get3A_433, %div3A_370 : vector<16xf32>
      %swap3A_435 = arith.index_cast %scan3A_359 : i32 to index
      %swap3A_436 = arith.constant 96 : index
      %swap3A_437 = tpu.vector_load %arg10[%swap3A_435, %swap3A_436] {strides = array<i32>} : memref<128x128xf32, #tpu.memory_space<vmem>>, vector<1x16xf32>,
      %swap3A_438 = vector.shape_cast %swap3A_437 : vector<1x16xf32> to vector<16xf32>
      %swap3A_439 = vector.shape_cast %mul3A_434 : vector<16xf32> to vector<1x16xf32>
      tpu.vector_store %arg10[%swap3A_435, %swap3A_436], %swap3A_439 {strides = array<i32>} : memref<128x128xf32, #tpu.memory_space<vmem>>, vector<1x16xf32>,
      %get3A_440 = arith.index_cast %scan3A_359 : i32 to index
      %get3A_441 = arith.constant 112 : index
      %get3A_442 = tpu.vector_load %arg10[%get3A_440, %get3A_441] {strides = array<i32>} : memref<128x128xf32, #tpu.memory_space<vmem>>, vector<1x16xf32>,
      %get3A_443 = vector.shape_cast %get3A_442 : vector<1x16xf32> to vector<16xf32>
      %mul3A_444 = arith.mulf %get3A_443, %div3A_370 : vector<16xf32>
      %swap3A_445 = arith.index_cast %scan3A_359 : i32 to index
      %swap3A_446 = arith.constant 112 : index
      %swap3A_447 = tpu.vector_load %arg10[%swap3A_445, %swap3A_446] {strides = array<i32>} : memref<128x128xf32, #tpu.memory_space<vmem>>, vector<1x16xf32>,
      %swap3A_448 = vector.shape_cast %swap3A_447 : vector<1x16xf32> to vector<16xf32>
      %swap3A_449 = vector.shape_cast %mul3A_444 : vector<16xf32> to vector<1x16xf32>
      tpu.vector_store %arg10[%swap3A_445, %swap3A_446], %swap3A_449 {strides = array<i32>} : memref<128x128xf32, #tpu.memory_space<vmem>>, vector<1x16xf32>,
      %scan3A_450 = arith.constant 0 : i32
      scf.yield %scan3A_450 : i32
    }
    %scan3A_116 = arith.constant 88 : i32
    %add3A_117 = arith.constant 0 : i32
    %add3A_118 = arith.addi %add3A_117, %mul3A_90 : i32
    %add3A_119 = arith.constant 128 : i32
    %add3A_120 = arith.addi %add3A_118, %add3A_119 : i32
    "tpu.region"() ({
      %run_scoped3A = tpu.sem_alloc : memref<!tpu.dma_semaphore, #tpu.memory_space<semaphore_mem>>
      %dma_start3A_359 = arith.constant 0 : i32
      %dma_start3A_360 = arith.constant 0 : i32
      %dma_start3A_361 = tpu.memref_slice %arg10[%dma_start3A_359, %dma_start3A_360] : memref<128x128xf32, #tpu.memory_space<vmem>> -> memref<88x128xf32, #tpu.memory_space<vmem>>
      %dma_start3A_362 = tpu.memref_slice %arg5[%add3A_120, %mul3A_0] : memref<10240x256xf32, #tpu.memory_space<hbm>> -> memref<88x128xf32, #tpu.memory_space<hbm>>
      %dma_start3A_363 = tpu.memref_slice %arg5[%add3A_120, %mul3A_0] : memref<10240x256xf32, #tpu.memory_space<hbm>> -> memref<88x128xf32, #tpu.memory_space<hbm>>
      %dma_start3A_364 = arith.constant 0 : i32
      %dma_start3A_365 = arith.constant 0 : i32
      %dma_start3A_366 = tpu.memref_slice %arg10[%dma_start3A_364, %dma_start3A_365] : memref<128x128xf32, #tpu.memory_space<vmem>> -> memref<88x128xf32, #tpu.memory_space<vmem>>
      tpu.enqueue_dma source(%dma_start3A_366 : memref<88x128xf32, #tpu.memory_space<vmem>>) target(%dma_start3A_363 : memref<88x128xf32, #tpu.memory_space<hbm>>) target_semaphore(%run_scoped3A : memref<!tpu.dma_semaphore, #tpu.memory_space<semaphore_mem>>)
      %dma_wait3A_367 = arith.constant 0 : i32
      %dma_wait3A_368 = arith.constant 0 : i32
      %dma_wait3A_369 = tpu.memref_slice %arg10[%dma_wait3A_367, %dma_wait3A_368] : memref<128x128xf32, #tpu.memory_space<vmem>> -> memref<88x128xf32, #tpu.memory_space<vmem>>
      %dma_wait3A_370 = tpu.memref_slice %arg5[%add3A_120, %mul3A_0] : memref<10240x256xf32, #tpu.memory_space<hbm>> -> memref<88x128xf32, #tpu.memory_space<hbm>>
      %dma_wait3A_371 = tpu.memref_slice %arg5[%add3A_120, %mul3A_0] : memref<10240x256xf32, #tpu.memory_space<hbm>> -> memref<88x128xf32, #tpu.memory_space<hbm>>
      %dma_wait3A_372 = arith.constant 0 : i32
      %dma_wait3A_373 = arith.constant 0 : i32
      %dma_wait3A_374 = tpu.memref_slice %arg10[%dma_wait3A_372, %dma_wait3A_373] : memref<128x128xf32, #tpu.memory_space<vmem>> -> memref<88x128xf32, #tpu.memory_space<vmem>>
      tpu.wait_dma2 semaphore(%run_scoped3A : memref<!tpu.dma_semaphore, #tpu.memory_space<semaphore_mem>>) src(%dma_wait3A_374 : memref<88x128xf32, #tpu.memory_space<vmem>>) dst(%dma_wait3A_371 : memref<88x128xf32, #tpu.memory_space<hbm>>)
      tpu.yield
    }) : () -> ()
    %scan3A_121 = arith.constant 0 : i32
    %scan3A_122 = arith.constant 0 : i32
    %scan3A_123 = arith.constant 128 : i32
    %scan3A_124 = arith.addi %scan3A_122, %scan3A_123 : i32
    %scan3A_125 = arith.constant 1 : i32
    %scan3A_126 = scf.for %scan3A_359 = %scan3A_122 to %scan3A_124 step %scan3A_125 iter_args(%scan3A_360 = %scan3A_121) -> (i32)  : i32 {
      %swap3A = arith.index_cast %scan3A_359 : i32 to index
      %swap3A_361 = arith.constant 0 : index
      %swap3A_362 = tpu.vector_load %arg10[%swap3A, %swap3A_361] {strides = array<i32>} : memref<128x128xf32, #tpu.memory_space<vmem>>, vector<1x16xf32>,
      %swap3A_363 = vector.shape_cast %swap3A_362 : vector<1x16xf32> to vector<16xf32>
      %swap3A_364 = vector.shape_cast %broadcast_in_dim3A_3 : vector<16xf32> to vector<1x16xf32>
      tpu.vector_store %arg10[%swap3A, %swap3A_361], %swap3A_364 {strides = array<i32>} : memref<128x128xf32, #tpu.memory_space<vmem>>, vector<1x16xf32>,
      %swap3A_365 = arith.index_cast %scan3A_359 : i32 to index
      %swap3A_366 = arith.constant 16 : index
      %swap3A_367 = tpu.vector_load %arg10[%swap3A_365, %swap3A_366] {strides = array<i32>} : memref<128x128xf32, #tpu.memory_space<vmem>>, vector<1x16xf32>,
      %swap3A_368 = vector.shape_cast %swap3A_367 : vector<1x16xf32> to vector<16xf32>
      %swap3A_369 = vector.shape_cast %broadcast_in_dim3A_3 : vector<16xf32> to vector<1x16xf32>
      tpu.vector_store %arg10[%swap3A_365, %swap3A_366], %swap3A_369 {strides = array<i32>} : memref<128x128xf32, #tpu.memory_space<vmem>>, vector<1x16xf32>,
      %swap3A_370 = arith.index_cast %scan3A_359 : i32 to index
      %swap3A_371 = arith.constant 32 : index
      %swap3A_372 = tpu.vector_load %arg10[%swap3A_370, %swap3A_371] {strides = array<i32>} : memref<128x128xf32, #tpu.memory_space<vmem>>, vector<1x16xf32>,
      %swap3A_373 = vector.shape_cast %swap3A_372 : vector<1x16xf32> to vector<16xf32>
      %swap3A_374 = vector.shape_cast %broadcast_in_dim3A_3 : vector<16xf32> to vector<1x16xf32>
      tpu.vector_store %arg10[%swap3A_370, %swap3A_371], %swap3A_374 {strides = array<i32>} : memref<128x128xf32, #tpu.memory_space<vmem>>, vector<1x16xf32>,
      %swap3A_375 = arith.index_cast %scan3A_359 : i32 to index
      %swap3A_376 = arith.constant 48 : index
      %swap3A_377 = tpu.vector_load %arg10[%swap3A_375, %swap3A_376] {strides = array<i32>} : memref<128x128xf32, #tpu.memory_space<vmem>>, vector<1x16xf32>,
      %swap3A_378 = vector.shape_cast %swap3A_377 : vector<1x16xf32> to vector<16xf32>
      %swap3A_379 = vector.shape_cast %broadcast_in_dim3A_3 : vector<16xf32> to vector<1x16xf32>
      tpu.vector_store %arg10[%swap3A_375, %swap3A_376], %swap3A_379 {strides = array<i32>} : memref<128x128xf32, #tpu.memory_space<vmem>>, vector<1x16xf32>,
      %swap3A_380 = arith.index_cast %scan3A_359 : i32 to index
      %swap3A_381 = arith.constant 64 : index
      %swap3A_382 = tpu.vector_load %arg10[%swap3A_380, %swap3A_381] {strides = array<i32>} : memref<128x128xf32, #tpu.memory_space<vmem>>, vector<1x16xf32>,
      %swap3A_383 = vector.shape_cast %swap3A_382 : vector<1x16xf32> to vector<16xf32>
      %swap3A_384 = vector.shape_cast %broadcast_in_dim3A_3 : vector<16xf32> to vector<1x16xf32>
      tpu.vector_store %arg10[%swap3A_380, %swap3A_381], %swap3A_384 {strides = array<i32>} : memref<128x128xf32, #tpu.memory_space<vmem>>, vector<1x16xf32>,
      %swap3A_385 = arith.index_cast %scan3A_359 : i32 to index
      %swap3A_386 = arith.constant 80 : index
      %swap3A_387 = tpu.vector_load %arg10[%swap3A_385, %swap3A_386] {strides = array<i32>} : memref<128x128xf32, #tpu.memory_space<vmem>>, vector<1x16xf32>,
      %swap3A_388 = vector.shape_cast %swap3A_387 : vector<1x16xf32> to vector<16xf32>
      %swap3A_389 = vector.shape_cast %broadcast_in_dim3A_3 : vector<16xf32> to vector<1x16xf32>
      tpu.vector_store %arg10[%swap3A_385, %swap3A_386], %swap3A_389 {strides = array<i32>} : memref<128x128xf32, #tpu.memory_space<vmem>>, vector<1x16xf32>,
      %swap3A_390 = arith.index_cast %scan3A_359 : i32 to index
      %swap3A_391 = arith.constant 96 : index
      %swap3A_392 = tpu.vector_load %arg10[%swap3A_390, %swap3A_391] {strides = array<i32>} : memref<128x128xf32, #tpu.memory_space<vmem>>, vector<1x16xf32>,
      %swap3A_393 = vector.shape_cast %swap3A_392 : vector<1x16xf32> to vector<16xf32>
      %swap3A_394 = vector.shape_cast %broadcast_in_dim3A_3 : vector<16xf32> to vector<1x16xf32>
      tpu.vector_store %arg10[%swap3A_390, %swap3A_391], %swap3A_394 {strides = array<i32>} : memref<128x128xf32, #tpu.memory_space<vmem>>, vector<1x16xf32>,
      %swap3A_395 = arith.index_cast %scan3A_359 : i32 to index
      %swap3A_396 = arith.constant 112 : index
      %swap3A_397 = tpu.vector_load %arg10[%swap3A_395, %swap3A_396] {strides = array<i32>} : memref<128x128xf32, #tpu.memory_space<vmem>>, vector<1x16xf32>,
      %swap3A_398 = vector.shape_cast %swap3A_397 : vector<1x16xf32> to vector<16xf32>
      %swap3A_399 = vector.shape_cast %broadcast_in_dim3A_3 : vector<16xf32> to vector<1x16xf32>
      tpu.vector_store %arg10[%swap3A_395, %swap3A_396], %swap3A_399 {strides = array<i32>} : memref<128x128xf32, #tpu.memory_space<vmem>>, vector<1x16xf32>,
      %swap3A_400 = arith.index_cast %scan3A_359 : i32 to index
      %swap3A_401 = arith.constant 0 : index
      %swap3A_402 = tpu.vector_load %arg11[%swap3A_400, %swap3A_401] {strides = array<i32>} : memref<128x16xf32, #tpu.memory_space<vmem>>, vector<1x16xf32>,
      %swap3A_403 = vector.shape_cast %swap3A_402 : vector<1x16xf32> to vector<16xf32>
      %swap3A_404 = vector.shape_cast %broadcast_in_dim3A_3 : vector<16xf32> to vector<1x16xf32>
      tpu.vector_store %arg11[%swap3A_400, %swap3A_401], %swap3A_404 {strides = array<i32>} : memref<128x16xf32, #tpu.memory_space<vmem>>, vector<1x16xf32>,
      %scan3A_405 = arith.constant 0 : i32
      scf.yield %scan3A_405 : i32
    }
    %scan3A_127 = arith.constant 128 : i32
    %mul3A_128 = arith.constant 216 : i32
    %mul3A_129 = arith.muli %arg1, %mul3A_128 : i32
    %add3A_130 = arith.constant 0 : i32
    %add3A_131 = arith.addi %mul3A_129, %add3A_130 : i32
    "tpu.region"() ({
      %run_scoped3A = tpu.sem_alloc : memref<!tpu.dma_semaphore, #tpu.memory_space<semaphore_mem>>
      %dma_start3A_359 = arith.constant 0 : i32
      %dma_start3A_360 = arith.constant 0 : i32
      %dma_start3A_361 = tpu.memref_slice %arg10[%dma_start3A_359, %dma_start3A_360] : memref<128x128xf32, #tpu.memory_space<vmem>> -> memref<128x128xf32, #tpu.memory_space<vmem>>
      %dma_start3A_362 = arith.constant 0 : i32
      %dma_start3A_363 = tpu.memref_slice %arg13[%add3A_131, %dma_start3A_362] : memref<3464x128xf32, #tpu.memory_space<vmem_shared>> -> memref<128x128xf32, #tpu.memory_space<vmem_shared>>
      %dma_start3A_364 = arith.constant 0 : i32
      %dma_start3A_365 = tpu.memref_slice %arg13[%add3A_131, %dma_start3A_364] : memref<3464x128xf32, #tpu.memory_space<vmem_shared>> -> memref<128x128xf32, #tpu.memory_space<vmem_shared>>
      %dma_start3A_366 = arith.constant 0 : i32
      %dma_start3A_367 = arith.constant 0 : i32
      %dma_start3A_368 = tpu.memref_slice %arg10[%dma_start3A_366, %dma_start3A_367] : memref<128x128xf32, #tpu.memory_space<vmem>> -> memref<128x128xf32, #tpu.memory_space<vmem>>
      tpu.enqueue_dma source(%dma_start3A_368 : memref<128x128xf32, #tpu.memory_space<vmem>>) target(%dma_start3A_365 : memref<128x128xf32, #tpu.memory_space<vmem_shared>>) target_semaphore(%run_scoped3A : memref<!tpu.dma_semaphore, #tpu.memory_space<semaphore_mem>>)
      %dma_wait3A_369 = arith.constant 0 : i32
      %dma_wait3A_370 = arith.constant 0 : i32
      %dma_wait3A_371 = tpu.memref_slice %arg10[%dma_wait3A_369, %dma_wait3A_370] : memref<128x128xf32, #tpu.memory_space<vmem>> -> memref<128x128xf32, #tpu.memory_space<vmem>>
      %dma_wait3A_372 = arith.constant 0 : i32
      %dma_wait3A_373 = tpu.memref_slice %arg13[%add3A_131, %dma_wait3A_372] : memref<3464x128xf32, #tpu.memory_space<vmem_shared>> -> memref<128x128xf32, #tpu.memory_space<vmem_shared>>
      %dma_wait3A_374 = arith.constant 0 : i32
      %dma_wait3A_375 = tpu.memref_slice %arg13[%add3A_131, %dma_wait3A_374] : memref<3464x128xf32, #tpu.memory_space<vmem_shared>> -> memref<128x128xf32, #tpu.memory_space<vmem_shared>>
      %dma_wait3A_376 = arith.constant 0 : i32
      %dma_wait3A_377 = arith.constant 0 : i32
      %dma_wait3A_378 = tpu.memref_slice %arg10[%dma_wait3A_376, %dma_wait3A_377] : memref<128x128xf32, #tpu.memory_space<vmem>> -> memref<128x128xf32, #tpu.memory_space<vmem>>
      tpu.wait_dma2 semaphore(%run_scoped3A : memref<!tpu.dma_semaphore, #tpu.memory_space<semaphore_mem>>) src(%dma_wait3A_378 : memref<128x128xf32, #tpu.memory_space<vmem>>) dst(%dma_wait3A_375 : memref<128x128xf32, #tpu.memory_space<vmem_shared>>)
      tpu.yield
    }) : () -> ()
    %add3A_132 = arith.constant 0 : i32
    %add3A_133 = arith.addi %mul3A_129, %add3A_132 : i32
    "tpu.region"() ({
      %run_scoped3A = tpu.sem_alloc : memref<!tpu.dma_semaphore, #tpu.memory_space<semaphore_mem>>
      %dma_start3A_359 = arith.constant 0 : i32
      %dma_start3A_360 = arith.constant 0 : i32
      %dma_start3A_361 = tpu.memref_slice %arg11[%dma_start3A_359, %dma_start3A_360] : memref<128x16xf32, #tpu.memory_space<vmem>> -> memref<128x16xf32, #tpu.memory_space<vmem>>
      %dma_start3A_362 = arith.constant 0 : i32
      %dma_start3A_363 = tpu.memref_slice %arg14[%add3A_133, %dma_start3A_362] : memref<3464x16xf32, #tpu.memory_space<vmem_shared>> -> memref<128x16xf32, #tpu.memory_space<vmem_shared>>
      %dma_start3A_364 = arith.constant 0 : i32
      %dma_start3A_365 = tpu.memref_slice %arg14[%add3A_133, %dma_start3A_364] : memref<3464x16xf32, #tpu.memory_space<vmem_shared>> -> memref<128x16xf32, #tpu.memory_space<vmem_shared>>
      %dma_start3A_366 = arith.constant 0 : i32
      %dma_start3A_367 = arith.constant 0 : i32
      %dma_start3A_368 = tpu.memref_slice %arg11[%dma_start3A_366, %dma_start3A_367] : memref<128x16xf32, #tpu.memory_space<vmem>> -> memref<128x16xf32, #tpu.memory_space<vmem>>
      tpu.enqueue_dma source(%dma_start3A_368 : memref<128x16xf32, #tpu.memory_space<vmem>>) target(%dma_start3A_365 : memref<128x16xf32, #tpu.memory_space<vmem_shared>>) target_semaphore(%run_scoped3A : memref<!tpu.dma_semaphore, #tpu.memory_space<semaphore_mem>>)
      %dma_wait3A_369 = arith.constant 0 : i32
      %dma_wait3A_370 = arith.constant 0 : i32
      %dma_wait3A_371 = tpu.memref_slice %arg11[%dma_wait3A_369, %dma_wait3A_370] : memref<128x16xf32, #tpu.memory_space<vmem>> -> memref<128x16xf32, #tpu.memory_space<vmem>>
      %dma_wait3A_372 = arith.constant 0 : i32
      %dma_wait3A_373 = tpu.memref_slice %arg14[%add3A_133, %dma_wait3A_372] : memref<3464x16xf32, #tpu.memory_space<vmem_shared>> -> memref<128x16xf32, #tpu.memory_space<vmem_shared>>
      %dma_wait3A_374 = arith.constant 0 : i32
      %dma_wait3A_375 = tpu.memref_slice %arg14[%add3A_133, %dma_wait3A_374] : memref<3464x16xf32, #tpu.memory_space<vmem_shared>> -> memref<128x16xf32, #tpu.memory_space<vmem_shared>>
      %dma_wait3A_376 = arith.constant 0 : i32
      %dma_wait3A_377 = arith.constant 0 : i32
      %dma_wait3A_378 = tpu.memref_slice %arg11[%dma_wait3A_376, %dma_wait3A_377] : memref<128x16xf32, #tpu.memory_space<vmem>> -> memref<128x16xf32, #tpu.memory_space<vmem>>
      tpu.wait_dma2 semaphore(%run_scoped3A : memref<!tpu.dma_semaphore, #tpu.memory_space<semaphore_mem>>) src(%dma_wait3A_378 : memref<128x16xf32, #tpu.memory_space<vmem>>) dst(%dma_wait3A_375 : memref<128x16xf32, #tpu.memory_space<vmem_shared>>)
      tpu.yield
    }) : () -> ()
    %add3A_134 = arith.constant 128 : i32
    %add3A_135 = arith.addi %mul3A_129, %add3A_134 : i32
    "tpu.region"() ({
      %run_scoped3A = tpu.sem_alloc : memref<!tpu.dma_semaphore, #tpu.memory_space<semaphore_mem>>
      %dma_start3A_359 = arith.constant 0 : i32
      %dma_start3A_360 = arith.constant 0 : i32
      %dma_start3A_361 = tpu.memref_slice %arg10[%dma_start3A_359, %dma_start3A_360] : memref<128x128xf32, #tpu.memory_space<vmem>> -> memref<88x128xf32, #tpu.memory_space<vmem>>
      %dma_start3A_362 = arith.constant 0 : i32
      %dma_start3A_363 = tpu.memref_slice %arg13[%add3A_135, %dma_start3A_362] : memref<3464x128xf32, #tpu.memory_space<vmem_shared>> -> memref<88x128xf32, #tpu.memory_space<vmem_shared>>
      %dma_start3A_364 = arith.constant 0 : i32
      %dma_start3A_365 = tpu.memref_slice %arg13[%add3A_135, %dma_start3A_364] : memref<3464x128xf32, #tpu.memory_space<vmem_shared>> -> memref<88x128xf32, #tpu.memory_space<vmem_shared>>
      %dma_start3A_366 = arith.constant 0 : i32
      %dma_start3A_367 = arith.constant 0 : i32
      %dma_start3A_368 = tpu.memref_slice %arg10[%dma_start3A_366, %dma_start3A_367] : memref<128x128xf32, #tpu.memory_space<vmem>> -> memref<88x128xf32, #tpu.memory_space<vmem>>
      tpu.enqueue_dma source(%dma_start3A_368 : memref<88x128xf32, #tpu.memory_space<vmem>>) target(%dma_start3A_365 : memref<88x128xf32, #tpu.memory_space<vmem_shared>>) target_semaphore(%run_scoped3A : memref<!tpu.dma_semaphore, #tpu.memory_space<semaphore_mem>>)
      %dma_wait3A_369 = arith.constant 0 : i32
      %dma_wait3A_370 = arith.constant 0 : i32
      %dma_wait3A_371 = tpu.memref_slice %arg10[%dma_wait3A_369, %dma_wait3A_370] : memref<128x128xf32, #tpu.memory_space<vmem>> -> memref<88x128xf32, #tpu.memory_space<vmem>>
      %dma_wait3A_372 = arith.constant 0 : i32
      %dma_wait3A_373 = tpu.memref_slice %arg13[%add3A_135, %dma_wait3A_372] : memref<3464x128xf32, #tpu.memory_space<vmem_shared>> -> memref<88x128xf32, #tpu.memory_space<vmem_shared>>
      %dma_wait3A_374 = arith.constant 0 : i32
      %dma_wait3A_375 = tpu.memref_slice %arg13[%add3A_135, %dma_wait3A_374] : memref<3464x128xf32, #tpu.memory_space<vmem_shared>> -> memref<88x128xf32, #tpu.memory_space<vmem_shared>>
      %dma_wait3A_376 = arith.constant 0 : i32
      %dma_wait3A_377 = arith.constant 0 : i32
      %dma_wait3A_378 = tpu.memref_slice %arg10[%dma_wait3A_376, %dma_wait3A_377] : memref<128x128xf32, #tpu.memory_space<vmem>> -> memref<88x128xf32, #tpu.memory_space<vmem>>
      tpu.wait_dma2 semaphore(%run_scoped3A : memref<!tpu.dma_semaphore, #tpu.memory_space<semaphore_mem>>) src(%dma_wait3A_378 : memref<88x128xf32, #tpu.memory_space<vmem>>) dst(%dma_wait3A_375 : memref<88x128xf32, #tpu.memory_space<vmem_shared>>)
      tpu.yield
    }) : () -> ()
    %add3A_136 = arith.constant 128 : i32
    %add3A_137 = arith.addi %mul3A_129, %add3A_136 : i32
    "tpu.region"() ({
      %run_scoped3A = tpu.sem_alloc : memref<!tpu.dma_semaphore, #tpu.memory_space<semaphore_mem>>
      %dma_start3A_359 = arith.constant 0 : i32
      %dma_start3A_360 = arith.constant 0 : i32
      %dma_start3A_361 = tpu.memref_slice %arg11[%dma_start3A_359, %dma_start3A_360] : memref<128x16xf32, #tpu.memory_space<vmem>> -> memref<88x16xf32, #tpu.memory_space<vmem>>
      %dma_start3A_362 = arith.constant 0 : i32
      %dma_start3A_363 = tpu.memref_slice %arg14[%add3A_137, %dma_start3A_362] : memref<3464x16xf32, #tpu.memory_space<vmem_shared>> -> memref<88x16xf32, #tpu.memory_space<vmem_shared>>
      %dma_start3A_364 = arith.constant 0 : i32
      %dma_start3A_365 = tpu.memref_slice %arg14[%add3A_137, %dma_start3A_364] : memref<3464x16xf32, #tpu.memory_space<vmem_shared>> -> memref<88x16xf32, #tpu.memory_space<vmem_shared>>
      %dma_start3A_366 = arith.constant 0 : i32
      %dma_start3A_367 = arith.constant 0 : i32
      %dma_start3A_368 = tpu.memref_slice %arg11[%dma_start3A_366, %dma_start3A_367] : memref<128x16xf32, #tpu.memory_space<vmem>> -> memref<88x16xf32, #tpu.memory_space<vmem>>
      tpu.enqueue_dma source(%dma_start3A_368 : memref<88x16xf32, #tpu.memory_space<vmem>>) target(%dma_start3A_365 : memref<88x16xf32, #tpu.memory_space<vmem_shared>>) target_semaphore(%run_scoped3A : memref<!tpu.dma_semaphore, #tpu.memory_space<semaphore_mem>>)
      %dma_wait3A_369 = arith.constant 0 : i32
      %dma_wait3A_370 = arith.constant 0 : i32
      %dma_wait3A_371 = tpu.memref_slice %arg11[%dma_wait3A_369, %dma_wait3A_370] : memref<128x16xf32, #tpu.memory_space<vmem>> -> memref<88x16xf32, #tpu.memory_space<vmem>>
      %dma_wait3A_372 = arith.constant 0 : i32
      %dma_wait3A_373 = tpu.memref_slice %arg14[%add3A_137, %dma_wait3A_372] : memref<3464x16xf32, #tpu.memory_space<vmem_shared>> -> memref<88x16xf32, #tpu.memory_space<vmem_shared>>
      %dma_wait3A_374 = arith.constant 0 : i32
      %dma_wait3A_375 = tpu.memref_slice %arg14[%add3A_137, %dma_wait3A_374] : memref<3464x16xf32, #tpu.memory_space<vmem_shared>> -> memref<88x16xf32, #tpu.memory_space<vmem_shared>>
      %dma_wait3A_376 = arith.constant 0 : i32
      %dma_wait3A_377 = arith.constant 0 : i32
      %dma_wait3A_378 = tpu.memref_slice %arg11[%dma_wait3A_376, %dma_wait3A_377] : memref<128x16xf32, #tpu.memory_space<vmem>> -> memref<88x16xf32, #tpu.memory_space<vmem>>
      tpu.wait_dma2 semaphore(%run_scoped3A : memref<!tpu.dma_semaphore, #tpu.memory_space<semaphore_mem>>) src(%dma_wait3A_378 : memref<88x16xf32, #tpu.memory_space<vmem>>) dst(%dma_wait3A_375 : memref<88x16xf32, #tpu.memory_space<vmem_shared>>)
      tpu.yield
    }) : () -> ()
    %barrier3A_138 = arith.constant 0 : index
    tpu.barrier barrier_id(%barrier3A_138)
    %add3A_139 = arith.constant 16 : i32
    %add3A_140 = arith.addi %add3A_139, %arg1 : i32
    "tpu.region"() ({
      %run_scoped3A = tpu.sem_alloc : memref<!tpu.dma_semaphore, #tpu.memory_space<semaphore_mem>>
      %dma_start3A_359 = arith.constant 0 : i32
      %dma_start3A_360 = arith.constant 0 : i32
      %dma_start3A_361 = tpu.memref_slice %arg3[%add3A_140, %dma_start3A_359, %dma_start3A_360] : memref<48x88x128xi32, #tpu.memory_space<hbm>> -> memref<1x88x128xi32, #tpu.memory_space<hbm>>
      %dma_start3A_362 = tpu.memref_squeeze %dma_start3A_361 : memref<1x88x128xi32, #tpu.memory_space<hbm>> -> memref<88x128xi32, #tpu.memory_space<hbm>>
      %dma_start3A_363 = arith.constant 0 : i32
      %dma_start3A_364 = arith.constant 0 : i32
      %dma_start3A_365 = tpu.memref_slice %arg3[%add3A_140, %dma_start3A_363, %dma_start3A_364] : memref<48x88x128xi32, #tpu.memory_space<hbm>> -> memref<1x88x128xi32, #tpu.memory_space<hbm>>
      %dma_start3A_366 = tpu.memref_squeeze %dma_start3A_365 : memref<1x88x128xi32, #tpu.memory_space<hbm>> -> memref<88x128xi32, #tpu.memory_space<hbm>>
      tpu.enqueue_dma source(%dma_start3A_366 : memref<88x128xi32, #tpu.memory_space<hbm>>) target(%arg7 : memref<88x128xi32, #tpu.memory_space<vmem>>) target_semaphore(%run_scoped3A : memref<!tpu.dma_semaphore, #tpu.memory_space<semaphore_mem>>)
      %dma_wait3A_367 = arith.constant 0 : i32
      %dma_wait3A_368 = arith.constant 0 : i32
      %dma_wait3A_369 = tpu.memref_slice %arg3[%add3A_140, %dma_wait3A_367, %dma_wait3A_368] : memref<48x88x128xi32, #tpu.memory_space<hbm>> -> memref<1x88x128xi32, #tpu.memory_space<hbm>>
      %dma_wait3A_370 = tpu.memref_squeeze %dma_wait3A_369 : memref<1x88x128xi32, #tpu.memory_space<hbm>> -> memref<88x128xi32, #tpu.memory_space<hbm>>
      %dma_wait3A_371 = arith.constant 0 : i32
      %dma_wait3A_372 = arith.constant 0 : i32
      %dma_wait3A_373 = tpu.memref_slice %arg3[%add3A_140, %dma_wait3A_371, %dma_wait3A_372] : memref<48x88x128xi32, #tpu.memory_space<hbm>> -> memref<1x88x128xi32, #tpu.memory_space<hbm>>
      %dma_wait3A_374 = tpu.memref_squeeze %dma_wait3A_373 : memref<1x88x128xi32, #tpu.memory_space<hbm>> -> memref<88x128xi32, #tpu.memory_space<hbm>>
      tpu.wait_dma2 semaphore(%run_scoped3A : memref<!tpu.dma_semaphore, #tpu.memory_space<semaphore_mem>>) src(%dma_wait3A_374 : memref<88x128xi32, #tpu.memory_space<hbm>>) dst(%arg7 : memref<88x128xi32, #tpu.memory_space<vmem>>)
      tpu.yield
    }) : () -> ()
    %sub3A_141 = arith.subi %squeeze3A_26, %squeeze3A : i32
    %add3A_142 = arith.constant 1 : i32
    %add3A_143 = arith.addi %sub3A_141, %add3A_142 : i32
    %jit3A_144 = arith.constant 2 : i32
    %div3A_145 = arith.divsi %add3A_143, %jit3A_144 : i32
    %sign3A_146 = arith.constant 0 : i32
    %sign3A_147 = arith.cmpi sgt, %add3A_143, %sign3A_146 : i32
    %sign3A_148 = arith.extui %sign3A_147 : i1 to i32
    %sign3A_149 = arith.constant 0 : i32
    %sign3A_150 = arith.cmpi slt, %add3A_143, %sign3A_149 : i32
    %sign3A_151 = arith.extui %sign3A_150 : i1 to i32
    %sign3A_152 = arith.subi %sign3A_148, %sign3A_151 : i32
    %sign3A_153 = arith.constant 0 : i32
    %sign3A_154 = arith.cmpi sgt, %jit3A_144, %sign3A_153 : i32
    %sign3A_155 = arith.extui %sign3A_154 : i1 to i32
    %sign3A_156 = arith.constant 0 : i32
    %sign3A_157 = arith.cmpi slt, %jit3A_144, %sign3A_156 : i32
    %sign3A_158 = arith.extui %sign3A_157 : i1 to i32
    %sign3A_159 = arith.subi %sign3A_155, %sign3A_158 : i32
    %ne3A_160 = arith.cmpi ne, %sign3A_152, %sign3A_159 : i32
    %rem3A_161 = arith.remsi %add3A_143, %jit3A_144 : i32
    %ne3A_162 = arith.constant 0 : i32
    %ne3A_163 = arith.cmpi ne, %rem3A_161, %ne3A_162 : i32
    %and3A_164 = arith.andi %ne3A_160, %ne3A_163 : i1
    %sub3A_165 = arith.constant 1 : i32
    %sub3A_166 = arith.subi %div3A_145, %sub3A_165 : i32
    %select_n3A_167 = arith.select %and3A_164, %sub3A_166, %div3A_145 : i32
    %sub3A_168 = arith.constant 1 : i32
    %sub3A_169 = arith.subi %squeeze3A_26, %sub3A_168 : i32
    %min3A_170 = arith.minsi %squeeze3A, %sub3A_169 : i32
    %max3A_171 = arith.constant 0 : i32
    %max3A_172 = arith.maxsi %min3A_170, %max3A_171 : i32
    %mul3A_173 = arith.constant 128 : i32
    %mul3A_174 = arith.muli %arg1, %mul3A_173 : i32
    %mul3A_175 = arith.constant 2048 : i32
    %mul3A_176 = arith.muli %max3A_172, %mul3A_175 : i32
    %add3A_177 = arith.addi %mul3A_174, %mul3A_176 : i32
    %dma_start3A_178 = tpu.memref_slice %arg2[%add3A_177, %mul3A_0] : memref<160000x256xf32, #tpu.memory_space<hbm>> -> memref<128x128xf32, #tpu.memory_space<hbm>>
    %dma_start3A_179 = tpu.memref_slice %arg2[%add3A_177, %mul3A_0] : memref<160000x256xf32, #tpu.memory_space<hbm>> -> memref<128x128xf32, #tpu.memory_space<hbm>>
    tpu.enqueue_dma source(%dma_start3A_179 : memref<128x128xf32, #tpu.memory_space<hbm>>) target(%arg8 : memref<128x128xf32, #tpu.memory_space<vmem>>) target_semaphore(%arg15 : memref<!tpu.dma_semaphore, #tpu.memory_space<semaphore_mem>>)
    %while3A_180 = arith.constant 0 : i32
    %while3A_181 = arith.constant 0 : i32
    %while3A_182 = arith.subi %select_n3A_167, %while3A_180 : i32
    %while3A_183 = arith.addi %while3A_180, %while3A_182 : i32
    %while3A_184 = arith.constant 1 : i32
    %while3A_185 = arith.divsi %while3A_182, %while3A_184 : i32
    %while3A_186 = arith.muli %while3A_185, %while3A_184 : i32
    %while3A_187 = arith.addi %while3A_180, %while3A_186 : i32
    %while3A_188 = arith.constant 1 : i32
    %while3A_189 = scf.for %while3A_359 = %while3A_180 to %while3A_187 step %while3A_188 iter_args(%while3A_360 = %while3A_181) -> (i32)  : i32 {
      %mul3A_361 = arith.constant 2 : i32
      %mul3A_362 = arith.muli %mul3A_361, %while3A_359 : i32
      %add3A_363 = arith.addi %squeeze3A, %mul3A_362 : i32
      %add3A_364 = arith.constant 1 : i32
      %add3A_365 = arith.addi %add3A_363, %add3A_364 : i32
      %sub3A_366 = arith.constant 1 : i32
      %sub3A_367 = arith.subi %squeeze3A_26, %sub3A_366 : i32
      %min3A_368 = arith.minsi %add3A_365, %sub3A_367 : i32
      %max3A_369 = arith.constant 0 : i32
      %max3A_370 = arith.maxsi %min3A_368, %max3A_369 : i32
      %mul3A_371 = arith.constant 128 : i32
      %mul3A_372 = arith.muli %arg1, %mul3A_371 : i32
      %mul3A_373 = arith.constant 2048 : i32
      %mul3A_374 = arith.muli %max3A_370, %mul3A_373 : i32
      %add3A_375 = arith.addi %mul3A_372, %mul3A_374 : i32
      %dma_start3A_376 = tpu.memref_slice %arg2[%add3A_375, %mul3A_0] : memref<160000x256xf32, #tpu.memory_space<hbm>> -> memref<128x128xf32, #tpu.memory_space<hbm>>
      %dma_start3A_377 = tpu.memref_slice %arg2[%add3A_375, %mul3A_0] : memref<160000x256xf32, #tpu.memory_space<hbm>> -> memref<128x128xf32, #tpu.memory_space<hbm>>
      tpu.enqueue_dma source(%dma_start3A_377 : memref<128x128xf32, #tpu.memory_space<hbm>>) target(%arg9 : memref<128x128xf32, #tpu.memory_space<vmem>>) target_semaphore(%arg16 : memref<!tpu.dma_semaphore, #tpu.memory_space<semaphore_mem>>)
      %sub3A_378 = arith.constant 1 : i32
      %sub3A_379 = arith.subi %squeeze3A_26, %sub3A_378 : i32
      %min3A_380 = arith.minsi %add3A_363, %sub3A_379 : i32
      %max3A_381 = arith.constant 0 : i32
      %max3A_382 = arith.maxsi %min3A_380, %max3A_381 : i32
      %mul3A_383 = arith.constant 128 : i32
      %mul3A_384 = arith.muli %arg1, %mul3A_383 : i32
      %mul3A_385 = arith.constant 2048 : i32
      %mul3A_386 = arith.muli %max3A_382, %mul3A_385 : i32
      %add3A_387 = arith.addi %mul3A_384, %mul3A_386 : i32
      %dma_wait3A_388 = tpu.memref_slice %arg2[%add3A_387, %mul3A_0] : memref<160000x256xf32, #tpu.memory_space<hbm>> -> memref<128x128xf32, #tpu.memory_space<hbm>>
      %dma_wait3A_389 = tpu.memref_slice %arg2[%add3A_387, %mul3A_0] : memref<160000x256xf32, #tpu.memory_space<hbm>> -> memref<128x128xf32, #tpu.memory_space<hbm>>
      tpu.wait_dma2 semaphore(%arg15 : memref<!tpu.dma_semaphore, #tpu.memory_space<semaphore_mem>>) src(%dma_wait3A_389 : memref<128x128xf32, #tpu.memory_space<hbm>>) dst(%arg8 : memref<128x128xf32, #tpu.memory_space<vmem>>)
      %lt3A = arith.cmpi slt, %add3A_363, %squeeze3A_26 : i32
      %jit3A_390 = arith.constant 80 : i32
      %select_n3A_391 = arith.select %lt3A, %add3A_363, %jit3A_390 : i32
      "tpu.region"() ({
        %run_scoped3A = tpu.sem_alloc : memref<!tpu.dma_semaphore, #tpu.memory_space<semaphore_mem>>
        %dma_start3A_426 = arith.constant 0 : i32
        %dma_start3A_427 = tpu.memref_slice %arg7[%select_n3A_391, %dma_start3A_426] : memref<88x128xi32, #tpu.memory_space<vmem>> -> memref<1x128xi32, #tpu.memory_space<vmem>>
        %dma_start3A_428 = tpu.memref_squeeze %dma_start3A_427 : memref<1x128xi32, #tpu.memory_space<vmem>> -> memref<128xi32, #tpu.memory_space<vmem>>
        %dma_start3A_429 = arith.constant 0 : i32
        %dma_start3A_430 = arith.constant 0 : i32
        %dma_start3A_431 = tpu.memref_slice %arg13[%dma_start3A_429, %dma_start3A_430] : memref<3464x128xf32, #tpu.memory_space<vmem_shared>> -> memref<3464x128xf32, #tpu.memory_space<vmem_shared>>
        tpu.enqueue_indirect_dma source(%arg8 : memref<128x128xf32, #tpu.memory_space<vmem>>) target(%dma_start3A_431 : memref<3464x128xf32, #tpu.memory_space<vmem_shared>>) offsets(%dma_start3A_428 : memref<128xi32, #tpu.memory_space<vmem>>) semaphore(%run_scoped3A : memref<!tpu.dma_semaphore, #tpu.memory_space<semaphore_mem>>) {add = true}
        %dma_wait3A_432 = arith.constant 0 : i32
        %dma_wait3A_433 = tpu.memref_slice %arg7[%select_n3A_391, %dma_wait3A_432] : memref<88x128xi32, #tpu.memory_space<vmem>> -> memref<1x128xi32, #tpu.memory_space<vmem>>
        %dma_wait3A_434 = tpu.memref_squeeze %dma_wait3A_433 : memref<1x128xi32, #tpu.memory_space<vmem>> -> memref<128xi32, #tpu.memory_space<vmem>>
        %dma_wait3A_435 = arith.constant 0 : i32
        %dma_wait3A_436 = arith.constant 0 : i32
        %dma_wait3A_437 = tpu.memref_slice %arg13[%dma_wait3A_435, %dma_wait3A_436] : memref<3464x128xf32, #tpu.memory_space<vmem_shared>> -> memref<3464x128xf32, #tpu.memory_space<vmem_shared>>
        tpu.wait_indirect_dma semaphore(%run_scoped3A : memref<!tpu.dma_semaphore, #tpu.memory_space<semaphore_mem>>) src(%arg8 : memref<128x128xf32, #tpu.memory_space<vmem>>) dst(%dma_wait3A_437 : memref<3464x128xf32, #tpu.memory_space<vmem_shared>>)
        tpu.yield
      }) : () -> ()
      "tpu.region"() ({
        %run_scoped3A = tpu.sem_alloc : memref<!tpu.dma_semaphore, #tpu.memory_space<semaphore_mem>>
        %dma_start3A_426 = arith.constant 0 : i32
        %dma_start3A_427 = tpu.memref_slice %arg7[%select_n3A_391, %dma_start3A_426] : memref<88x128xi32, #tpu.memory_space<vmem>> -> memref<1x128xi32, #tpu.memory_space<vmem>>
        %dma_start3A_428 = tpu.memref_squeeze %dma_start3A_427 : memref<1x128xi32, #tpu.memory_space<vmem>> -> memref<128xi32, #tpu.memory_space<vmem>>
        %dma_start3A_429 = arith.constant 0 : i32
        %dma_start3A_430 = arith.constant 0 : i32
        %dma_start3A_431 = tpu.memref_slice %arg14[%dma_start3A_429, %dma_start3A_430] : memref<3464x16xf32, #tpu.memory_space<vmem_shared>> -> memref<3464x16xf32, #tpu.memory_space<vmem_shared>>
        tpu.enqueue_indirect_dma source(%arg12 : memref<128x16xf32, #tpu.memory_space<vmem>>) target(%dma_start3A_431 : memref<3464x16xf32, #tpu.memory_space<vmem_shared>>) offsets(%dma_start3A_428 : memref<128xi32, #tpu.memory_space<vmem>>) semaphore(%run_scoped3A : memref<!tpu.dma_semaphore, #tpu.memory_space<semaphore_mem>>) {add = true}
        %dma_wait3A_432 = arith.constant 0 : i32
        %dma_wait3A_433 = tpu.memref_slice %arg7[%select_n3A_391, %dma_wait3A_432] : memref<88x128xi32, #tpu.memory_space<vmem>> -> memref<1x128xi32, #tpu.memory_space<vmem>>
        %dma_wait3A_434 = tpu.memref_squeeze %dma_wait3A_433 : memref<1x128xi32, #tpu.memory_space<vmem>> -> memref<128xi32, #tpu.memory_space<vmem>>
        %dma_wait3A_435 = arith.constant 0 : i32
        %dma_wait3A_436 = arith.constant 0 : i32
        %dma_wait3A_437 = tpu.memref_slice %arg14[%dma_wait3A_435, %dma_wait3A_436] : memref<3464x16xf32, #tpu.memory_space<vmem_shared>> -> memref<3464x16xf32, #tpu.memory_space<vmem_shared>>
        tpu.wait_indirect_dma semaphore(%run_scoped3A : memref<!tpu.dma_semaphore, #tpu.memory_space<semaphore_mem>>) src(%arg12 : memref<128x16xf32, #tpu.memory_space<vmem>>) dst(%dma_wait3A_437 : memref<3464x16xf32, #tpu.memory_space<vmem_shared>>)
        tpu.yield
      }) : () -> ()
      %add3A_392 = arith.constant 2 : i32
      %add3A_393 = arith.addi %add3A_363, %add3A_392 : i32
      %sub3A_394 = arith.constant 1 : i32
      %sub3A_395 = arith.subi %squeeze3A_26, %sub3A_394 : i32
      %min3A_396 = arith.minsi %add3A_393, %sub3A_395 : i32
      %max3A_397 = arith.constant 0 : i32
      %max3A_398 = arith.maxsi %min3A_396, %max3A_397 : i32
      %mul3A_399 = arith.constant 128 : i32
      %mul3A_400 = arith.muli %arg1, %mul3A_399 : i32
      %mul3A_401 = arith.constant 2048 : i32
      %mul3A_402 = arith.muli %max3A_398, %mul3A_401 : i32
      %add3A_403 = arith.addi %mul3A_400, %mul3A_402 : i32
      %dma_start3A_404 = tpu.memref_slice %arg2[%add3A_403, %mul3A_0] : memref<160000x256xf32, #tpu.memory_space<hbm>> -> memref<128x128xf32, #tpu.memory_space<hbm>>
      %dma_start3A_405 = tpu.memref_slice %arg2[%add3A_403, %mul3A_0] : memref<160000x256xf32, #tpu.memory_space<hbm>> -> memref<128x128xf32, #tpu.memory_space<hbm>>
      tpu.enqueue_dma source(%dma_start3A_405 : memref<128x128xf32, #tpu.memory_space<hbm>>) target(%arg8 : memref<128x128xf32, #tpu.memory_space<vmem>>) target_semaphore(%arg15 : memref<!tpu.dma_semaphore, #tpu.memory_space<semaphore_mem>>)
      %add3A_406 = arith.constant 1 : i32
      %add3A_407 = arith.addi %add3A_363, %add3A_406 : i32
      %sub3A_408 = arith.constant 1 : i32
      %sub3A_409 = arith.subi %squeeze3A_26, %sub3A_408 : i32
      %min3A_410 = arith.minsi %add3A_407, %sub3A_409 : i32
      %max3A_411 = arith.constant 0 : i32
      %max3A_412 = arith.maxsi %min3A_410, %max3A_411 : i32
      %mul3A_413 = arith.constant 128 : i32
      %mul3A_414 = arith.muli %arg1, %mul3A_413 : i32
      %mul3A_415 = arith.constant 2048 : i32
      %mul3A_416 = arith.muli %max3A_412, %mul3A_415 : i32
      %add3A_417 = arith.addi %mul3A_414, %mul3A_416 : i32
      %dma_wait3A_418 = tpu.memref_slice %arg2[%add3A_417, %mul3A_0] : memref<160000x256xf32, #tpu.memory_space<hbm>> -> memref<128x128xf32, #tpu.memory_space<hbm>>
      %dma_wait3A_419 = tpu.memref_slice %arg2[%add3A_417, %mul3A_0] : memref<160000x256xf32, #tpu.memory_space<hbm>> -> memref<128x128xf32, #tpu.memory_space<hbm>>
      tpu.wait_dma2 semaphore(%arg16 : memref<!tpu.dma_semaphore, #tpu.memory_space<semaphore_mem>>) src(%dma_wait3A_419 : memref<128x128xf32, #tpu.memory_space<hbm>>) dst(%arg9 : memref<128x128xf32, #tpu.memory_space<vmem>>)
      %add3A_420 = arith.constant 1 : i32
      %add3A_421 = arith.addi %add3A_363, %add3A_420 : i32
      %lt3A_422 = arith.cmpi slt, %add3A_421, %squeeze3A_26 : i32
      %jit3A_423 = arith.constant 80 : i32
      %select_n3A_424 = arith.select %lt3A_422, %add3A_421, %jit3A_423 : i32
      "tpu.region"() ({
        %run_scoped3A = tpu.sem_alloc : memref<!tpu.dma_semaphore, #tpu.memory_space<semaphore_mem>>
        %dma_start3A_426 = arith.constant 0 : i32
        %dma_start3A_427 = tpu.memref_slice %arg7[%select_n3A_424, %dma_start3A_426] : memref<88x128xi32, #tpu.memory_space<vmem>> -> memref<1x128xi32, #tpu.memory_space<vmem>>
        %dma_start3A_428 = tpu.memref_squeeze %dma_start3A_427 : memref<1x128xi32, #tpu.memory_space<vmem>> -> memref<128xi32, #tpu.memory_space<vmem>>
        %dma_start3A_429 = arith.constant 0 : i32
        %dma_start3A_430 = arith.constant 0 : i32
        %dma_start3A_431 = tpu.memref_slice %arg13[%dma_start3A_429, %dma_start3A_430] : memref<3464x128xf32, #tpu.memory_space<vmem_shared>> -> memref<3464x128xf32, #tpu.memory_space<vmem_shared>>
        tpu.enqueue_indirect_dma source(%arg9 : memref<128x128xf32, #tpu.memory_space<vmem>>) target(%dma_start3A_431 : memref<3464x128xf32, #tpu.memory_space<vmem_shared>>) offsets(%dma_start3A_428 : memref<128xi32, #tpu.memory_space<vmem>>) semaphore(%run_scoped3A : memref<!tpu.dma_semaphore, #tpu.memory_space<semaphore_mem>>) {add = true}
        %dma_wait3A_432 = arith.constant 0 : i32
        %dma_wait3A_433 = tpu.memref_slice %arg7[%select_n3A_424, %dma_wait3A_432] : memref<88x128xi32, #tpu.memory_space<vmem>> -> memref<1x128xi32, #tpu.memory_space<vmem>>
        %dma_wait3A_434 = tpu.memref_squeeze %dma_wait3A_433 : memref<1x128xi32, #tpu.memory_space<vmem>> -> memref<128xi32, #tpu.memory_space<vmem>>
        %dma_wait3A_435 = arith.constant 0 : i32
        %dma_wait3A_436 = arith.constant 0 : i32
        %dma_wait3A_437 = tpu.memref_slice %arg13[%dma_wait3A_435, %dma_wait3A_436] : memref<3464x128xf32, #tpu.memory_space<vmem_shared>> -> memref<3464x128xf32, #tpu.memory_space<vmem_shared>>
        tpu.wait_indirect_dma semaphore(%run_scoped3A : memref<!tpu.dma_semaphore, #tpu.memory_space<semaphore_mem>>) src(%arg9 : memref<128x128xf32, #tpu.memory_space<vmem>>) dst(%dma_wait3A_437 : memref<3464x128xf32, #tpu.memory_space<vmem_shared>>)
        tpu.yield
      }) : () -> ()
      "tpu.region"() ({
        %run_scoped3A = tpu.sem_alloc : memref<!tpu.dma_semaphore, #tpu.memory_space<semaphore_mem>>
        %dma_start3A_426 = arith.constant 0 : i32
        %dma_start3A_427 = tpu.memref_slice %arg7[%select_n3A_424, %dma_start3A_426] : memref<88x128xi32, #tpu.memory_space<vmem>> -> memref<1x128xi32, #tpu.memory_space<vmem>>
        %dma_start3A_428 = tpu.memref_squeeze %dma_start3A_427 : memref<1x128xi32, #tpu.memory_space<vmem>> -> memref<128xi32, #tpu.memory_space<vmem>>
        %dma_start3A_429 = arith.constant 0 : i32
        %dma_start3A_430 = arith.constant 0 : i32
        %dma_start3A_431 = tpu.memref_slice %arg14[%dma_start3A_429, %dma_start3A_430] : memref<3464x16xf32, #tpu.memory_space<vmem_shared>> -> memref<3464x16xf32, #tpu.memory_space<vmem_shared>>
        tpu.enqueue_indirect_dma source(%arg12 : memref<128x16xf32, #tpu.memory_space<vmem>>) target(%dma_start3A_431 : memref<3464x16xf32, #tpu.memory_space<vmem_shared>>) offsets(%dma_start3A_428 : memref<128xi32, #tpu.memory_space<vmem>>) semaphore(%run_scoped3A : memref<!tpu.dma_semaphore, #tpu.memory_space<semaphore_mem>>) {add = true}
        %dma_wait3A_432 = arith.constant 0 : i32
        %dma_wait3A_433 = tpu.memref_slice %arg7[%select_n3A_424, %dma_wait3A_432] : memref<88x128xi32, #tpu.memory_space<vmem>> -> memref<1x128xi32, #tpu.memory_space<vmem>>
        %dma_wait3A_434 = tpu.memref_squeeze %dma_wait3A_433 : memref<1x128xi32, #tpu.memory_space<vmem>> -> memref<128xi32, #tpu.memory_space<vmem>>
        %dma_wait3A_435 = arith.constant 0 : i32
        %dma_wait3A_436 = arith.constant 0 : i32
        %dma_wait3A_437 = tpu.memref_slice %arg14[%dma_wait3A_435, %dma_wait3A_436] : memref<3464x16xf32, #tpu.memory_space<vmem_shared>> -> memref<3464x16xf32, #tpu.memory_space<vmem_shared>>
        tpu.wait_indirect_dma semaphore(%run_scoped3A : memref<!tpu.dma_semaphore, #tpu.memory_space<semaphore_mem>>) src(%arg12 : memref<128x16xf32, #tpu.memory_space<vmem>>) dst(%dma_wait3A_437 : memref<3464x16xf32, #tpu.memory_space<vmem_shared>>)
        tpu.yield
      }) : () -> ()
      %while3A_425 = arith.constant 0 : i32
      scf.yield %while3A_425 : i32
    }
    %while3A_190 = arith.constant 1 : i32
    %while3A_191 = scf.for %while3A_359 = %while3A_187 to %while3A_183 step %while3A_190 iter_args(%while3A_360 = %while3A_189) -> (i32)  : i32 {
      %mul3A_361 = arith.constant 2 : i32
      %mul3A_362 = arith.muli %mul3A_361, %while3A_359 : i32
      %add3A_363 = arith.addi %squeeze3A, %mul3A_362 : i32
      %add3A_364 = arith.constant 1 : i32
      %add3A_365 = arith.addi %add3A_363, %add3A_364 : i32
      %sub3A_366 = arith.constant 1 : i32
      %sub3A_367 = arith.subi %squeeze3A_26, %sub3A_366 : i32
      %min3A_368 = arith.minsi %add3A_365, %sub3A_367 : i32
      %max3A_369 = arith.constant 0 : i32
      %max3A_370 = arith.maxsi %min3A_368, %max3A_369 : i32
      %mul3A_371 = arith.constant 128 : i32
      %mul3A_372 = arith.muli %arg1, %mul3A_371 : i32
      %mul3A_373 = arith.constant 2048 : i32
      %mul3A_374 = arith.muli %max3A_370, %mul3A_373 : i32
      %add3A_375 = arith.addi %mul3A_372, %mul3A_374 : i32
      %dma_start3A_376 = tpu.memref_slice %arg2[%add3A_375, %mul3A_0] : memref<160000x256xf32, #tpu.memory_space<hbm>> -> memref<128x128xf32, #tpu.memory_space<hbm>>
      %dma_start3A_377 = tpu.memref_slice %arg2[%add3A_375, %mul3A_0] : memref<160000x256xf32, #tpu.memory_space<hbm>> -> memref<128x128xf32, #tpu.memory_space<hbm>>
      tpu.enqueue_dma source(%dma_start3A_377 : memref<128x128xf32, #tpu.memory_space<hbm>>) target(%arg9 : memref<128x128xf32, #tpu.memory_space<vmem>>) target_semaphore(%arg16 : memref<!tpu.dma_semaphore, #tpu.memory_space<semaphore_mem>>)
      %sub3A_378 = arith.constant 1 : i32
      %sub3A_379 = arith.subi %squeeze3A_26, %sub3A_378 : i32
      %min3A_380 = arith.minsi %add3A_363, %sub3A_379 : i32
      %max3A_381 = arith.constant 0 : i32
      %max3A_382 = arith.maxsi %min3A_380, %max3A_381 : i32
      %mul3A_383 = arith.constant 128 : i32
      %mul3A_384 = arith.muli %arg1, %mul3A_383 : i32
      %mul3A_385 = arith.constant 2048 : i32
      %mul3A_386 = arith.muli %max3A_382, %mul3A_385 : i32
      %add3A_387 = arith.addi %mul3A_384, %mul3A_386 : i32
      %dma_wait3A_388 = tpu.memref_slice %arg2[%add3A_387, %mul3A_0] : memref<160000x256xf32, #tpu.memory_space<hbm>> -> memref<128x128xf32, #tpu.memory_space<hbm>>
      %dma_wait3A_389 = tpu.memref_slice %arg2[%add3A_387, %mul3A_0] : memref<160000x256xf32, #tpu.memory_space<hbm>> -> memref<128x128xf32, #tpu.memory_space<hbm>>
      tpu.wait_dma2 semaphore(%arg15 : memref<!tpu.dma_semaphore, #tpu.memory_space<semaphore_mem>>) src(%dma_wait3A_389 : memref<128x128xf32, #tpu.memory_space<hbm>>) dst(%arg8 : memref<128x128xf32, #tpu.memory_space<vmem>>)
      %lt3A = arith.cmpi slt, %add3A_363, %squeeze3A_26 : i32
      %jit3A_390 = arith.constant 80 : i32
      %select_n3A_391 = arith.select %lt3A, %add3A_363, %jit3A_390 : i32
      "tpu.region"() ({
        %run_scoped3A = tpu.sem_alloc : memref<!tpu.dma_semaphore, #tpu.memory_space<semaphore_mem>>
        %dma_start3A_426 = arith.constant 0 : i32
        %dma_start3A_427 = tpu.memref_slice %arg7[%select_n3A_391, %dma_start3A_426] : memref<88x128xi32, #tpu.memory_space<vmem>> -> memref<1x128xi32, #tpu.memory_space<vmem>>
        %dma_start3A_428 = tpu.memref_squeeze %dma_start3A_427 : memref<1x128xi32, #tpu.memory_space<vmem>> -> memref<128xi32, #tpu.memory_space<vmem>>
        %dma_start3A_429 = arith.constant 0 : i32
        %dma_start3A_430 = arith.constant 0 : i32
        %dma_start3A_431 = tpu.memref_slice %arg13[%dma_start3A_429, %dma_start3A_430] : memref<3464x128xf32, #tpu.memory_space<vmem_shared>> -> memref<3464x128xf32, #tpu.memory_space<vmem_shared>>
        tpu.enqueue_indirect_dma source(%arg8 : memref<128x128xf32, #tpu.memory_space<vmem>>) target(%dma_start3A_431 : memref<3464x128xf32, #tpu.memory_space<vmem_shared>>) offsets(%dma_start3A_428 : memref<128xi32, #tpu.memory_space<vmem>>) semaphore(%run_scoped3A : memref<!tpu.dma_semaphore, #tpu.memory_space<semaphore_mem>>) {add = true}
        %dma_wait3A_432 = arith.constant 0 : i32
        %dma_wait3A_433 = tpu.memref_slice %arg7[%select_n3A_391, %dma_wait3A_432] : memref<88x128xi32, #tpu.memory_space<vmem>> -> memref<1x128xi32, #tpu.memory_space<vmem>>
        %dma_wait3A_434 = tpu.memref_squeeze %dma_wait3A_433 : memref<1x128xi32, #tpu.memory_space<vmem>> -> memref<128xi32, #tpu.memory_space<vmem>>
        %dma_wait3A_435 = arith.constant 0 : i32
        %dma_wait3A_436 = arith.constant 0 : i32
        %dma_wait3A_437 = tpu.memref_slice %arg13[%dma_wait3A_435, %dma_wait3A_436] : memref<3464x128xf32, #tpu.memory_space<vmem_shared>> -> memref<3464x128xf32, #tpu.memory_space<vmem_shared>>
        tpu.wait_indirect_dma semaphore(%run_scoped3A : memref<!tpu.dma_semaphore, #tpu.memory_space<semaphore_mem>>) src(%arg8 : memref<128x128xf32, #tpu.memory_space<vmem>>) dst(%dma_wait3A_437 : memref<3464x128xf32, #tpu.memory_space<vmem_shared>>)
        tpu.yield
      }) : () -> ()
      "tpu.region"() ({
        %run_scoped3A = tpu.sem_alloc : memref<!tpu.dma_semaphore, #tpu.memory_space<semaphore_mem>>
        %dma_start3A_426 = arith.constant 0 : i32
        %dma_start3A_427 = tpu.memref_slice %arg7[%select_n3A_391, %dma_start3A_426] : memref<88x128xi32, #tpu.memory_space<vmem>> -> memref<1x128xi32, #tpu.memory_space<vmem>>
        %dma_start3A_428 = tpu.memref_squeeze %dma_start3A_427 : memref<1x128xi32, #tpu.memory_space<vmem>> -> memref<128xi32, #tpu.memory_space<vmem>>
        %dma_start3A_429 = arith.constant 0 : i32
        %dma_start3A_430 = arith.constant 0 : i32
        %dma_start3A_431 = tpu.memref_slice %arg14[%dma_start3A_429, %dma_start3A_430] : memref<3464x16xf32, #tpu.memory_space<vmem_shared>> -> memref<3464x16xf32, #tpu.memory_space<vmem_shared>>
        tpu.enqueue_indirect_dma source(%arg12 : memref<128x16xf32, #tpu.memory_space<vmem>>) target(%dma_start3A_431 : memref<3464x16xf32, #tpu.memory_space<vmem_shared>>) offsets(%dma_start3A_428 : memref<128xi32, #tpu.memory_space<vmem>>) semaphore(%run_scoped3A : memref<!tpu.dma_semaphore, #tpu.memory_space<semaphore_mem>>) {add = true}
        %dma_wait3A_432 = arith.constant 0 : i32
        %dma_wait3A_433 = tpu.memref_slice %arg7[%select_n3A_391, %dma_wait3A_432] : memref<88x128xi32, #tpu.memory_space<vmem>> -> memref<1x128xi32, #tpu.memory_space<vmem>>
        %dma_wait3A_434 = tpu.memref_squeeze %dma_wait3A_433 : memref<1x128xi32, #tpu.memory_space<vmem>> -> memref<128xi32, #tpu.memory_space<vmem>>
        %dma_wait3A_435 = arith.constant 0 : i32
        %dma_wait3A_436 = arith.constant 0 : i32
        %dma_wait3A_437 = tpu.memref_slice %arg14[%dma_wait3A_435, %dma_wait3A_436] : memref<3464x16xf32, #tpu.memory_space<vmem_shared>> -> memref<3464x16xf32, #tpu.memory_space<vmem_shared>>
        tpu.wait_indirect_dma semaphore(%run_scoped3A : memref<!tpu.dma_semaphore, #tpu.memory_space<semaphore_mem>>) src(%arg12 : memref<128x16xf32, #tpu.memory_space<vmem>>) dst(%dma_wait3A_437 : memref<3464x16xf32, #tpu.memory_space<vmem_shared>>)
        tpu.yield
      }) : () -> ()
      %add3A_392 = arith.constant 2 : i32
      %add3A_393 = arith.addi %add3A_363, %add3A_392 : i32
      %sub3A_394 = arith.constant 1 : i32
      %sub3A_395 = arith.subi %squeeze3A_26, %sub3A_394 : i32
      %min3A_396 = arith.minsi %add3A_393, %sub3A_395 : i32
      %max3A_397 = arith.constant 0 : i32
      %max3A_398 = arith.maxsi %min3A_396, %max3A_397 : i32
      %mul3A_399 = arith.constant 128 : i32
      %mul3A_400 = arith.muli %arg1, %mul3A_399 : i32
      %mul3A_401 = arith.constant 2048 : i32
      %mul3A_402 = arith.muli %max3A_398, %mul3A_401 : i32
      %add3A_403 = arith.addi %mul3A_400, %mul3A_402 : i32
      %dma_start3A_404 = tpu.memref_slice %arg2[%add3A_403, %mul3A_0] : memref<160000x256xf32, #tpu.memory_space<hbm>> -> memref<128x128xf32, #tpu.memory_space<hbm>>
      %dma_start3A_405 = tpu.memref_slice %arg2[%add3A_403, %mul3A_0] : memref<160000x256xf32, #tpu.memory_space<hbm>> -> memref<128x128xf32, #tpu.memory_space<hbm>>
      tpu.enqueue_dma source(%dma_start3A_405 : memref<128x128xf32, #tpu.memory_space<hbm>>) target(%arg8 : memref<128x128xf32, #tpu.memory_space<vmem>>) target_semaphore(%arg15 : memref<!tpu.dma_semaphore, #tpu.memory_space<semaphore_mem>>)
      %add3A_406 = arith.constant 1 : i32
      %add3A_407 = arith.addi %add3A_363, %add3A_406 : i32
      %sub3A_408 = arith.constant 1 : i32
      %sub3A_409 = arith.subi %squeeze3A_26, %sub3A_408 : i32
      %min3A_410 = arith.minsi %add3A_407, %sub3A_409 : i32
      %max3A_411 = arith.constant 0 : i32
      %max3A_412 = arith.maxsi %min3A_410, %max3A_411 : i32
      %mul3A_413 = arith.constant 128 : i32
      %mul3A_414 = arith.muli %arg1, %mul3A_413 : i32
      %mul3A_415 = arith.constant 2048 : i32
      %mul3A_416 = arith.muli %max3A_412, %mul3A_415 : i32
      %add3A_417 = arith.addi %mul3A_414, %mul3A_416 : i32
      %dma_wait3A_418 = tpu.memref_slice %arg2[%add3A_417, %mul3A_0] : memref<160000x256xf32, #tpu.memory_space<hbm>> -> memref<128x128xf32, #tpu.memory_space<hbm>>
      %dma_wait3A_419 = tpu.memref_slice %arg2[%add3A_417, %mul3A_0] : memref<160000x256xf32, #tpu.memory_space<hbm>> -> memref<128x128xf32, #tpu.memory_space<hbm>>
      tpu.wait_dma2 semaphore(%arg16 : memref<!tpu.dma_semaphore, #tpu.memory_space<semaphore_mem>>) src(%dma_wait3A_419 : memref<128x128xf32, #tpu.memory_space<hbm>>) dst(%arg9 : memref<128x128xf32, #tpu.memory_space<vmem>>)
      %add3A_420 = arith.constant 1 : i32
      %add3A_421 = arith.addi %add3A_363, %add3A_420 : i32
      %lt3A_422 = arith.cmpi slt, %add3A_421, %squeeze3A_26 : i32
      %jit3A_423 = arith.constant 80 : i32
      %select_n3A_424 = arith.select %lt3A_422, %add3A_421, %jit3A_423 : i32
      "tpu.region"() ({
        %run_scoped3A = tpu.sem_alloc : memref<!tpu.dma_semaphore, #tpu.memory_space<semaphore_mem>>
        %dma_start3A_426 = arith.constant 0 : i32
        %dma_start3A_427 = tpu.memref_slice %arg7[%select_n3A_424, %dma_start3A_426] : memref<88x128xi32, #tpu.memory_space<vmem>> -> memref<1x128xi32, #tpu.memory_space<vmem>>
        %dma_start3A_428 = tpu.memref_squeeze %dma_start3A_427 : memref<1x128xi32, #tpu.memory_space<vmem>> -> memref<128xi32, #tpu.memory_space<vmem>>
        %dma_start3A_429 = arith.constant 0 : i32
        %dma_start3A_430 = arith.constant 0 : i32
        %dma_start3A_431 = tpu.memref_slice %arg13[%dma_start3A_429, %dma_start3A_430] : memref<3464x128xf32, #tpu.memory_space<vmem_shared>> -> memref<3464x128xf32, #tpu.memory_space<vmem_shared>>
        tpu.enqueue_indirect_dma source(%arg9 : memref<128x128xf32, #tpu.memory_space<vmem>>) target(%dma_start3A_431 : memref<3464x128xf32, #tpu.memory_space<vmem_shared>>) offsets(%dma_start3A_428 : memref<128xi32, #tpu.memory_space<vmem>>) semaphore(%run_scoped3A : memref<!tpu.dma_semaphore, #tpu.memory_space<semaphore_mem>>) {add = true}
        %dma_wait3A_432 = arith.constant 0 : i32
        %dma_wait3A_433 = tpu.memref_slice %arg7[%select_n3A_424, %dma_wait3A_432] : memref<88x128xi32, #tpu.memory_space<vmem>> -> memref<1x128xi32, #tpu.memory_space<vmem>>
        %dma_wait3A_434 = tpu.memref_squeeze %dma_wait3A_433 : memref<1x128xi32, #tpu.memory_space<vmem>> -> memref<128xi32, #tpu.memory_space<vmem>>
        %dma_wait3A_435 = arith.constant 0 : i32
        %dma_wait3A_436 = arith.constant 0 : i32
        %dma_wait3A_437 = tpu.memref_slice %arg13[%dma_wait3A_435, %dma_wait3A_436] : memref<3464x128xf32, #tpu.memory_space<vmem_shared>> -> memref<3464x128xf32, #tpu.memory_space<vmem_shared>>
        tpu.wait_indirect_dma semaphore(%run_scoped3A : memref<!tpu.dma_semaphore, #tpu.memory_space<semaphore_mem>>) src(%arg9 : memref<128x128xf32, #tpu.memory_space<vmem>>) dst(%dma_wait3A_437 : memref<3464x128xf32, #tpu.memory_space<vmem_shared>>)
        tpu.yield
      }) : () -> ()
      "tpu.region"() ({
        %run_scoped3A = tpu.sem_alloc : memref<!tpu.dma_semaphore, #tpu.memory_space<semaphore_mem>>
        %dma_start3A_426 = arith.constant 0 : i32
        %dma_start3A_427 = tpu.memref_slice %arg7[%select_n3A_424, %dma_start3A_426] : memref<88x128xi32, #tpu.memory_space<vmem>> -> memref<1x128xi32, #tpu.memory_space<vmem>>
        %dma_start3A_428 = tpu.memref_squeeze %dma_start3A_427 : memref<1x128xi32, #tpu.memory_space<vmem>> -> memref<128xi32, #tpu.memory_space<vmem>>
        %dma_start3A_429 = arith.constant 0 : i32
        %dma_start3A_430 = arith.constant 0 : i32
        %dma_start3A_431 = tpu.memref_slice %arg14[%dma_start3A_429, %dma_start3A_430] : memref<3464x16xf32, #tpu.memory_space<vmem_shared>> -> memref<3464x16xf32, #tpu.memory_space<vmem_shared>>
        tpu.enqueue_indirect_dma source(%arg12 : memref<128x16xf32, #tpu.memory_space<vmem>>) target(%dma_start3A_431 : memref<3464x16xf32, #tpu.memory_space<vmem_shared>>) offsets(%dma_start3A_428 : memref<128xi32, #tpu.memory_space<vmem>>) semaphore(%run_scoped3A : memref<!tpu.dma_semaphore, #tpu.memory_space<semaphore_mem>>) {add = true}
        %dma_wait3A_432 = arith.constant 0 : i32
        %dma_wait3A_433 = tpu.memref_slice %arg7[%select_n3A_424, %dma_wait3A_432] : memref<88x128xi32, #tpu.memory_space<vmem>> -> memref<1x128xi32, #tpu.memory_space<vmem>>
        %dma_wait3A_434 = tpu.memref_squeeze %dma_wait3A_433 : memref<1x128xi32, #tpu.memory_space<vmem>> -> memref<128xi32, #tpu.memory_space<vmem>>
        %dma_wait3A_435 = arith.constant 0 : i32
        %dma_wait3A_436 = arith.constant 0 : i32
        %dma_wait3A_437 = tpu.memref_slice %arg14[%dma_wait3A_435, %dma_wait3A_436] : memref<3464x16xf32, #tpu.memory_space<vmem_shared>> -> memref<3464x16xf32, #tpu.memory_space<vmem_shared>>
        tpu.wait_indirect_dma semaphore(%run_scoped3A : memref<!tpu.dma_semaphore, #tpu.memory_space<semaphore_mem>>) src(%arg12 : memref<128x16xf32, #tpu.memory_space<vmem>>) dst(%dma_wait3A_437 : memref<3464x16xf32, #tpu.memory_space<vmem_shared>>)
        tpu.yield
      }) : () -> ()
      %while3A_425 = arith.constant 0 : i32
      scf.yield %while3A_425 : i32
    }
    %mul3A_192 = arith.constant 2 : i32
    %mul3A_193 = arith.muli %mul3A_192, %select_n3A_167 : i32
    %add3A_194 = arith.addi %squeeze3A, %mul3A_193 : i32
    %sub3A_195 = arith.constant 1 : i32
    %sub3A_196 = arith.subi %squeeze3A_26, %sub3A_195 : i32
    %min3A_197 = arith.minsi %add3A_194, %sub3A_196 : i32
    %max3A_198 = arith.constant 0 : i32
    %max3A_199 = arith.maxsi %min3A_197, %max3A_198 : i32
    %mul3A_200 = arith.constant 128 : i32
    %mul3A_201 = arith.muli %arg1, %mul3A_200 : i32
    %mul3A_202 = arith.constant 2048 : i32
    %mul3A_203 = arith.muli %max3A_199, %mul3A_202 : i32
    %add3A_204 = arith.addi %mul3A_201, %mul3A_203 : i32
    %dma_wait3A_205 = tpu.memref_slice %arg2[%add3A_204, %mul3A_0] : memref<160000x256xf32, #tpu.memory_space<hbm>> -> memref<128x128xf32, #tpu.memory_space<hbm>>
    %dma_wait3A_206 = tpu.memref_slice %arg2[%add3A_204, %mul3A_0] : memref<160000x256xf32, #tpu.memory_space<hbm>> -> memref<128x128xf32, #tpu.memory_space<hbm>>
    tpu.wait_dma2 semaphore(%arg15 : memref<!tpu.dma_semaphore, #tpu.memory_space<semaphore_mem>>) src(%dma_wait3A_206 : memref<128x128xf32, #tpu.memory_space<hbm>>) dst(%arg8 : memref<128x128xf32, #tpu.memory_space<vmem>>)
    %barrier3A_207 = arith.constant 0 : index
    tpu.barrier barrier_id(%barrier3A_207)
    %mul3A_208 = arith.constant 216 : i32
    %mul3A_209 = arith.muli %arg1, %mul3A_208 : i32
    %add3A_210 = arith.constant 0 : i32
    %add3A_211 = arith.addi %mul3A_209, %add3A_210 : i32
    "tpu.region"() ({
      %run_scoped3A = tpu.sem_alloc : memref<!tpu.dma_semaphore, #tpu.memory_space<semaphore_mem>>
      %dma_start3A_359 = arith.constant 0 : i32
      %dma_start3A_360 = arith.constant 0 : i32
      %dma_start3A_361 = tpu.memref_slice %arg10[%dma_start3A_359, %dma_start3A_360] : memref<128x128xf32, #tpu.memory_space<vmem>> -> memref<128x128xf32, #tpu.memory_space<vmem>>
      %dma_start3A_362 = arith.constant 0 : i32
      %dma_start3A_363 = tpu.memref_slice %arg13[%add3A_211, %dma_start3A_362] : memref<3464x128xf32, #tpu.memory_space<vmem_shared>> -> memref<128x128xf32, #tpu.memory_space<vmem_shared>>
      %dma_start3A_364 = arith.constant 0 : i32
      %dma_start3A_365 = arith.constant 0 : i32
      %dma_start3A_366 = tpu.memref_slice %arg10[%dma_start3A_364, %dma_start3A_365] : memref<128x128xf32, #tpu.memory_space<vmem>> -> memref<128x128xf32, #tpu.memory_space<vmem>>
      %dma_start3A_367 = arith.constant 0 : i32
      %dma_start3A_368 = tpu.memref_slice %arg13[%add3A_211, %dma_start3A_367] : memref<3464x128xf32, #tpu.memory_space<vmem_shared>> -> memref<128x128xf32, #tpu.memory_space<vmem_shared>>
      tpu.enqueue_dma source(%dma_start3A_368 : memref<128x128xf32, #tpu.memory_space<vmem_shared>>) target(%dma_start3A_366 : memref<128x128xf32, #tpu.memory_space<vmem>>) target_semaphore(%run_scoped3A : memref<!tpu.dma_semaphore, #tpu.memory_space<semaphore_mem>>)
      %dma_wait3A_369 = arith.constant 0 : i32
      %dma_wait3A_370 = arith.constant 0 : i32
      %dma_wait3A_371 = tpu.memref_slice %arg10[%dma_wait3A_369, %dma_wait3A_370] : memref<128x128xf32, #tpu.memory_space<vmem>> -> memref<128x128xf32, #tpu.memory_space<vmem>>
      %dma_wait3A_372 = arith.constant 0 : i32
      %dma_wait3A_373 = tpu.memref_slice %arg13[%add3A_211, %dma_wait3A_372] : memref<3464x128xf32, #tpu.memory_space<vmem_shared>> -> memref<128x128xf32, #tpu.memory_space<vmem_shared>>
      %dma_wait3A_374 = arith.constant 0 : i32
      %dma_wait3A_375 = arith.constant 0 : i32
      %dma_wait3A_376 = tpu.memref_slice %arg10[%dma_wait3A_374, %dma_wait3A_375] : memref<128x128xf32, #tpu.memory_space<vmem>> -> memref<128x128xf32, #tpu.memory_space<vmem>>
      %dma_wait3A_377 = arith.constant 0 : i32
      %dma_wait3A_378 = tpu.memref_slice %arg13[%add3A_211, %dma_wait3A_377] : memref<3464x128xf32, #tpu.memory_space<vmem_shared>> -> memref<128x128xf32, #tpu.memory_space<vmem_shared>>
      tpu.wait_dma2 semaphore(%run_scoped3A : memref<!tpu.dma_semaphore, #tpu.memory_space<semaphore_mem>>) src(%dma_wait3A_378 : memref<128x128xf32, #tpu.memory_space<vmem_shared>>) dst(%dma_wait3A_376 : memref<128x128xf32, #tpu.memory_space<vmem>>)
      tpu.yield
    }) : () -> ()
    %add3A_212 = arith.constant 0 : i32
    %add3A_213 = arith.addi %mul3A_209, %add3A_212 : i32
    "tpu.region"() ({
      %run_scoped3A = tpu.sem_alloc : memref<!tpu.dma_semaphore, #tpu.memory_space<semaphore_mem>>
      %dma_start3A_359 = arith.constant 0 : i32
      %dma_start3A_360 = arith.constant 0 : i32
      %dma_start3A_361 = tpu.memref_slice %arg11[%dma_start3A_359, %dma_start3A_360] : memref<128x16xf32, #tpu.memory_space<vmem>> -> memref<128x16xf32, #tpu.memory_space<vmem>>
      %dma_start3A_362 = arith.constant 0 : i32
      %dma_start3A_363 = tpu.memref_slice %arg14[%add3A_213, %dma_start3A_362] : memref<3464x16xf32, #tpu.memory_space<vmem_shared>> -> memref<128x16xf32, #tpu.memory_space<vmem_shared>>
      %dma_start3A_364 = arith.constant 0 : i32
      %dma_start3A_365 = arith.constant 0 : i32
      %dma_start3A_366 = tpu.memref_slice %arg11[%dma_start3A_364, %dma_start3A_365] : memref<128x16xf32, #tpu.memory_space<vmem>> -> memref<128x16xf32, #tpu.memory_space<vmem>>
      %dma_start3A_367 = arith.constant 0 : i32
      %dma_start3A_368 = tpu.memref_slice %arg14[%add3A_213, %dma_start3A_367] : memref<3464x16xf32, #tpu.memory_space<vmem_shared>> -> memref<128x16xf32, #tpu.memory_space<vmem_shared>>
      tpu.enqueue_dma source(%dma_start3A_368 : memref<128x16xf32, #tpu.memory_space<vmem_shared>>) target(%dma_start3A_366 : memref<128x16xf32, #tpu.memory_space<vmem>>) target_semaphore(%run_scoped3A : memref<!tpu.dma_semaphore, #tpu.memory_space<semaphore_mem>>)
      %dma_wait3A_369 = arith.constant 0 : i32
      %dma_wait3A_370 = arith.constant 0 : i32
      %dma_wait3A_371 = tpu.memref_slice %arg11[%dma_wait3A_369, %dma_wait3A_370] : memref<128x16xf32, #tpu.memory_space<vmem>> -> memref<128x16xf32, #tpu.memory_space<vmem>>
      %dma_wait3A_372 = arith.constant 0 : i32
      %dma_wait3A_373 = tpu.memref_slice %arg14[%add3A_213, %dma_wait3A_372] : memref<3464x16xf32, #tpu.memory_space<vmem_shared>> -> memref<128x16xf32, #tpu.memory_space<vmem_shared>>
      %dma_wait3A_374 = arith.constant 0 : i32
      %dma_wait3A_375 = arith.constant 0 : i32
      %dma_wait3A_376 = tpu.memref_slice %arg11[%dma_wait3A_374, %dma_wait3A_375] : memref<128x16xf32, #tpu.memory_space<vmem>> -> memref<128x16xf32, #tpu.memory_space<vmem>>
      %dma_wait3A_377 = arith.constant 0 : i32
      %dma_wait3A_378 = tpu.memref_slice %arg14[%add3A_213, %dma_wait3A_377] : memref<3464x16xf32, #tpu.memory_space<vmem_shared>> -> memref<128x16xf32, #tpu.memory_space<vmem_shared>>
      tpu.wait_dma2 semaphore(%run_scoped3A : memref<!tpu.dma_semaphore, #tpu.memory_space<semaphore_mem>>) src(%dma_wait3A_378 : memref<128x16xf32, #tpu.memory_space<vmem_shared>>) dst(%dma_wait3A_376 : memref<128x16xf32, #tpu.memory_space<vmem>>)
      tpu.yield
    }) : () -> ()
    %scan3A_214 = arith.constant 0 : i32
    %scan3A_215 = arith.constant 0 : i32
    %scan3A_216 = arith.constant 128 : i32
    %scan3A_217 = arith.addi %scan3A_215, %scan3A_216 : i32
    %scan3A_218 = arith.constant 1 : i32
    %scan3A_219 = scf.for %scan3A_359 = %scan3A_215 to %scan3A_217 step %scan3A_218 iter_args(%scan3A_360 = %scan3A_214) -> (i32)  : i32 {
      %get3A_361 = arith.index_cast %scan3A_359 : i32 to index
      %get3A_362 = arith.constant 0 : index
      %get3A_363 = tpu.vector_load %arg11[%get3A_361, %get3A_362] {strides = array<i32>} : memref<128x16xf32, #tpu.memory_space<vmem>>, vector<1x16xf32>,
      %get3A_364 = vector.shape_cast %get3A_363 : vector<1x16xf32> to vector<16xf32>
      %max3A_365 = arith.constant 1.000000e+00 : f32
      %max3A_366 = vector.broadcast %max3A_365 : f32 to vector<16xf32>
      %max3A_367 = arith.maximumf %get3A_364, %max3A_366 : vector<16xf32>
      %div3A_368 = arith.constant 1.000000e+00 : f32
      %div3A_369 = vector.broadcast %div3A_368 : f32 to vector<16xf32>
      %div3A_370 = arith.divf %div3A_369, %max3A_367 : vector<16xf32>
      %get3A_371 = arith.index_cast %scan3A_359 : i32 to index
      %get3A_372 = arith.constant 0 : index
      %get3A_373 = tpu.vector_load %arg10[%get3A_371, %get3A_372] {strides = array<i32>} : memref<128x128xf32, #tpu.memory_space<vmem>>, vector<1x16xf32>,
      %get3A_374 = vector.shape_cast %get3A_373 : vector<1x16xf32> to vector<16xf32>
      %mul3A_375 = arith.mulf %get3A_374, %div3A_370 : vector<16xf32>
      %swap3A = arith.index_cast %scan3A_359 : i32 to index
      %swap3A_376 = arith.constant 0 : index
      %swap3A_377 = tpu.vector_load %arg10[%swap3A, %swap3A_376] {strides = array<i32>} : memref<128x128xf32, #tpu.memory_space<vmem>>, vector<1x16xf32>,
      %swap3A_378 = vector.shape_cast %swap3A_377 : vector<1x16xf32> to vector<16xf32>
      %swap3A_379 = vector.shape_cast %mul3A_375 : vector<16xf32> to vector<1x16xf32>
      tpu.vector_store %arg10[%swap3A, %swap3A_376], %swap3A_379 {strides = array<i32>} : memref<128x128xf32, #tpu.memory_space<vmem>>, vector<1x16xf32>,
      %get3A_380 = arith.index_cast %scan3A_359 : i32 to index
      %get3A_381 = arith.constant 16 : index
      %get3A_382 = tpu.vector_load %arg10[%get3A_380, %get3A_381] {strides = array<i32>} : memref<128x128xf32, #tpu.memory_space<vmem>>, vector<1x16xf32>,
      %get3A_383 = vector.shape_cast %get3A_382 : vector<1x16xf32> to vector<16xf32>
      %mul3A_384 = arith.mulf %get3A_383, %div3A_370 : vector<16xf32>
      %swap3A_385 = arith.index_cast %scan3A_359 : i32 to index
      %swap3A_386 = arith.constant 16 : index
      %swap3A_387 = tpu.vector_load %arg10[%swap3A_385, %swap3A_386] {strides = array<i32>} : memref<128x128xf32, #tpu.memory_space<vmem>>, vector<1x16xf32>,
      %swap3A_388 = vector.shape_cast %swap3A_387 : vector<1x16xf32> to vector<16xf32>
      %swap3A_389 = vector.shape_cast %mul3A_384 : vector<16xf32> to vector<1x16xf32>
      tpu.vector_store %arg10[%swap3A_385, %swap3A_386], %swap3A_389 {strides = array<i32>} : memref<128x128xf32, #tpu.memory_space<vmem>>, vector<1x16xf32>,
      %get3A_390 = arith.index_cast %scan3A_359 : i32 to index
      %get3A_391 = arith.constant 32 : index
      %get3A_392 = tpu.vector_load %arg10[%get3A_390, %get3A_391] {strides = array<i32>} : memref<128x128xf32, #tpu.memory_space<vmem>>, vector<1x16xf32>,
      %get3A_393 = vector.shape_cast %get3A_392 : vector<1x16xf32> to vector<16xf32>
      %mul3A_394 = arith.mulf %get3A_393, %div3A_370 : vector<16xf32>
      %swap3A_395 = arith.index_cast %scan3A_359 : i32 to index
      %swap3A_396 = arith.constant 32 : index
      %swap3A_397 = tpu.vector_load %arg10[%swap3A_395, %swap3A_396] {strides = array<i32>} : memref<128x128xf32, #tpu.memory_space<vmem>>, vector<1x16xf32>,
      %swap3A_398 = vector.shape_cast %swap3A_397 : vector<1x16xf32> to vector<16xf32>
      %swap3A_399 = vector.shape_cast %mul3A_394 : vector<16xf32> to vector<1x16xf32>
      tpu.vector_store %arg10[%swap3A_395, %swap3A_396], %swap3A_399 {strides = array<i32>} : memref<128x128xf32, #tpu.memory_space<vmem>>, vector<1x16xf32>,
      %get3A_400 = arith.index_cast %scan3A_359 : i32 to index
      %get3A_401 = arith.constant 48 : index
      %get3A_402 = tpu.vector_load %arg10[%get3A_400, %get3A_401] {strides = array<i32>} : memref<128x128xf32, #tpu.memory_space<vmem>>, vector<1x16xf32>,
      %get3A_403 = vector.shape_cast %get3A_402 : vector<1x16xf32> to vector<16xf32>
      %mul3A_404 = arith.mulf %get3A_403, %div3A_370 : vector<16xf32>
      %swap3A_405 = arith.index_cast %scan3A_359 : i32 to index
      %swap3A_406 = arith.constant 48 : index
      %swap3A_407 = tpu.vector_load %arg10[%swap3A_405, %swap3A_406] {strides = array<i32>} : memref<128x128xf32, #tpu.memory_space<vmem>>, vector<1x16xf32>,
      %swap3A_408 = vector.shape_cast %swap3A_407 : vector<1x16xf32> to vector<16xf32>
      %swap3A_409 = vector.shape_cast %mul3A_404 : vector<16xf32> to vector<1x16xf32>
      tpu.vector_store %arg10[%swap3A_405, %swap3A_406], %swap3A_409 {strides = array<i32>} : memref<128x128xf32, #tpu.memory_space<vmem>>, vector<1x16xf32>,
      %get3A_410 = arith.index_cast %scan3A_359 : i32 to index
      %get3A_411 = arith.constant 64 : index
      %get3A_412 = tpu.vector_load %arg10[%get3A_410, %get3A_411] {strides = array<i32>} : memref<128x128xf32, #tpu.memory_space<vmem>>, vector<1x16xf32>,
      %get3A_413 = vector.shape_cast %get3A_412 : vector<1x16xf32> to vector<16xf32>
      %mul3A_414 = arith.mulf %get3A_413, %div3A_370 : vector<16xf32>
      %swap3A_415 = arith.index_cast %scan3A_359 : i32 to index
      %swap3A_416 = arith.constant 64 : index
      %swap3A_417 = tpu.vector_load %arg10[%swap3A_415, %swap3A_416] {strides = array<i32>} : memref<128x128xf32, #tpu.memory_space<vmem>>, vector<1x16xf32>,
      %swap3A_418 = vector.shape_cast %swap3A_417 : vector<1x16xf32> to vector<16xf32>
      %swap3A_419 = vector.shape_cast %mul3A_414 : vector<16xf32> to vector<1x16xf32>
      tpu.vector_store %arg10[%swap3A_415, %swap3A_416], %swap3A_419 {strides = array<i32>} : memref<128x128xf32, #tpu.memory_space<vmem>>, vector<1x16xf32>,
      %get3A_420 = arith.index_cast %scan3A_359 : i32 to index
      %get3A_421 = arith.constant 80 : index
      %get3A_422 = tpu.vector_load %arg10[%get3A_420, %get3A_421] {strides = array<i32>} : memref<128x128xf32, #tpu.memory_space<vmem>>, vector<1x16xf32>,
      %get3A_423 = vector.shape_cast %get3A_422 : vector<1x16xf32> to vector<16xf32>
      %mul3A_424 = arith.mulf %get3A_423, %div3A_370 : vector<16xf32>
      %swap3A_425 = arith.index_cast %scan3A_359 : i32 to index
      %swap3A_426 = arith.constant 80 : index
      %swap3A_427 = tpu.vector_load %arg10[%swap3A_425, %swap3A_426] {strides = array<i32>} : memref<128x128xf32, #tpu.memory_space<vmem>>, vector<1x16xf32>,
      %swap3A_428 = vector.shape_cast %swap3A_427 : vector<1x16xf32> to vector<16xf32>
      %swap3A_429 = vector.shape_cast %mul3A_424 : vector<16xf32> to vector<1x16xf32>
      tpu.vector_store %arg10[%swap3A_425, %swap3A_426], %swap3A_429 {strides = array<i32>} : memref<128x128xf32, #tpu.memory_space<vmem>>, vector<1x16xf32>,
      %get3A_430 = arith.index_cast %scan3A_359 : i32 to index
      %get3A_431 = arith.constant 96 : index
      %get3A_432 = tpu.vector_load %arg10[%get3A_430, %get3A_431] {strides = array<i32>} : memref<128x128xf32, #tpu.memory_space<vmem>>, vector<1x16xf32>,
      %get3A_433 = vector.shape_cast %get3A_432 : vector<1x16xf32> to vector<16xf32>
      %mul3A_434 = arith.mulf %get3A_433, %div3A_370 : vector<16xf32>
      %swap3A_435 = arith.index_cast %scan3A_359 : i32 to index
      %swap3A_436 = arith.constant 96 : index
      %swap3A_437 = tpu.vector_load %arg10[%swap3A_435, %swap3A_436] {strides = array<i32>} : memref<128x128xf32, #tpu.memory_space<vmem>>, vector<1x16xf32>,
      %swap3A_438 = vector.shape_cast %swap3A_437 : vector<1x16xf32> to vector<16xf32>
      %swap3A_439 = vector.shape_cast %mul3A_434 : vector<16xf32> to vector<1x16xf32>
      tpu.vector_store %arg10[%swap3A_435, %swap3A_436], %swap3A_439 {strides = array<i32>} : memref<128x128xf32, #tpu.memory_space<vmem>>, vector<1x16xf32>,
      %get3A_440 = arith.index_cast %scan3A_359 : i32 to index
      %get3A_441 = arith.constant 112 : index
      %get3A_442 = tpu.vector_load %arg10[%get3A_440, %get3A_441] {strides = array<i32>} : memref<128x128xf32, #tpu.memory_space<vmem>>, vector<1x16xf32>,
      %get3A_443 = vector.shape_cast %get3A_442 : vector<1x16xf32> to vector<16xf32>
      %mul3A_444 = arith.mulf %get3A_443, %div3A_370 : vector<16xf32>
      %swap3A_445 = arith.index_cast %scan3A_359 : i32 to index
      %swap3A_446 = arith.constant 112 : index
      %swap3A_447 = tpu.vector_load %arg10[%swap3A_445, %swap3A_446] {strides = array<i32>} : memref<128x128xf32, #tpu.memory_space<vmem>>, vector<1x16xf32>,
      %swap3A_448 = vector.shape_cast %swap3A_447 : vector<1x16xf32> to vector<16xf32>
      %swap3A_449 = vector.shape_cast %mul3A_444 : vector<16xf32> to vector<1x16xf32>
      tpu.vector_store %arg10[%swap3A_445, %swap3A_446], %swap3A_449 {strides = array<i32>} : memref<128x128xf32, #tpu.memory_space<vmem>>, vector<1x16xf32>,
      %scan3A_450 = arith.constant 0 : i32
      scf.yield %scan3A_450 : i32
    }
    %scan3A_220 = arith.constant 128 : i32
    %add3A_221 = arith.constant 3456 : i32
    %add3A_222 = arith.addi %add3A_221, %mul3A_209 : i32
    %add3A_223 = arith.constant 0 : i32
    %add3A_224 = arith.addi %add3A_222, %add3A_223 : i32
    "tpu.region"() ({
      %run_scoped3A = tpu.sem_alloc : memref<!tpu.dma_semaphore, #tpu.memory_space<semaphore_mem>>
      %dma_start3A_359 = arith.constant 0 : i32
      %dma_start3A_360 = arith.constant 0 : i32
      %dma_start3A_361 = tpu.memref_slice %arg10[%dma_start3A_359, %dma_start3A_360] : memref<128x128xf32, #tpu.memory_space<vmem>> -> memref<128x128xf32, #tpu.memory_space<vmem>>
      %dma_start3A_362 = tpu.memref_slice %arg5[%add3A_224, %mul3A_0] : memref<10240x256xf32, #tpu.memory_space<hbm>> -> memref<128x128xf32, #tpu.memory_space<hbm>>
      %dma_start3A_363 = tpu.memref_slice %arg5[%add3A_224, %mul3A_0] : memref<10240x256xf32, #tpu.memory_space<hbm>> -> memref<128x128xf32, #tpu.memory_space<hbm>>
      %dma_start3A_364 = arith.constant 0 : i32
      %dma_start3A_365 = arith.constant 0 : i32
      %dma_start3A_366 = tpu.memref_slice %arg10[%dma_start3A_364, %dma_start3A_365] : memref<128x128xf32, #tpu.memory_space<vmem>> -> memref<128x128xf32, #tpu.memory_space<vmem>>
      tpu.enqueue_dma source(%dma_start3A_366 : memref<128x128xf32, #tpu.memory_space<vmem>>) target(%dma_start3A_363 : memref<128x128xf32, #tpu.memory_space<hbm>>) target_semaphore(%run_scoped3A : memref<!tpu.dma_semaphore, #tpu.memory_space<semaphore_mem>>)
      %dma_wait3A_367 = arith.constant 0 : i32
      %dma_wait3A_368 = arith.constant 0 : i32
      %dma_wait3A_369 = tpu.memref_slice %arg10[%dma_wait3A_367, %dma_wait3A_368] : memref<128x128xf32, #tpu.memory_space<vmem>> -> memref<128x128xf32, #tpu.memory_space<vmem>>
      %dma_wait3A_370 = tpu.memref_slice %arg5[%add3A_224, %mul3A_0] : memref<10240x256xf32, #tpu.memory_space<hbm>> -> memref<128x128xf32, #tpu.memory_space<hbm>>
      %dma_wait3A_371 = tpu.memref_slice %arg5[%add3A_224, %mul3A_0] : memref<10240x256xf32, #tpu.memory_space<hbm>> -> memref<128x128xf32, #tpu.memory_space<hbm>>
      %dma_wait3A_372 = arith.constant 0 : i32
      %dma_wait3A_373 = arith.constant 0 : i32
      %dma_wait3A_374 = tpu.memref_slice %arg10[%dma_wait3A_372, %dma_wait3A_373] : memref<128x128xf32, #tpu.memory_space<vmem>> -> memref<128x128xf32, #tpu.memory_space<vmem>>
      tpu.wait_dma2 semaphore(%run_scoped3A : memref<!tpu.dma_semaphore, #tpu.memory_space<semaphore_mem>>) src(%dma_wait3A_374 : memref<128x128xf32, #tpu.memory_space<vmem>>) dst(%dma_wait3A_371 : memref<128x128xf32, #tpu.memory_space<hbm>>)
      tpu.yield
    }) : () -> ()
    %add3A_225 = arith.constant 128 : i32
    %add3A_226 = arith.addi %mul3A_209, %add3A_225 : i32
    "tpu.region"() ({
      %run_scoped3A = tpu.sem_alloc : memref<!tpu.dma_semaphore, #tpu.memory_space<semaphore_mem>>
      %dma_start3A_359 = arith.constant 0 : i32
      %dma_start3A_360 = arith.constant 0 : i32
      %dma_start3A_361 = tpu.memref_slice %arg10[%dma_start3A_359, %dma_start3A_360] : memref<128x128xf32, #tpu.memory_space<vmem>> -> memref<88x128xf32, #tpu.memory_space<vmem>>
      %dma_start3A_362 = arith.constant 0 : i32
      %dma_start3A_363 = tpu.memref_slice %arg13[%add3A_226, %dma_start3A_362] : memref<3464x128xf32, #tpu.memory_space<vmem_shared>> -> memref<88x128xf32, #tpu.memory_space<vmem_shared>>
      %dma_start3A_364 = arith.constant 0 : i32
      %dma_start3A_365 = arith.constant 0 : i32
      %dma_start3A_366 = tpu.memref_slice %arg10[%dma_start3A_364, %dma_start3A_365] : memref<128x128xf32, #tpu.memory_space<vmem>> -> memref<88x128xf32, #tpu.memory_space<vmem>>
      %dma_start3A_367 = arith.constant 0 : i32
      %dma_start3A_368 = tpu.memref_slice %arg13[%add3A_226, %dma_start3A_367] : memref<3464x128xf32, #tpu.memory_space<vmem_shared>> -> memref<88x128xf32, #tpu.memory_space<vmem_shared>>
      tpu.enqueue_dma source(%dma_start3A_368 : memref<88x128xf32, #tpu.memory_space<vmem_shared>>) target(%dma_start3A_366 : memref<88x128xf32, #tpu.memory_space<vmem>>) target_semaphore(%run_scoped3A : memref<!tpu.dma_semaphore, #tpu.memory_space<semaphore_mem>>)
      %dma_wait3A_369 = arith.constant 0 : i32
      %dma_wait3A_370 = arith.constant 0 : i32
      %dma_wait3A_371 = tpu.memref_slice %arg10[%dma_wait3A_369, %dma_wait3A_370] : memref<128x128xf32, #tpu.memory_space<vmem>> -> memref<88x128xf32, #tpu.memory_space<vmem>>
      %dma_wait3A_372 = arith.constant 0 : i32
      %dma_wait3A_373 = tpu.memref_slice %arg13[%add3A_226, %dma_wait3A_372] : memref<3464x128xf32, #tpu.memory_space<vmem_shared>> -> memref<88x128xf32, #tpu.memory_space<vmem_shared>>
      %dma_wait3A_374 = arith.constant 0 : i32
      %dma_wait3A_375 = arith.constant 0 : i32
      %dma_wait3A_376 = tpu.memref_slice %arg10[%dma_wait3A_374, %dma_wait3A_375] : memref<128x128xf32, #tpu.memory_space<vmem>> -> memref<88x128xf32, #tpu.memory_space<vmem>>
      %dma_wait3A_377 = arith.constant 0 : i32
      %dma_wait3A_378 = tpu.memref_slice %arg13[%add3A_226, %dma_wait3A_377] : memref<3464x128xf32, #tpu.memory_space<vmem_shared>> -> memref<88x128xf32, #tpu.memory_space<vmem_shared>>
      tpu.wait_dma2 semaphore(%run_scoped3A : memref<!tpu.dma_semaphore, #tpu.memory_space<semaphore_mem>>) src(%dma_wait3A_378 : memref<88x128xf32, #tpu.memory_space<vmem_shared>>) dst(%dma_wait3A_376 : memref<88x128xf32, #tpu.memory_space<vmem>>)
      tpu.yield
    }) : () -> ()
    %add3A_227 = arith.constant 128 : i32
    %add3A_228 = arith.addi %mul3A_209, %add3A_227 : i32
    "tpu.region"() ({
      %run_scoped3A = tpu.sem_alloc : memref<!tpu.dma_semaphore, #tpu.memory_space<semaphore_mem>>
      %dma_start3A_359 = arith.constant 0 : i32
      %dma_start3A_360 = arith.constant 0 : i32
      %dma_start3A_361 = tpu.memref_slice %arg11[%dma_start3A_359, %dma_start3A_360] : memref<128x16xf32, #tpu.memory_space<vmem>> -> memref<88x16xf32, #tpu.memory_space<vmem>>
      %dma_start3A_362 = arith.constant 0 : i32
      %dma_start3A_363 = tpu.memref_slice %arg14[%add3A_228, %dma_start3A_362] : memref<3464x16xf32, #tpu.memory_space<vmem_shared>> -> memref<88x16xf32, #tpu.memory_space<vmem_shared>>
      %dma_start3A_364 = arith.constant 0 : i32
      %dma_start3A_365 = arith.constant 0 : i32
      %dma_start3A_366 = tpu.memref_slice %arg11[%dma_start3A_364, %dma_start3A_365] : memref<128x16xf32, #tpu.memory_space<vmem>> -> memref<88x16xf32, #tpu.memory_space<vmem>>
      %dma_start3A_367 = arith.constant 0 : i32
      %dma_start3A_368 = tpu.memref_slice %arg14[%add3A_228, %dma_start3A_367] : memref<3464x16xf32, #tpu.memory_space<vmem_shared>> -> memref<88x16xf32, #tpu.memory_space<vmem_shared>>
      tpu.enqueue_dma source(%dma_start3A_368 : memref<88x16xf32, #tpu.memory_space<vmem_shared>>) target(%dma_start3A_366 : memref<88x16xf32, #tpu.memory_space<vmem>>) target_semaphore(%run_scoped3A : memref<!tpu.dma_semaphore, #tpu.memory_space<semaphore_mem>>)
      %dma_wait3A_369 = arith.constant 0 : i32
      %dma_wait3A_370 = arith.constant 0 : i32
      %dma_wait3A_371 = tpu.memref_slice %arg11[%dma_wait3A_369, %dma_wait3A_370] : memref<128x16xf32, #tpu.memory_space<vmem>> -> memref<88x16xf32, #tpu.memory_space<vmem>>
      %dma_wait3A_372 = arith.constant 0 : i32
      %dma_wait3A_373 = tpu.memref_slice %arg14[%add3A_228, %dma_wait3A_372] : memref<3464x16xf32, #tpu.memory_space<vmem_shared>> -> memref<88x16xf32, #tpu.memory_space<vmem_shared>>
      %dma_wait3A_374 = arith.constant 0 : i32
      %dma_wait3A_375 = arith.constant 0 : i32
      %dma_wait3A_376 = tpu.memref_slice %arg11[%dma_wait3A_374, %dma_wait3A_375] : memref<128x16xf32, #tpu.memory_space<vmem>> -> memref<88x16xf32, #tpu.memory_space<vmem>>
      %dma_wait3A_377 = arith.constant 0 : i32
      %dma_wait3A_378 = tpu.memref_slice %arg14[%add3A_228, %dma_wait3A_377] : memref<3464x16xf32, #tpu.memory_space<vmem_shared>> -> memref<88x16xf32, #tpu.memory_space<vmem_shared>>
      tpu.wait_dma2 semaphore(%run_scoped3A : memref<!tpu.dma_semaphore, #tpu.memory_space<semaphore_mem>>) src(%dma_wait3A_378 : memref<88x16xf32, #tpu.memory_space<vmem_shared>>) dst(%dma_wait3A_376 : memref<88x16xf32, #tpu.memory_space<vmem>>)
      tpu.yield
    }) : () -> ()
    %scan3A_229 = arith.constant 0 : i32
    %scan3A_230 = arith.constant 0 : i32
    %scan3A_231 = arith.constant 88 : i32
    %scan3A_232 = arith.addi %scan3A_230, %scan3A_231 : i32
    %scan3A_233 = arith.constant 1 : i32
    %scan3A_234 = scf.for %scan3A_359 = %scan3A_230 to %scan3A_232 step %scan3A_233 iter_args(%scan3A_360 = %scan3A_229) -> (i32)  : i32 {
      %get3A_361 = arith.index_cast %scan3A_359 : i32 to index
      %get3A_362 = arith.constant 0 : index
      %get3A_363 = tpu.vector_load %arg11[%get3A_361, %get3A_362] {strides = array<i32>} : memref<128x16xf32, #tpu.memory_space<vmem>>, vector<1x16xf32>,
      %get3A_364 = vector.shape_cast %get3A_363 : vector<1x16xf32> to vector<16xf32>
      %max3A_365 = arith.constant 1.000000e+00 : f32
      %max3A_366 = vector.broadcast %max3A_365 : f32 to vector<16xf32>
      %max3A_367 = arith.maximumf %get3A_364, %max3A_366 : vector<16xf32>
      %div3A_368 = arith.constant 1.000000e+00 : f32
      %div3A_369 = vector.broadcast %div3A_368 : f32 to vector<16xf32>
      %div3A_370 = arith.divf %div3A_369, %max3A_367 : vector<16xf32>
      %get3A_371 = arith.index_cast %scan3A_359 : i32 to index
      %get3A_372 = arith.constant 0 : index
      %get3A_373 = tpu.vector_load %arg10[%get3A_371, %get3A_372] {strides = array<i32>} : memref<128x128xf32, #tpu.memory_space<vmem>>, vector<1x16xf32>,
      %get3A_374 = vector.shape_cast %get3A_373 : vector<1x16xf32> to vector<16xf32>
      %mul3A_375 = arith.mulf %get3A_374, %div3A_370 : vector<16xf32>
      %swap3A = arith.index_cast %scan3A_359 : i32 to index
      %swap3A_376 = arith.constant 0 : index
      %swap3A_377 = tpu.vector_load %arg10[%swap3A, %swap3A_376] {strides = array<i32>} : memref<128x128xf32, #tpu.memory_space<vmem>>, vector<1x16xf32>,
      %swap3A_378 = vector.shape_cast %swap3A_377 : vector<1x16xf32> to vector<16xf32>
      %swap3A_379 = vector.shape_cast %mul3A_375 : vector<16xf32> to vector<1x16xf32>
      tpu.vector_store %arg10[%swap3A, %swap3A_376], %swap3A_379 {strides = array<i32>} : memref<128x128xf32, #tpu.memory_space<vmem>>, vector<1x16xf32>,
      %get3A_380 = arith.index_cast %scan3A_359 : i32 to index
      %get3A_381 = arith.constant 16 : index
      %get3A_382 = tpu.vector_load %arg10[%get3A_380, %get3A_381] {strides = array<i32>} : memref<128x128xf32, #tpu.memory_space<vmem>>, vector<1x16xf32>,
      %get3A_383 = vector.shape_cast %get3A_382 : vector<1x16xf32> to vector<16xf32>
      %mul3A_384 = arith.mulf %get3A_383, %div3A_370 : vector<16xf32>
      %swap3A_385 = arith.index_cast %scan3A_359 : i32 to index
      %swap3A_386 = arith.constant 16 : index
      %swap3A_387 = tpu.vector_load %arg10[%swap3A_385, %swap3A_386] {strides = array<i32>} : memref<128x128xf32, #tpu.memory_space<vmem>>, vector<1x16xf32>,
      %swap3A_388 = vector.shape_cast %swap3A_387 : vector<1x16xf32> to vector<16xf32>
      %swap3A_389 = vector.shape_cast %mul3A_384 : vector<16xf32> to vector<1x16xf32>
      tpu.vector_store %arg10[%swap3A_385, %swap3A_386], %swap3A_389 {strides = array<i32>} : memref<128x128xf32, #tpu.memory_space<vmem>>, vector<1x16xf32>,
      %get3A_390 = arith.index_cast %scan3A_359 : i32 to index
      %get3A_391 = arith.constant 32 : index
      %get3A_392 = tpu.vector_load %arg10[%get3A_390, %get3A_391] {strides = array<i32>} : memref<128x128xf32, #tpu.memory_space<vmem>>, vector<1x16xf32>,
      %get3A_393 = vector.shape_cast %get3A_392 : vector<1x16xf32> to vector<16xf32>
      %mul3A_394 = arith.mulf %get3A_393, %div3A_370 : vector<16xf32>
      %swap3A_395 = arith.index_cast %scan3A_359 : i32 to index
      %swap3A_396 = arith.constant 32 : index
      %swap3A_397 = tpu.vector_load %arg10[%swap3A_395, %swap3A_396] {strides = array<i32>} : memref<128x128xf32, #tpu.memory_space<vmem>>, vector<1x16xf32>,
      %swap3A_398 = vector.shape_cast %swap3A_397 : vector<1x16xf32> to vector<16xf32>
      %swap3A_399 = vector.shape_cast %mul3A_394 : vector<16xf32> to vector<1x16xf32>
      tpu.vector_store %arg10[%swap3A_395, %swap3A_396], %swap3A_399 {strides = array<i32>} : memref<128x128xf32, #tpu.memory_space<vmem>>, vector<1x16xf32>,
      %get3A_400 = arith.index_cast %scan3A_359 : i32 to index
      %get3A_401 = arith.constant 48 : index
      %get3A_402 = tpu.vector_load %arg10[%get3A_400, %get3A_401] {strides = array<i32>} : memref<128x128xf32, #tpu.memory_space<vmem>>, vector<1x16xf32>,
      %get3A_403 = vector.shape_cast %get3A_402 : vector<1x16xf32> to vector<16xf32>
      %mul3A_404 = arith.mulf %get3A_403, %div3A_370 : vector<16xf32>
      %swap3A_405 = arith.index_cast %scan3A_359 : i32 to index
      %swap3A_406 = arith.constant 48 : index
      %swap3A_407 = tpu.vector_load %arg10[%swap3A_405, %swap3A_406] {strides = array<i32>} : memref<128x128xf32, #tpu.memory_space<vmem>>, vector<1x16xf32>,
      %swap3A_408 = vector.shape_cast %swap3A_407 : vector<1x16xf32> to vector<16xf32>
      %swap3A_409 = vector.shape_cast %mul3A_404 : vector<16xf32> to vector<1x16xf32>
      tpu.vector_store %arg10[%swap3A_405, %swap3A_406], %swap3A_409 {strides = array<i32>} : memref<128x128xf32, #tpu.memory_space<vmem>>, vector<1x16xf32>,
      %get3A_410 = arith.index_cast %scan3A_359 : i32 to index
      %get3A_411 = arith.constant 64 : index
      %get3A_412 = tpu.vector_load %arg10[%get3A_410, %get3A_411] {strides = array<i32>} : memref<128x128xf32, #tpu.memory_space<vmem>>, vector<1x16xf32>,
      %get3A_413 = vector.shape_cast %get3A_412 : vector<1x16xf32> to vector<16xf32>
      %mul3A_414 = arith.mulf %get3A_413, %div3A_370 : vector<16xf32>
      %swap3A_415 = arith.index_cast %scan3A_359 : i32 to index
      %swap3A_416 = arith.constant 64 : index
      %swap3A_417 = tpu.vector_load %arg10[%swap3A_415, %swap3A_416] {strides = array<i32>} : memref<128x128xf32, #tpu.memory_space<vmem>>, vector<1x16xf32>,
      %swap3A_418 = vector.shape_cast %swap3A_417 : vector<1x16xf32> to vector<16xf32>
      %swap3A_419 = vector.shape_cast %mul3A_414 : vector<16xf32> to vector<1x16xf32>
      tpu.vector_store %arg10[%swap3A_415, %swap3A_416], %swap3A_419 {strides = array<i32>} : memref<128x128xf32, #tpu.memory_space<vmem>>, vector<1x16xf32>,
      %get3A_420 = arith.index_cast %scan3A_359 : i32 to index
      %get3A_421 = arith.constant 80 : index
      %get3A_422 = tpu.vector_load %arg10[%get3A_420, %get3A_421] {strides = array<i32>} : memref<128x128xf32, #tpu.memory_space<vmem>>, vector<1x16xf32>,
      %get3A_423 = vector.shape_cast %get3A_422 : vector<1x16xf32> to vector<16xf32>
      %mul3A_424 = arith.mulf %get3A_423, %div3A_370 : vector<16xf32>
      %swap3A_425 = arith.index_cast %scan3A_359 : i32 to index
      %swap3A_426 = arith.constant 80 : index
      %swap3A_427 = tpu.vector_load %arg10[%swap3A_425, %swap3A_426] {strides = array<i32>} : memref<128x128xf32, #tpu.memory_space<vmem>>, vector<1x16xf32>,
      %swap3A_428 = vector.shape_cast %swap3A_427 : vector<1x16xf32> to vector<16xf32>
      %swap3A_429 = vector.shape_cast %mul3A_424 : vector<16xf32> to vector<1x16xf32>
      tpu.vector_store %arg10[%swap3A_425, %swap3A_426], %swap3A_429 {strides = array<i32>} : memref<128x128xf32, #tpu.memory_space<vmem>>, vector<1x16xf32>,
      %get3A_430 = arith.index_cast %scan3A_359 : i32 to index
      %get3A_431 = arith.constant 96 : index
      %get3A_432 = tpu.vector_load %arg10[%get3A_430, %get3A_431] {strides = array<i32>} : memref<128x128xf32, #tpu.memory_space<vmem>>, vector<1x16xf32>,
      %get3A_433 = vector.shape_cast %get3A_432 : vector<1x16xf32> to vector<16xf32>
      %mul3A_434 = arith.mulf %get3A_433, %div3A_370 : vector<16xf32>
      %swap3A_435 = arith.index_cast %scan3A_359 : i32 to index
      %swap3A_436 = arith.constant 96 : index
      %swap3A_437 = tpu.vector_load %arg10[%swap3A_435, %swap3A_436] {strides = array<i32>} : memref<128x128xf32, #tpu.memory_space<vmem>>, vector<1x16xf32>,
      %swap3A_438 = vector.shape_cast %swap3A_437 : vector<1x16xf32> to vector<16xf32>
      %swap3A_439 = vector.shape_cast %mul3A_434 : vector<16xf32> to vector<1x16xf32>
      tpu.vector_store %arg10[%swap3A_435, %swap3A_436], %swap3A_439 {strides = array<i32>} : memref<128x128xf32, #tpu.memory_space<vmem>>, vector<1x16xf32>,
      %get3A_440 = arith.index_cast %scan3A_359 : i32 to index
      %get3A_441 = arith.constant 112 : index
      %get3A_442 = tpu.vector_load %arg10[%get3A_440, %get3A_441] {strides = array<i32>} : memref<128x128xf32, #tpu.memory_space<vmem>>, vector<1x16xf32>,
      %get3A_443 = vector.shape_cast %get3A_442 : vector<1x16xf32> to vector<16xf32>
      %mul3A_444 = arith.mulf %get3A_443, %div3A_370 : vector<16xf32>
      %swap3A_445 = arith.index_cast %scan3A_359 : i32 to index
      %swap3A_446 = arith.constant 112 : index
      %swap3A_447 = tpu.vector_load %arg10[%swap3A_445, %swap3A_446] {strides = array<i32>} : memref<128x128xf32, #tpu.memory_space<vmem>>, vector<1x16xf32>,
      %swap3A_448 = vector.shape_cast %swap3A_447 : vector<1x16xf32> to vector<16xf32>
      %swap3A_449 = vector.shape_cast %mul3A_444 : vector<16xf32> to vector<1x16xf32>
      tpu.vector_store %arg10[%swap3A_445, %swap3A_446], %swap3A_449 {strides = array<i32>} : memref<128x128xf32, #tpu.memory_space<vmem>>, vector<1x16xf32>,
      %scan3A_450 = arith.constant 0 : i32
      scf.yield %scan3A_450 : i32
    }
    %scan3A_235 = arith.constant 88 : i32
    %add3A_236 = arith.constant 3456 : i32
    %add3A_237 = arith.addi %add3A_236, %mul3A_209 : i32
    %add3A_238 = arith.constant 128 : i32
    %add3A_239 = arith.addi %add3A_237, %add3A_238 : i32
    "tpu.region"() ({
      %run_scoped3A = tpu.sem_alloc : memref<!tpu.dma_semaphore, #tpu.memory_space<semaphore_mem>>
      %dma_start3A_359 = arith.constant 0 : i32
      %dma_start3A_360 = arith.constant 0 : i32
      %dma_start3A_361 = tpu.memref_slice %arg10[%dma_start3A_359, %dma_start3A_360] : memref<128x128xf32, #tpu.memory_space<vmem>> -> memref<88x128xf32, #tpu.memory_space<vmem>>
      %dma_start3A_362 = tpu.memref_slice %arg5[%add3A_239, %mul3A_0] : memref<10240x256xf32, #tpu.memory_space<hbm>> -> memref<88x128xf32, #tpu.memory_space<hbm>>
      %dma_start3A_363 = tpu.memref_slice %arg5[%add3A_239, %mul3A_0] : memref<10240x256xf32, #tpu.memory_space<hbm>> -> memref<88x128xf32, #tpu.memory_space<hbm>>
      %dma_start3A_364 = arith.constant 0 : i32
      %dma_start3A_365 = arith.constant 0 : i32
      %dma_start3A_366 = tpu.memref_slice %arg10[%dma_start3A_364, %dma_start3A_365] : memref<128x128xf32, #tpu.memory_space<vmem>> -> memref<88x128xf32, #tpu.memory_space<vmem>>
      tpu.enqueue_dma source(%dma_start3A_366 : memref<88x128xf32, #tpu.memory_space<vmem>>) target(%dma_start3A_363 : memref<88x128xf32, #tpu.memory_space<hbm>>) target_semaphore(%run_scoped3A : memref<!tpu.dma_semaphore, #tpu.memory_space<semaphore_mem>>)
      %dma_wait3A_367 = arith.constant 0 : i32
      %dma_wait3A_368 = arith.constant 0 : i32
      %dma_wait3A_369 = tpu.memref_slice %arg10[%dma_wait3A_367, %dma_wait3A_368] : memref<128x128xf32, #tpu.memory_space<vmem>> -> memref<88x128xf32, #tpu.memory_space<vmem>>
      %dma_wait3A_370 = tpu.memref_slice %arg5[%add3A_239, %mul3A_0] : memref<10240x256xf32, #tpu.memory_space<hbm>> -> memref<88x128xf32, #tpu.memory_space<hbm>>
      %dma_wait3A_371 = tpu.memref_slice %arg5[%add3A_239, %mul3A_0] : memref<10240x256xf32, #tpu.memory_space<hbm>> -> memref<88x128xf32, #tpu.memory_space<hbm>>
      %dma_wait3A_372 = arith.constant 0 : i32
      %dma_wait3A_373 = arith.constant 0 : i32
      %dma_wait3A_374 = tpu.memref_slice %arg10[%dma_wait3A_372, %dma_wait3A_373] : memref<128x128xf32, #tpu.memory_space<vmem>> -> memref<88x128xf32, #tpu.memory_space<vmem>>
      tpu.wait_dma2 semaphore(%run_scoped3A : memref<!tpu.dma_semaphore, #tpu.memory_space<semaphore_mem>>) src(%dma_wait3A_374 : memref<88x128xf32, #tpu.memory_space<vmem>>) dst(%dma_wait3A_371 : memref<88x128xf32, #tpu.memory_space<hbm>>)
      tpu.yield
    }) : () -> ()
    %scan3A_240 = arith.constant 0 : i32
    %scan3A_241 = arith.constant 0 : i32
    %scan3A_242 = arith.constant 128 : i32
    %scan3A_243 = arith.addi %scan3A_241, %scan3A_242 : i32
    %scan3A_244 = arith.constant 1 : i32
    %scan3A_245 = scf.for %scan3A_359 = %scan3A_241 to %scan3A_243 step %scan3A_244 iter_args(%scan3A_360 = %scan3A_240) -> (i32)  : i32 {
      %swap3A = arith.index_cast %scan3A_359 : i32 to index
      %swap3A_361 = arith.constant 0 : index
      %swap3A_362 = tpu.vector_load %arg10[%swap3A, %swap3A_361] {strides = array<i32>} : memref<128x128xf32, #tpu.memory_space<vmem>>, vector<1x16xf32>,
      %swap3A_363 = vector.shape_cast %swap3A_362 : vector<1x16xf32> to vector<16xf32>
      %swap3A_364 = vector.shape_cast %broadcast_in_dim3A_3 : vector<16xf32> to vector<1x16xf32>
      tpu.vector_store %arg10[%swap3A, %swap3A_361], %swap3A_364 {strides = array<i32>} : memref<128x128xf32, #tpu.memory_space<vmem>>, vector<1x16xf32>,
      %swap3A_365 = arith.index_cast %scan3A_359 : i32 to index
      %swap3A_366 = arith.constant 16 : index
      %swap3A_367 = tpu.vector_load %arg10[%swap3A_365, %swap3A_366] {strides = array<i32>} : memref<128x128xf32, #tpu.memory_space<vmem>>, vector<1x16xf32>,
      %swap3A_368 = vector.shape_cast %swap3A_367 : vector<1x16xf32> to vector<16xf32>
      %swap3A_369 = vector.shape_cast %broadcast_in_dim3A_3 : vector<16xf32> to vector<1x16xf32>
      tpu.vector_store %arg10[%swap3A_365, %swap3A_366], %swap3A_369 {strides = array<i32>} : memref<128x128xf32, #tpu.memory_space<vmem>>, vector<1x16xf32>,
      %swap3A_370 = arith.index_cast %scan3A_359 : i32 to index
      %swap3A_371 = arith.constant 32 : index
      %swap3A_372 = tpu.vector_load %arg10[%swap3A_370, %swap3A_371] {strides = array<i32>} : memref<128x128xf32, #tpu.memory_space<vmem>>, vector<1x16xf32>,
      %swap3A_373 = vector.shape_cast %swap3A_372 : vector<1x16xf32> to vector<16xf32>
      %swap3A_374 = vector.shape_cast %broadcast_in_dim3A_3 : vector<16xf32> to vector<1x16xf32>
      tpu.vector_store %arg10[%swap3A_370, %swap3A_371], %swap3A_374 {strides = array<i32>} : memref<128x128xf32, #tpu.memory_space<vmem>>, vector<1x16xf32>,
      %swap3A_375 = arith.index_cast %scan3A_359 : i32 to index
      %swap3A_376 = arith.constant 48 : index
      %swap3A_377 = tpu.vector_load %arg10[%swap3A_375, %swap3A_376] {strides = array<i32>} : memref<128x128xf32, #tpu.memory_space<vmem>>, vector<1x16xf32>,
      %swap3A_378 = vector.shape_cast %swap3A_377 : vector<1x16xf32> to vector<16xf32>
      %swap3A_379 = vector.shape_cast %broadcast_in_dim3A_3 : vector<16xf32> to vector<1x16xf32>
      tpu.vector_store %arg10[%swap3A_375, %swap3A_376], %swap3A_379 {strides = array<i32>} : memref<128x128xf32, #tpu.memory_space<vmem>>, vector<1x16xf32>,
      %swap3A_380 = arith.index_cast %scan3A_359 : i32 to index
      %swap3A_381 = arith.constant 64 : index
      %swap3A_382 = tpu.vector_load %arg10[%swap3A_380, %swap3A_381] {strides = array<i32>} : memref<128x128xf32, #tpu.memory_space<vmem>>, vector<1x16xf32>,
      %swap3A_383 = vector.shape_cast %swap3A_382 : vector<1x16xf32> to vector<16xf32>
      %swap3A_384 = vector.shape_cast %broadcast_in_dim3A_3 : vector<16xf32> to vector<1x16xf32>
      tpu.vector_store %arg10[%swap3A_380, %swap3A_381], %swap3A_384 {strides = array<i32>} : memref<128x128xf32, #tpu.memory_space<vmem>>, vector<1x16xf32>,
      %swap3A_385 = arith.index_cast %scan3A_359 : i32 to index
      %swap3A_386 = arith.constant 80 : index
      %swap3A_387 = tpu.vector_load %arg10[%swap3A_385, %swap3A_386] {strides = array<i32>} : memref<128x128xf32, #tpu.memory_space<vmem>>, vector<1x16xf32>,
      %swap3A_388 = vector.shape_cast %swap3A_387 : vector<1x16xf32> to vector<16xf32>
      %swap3A_389 = vector.shape_cast %broadcast_in_dim3A_3 : vector<16xf32> to vector<1x16xf32>
      tpu.vector_store %arg10[%swap3A_385, %swap3A_386], %swap3A_389 {strides = array<i32>} : memref<128x128xf32, #tpu.memory_space<vmem>>, vector<1x16xf32>,
      %swap3A_390 = arith.index_cast %scan3A_359 : i32 to index
      %swap3A_391 = arith.constant 96 : index
      %swap3A_392 = tpu.vector_load %arg10[%swap3A_390, %swap3A_391] {strides = array<i32>} : memref<128x128xf32, #tpu.memory_space<vmem>>, vector<1x16xf32>,
      %swap3A_393 = vector.shape_cast %swap3A_392 : vector<1x16xf32> to vector<16xf32>
      %swap3A_394 = vector.shape_cast %broadcast_in_dim3A_3 : vector<16xf32> to vector<1x16xf32>
      tpu.vector_store %arg10[%swap3A_390, %swap3A_391], %swap3A_394 {strides = array<i32>} : memref<128x128xf32, #tpu.memory_space<vmem>>, vector<1x16xf32>,
      %swap3A_395 = arith.index_cast %scan3A_359 : i32 to index
      %swap3A_396 = arith.constant 112 : index
      %swap3A_397 = tpu.vector_load %arg10[%swap3A_395, %swap3A_396] {strides = array<i32>} : memref<128x128xf32, #tpu.memory_space<vmem>>, vector<1x16xf32>,
      %swap3A_398 = vector.shape_cast %swap3A_397 : vector<1x16xf32> to vector<16xf32>
      %swap3A_399 = vector.shape_cast %broadcast_in_dim3A_3 : vector<16xf32> to vector<1x16xf32>
      tpu.vector_store %arg10[%swap3A_395, %swap3A_396], %swap3A_399 {strides = array<i32>} : memref<128x128xf32, #tpu.memory_space<vmem>>, vector<1x16xf32>,
      %swap3A_400 = arith.index_cast %scan3A_359 : i32 to index
      %swap3A_401 = arith.constant 0 : index
      %swap3A_402 = tpu.vector_load %arg11[%swap3A_400, %swap3A_401] {strides = array<i32>} : memref<128x16xf32, #tpu.memory_space<vmem>>, vector<1x16xf32>,
      %swap3A_403 = vector.shape_cast %swap3A_402 : vector<1x16xf32> to vector<16xf32>
      %swap3A_404 = vector.shape_cast %broadcast_in_dim3A_3 : vector<16xf32> to vector<1x16xf32>
      tpu.vector_store %arg11[%swap3A_400, %swap3A_401], %swap3A_404 {strides = array<i32>} : memref<128x16xf32, #tpu.memory_space<vmem>>, vector<1x16xf32>,
      %scan3A_405 = arith.constant 0 : i32
      scf.yield %scan3A_405 : i32
    }
    %scan3A_246 = arith.constant 128 : i32
    %mul3A_247 = arith.constant 216 : i32
    %mul3A_248 = arith.muli %arg1, %mul3A_247 : i32
    %add3A_249 = arith.constant 0 : i32
    %add3A_250 = arith.addi %mul3A_248, %add3A_249 : i32
    "tpu.region"() ({
      %run_scoped3A = tpu.sem_alloc : memref<!tpu.dma_semaphore, #tpu.memory_space<semaphore_mem>>
      %dma_start3A_359 = arith.constant 0 : i32
      %dma_start3A_360 = arith.constant 0 : i32
      %dma_start3A_361 = tpu.memref_slice %arg10[%dma_start3A_359, %dma_start3A_360] : memref<128x128xf32, #tpu.memory_space<vmem>> -> memref<128x128xf32, #tpu.memory_space<vmem>>
      %dma_start3A_362 = arith.constant 0 : i32
      %dma_start3A_363 = tpu.memref_slice %arg13[%add3A_250, %dma_start3A_362] : memref<3464x128xf32, #tpu.memory_space<vmem_shared>> -> memref<128x128xf32, #tpu.memory_space<vmem_shared>>
      %dma_start3A_364 = arith.constant 0 : i32
      %dma_start3A_365 = tpu.memref_slice %arg13[%add3A_250, %dma_start3A_364] : memref<3464x128xf32, #tpu.memory_space<vmem_shared>> -> memref<128x128xf32, #tpu.memory_space<vmem_shared>>
      %dma_start3A_366 = arith.constant 0 : i32
      %dma_start3A_367 = arith.constant 0 : i32
      %dma_start3A_368 = tpu.memref_slice %arg10[%dma_start3A_366, %dma_start3A_367] : memref<128x128xf32, #tpu.memory_space<vmem>> -> memref<128x128xf32, #tpu.memory_space<vmem>>
      tpu.enqueue_dma source(%dma_start3A_368 : memref<128x128xf32, #tpu.memory_space<vmem>>) target(%dma_start3A_365 : memref<128x128xf32, #tpu.memory_space<vmem_shared>>) target_semaphore(%run_scoped3A : memref<!tpu.dma_semaphore, #tpu.memory_space<semaphore_mem>>)
      %dma_wait3A_369 = arith.constant 0 : i32
      %dma_wait3A_370 = arith.constant 0 : i32
      %dma_wait3A_371 = tpu.memref_slice %arg10[%dma_wait3A_369, %dma_wait3A_370] : memref<128x128xf32, #tpu.memory_space<vmem>> -> memref<128x128xf32, #tpu.memory_space<vmem>>
      %dma_wait3A_372 = arith.constant 0 : i32
      %dma_wait3A_373 = tpu.memref_slice %arg13[%add3A_250, %dma_wait3A_372] : memref<3464x128xf32, #tpu.memory_space<vmem_shared>> -> memref<128x128xf32, #tpu.memory_space<vmem_shared>>
      %dma_wait3A_374 = arith.constant 0 : i32
      %dma_wait3A_375 = tpu.memref_slice %arg13[%add3A_250, %dma_wait3A_374] : memref<3464x128xf32, #tpu.memory_space<vmem_shared>> -> memref<128x128xf32, #tpu.memory_space<vmem_shared>>
      %dma_wait3A_376 = arith.constant 0 : i32
      %dma_wait3A_377 = arith.constant 0 : i32
      %dma_wait3A_378 = tpu.memref_slice %arg10[%dma_wait3A_376, %dma_wait3A_377] : memref<128x128xf32, #tpu.memory_space<vmem>> -> memref<128x128xf32, #tpu.memory_space<vmem>>
      tpu.wait_dma2 semaphore(%run_scoped3A : memref<!tpu.dma_semaphore, #tpu.memory_space<semaphore_mem>>) src(%dma_wait3A_378 : memref<128x128xf32, #tpu.memory_space<vmem>>) dst(%dma_wait3A_375 : memref<128x128xf32, #tpu.memory_space<vmem_shared>>)
      tpu.yield
    }) : () -> ()
    %add3A_251 = arith.constant 0 : i32
    %add3A_252 = arith.addi %mul3A_248, %add3A_251 : i32
    "tpu.region"() ({
      %run_scoped3A = tpu.sem_alloc : memref<!tpu.dma_semaphore, #tpu.memory_space<semaphore_mem>>
      %dma_start3A_359 = arith.constant 0 : i32
      %dma_start3A_360 = arith.constant 0 : i32
      %dma_start3A_361 = tpu.memref_slice %arg11[%dma_start3A_359, %dma_start3A_360] : memref<128x16xf32, #tpu.memory_space<vmem>> -> memref<128x16xf32, #tpu.memory_space<vmem>>
      %dma_start3A_362 = arith.constant 0 : i32
      %dma_start3A_363 = tpu.memref_slice %arg14[%add3A_252, %dma_start3A_362] : memref<3464x16xf32, #tpu.memory_space<vmem_shared>> -> memref<128x16xf32, #tpu.memory_space<vmem_shared>>
      %dma_start3A_364 = arith.constant 0 : i32
      %dma_start3A_365 = tpu.memref_slice %arg14[%add3A_252, %dma_start3A_364] : memref<3464x16xf32, #tpu.memory_space<vmem_shared>> -> memref<128x16xf32, #tpu.memory_space<vmem_shared>>
      %dma_start3A_366 = arith.constant 0 : i32
      %dma_start3A_367 = arith.constant 0 : i32
      %dma_start3A_368 = tpu.memref_slice %arg11[%dma_start3A_366, %dma_start3A_367] : memref<128x16xf32, #tpu.memory_space<vmem>> -> memref<128x16xf32, #tpu.memory_space<vmem>>
      tpu.enqueue_dma source(%dma_start3A_368 : memref<128x16xf32, #tpu.memory_space<vmem>>) target(%dma_start3A_365 : memref<128x16xf32, #tpu.memory_space<vmem_shared>>) target_semaphore(%run_scoped3A : memref<!tpu.dma_semaphore, #tpu.memory_space<semaphore_mem>>)
      %dma_wait3A_369 = arith.constant 0 : i32
      %dma_wait3A_370 = arith.constant 0 : i32
      %dma_wait3A_371 = tpu.memref_slice %arg11[%dma_wait3A_369, %dma_wait3A_370] : memref<128x16xf32, #tpu.memory_space<vmem>> -> memref<128x16xf32, #tpu.memory_space<vmem>>
      %dma_wait3A_372 = arith.constant 0 : i32
      %dma_wait3A_373 = tpu.memref_slice %arg14[%add3A_252, %dma_wait3A_372] : memref<3464x16xf32, #tpu.memory_space<vmem_shared>> -> memref<128x16xf32, #tpu.memory_space<vmem_shared>>
      %dma_wait3A_374 = arith.constant 0 : i32
      %dma_wait3A_375 = tpu.memref_slice %arg14[%add3A_252, %dma_wait3A_374] : memref<3464x16xf32, #tpu.memory_space<vmem_shared>> -> memref<128x16xf32, #tpu.memory_space<vmem_shared>>
      %dma_wait3A_376 = arith.constant 0 : i32
      %dma_wait3A_377 = arith.constant 0 : i32
      %dma_wait3A_378 = tpu.memref_slice %arg11[%dma_wait3A_376, %dma_wait3A_377] : memref<128x16xf32, #tpu.memory_space<vmem>> -> memref<128x16xf32, #tpu.memory_space<vmem>>
      tpu.wait_dma2 semaphore(%run_scoped3A : memref<!tpu.dma_semaphore, #tpu.memory_space<semaphore_mem>>) src(%dma_wait3A_378 : memref<128x16xf32, #tpu.memory_space<vmem>>) dst(%dma_wait3A_375 : memref<128x16xf32, #tpu.memory_space<vmem_shared>>)
      tpu.yield
    }) : () -> ()
    %add3A_253 = arith.constant 128 : i32
    %add3A_254 = arith.addi %mul3A_248, %add3A_253 : i32
    "tpu.region"() ({
      %run_scoped3A = tpu.sem_alloc : memref<!tpu.dma_semaphore, #tpu.memory_space<semaphore_mem>>
      %dma_start3A_359 = arith.constant 0 : i32
      %dma_start3A_360 = arith.constant 0 : i32
      %dma_start3A_361 = tpu.memref_slice %arg10[%dma_start3A_359, %dma_start3A_360] : memref<128x128xf32, #tpu.memory_space<vmem>> -> memref<88x128xf32, #tpu.memory_space<vmem>>
      %dma_start3A_362 = arith.constant 0 : i32
      %dma_start3A_363 = tpu.memref_slice %arg13[%add3A_254, %dma_start3A_362] : memref<3464x128xf32, #tpu.memory_space<vmem_shared>> -> memref<88x128xf32, #tpu.memory_space<vmem_shared>>
      %dma_start3A_364 = arith.constant 0 : i32
      %dma_start3A_365 = tpu.memref_slice %arg13[%add3A_254, %dma_start3A_364] : memref<3464x128xf32, #tpu.memory_space<vmem_shared>> -> memref<88x128xf32, #tpu.memory_space<vmem_shared>>
      %dma_start3A_366 = arith.constant 0 : i32
      %dma_start3A_367 = arith.constant 0 : i32
      %dma_start3A_368 = tpu.memref_slice %arg10[%dma_start3A_366, %dma_start3A_367] : memref<128x128xf32, #tpu.memory_space<vmem>> -> memref<88x128xf32, #tpu.memory_space<vmem>>
      tpu.enqueue_dma source(%dma_start3A_368 : memref<88x128xf32, #tpu.memory_space<vmem>>) target(%dma_start3A_365 : memref<88x128xf32, #tpu.memory_space<vmem_shared>>) target_semaphore(%run_scoped3A : memref<!tpu.dma_semaphore, #tpu.memory_space<semaphore_mem>>)
      %dma_wait3A_369 = arith.constant 0 : i32
      %dma_wait3A_370 = arith.constant 0 : i32
      %dma_wait3A_371 = tpu.memref_slice %arg10[%dma_wait3A_369, %dma_wait3A_370] : memref<128x128xf32, #tpu.memory_space<vmem>> -> memref<88x128xf32, #tpu.memory_space<vmem>>
      %dma_wait3A_372 = arith.constant 0 : i32
      %dma_wait3A_373 = tpu.memref_slice %arg13[%add3A_254, %dma_wait3A_372] : memref<3464x128xf32, #tpu.memory_space<vmem_shared>> -> memref<88x128xf32, #tpu.memory_space<vmem_shared>>
      %dma_wait3A_374 = arith.constant 0 : i32
      %dma_wait3A_375 = tpu.memref_slice %arg13[%add3A_254, %dma_wait3A_374] : memref<3464x128xf32, #tpu.memory_space<vmem_shared>> -> memref<88x128xf32, #tpu.memory_space<vmem_shared>>
      %dma_wait3A_376 = arith.constant 0 : i32
      %dma_wait3A_377 = arith.constant 0 : i32
      %dma_wait3A_378 = tpu.memref_slice %arg10[%dma_wait3A_376, %dma_wait3A_377] : memref<128x128xf32, #tpu.memory_space<vmem>> -> memref<88x128xf32, #tpu.memory_space<vmem>>
      tpu.wait_dma2 semaphore(%run_scoped3A : memref<!tpu.dma_semaphore, #tpu.memory_space<semaphore_mem>>) src(%dma_wait3A_378 : memref<88x128xf32, #tpu.memory_space<vmem>>) dst(%dma_wait3A_375 : memref<88x128xf32, #tpu.memory_space<vmem_shared>>)
      tpu.yield
    }) : () -> ()
    %add3A_255 = arith.constant 128 : i32
    %add3A_256 = arith.addi %mul3A_248, %add3A_255 : i32
    "tpu.region"() ({
      %run_scoped3A = tpu.sem_alloc : memref<!tpu.dma_semaphore, #tpu.memory_space<semaphore_mem>>
      %dma_start3A_359 = arith.constant 0 : i32
      %dma_start3A_360 = arith.constant 0 : i32
      %dma_start3A_361 = tpu.memref_slice %arg11[%dma_start3A_359, %dma_start3A_360] : memref<128x16xf32, #tpu.memory_space<vmem>> -> memref<88x16xf32, #tpu.memory_space<vmem>>
      %dma_start3A_362 = arith.constant 0 : i32
      %dma_start3A_363 = tpu.memref_slice %arg14[%add3A_256, %dma_start3A_362] : memref<3464x16xf32, #tpu.memory_space<vmem_shared>> -> memref<88x16xf32, #tpu.memory_space<vmem_shared>>
      %dma_start3A_364 = arith.constant 0 : i32
      %dma_start3A_365 = tpu.memref_slice %arg14[%add3A_256, %dma_start3A_364] : memref<3464x16xf32, #tpu.memory_space<vmem_shared>> -> memref<88x16xf32, #tpu.memory_space<vmem_shared>>
      %dma_start3A_366 = arith.constant 0 : i32
      %dma_start3A_367 = arith.constant 0 : i32
      %dma_start3A_368 = tpu.memref_slice %arg11[%dma_start3A_366, %dma_start3A_367] : memref<128x16xf32, #tpu.memory_space<vmem>> -> memref<88x16xf32, #tpu.memory_space<vmem>>
      tpu.enqueue_dma source(%dma_start3A_368 : memref<88x16xf32, #tpu.memory_space<vmem>>) target(%dma_start3A_365 : memref<88x16xf32, #tpu.memory_space<vmem_shared>>) target_semaphore(%run_scoped3A : memref<!tpu.dma_semaphore, #tpu.memory_space<semaphore_mem>>)
      %dma_wait3A_369 = arith.constant 0 : i32
      %dma_wait3A_370 = arith.constant 0 : i32
      %dma_wait3A_371 = tpu.memref_slice %arg11[%dma_wait3A_369, %dma_wait3A_370] : memref<128x16xf32, #tpu.memory_space<vmem>> -> memref<88x16xf32, #tpu.memory_space<vmem>>
      %dma_wait3A_372 = arith.constant 0 : i32
      %dma_wait3A_373 = tpu.memref_slice %arg14[%add3A_256, %dma_wait3A_372] : memref<3464x16xf32, #tpu.memory_space<vmem_shared>> -> memref<88x16xf32, #tpu.memory_space<vmem_shared>>
      %dma_wait3A_374 = arith.constant 0 : i32
      %dma_wait3A_375 = tpu.memref_slice %arg14[%add3A_256, %dma_wait3A_374] : memref<3464x16xf32, #tpu.memory_space<vmem_shared>> -> memref<88x16xf32, #tpu.memory_space<vmem_shared>>
      %dma_wait3A_376 = arith.constant 0 : i32
      %dma_wait3A_377 = arith.constant 0 : i32
      %dma_wait3A_378 = tpu.memref_slice %arg11[%dma_wait3A_376, %dma_wait3A_377] : memref<128x16xf32, #tpu.memory_space<vmem>> -> memref<88x16xf32, #tpu.memory_space<vmem>>
      tpu.wait_dma2 semaphore(%run_scoped3A : memref<!tpu.dma_semaphore, #tpu.memory_space<semaphore_mem>>) src(%dma_wait3A_378 : memref<88x16xf32, #tpu.memory_space<vmem>>) dst(%dma_wait3A_375 : memref<88x16xf32, #tpu.memory_space<vmem_shared>>)
      tpu.yield
    }) : () -> ()
    %barrier3A_257 = arith.constant 0 : index
    tpu.barrier barrier_id(%barrier3A_257)
    %add3A_258 = arith.constant 32 : i32
    %add3A_259 = arith.addi %add3A_258, %arg1 : i32
    "tpu.region"() ({
      %run_scoped3A = tpu.sem_alloc : memref<!tpu.dma_semaphore, #tpu.memory_space<semaphore_mem>>
      %dma_start3A_359 = arith.constant 0 : i32
      %dma_start3A_360 = arith.constant 0 : i32
      %dma_start3A_361 = tpu.memref_slice %arg3[%add3A_259, %dma_start3A_359, %dma_start3A_360] : memref<48x88x128xi32, #tpu.memory_space<hbm>> -> memref<1x88x128xi32, #tpu.memory_space<hbm>>
      %dma_start3A_362 = tpu.memref_squeeze %dma_start3A_361 : memref<1x88x128xi32, #tpu.memory_space<hbm>> -> memref<88x128xi32, #tpu.memory_space<hbm>>
      %dma_start3A_363 = arith.constant 0 : i32
      %dma_start3A_364 = arith.constant 0 : i32
      %dma_start3A_365 = tpu.memref_slice %arg3[%add3A_259, %dma_start3A_363, %dma_start3A_364] : memref<48x88x128xi32, #tpu.memory_space<hbm>> -> memref<1x88x128xi32, #tpu.memory_space<hbm>>
      %dma_start3A_366 = tpu.memref_squeeze %dma_start3A_365 : memref<1x88x128xi32, #tpu.memory_space<hbm>> -> memref<88x128xi32, #tpu.memory_space<hbm>>
      tpu.enqueue_dma source(%dma_start3A_366 : memref<88x128xi32, #tpu.memory_space<hbm>>) target(%arg7 : memref<88x128xi32, #tpu.memory_space<vmem>>) target_semaphore(%run_scoped3A : memref<!tpu.dma_semaphore, #tpu.memory_space<semaphore_mem>>)
      %dma_wait3A_367 = arith.constant 0 : i32
      %dma_wait3A_368 = arith.constant 0 : i32
      %dma_wait3A_369 = tpu.memref_slice %arg3[%add3A_259, %dma_wait3A_367, %dma_wait3A_368] : memref<48x88x128xi32, #tpu.memory_space<hbm>> -> memref<1x88x128xi32, #tpu.memory_space<hbm>>
      %dma_wait3A_370 = tpu.memref_squeeze %dma_wait3A_369 : memref<1x88x128xi32, #tpu.memory_space<hbm>> -> memref<88x128xi32, #tpu.memory_space<hbm>>
      %dma_wait3A_371 = arith.constant 0 : i32
      %dma_wait3A_372 = arith.constant 0 : i32
      %dma_wait3A_373 = tpu.memref_slice %arg3[%add3A_259, %dma_wait3A_371, %dma_wait3A_372] : memref<48x88x128xi32, #tpu.memory_space<hbm>> -> memref<1x88x128xi32, #tpu.memory_space<hbm>>
      %dma_wait3A_374 = tpu.memref_squeeze %dma_wait3A_373 : memref<1x88x128xi32, #tpu.memory_space<hbm>> -> memref<88x128xi32, #tpu.memory_space<hbm>>
      tpu.wait_dma2 semaphore(%run_scoped3A : memref<!tpu.dma_semaphore, #tpu.memory_space<semaphore_mem>>) src(%dma_wait3A_374 : memref<88x128xi32, #tpu.memory_space<hbm>>) dst(%arg7 : memref<88x128xi32, #tpu.memory_space<vmem>>)
      tpu.yield
    }) : () -> ()
    %sub3A_260 = arith.subi %squeeze3A_28, %squeeze3A_22 : i32
    %add3A_261 = arith.constant 1 : i32
    %add3A_262 = arith.addi %sub3A_260, %add3A_261 : i32
    %jit3A_263 = arith.constant 2 : i32
    %div3A_264 = arith.divsi %add3A_262, %jit3A_263 : i32
    %sign3A_265 = arith.constant 0 : i32
    %sign3A_266 = arith.cmpi sgt, %add3A_262, %sign3A_265 : i32
    %sign3A_267 = arith.extui %sign3A_266 : i1 to i32
    %sign3A_268 = arith.constant 0 : i32
    %sign3A_269 = arith.cmpi slt, %add3A_262, %sign3A_268 : i32
    %sign3A_270 = arith.extui %sign3A_269 : i1 to i32
    %sign3A_271 = arith.subi %sign3A_267, %sign3A_270 : i32
    %sign3A_272 = arith.constant 0 : i32
    %sign3A_273 = arith.cmpi sgt, %jit3A_263, %sign3A_272 : i32
    %sign3A_274 = arith.extui %sign3A_273 : i1 to i32
    %sign3A_275 = arith.constant 0 : i32
    %sign3A_276 = arith.cmpi slt, %jit3A_263, %sign3A_275 : i32
    %sign3A_277 = arith.extui %sign3A_276 : i1 to i32
    %sign3A_278 = arith.subi %sign3A_274, %sign3A_277 : i32
    %ne3A_279 = arith.cmpi ne, %sign3A_271, %sign3A_278 : i32
    %rem3A_280 = arith.remsi %add3A_262, %jit3A_263 : i32
    %ne3A_281 = arith.constant 0 : i32
    %ne3A_282 = arith.cmpi ne, %rem3A_280, %ne3A_281 : i32
    %and3A_283 = arith.andi %ne3A_279, %ne3A_282 : i1
    %sub3A_284 = arith.constant 1 : i32
    %sub3A_285 = arith.subi %div3A_264, %sub3A_284 : i32
    %select_n3A_286 = arith.select %and3A_283, %sub3A_285, %div3A_264 : i32
    %sub3A_287 = arith.constant 1 : i32
    %sub3A_288 = arith.subi %squeeze3A_28, %sub3A_287 : i32
    %min3A_289 = arith.minsi %squeeze3A_22, %sub3A_288 : i32
    %max3A_290 = arith.constant 0 : i32
    %max3A_291 = arith.maxsi %min3A_289, %max3A_290 : i32
    %mul3A_292 = arith.constant 128 : i32
    %mul3A_293 = arith.muli %arg1, %mul3A_292 : i32
    %mul3A_294 = arith.constant 2048 : i32
    %mul3A_295 = arith.muli %max3A_291, %mul3A_294 : i32
    %add3A_296 = arith.addi %mul3A_293, %mul3A_295 : i32
    %dma_start3A_297 = tpu.memref_slice %arg2[%add3A_296, %mul3A_0] : memref<160000x256xf32, #tpu.memory_space<hbm>> -> memref<128x128xf32, #tpu.memory_space<hbm>>
    %dma_start3A_298 = tpu.memref_slice %arg2[%add3A_296, %mul3A_0] : memref<160000x256xf32, #tpu.memory_space<hbm>> -> memref<128x128xf32, #tpu.memory_space<hbm>>
    tpu.enqueue_dma source(%dma_start3A_298 : memref<128x128xf32, #tpu.memory_space<hbm>>) target(%arg8 : memref<128x128xf32, #tpu.memory_space<vmem>>) target_semaphore(%arg15 : memref<!tpu.dma_semaphore, #tpu.memory_space<semaphore_mem>>)
    %while3A_299 = arith.constant 0 : i32
    %while3A_300 = arith.constant 0 : i32
    %while3A_301 = arith.subi %select_n3A_286, %while3A_299 : i32
    %while3A_302 = arith.addi %while3A_299, %while3A_301 : i32
    %while3A_303 = arith.constant 1 : i32
    %while3A_304 = arith.divsi %while3A_301, %while3A_303 : i32
    %while3A_305 = arith.muli %while3A_304, %while3A_303 : i32
    %while3A_306 = arith.addi %while3A_299, %while3A_305 : i32
    %while3A_307 = arith.constant 1 : i32
    %while3A_308 = scf.for %while3A_359 = %while3A_299 to %while3A_306 step %while3A_307 iter_args(%while3A_360 = %while3A_300) -> (i32)  : i32 {
      %mul3A_361 = arith.constant 2 : i32
      %mul3A_362 = arith.muli %mul3A_361, %while3A_359 : i32
      %add3A_363 = arith.addi %squeeze3A_22, %mul3A_362 : i32
      %add3A_364 = arith.constant 1 : i32
      %add3A_365 = arith.addi %add3A_363, %add3A_364 : i32
      %sub3A_366 = arith.constant 1 : i32
      %sub3A_367 = arith.subi %squeeze3A_28, %sub3A_366 : i32
      %min3A_368 = arith.minsi %add3A_365, %sub3A_367 : i32
      %max3A_369 = arith.constant 0 : i32
      %max3A_370 = arith.maxsi %min3A_368, %max3A_369 : i32
      %mul3A_371 = arith.constant 128 : i32
      %mul3A_372 = arith.muli %arg1, %mul3A_371 : i32
      %mul3A_373 = arith.constant 2048 : i32
      %mul3A_374 = arith.muli %max3A_370, %mul3A_373 : i32
      %add3A_375 = arith.addi %mul3A_372, %mul3A_374 : i32
      %dma_start3A_376 = tpu.memref_slice %arg2[%add3A_375, %mul3A_0] : memref<160000x256xf32, #tpu.memory_space<hbm>> -> memref<128x128xf32, #tpu.memory_space<hbm>>
      %dma_start3A_377 = tpu.memref_slice %arg2[%add3A_375, %mul3A_0] : memref<160000x256xf32, #tpu.memory_space<hbm>> -> memref<128x128xf32, #tpu.memory_space<hbm>>
      tpu.enqueue_dma source(%dma_start3A_377 : memref<128x128xf32, #tpu.memory_space<hbm>>) target(%arg9 : memref<128x128xf32, #tpu.memory_space<vmem>>) target_semaphore(%arg16 : memref<!tpu.dma_semaphore, #tpu.memory_space<semaphore_mem>>)
      %sub3A_378 = arith.constant 1 : i32
      %sub3A_379 = arith.subi %squeeze3A_28, %sub3A_378 : i32
      %min3A_380 = arith.minsi %add3A_363, %sub3A_379 : i32
      %max3A_381 = arith.constant 0 : i32
      %max3A_382 = arith.maxsi %min3A_380, %max3A_381 : i32
      %mul3A_383 = arith.constant 128 : i32
      %mul3A_384 = arith.muli %arg1, %mul3A_383 : i32
      %mul3A_385 = arith.constant 2048 : i32
      %mul3A_386 = arith.muli %max3A_382, %mul3A_385 : i32
      %add3A_387 = arith.addi %mul3A_384, %mul3A_386 : i32
      %dma_wait3A_388 = tpu.memref_slice %arg2[%add3A_387, %mul3A_0] : memref<160000x256xf32, #tpu.memory_space<hbm>> -> memref<128x128xf32, #tpu.memory_space<hbm>>
      %dma_wait3A_389 = tpu.memref_slice %arg2[%add3A_387, %mul3A_0] : memref<160000x256xf32, #tpu.memory_space<hbm>> -> memref<128x128xf32, #tpu.memory_space<hbm>>
      tpu.wait_dma2 semaphore(%arg15 : memref<!tpu.dma_semaphore, #tpu.memory_space<semaphore_mem>>) src(%dma_wait3A_389 : memref<128x128xf32, #tpu.memory_space<hbm>>) dst(%arg8 : memref<128x128xf32, #tpu.memory_space<vmem>>)
      %lt3A = arith.cmpi slt, %add3A_363, %squeeze3A_28 : i32
      %jit3A_390 = arith.constant 80 : i32
      %select_n3A_391 = arith.select %lt3A, %add3A_363, %jit3A_390 : i32
      "tpu.region"() ({
        %run_scoped3A = tpu.sem_alloc : memref<!tpu.dma_semaphore, #tpu.memory_space<semaphore_mem>>
        %dma_start3A_426 = arith.constant 0 : i32
        %dma_start3A_427 = tpu.memref_slice %arg7[%select_n3A_391, %dma_start3A_426] : memref<88x128xi32, #tpu.memory_space<vmem>> -> memref<1x128xi32, #tpu.memory_space<vmem>>
        %dma_start3A_428 = tpu.memref_squeeze %dma_start3A_427 : memref<1x128xi32, #tpu.memory_space<vmem>> -> memref<128xi32, #tpu.memory_space<vmem>>
        %dma_start3A_429 = arith.constant 0 : i32
        %dma_start3A_430 = arith.constant 0 : i32
        %dma_start3A_431 = tpu.memref_slice %arg13[%dma_start3A_429, %dma_start3A_430] : memref<3464x128xf32, #tpu.memory_space<vmem_shared>> -> memref<3464x128xf32, #tpu.memory_space<vmem_shared>>
        tpu.enqueue_indirect_dma source(%arg8 : memref<128x128xf32, #tpu.memory_space<vmem>>) target(%dma_start3A_431 : memref<3464x128xf32, #tpu.memory_space<vmem_shared>>) offsets(%dma_start3A_428 : memref<128xi32, #tpu.memory_space<vmem>>) semaphore(%run_scoped3A : memref<!tpu.dma_semaphore, #tpu.memory_space<semaphore_mem>>) {add = true}
        %dma_wait3A_432 = arith.constant 0 : i32
        %dma_wait3A_433 = tpu.memref_slice %arg7[%select_n3A_391, %dma_wait3A_432] : memref<88x128xi32, #tpu.memory_space<vmem>> -> memref<1x128xi32, #tpu.memory_space<vmem>>
        %dma_wait3A_434 = tpu.memref_squeeze %dma_wait3A_433 : memref<1x128xi32, #tpu.memory_space<vmem>> -> memref<128xi32, #tpu.memory_space<vmem>>
        %dma_wait3A_435 = arith.constant 0 : i32
        %dma_wait3A_436 = arith.constant 0 : i32
        %dma_wait3A_437 = tpu.memref_slice %arg13[%dma_wait3A_435, %dma_wait3A_436] : memref<3464x128xf32, #tpu.memory_space<vmem_shared>> -> memref<3464x128xf32, #tpu.memory_space<vmem_shared>>
        tpu.wait_indirect_dma semaphore(%run_scoped3A : memref<!tpu.dma_semaphore, #tpu.memory_space<semaphore_mem>>) src(%arg8 : memref<128x128xf32, #tpu.memory_space<vmem>>) dst(%dma_wait3A_437 : memref<3464x128xf32, #tpu.memory_space<vmem_shared>>)
        tpu.yield
      }) : () -> ()
      "tpu.region"() ({
        %run_scoped3A = tpu.sem_alloc : memref<!tpu.dma_semaphore, #tpu.memory_space<semaphore_mem>>
        %dma_start3A_426 = arith.constant 0 : i32
        %dma_start3A_427 = tpu.memref_slice %arg7[%select_n3A_391, %dma_start3A_426] : memref<88x128xi32, #tpu.memory_space<vmem>> -> memref<1x128xi32, #tpu.memory_space<vmem>>
        %dma_start3A_428 = tpu.memref_squeeze %dma_start3A_427 : memref<1x128xi32, #tpu.memory_space<vmem>> -> memref<128xi32, #tpu.memory_space<vmem>>
        %dma_start3A_429 = arith.constant 0 : i32
        %dma_start3A_430 = arith.constant 0 : i32
        %dma_start3A_431 = tpu.memref_slice %arg14[%dma_start3A_429, %dma_start3A_430] : memref<3464x16xf32, #tpu.memory_space<vmem_shared>> -> memref<3464x16xf32, #tpu.memory_space<vmem_shared>>
        tpu.enqueue_indirect_dma source(%arg12 : memref<128x16xf32, #tpu.memory_space<vmem>>) target(%dma_start3A_431 : memref<3464x16xf32, #tpu.memory_space<vmem_shared>>) offsets(%dma_start3A_428 : memref<128xi32, #tpu.memory_space<vmem>>) semaphore(%run_scoped3A : memref<!tpu.dma_semaphore, #tpu.memory_space<semaphore_mem>>) {add = true}
        %dma_wait3A_432 = arith.constant 0 : i32
        %dma_wait3A_433 = tpu.memref_slice %arg7[%select_n3A_391, %dma_wait3A_432] : memref<88x128xi32, #tpu.memory_space<vmem>> -> memref<1x128xi32, #tpu.memory_space<vmem>>
        %dma_wait3A_434 = tpu.memref_squeeze %dma_wait3A_433 : memref<1x128xi32, #tpu.memory_space<vmem>> -> memref<128xi32, #tpu.memory_space<vmem>>
        %dma_wait3A_435 = arith.constant 0 : i32
        %dma_wait3A_436 = arith.constant 0 : i32
        %dma_wait3A_437 = tpu.memref_slice %arg14[%dma_wait3A_435, %dma_wait3A_436] : memref<3464x16xf32, #tpu.memory_space<vmem_shared>> -> memref<3464x16xf32, #tpu.memory_space<vmem_shared>>
        tpu.wait_indirect_dma semaphore(%run_scoped3A : memref<!tpu.dma_semaphore, #tpu.memory_space<semaphore_mem>>) src(%arg12 : memref<128x16xf32, #tpu.memory_space<vmem>>) dst(%dma_wait3A_437 : memref<3464x16xf32, #tpu.memory_space<vmem_shared>>)
        tpu.yield
      }) : () -> ()
      %add3A_392 = arith.constant 2 : i32
      %add3A_393 = arith.addi %add3A_363, %add3A_392 : i32
      %sub3A_394 = arith.constant 1 : i32
      %sub3A_395 = arith.subi %squeeze3A_28, %sub3A_394 : i32
      %min3A_396 = arith.minsi %add3A_393, %sub3A_395 : i32
      %max3A_397 = arith.constant 0 : i32
      %max3A_398 = arith.maxsi %min3A_396, %max3A_397 : i32
      %mul3A_399 = arith.constant 128 : i32
      %mul3A_400 = arith.muli %arg1, %mul3A_399 : i32
      %mul3A_401 = arith.constant 2048 : i32
      %mul3A_402 = arith.muli %max3A_398, %mul3A_401 : i32
      %add3A_403 = arith.addi %mul3A_400, %mul3A_402 : i32
      %dma_start3A_404 = tpu.memref_slice %arg2[%add3A_403, %mul3A_0] : memref<160000x256xf32, #tpu.memory_space<hbm>> -> memref<128x128xf32, #tpu.memory_space<hbm>>
      %dma_start3A_405 = tpu.memref_slice %arg2[%add3A_403, %mul3A_0] : memref<160000x256xf32, #tpu.memory_space<hbm>> -> memref<128x128xf32, #tpu.memory_space<hbm>>
      tpu.enqueue_dma source(%dma_start3A_405 : memref<128x128xf32, #tpu.memory_space<hbm>>) target(%arg8 : memref<128x128xf32, #tpu.memory_space<vmem>>) target_semaphore(%arg15 : memref<!tpu.dma_semaphore, #tpu.memory_space<semaphore_mem>>)
      %add3A_406 = arith.constant 1 : i32
      %add3A_407 = arith.addi %add3A_363, %add3A_406 : i32
      %sub3A_408 = arith.constant 1 : i32
      %sub3A_409 = arith.subi %squeeze3A_28, %sub3A_408 : i32
      %min3A_410 = arith.minsi %add3A_407, %sub3A_409 : i32
      %max3A_411 = arith.constant 0 : i32
      %max3A_412 = arith.maxsi %min3A_410, %max3A_411 : i32
      %mul3A_413 = arith.constant 128 : i32
      %mul3A_414 = arith.muli %arg1, %mul3A_413 : i32
      %mul3A_415 = arith.constant 2048 : i32
      %mul3A_416 = arith.muli %max3A_412, %mul3A_415 : i32
      %add3A_417 = arith.addi %mul3A_414, %mul3A_416 : i32
      %dma_wait3A_418 = tpu.memref_slice %arg2[%add3A_417, %mul3A_0] : memref<160000x256xf32, #tpu.memory_space<hbm>> -> memref<128x128xf32, #tpu.memory_space<hbm>>
      %dma_wait3A_419 = tpu.memref_slice %arg2[%add3A_417, %mul3A_0] : memref<160000x256xf32, #tpu.memory_space<hbm>> -> memref<128x128xf32, #tpu.memory_space<hbm>>
      tpu.wait_dma2 semaphore(%arg16 : memref<!tpu.dma_semaphore, #tpu.memory_space<semaphore_mem>>) src(%dma_wait3A_419 : memref<128x128xf32, #tpu.memory_space<hbm>>) dst(%arg9 : memref<128x128xf32, #tpu.memory_space<vmem>>)
      %add3A_420 = arith.constant 1 : i32
      %add3A_421 = arith.addi %add3A_363, %add3A_420 : i32
      %lt3A_422 = arith.cmpi slt, %add3A_421, %squeeze3A_28 : i32
      %jit3A_423 = arith.constant 80 : i32
      %select_n3A_424 = arith.select %lt3A_422, %add3A_421, %jit3A_423 : i32
      "tpu.region"() ({
        %run_scoped3A = tpu.sem_alloc : memref<!tpu.dma_semaphore, #tpu.memory_space<semaphore_mem>>
        %dma_start3A_426 = arith.constant 0 : i32
        %dma_start3A_427 = tpu.memref_slice %arg7[%select_n3A_424, %dma_start3A_426] : memref<88x128xi32, #tpu.memory_space<vmem>> -> memref<1x128xi32, #tpu.memory_space<vmem>>
        %dma_start3A_428 = tpu.memref_squeeze %dma_start3A_427 : memref<1x128xi32, #tpu.memory_space<vmem>> -> memref<128xi32, #tpu.memory_space<vmem>>
        %dma_start3A_429 = arith.constant 0 : i32
        %dma_start3A_430 = arith.constant 0 : i32
        %dma_start3A_431 = tpu.memref_slice %arg13[%dma_start3A_429, %dma_start3A_430] : memref<3464x128xf32, #tpu.memory_space<vmem_shared>> -> memref<3464x128xf32, #tpu.memory_space<vmem_shared>>
        tpu.enqueue_indirect_dma source(%arg9 : memref<128x128xf32, #tpu.memory_space<vmem>>) target(%dma_start3A_431 : memref<3464x128xf32, #tpu.memory_space<vmem_shared>>) offsets(%dma_start3A_428 : memref<128xi32, #tpu.memory_space<vmem>>) semaphore(%run_scoped3A : memref<!tpu.dma_semaphore, #tpu.memory_space<semaphore_mem>>) {add = true}
        %dma_wait3A_432 = arith.constant 0 : i32
        %dma_wait3A_433 = tpu.memref_slice %arg7[%select_n3A_424, %dma_wait3A_432] : memref<88x128xi32, #tpu.memory_space<vmem>> -> memref<1x128xi32, #tpu.memory_space<vmem>>
        %dma_wait3A_434 = tpu.memref_squeeze %dma_wait3A_433 : memref<1x128xi32, #tpu.memory_space<vmem>> -> memref<128xi32, #tpu.memory_space<vmem>>
        %dma_wait3A_435 = arith.constant 0 : i32
        %dma_wait3A_436 = arith.constant 0 : i32
        %dma_wait3A_437 = tpu.memref_slice %arg13[%dma_wait3A_435, %dma_wait3A_436] : memref<3464x128xf32, #tpu.memory_space<vmem_shared>> -> memref<3464x128xf32, #tpu.memory_space<vmem_shared>>
        tpu.wait_indirect_dma semaphore(%run_scoped3A : memref<!tpu.dma_semaphore, #tpu.memory_space<semaphore_mem>>) src(%arg9 : memref<128x128xf32, #tpu.memory_space<vmem>>) dst(%dma_wait3A_437 : memref<3464x128xf32, #tpu.memory_space<vmem_shared>>)
        tpu.yield
      }) : () -> ()
      "tpu.region"() ({
        %run_scoped3A = tpu.sem_alloc : memref<!tpu.dma_semaphore, #tpu.memory_space<semaphore_mem>>
        %dma_start3A_426 = arith.constant 0 : i32
        %dma_start3A_427 = tpu.memref_slice %arg7[%select_n3A_424, %dma_start3A_426] : memref<88x128xi32, #tpu.memory_space<vmem>> -> memref<1x128xi32, #tpu.memory_space<vmem>>
        %dma_start3A_428 = tpu.memref_squeeze %dma_start3A_427 : memref<1x128xi32, #tpu.memory_space<vmem>> -> memref<128xi32, #tpu.memory_space<vmem>>
        %dma_start3A_429 = arith.constant 0 : i32
        %dma_start3A_430 = arith.constant 0 : i32
        %dma_start3A_431 = tpu.memref_slice %arg14[%dma_start3A_429, %dma_start3A_430] : memref<3464x16xf32, #tpu.memory_space<vmem_shared>> -> memref<3464x16xf32, #tpu.memory_space<vmem_shared>>
        tpu.enqueue_indirect_dma source(%arg12 : memref<128x16xf32, #tpu.memory_space<vmem>>) target(%dma_start3A_431 : memref<3464x16xf32, #tpu.memory_space<vmem_shared>>) offsets(%dma_start3A_428 : memref<128xi32, #tpu.memory_space<vmem>>) semaphore(%run_scoped3A : memref<!tpu.dma_semaphore, #tpu.memory_space<semaphore_mem>>) {add = true}
        %dma_wait3A_432 = arith.constant 0 : i32
        %dma_wait3A_433 = tpu.memref_slice %arg7[%select_n3A_424, %dma_wait3A_432] : memref<88x128xi32, #tpu.memory_space<vmem>> -> memref<1x128xi32, #tpu.memory_space<vmem>>
        %dma_wait3A_434 = tpu.memref_squeeze %dma_wait3A_433 : memref<1x128xi32, #tpu.memory_space<vmem>> -> memref<128xi32, #tpu.memory_space<vmem>>
        %dma_wait3A_435 = arith.constant 0 : i32
        %dma_wait3A_436 = arith.constant 0 : i32
        %dma_wait3A_437 = tpu.memref_slice %arg14[%dma_wait3A_435, %dma_wait3A_436] : memref<3464x16xf32, #tpu.memory_space<vmem_shared>> -> memref<3464x16xf32, #tpu.memory_space<vmem_shared>>
        tpu.wait_indirect_dma semaphore(%run_scoped3A : memref<!tpu.dma_semaphore, #tpu.memory_space<semaphore_mem>>) src(%arg12 : memref<128x16xf32, #tpu.memory_space<vmem>>) dst(%dma_wait3A_437 : memref<3464x16xf32, #tpu.memory_space<vmem_shared>>)
        tpu.yield
      }) : () -> ()
      %while3A_425 = arith.constant 0 : i32
      scf.yield %while3A_425 : i32
    }
    %while3A_309 = arith.constant 1 : i32
    %while3A_310 = scf.for %while3A_359 = %while3A_306 to %while3A_302 step %while3A_309 iter_args(%while3A_360 = %while3A_308) -> (i32)  : i32 {
      %mul3A_361 = arith.constant 2 : i32
      %mul3A_362 = arith.muli %mul3A_361, %while3A_359 : i32
      %add3A_363 = arith.addi %squeeze3A_22, %mul3A_362 : i32
      %add3A_364 = arith.constant 1 : i32
      %add3A_365 = arith.addi %add3A_363, %add3A_364 : i32
      %sub3A_366 = arith.constant 1 : i32
      %sub3A_367 = arith.subi %squeeze3A_28, %sub3A_366 : i32
      %min3A_368 = arith.minsi %add3A_365, %sub3A_367 : i32
      %max3A_369 = arith.constant 0 : i32
      %max3A_370 = arith.maxsi %min3A_368, %max3A_369 : i32
      %mul3A_371 = arith.constant 128 : i32
      %mul3A_372 = arith.muli %arg1, %mul3A_371 : i32
      %mul3A_373 = arith.constant 2048 : i32
      %mul3A_374 = arith.muli %max3A_370, %mul3A_373 : i32
      %add3A_375 = arith.addi %mul3A_372, %mul3A_374 : i32
      %dma_start3A_376 = tpu.memref_slice %arg2[%add3A_375, %mul3A_0] : memref<160000x256xf32, #tpu.memory_space<hbm>> -> memref<128x128xf32, #tpu.memory_space<hbm>>
      %dma_start3A_377 = tpu.memref_slice %arg2[%add3A_375, %mul3A_0] : memref<160000x256xf32, #tpu.memory_space<hbm>> -> memref<128x128xf32, #tpu.memory_space<hbm>>
      tpu.enqueue_dma source(%dma_start3A_377 : memref<128x128xf32, #tpu.memory_space<hbm>>) target(%arg9 : memref<128x128xf32, #tpu.memory_space<vmem>>) target_semaphore(%arg16 : memref<!tpu.dma_semaphore, #tpu.memory_space<semaphore_mem>>)
      %sub3A_378 = arith.constant 1 : i32
      %sub3A_379 = arith.subi %squeeze3A_28, %sub3A_378 : i32
      %min3A_380 = arith.minsi %add3A_363, %sub3A_379 : i32
      %max3A_381 = arith.constant 0 : i32
      %max3A_382 = arith.maxsi %min3A_380, %max3A_381 : i32
      %mul3A_383 = arith.constant 128 : i32
      %mul3A_384 = arith.muli %arg1, %mul3A_383 : i32
      %mul3A_385 = arith.constant 2048 : i32
      %mul3A_386 = arith.muli %max3A_382, %mul3A_385 : i32
      %add3A_387 = arith.addi %mul3A_384, %mul3A_386 : i32
      %dma_wait3A_388 = tpu.memref_slice %arg2[%add3A_387, %mul3A_0] : memref<160000x256xf32, #tpu.memory_space<hbm>> -> memref<128x128xf32, #tpu.memory_space<hbm>>
      %dma_wait3A_389 = tpu.memref_slice %arg2[%add3A_387, %mul3A_0] : memref<160000x256xf32, #tpu.memory_space<hbm>> -> memref<128x128xf32, #tpu.memory_space<hbm>>
      tpu.wait_dma2 semaphore(%arg15 : memref<!tpu.dma_semaphore, #tpu.memory_space<semaphore_mem>>) src(%dma_wait3A_389 : memref<128x128xf32, #tpu.memory_space<hbm>>) dst(%arg8 : memref<128x128xf32, #tpu.memory_space<vmem>>)
      %lt3A = arith.cmpi slt, %add3A_363, %squeeze3A_28 : i32
      %jit3A_390 = arith.constant 80 : i32
      %select_n3A_391 = arith.select %lt3A, %add3A_363, %jit3A_390 : i32
      "tpu.region"() ({
        %run_scoped3A = tpu.sem_alloc : memref<!tpu.dma_semaphore, #tpu.memory_space<semaphore_mem>>
        %dma_start3A_426 = arith.constant 0 : i32
        %dma_start3A_427 = tpu.memref_slice %arg7[%select_n3A_391, %dma_start3A_426] : memref<88x128xi32, #tpu.memory_space<vmem>> -> memref<1x128xi32, #tpu.memory_space<vmem>>
        %dma_start3A_428 = tpu.memref_squeeze %dma_start3A_427 : memref<1x128xi32, #tpu.memory_space<vmem>> -> memref<128xi32, #tpu.memory_space<vmem>>
        %dma_start3A_429 = arith.constant 0 : i32
        %dma_start3A_430 = arith.constant 0 : i32
        %dma_start3A_431 = tpu.memref_slice %arg13[%dma_start3A_429, %dma_start3A_430] : memref<3464x128xf32, #tpu.memory_space<vmem_shared>> -> memref<3464x128xf32, #tpu.memory_space<vmem_shared>>
        tpu.enqueue_indirect_dma source(%arg8 : memref<128x128xf32, #tpu.memory_space<vmem>>) target(%dma_start3A_431 : memref<3464x128xf32, #tpu.memory_space<vmem_shared>>) offsets(%dma_start3A_428 : memref<128xi32, #tpu.memory_space<vmem>>) semaphore(%run_scoped3A : memref<!tpu.dma_semaphore, #tpu.memory_space<semaphore_mem>>) {add = true}
        %dma_wait3A_432 = arith.constant 0 : i32
        %dma_wait3A_433 = tpu.memref_slice %arg7[%select_n3A_391, %dma_wait3A_432] : memref<88x128xi32, #tpu.memory_space<vmem>> -> memref<1x128xi32, #tpu.memory_space<vmem>>
        %dma_wait3A_434 = tpu.memref_squeeze %dma_wait3A_433 : memref<1x128xi32, #tpu.memory_space<vmem>> -> memref<128xi32, #tpu.memory_space<vmem>>
        %dma_wait3A_435 = arith.constant 0 : i32
        %dma_wait3A_436 = arith.constant 0 : i32
        %dma_wait3A_437 = tpu.memref_slice %arg13[%dma_wait3A_435, %dma_wait3A_436] : memref<3464x128xf32, #tpu.memory_space<vmem_shared>> -> memref<3464x128xf32, #tpu.memory_space<vmem_shared>>
        tpu.wait_indirect_dma semaphore(%run_scoped3A : memref<!tpu.dma_semaphore, #tpu.memory_space<semaphore_mem>>) src(%arg8 : memref<128x128xf32, #tpu.memory_space<vmem>>) dst(%dma_wait3A_437 : memref<3464x128xf32, #tpu.memory_space<vmem_shared>>)
        tpu.yield
      }) : () -> ()
      "tpu.region"() ({
        %run_scoped3A = tpu.sem_alloc : memref<!tpu.dma_semaphore, #tpu.memory_space<semaphore_mem>>
        %dma_start3A_426 = arith.constant 0 : i32
        %dma_start3A_427 = tpu.memref_slice %arg7[%select_n3A_391, %dma_start3A_426] : memref<88x128xi32, #tpu.memory_space<vmem>> -> memref<1x128xi32, #tpu.memory_space<vmem>>
        %dma_start3A_428 = tpu.memref_squeeze %dma_start3A_427 : memref<1x128xi32, #tpu.memory_space<vmem>> -> memref<128xi32, #tpu.memory_space<vmem>>
        %dma_start3A_429 = arith.constant 0 : i32
        %dma_start3A_430 = arith.constant 0 : i32
        %dma_start3A_431 = tpu.memref_slice %arg14[%dma_start3A_429, %dma_start3A_430] : memref<3464x16xf32, #tpu.memory_space<vmem_shared>> -> memref<3464x16xf32, #tpu.memory_space<vmem_shared>>
        tpu.enqueue_indirect_dma source(%arg12 : memref<128x16xf32, #tpu.memory_space<vmem>>) target(%dma_start3A_431 : memref<3464x16xf32, #tpu.memory_space<vmem_shared>>) offsets(%dma_start3A_428 : memref<128xi32, #tpu.memory_space<vmem>>) semaphore(%run_scoped3A : memref<!tpu.dma_semaphore, #tpu.memory_space<semaphore_mem>>) {add = true}
        %dma_wait3A_432 = arith.constant 0 : i32
        %dma_wait3A_433 = tpu.memref_slice %arg7[%select_n3A_391, %dma_wait3A_432] : memref<88x128xi32, #tpu.memory_space<vmem>> -> memref<1x128xi32, #tpu.memory_space<vmem>>
        %dma_wait3A_434 = tpu.memref_squeeze %dma_wait3A_433 : memref<1x128xi32, #tpu.memory_space<vmem>> -> memref<128xi32, #tpu.memory_space<vmem>>
        %dma_wait3A_435 = arith.constant 0 : i32
        %dma_wait3A_436 = arith.constant 0 : i32
        %dma_wait3A_437 = tpu.memref_slice %arg14[%dma_wait3A_435, %dma_wait3A_436] : memref<3464x16xf32, #tpu.memory_space<vmem_shared>> -> memref<3464x16xf32, #tpu.memory_space<vmem_shared>>
        tpu.wait_indirect_dma semaphore(%run_scoped3A : memref<!tpu.dma_semaphore, #tpu.memory_space<semaphore_mem>>) src(%arg12 : memref<128x16xf32, #tpu.memory_space<vmem>>) dst(%dma_wait3A_437 : memref<3464x16xf32, #tpu.memory_space<vmem_shared>>)
        tpu.yield
      }) : () -> ()
      %add3A_392 = arith.constant 2 : i32
      %add3A_393 = arith.addi %add3A_363, %add3A_392 : i32
      %sub3A_394 = arith.constant 1 : i32
      %sub3A_395 = arith.subi %squeeze3A_28, %sub3A_394 : i32
      %min3A_396 = arith.minsi %add3A_393, %sub3A_395 : i32
      %max3A_397 = arith.constant 0 : i32
      %max3A_398 = arith.maxsi %min3A_396, %max3A_397 : i32
      %mul3A_399 = arith.constant 128 : i32
      %mul3A_400 = arith.muli %arg1, %mul3A_399 : i32
      %mul3A_401 = arith.constant 2048 : i32
      %mul3A_402 = arith.muli %max3A_398, %mul3A_401 : i32
      %add3A_403 = arith.addi %mul3A_400, %mul3A_402 : i32
      %dma_start3A_404 = tpu.memref_slice %arg2[%add3A_403, %mul3A_0] : memref<160000x256xf32, #tpu.memory_space<hbm>> -> memref<128x128xf32, #tpu.memory_space<hbm>>
      %dma_start3A_405 = tpu.memref_slice %arg2[%add3A_403, %mul3A_0] : memref<160000x256xf32, #tpu.memory_space<hbm>> -> memref<128x128xf32, #tpu.memory_space<hbm>>
      tpu.enqueue_dma source(%dma_start3A_405 : memref<128x128xf32, #tpu.memory_space<hbm>>) target(%arg8 : memref<128x128xf32, #tpu.memory_space<vmem>>) target_semaphore(%arg15 : memref<!tpu.dma_semaphore, #tpu.memory_space<semaphore_mem>>)
      %add3A_406 = arith.constant 1 : i32
      %add3A_407 = arith.addi %add3A_363, %add3A_406 : i32
      %sub3A_408 = arith.constant 1 : i32
      %sub3A_409 = arith.subi %squeeze3A_28, %sub3A_408 : i32
      %min3A_410 = arith.minsi %add3A_407, %sub3A_409 : i32
      %max3A_411 = arith.constant 0 : i32
      %max3A_412 = arith.maxsi %min3A_410, %max3A_411 : i32
      %mul3A_413 = arith.constant 128 : i32
      %mul3A_414 = arith.muli %arg1, %mul3A_413 : i32
      %mul3A_415 = arith.constant 2048 : i32
      %mul3A_416 = arith.muli %max3A_412, %mul3A_415 : i32
      %add3A_417 = arith.addi %mul3A_414, %mul3A_416 : i32
      %dma_wait3A_418 = tpu.memref_slice %arg2[%add3A_417, %mul3A_0] : memref<160000x256xf32, #tpu.memory_space<hbm>> -> memref<128x128xf32, #tpu.memory_space<hbm>>
      %dma_wait3A_419 = tpu.memref_slice %arg2[%add3A_417, %mul3A_0] : memref<160000x256xf32, #tpu.memory_space<hbm>> -> memref<128x128xf32, #tpu.memory_space<hbm>>
      tpu.wait_dma2 semaphore(%arg16 : memref<!tpu.dma_semaphore, #tpu.memory_space<semaphore_mem>>) src(%dma_wait3A_419 : memref<128x128xf32, #tpu.memory_space<hbm>>) dst(%arg9 : memref<128x128xf32, #tpu.memory_space<vmem>>)
      %add3A_420 = arith.constant 1 : i32
      %add3A_421 = arith.addi %add3A_363, %add3A_420 : i32
      %lt3A_422 = arith.cmpi slt, %add3A_421, %squeeze3A_28 : i32
      %jit3A_423 = arith.constant 80 : i32
      %select_n3A_424 = arith.select %lt3A_422, %add3A_421, %jit3A_423 : i32
      "tpu.region"() ({
        %run_scoped3A = tpu.sem_alloc : memref<!tpu.dma_semaphore, #tpu.memory_space<semaphore_mem>>
        %dma_start3A_426 = arith.constant 0 : i32
        %dma_start3A_427 = tpu.memref_slice %arg7[%select_n3A_424, %dma_start3A_426] : memref<88x128xi32, #tpu.memory_space<vmem>> -> memref<1x128xi32, #tpu.memory_space<vmem>>
        %dma_start3A_428 = tpu.memref_squeeze %dma_start3A_427 : memref<1x128xi32, #tpu.memory_space<vmem>> -> memref<128xi32, #tpu.memory_space<vmem>>
        %dma_start3A_429 = arith.constant 0 : i32
        %dma_start3A_430 = arith.constant 0 : i32
        %dma_start3A_431 = tpu.memref_slice %arg13[%dma_start3A_429, %dma_start3A_430] : memref<3464x128xf32, #tpu.memory_space<vmem_shared>> -> memref<3464x128xf32, #tpu.memory_space<vmem_shared>>
        tpu.enqueue_indirect_dma source(%arg9 : memref<128x128xf32, #tpu.memory_space<vmem>>) target(%dma_start3A_431 : memref<3464x128xf32, #tpu.memory_space<vmem_shared>>) offsets(%dma_start3A_428 : memref<128xi32, #tpu.memory_space<vmem>>) semaphore(%run_scoped3A : memref<!tpu.dma_semaphore, #tpu.memory_space<semaphore_mem>>) {add = true}
        %dma_wait3A_432 = arith.constant 0 : i32
        %dma_wait3A_433 = tpu.memref_slice %arg7[%select_n3A_424, %dma_wait3A_432] : memref<88x128xi32, #tpu.memory_space<vmem>> -> memref<1x128xi32, #tpu.memory_space<vmem>>
        %dma_wait3A_434 = tpu.memref_squeeze %dma_wait3A_433 : memref<1x128xi32, #tpu.memory_space<vmem>> -> memref<128xi32, #tpu.memory_space<vmem>>
        %dma_wait3A_435 = arith.constant 0 : i32
        %dma_wait3A_436 = arith.constant 0 : i32
        %dma_wait3A_437 = tpu.memref_slice %arg13[%dma_wait3A_435, %dma_wait3A_436] : memref<3464x128xf32, #tpu.memory_space<vmem_shared>> -> memref<3464x128xf32, #tpu.memory_space<vmem_shared>>
        tpu.wait_indirect_dma semaphore(%run_scoped3A : memref<!tpu.dma_semaphore, #tpu.memory_space<semaphore_mem>>) src(%arg9 : memref<128x128xf32, #tpu.memory_space<vmem>>) dst(%dma_wait3A_437 : memref<3464x128xf32, #tpu.memory_space<vmem_shared>>)
        tpu.yield
      }) : () -> ()
      "tpu.region"() ({
        %run_scoped3A = tpu.sem_alloc : memref<!tpu.dma_semaphore, #tpu.memory_space<semaphore_mem>>
        %dma_start3A_426 = arith.constant 0 : i32
        %dma_start3A_427 = tpu.memref_slice %arg7[%select_n3A_424, %dma_start3A_426] : memref<88x128xi32, #tpu.memory_space<vmem>> -> memref<1x128xi32, #tpu.memory_space<vmem>>
        %dma_start3A_428 = tpu.memref_squeeze %dma_start3A_427 : memref<1x128xi32, #tpu.memory_space<vmem>> -> memref<128xi32, #tpu.memory_space<vmem>>
        %dma_start3A_429 = arith.constant 0 : i32
        %dma_start3A_430 = arith.constant 0 : i32
        %dma_start3A_431 = tpu.memref_slice %arg14[%dma_start3A_429, %dma_start3A_430] : memref<3464x16xf32, #tpu.memory_space<vmem_shared>> -> memref<3464x16xf32, #tpu.memory_space<vmem_shared>>
        tpu.enqueue_indirect_dma source(%arg12 : memref<128x16xf32, #tpu.memory_space<vmem>>) target(%dma_start3A_431 : memref<3464x16xf32, #tpu.memory_space<vmem_shared>>) offsets(%dma_start3A_428 : memref<128xi32, #tpu.memory_space<vmem>>) semaphore(%run_scoped3A : memref<!tpu.dma_semaphore, #tpu.memory_space<semaphore_mem>>) {add = true}
        %dma_wait3A_432 = arith.constant 0 : i32
        %dma_wait3A_433 = tpu.memref_slice %arg7[%select_n3A_424, %dma_wait3A_432] : memref<88x128xi32, #tpu.memory_space<vmem>> -> memref<1x128xi32, #tpu.memory_space<vmem>>
        %dma_wait3A_434 = tpu.memref_squeeze %dma_wait3A_433 : memref<1x128xi32, #tpu.memory_space<vmem>> -> memref<128xi32, #tpu.memory_space<vmem>>
        %dma_wait3A_435 = arith.constant 0 : i32
        %dma_wait3A_436 = arith.constant 0 : i32
        %dma_wait3A_437 = tpu.memref_slice %arg14[%dma_wait3A_435, %dma_wait3A_436] : memref<3464x16xf32, #tpu.memory_space<vmem_shared>> -> memref<3464x16xf32, #tpu.memory_space<vmem_shared>>
        tpu.wait_indirect_dma semaphore(%run_scoped3A : memref<!tpu.dma_semaphore, #tpu.memory_space<semaphore_mem>>) src(%arg12 : memref<128x16xf32, #tpu.memory_space<vmem>>) dst(%dma_wait3A_437 : memref<3464x16xf32, #tpu.memory_space<vmem_shared>>)
        tpu.yield
      }) : () -> ()
      %while3A_425 = arith.constant 0 : i32
      scf.yield %while3A_425 : i32
    }
    %mul3A_311 = arith.constant 2 : i32
    %mul3A_312 = arith.muli %mul3A_311, %select_n3A_286 : i32
    %add3A_313 = arith.addi %squeeze3A_22, %mul3A_312 : i32
    %sub3A_314 = arith.constant 1 : i32
    %sub3A_315 = arith.subi %squeeze3A_28, %sub3A_314 : i32
    %min3A_316 = arith.minsi %add3A_313, %sub3A_315 : i32
    %max3A_317 = arith.constant 0 : i32
    %max3A_318 = arith.maxsi %min3A_316, %max3A_317 : i32
    %mul3A_319 = arith.constant 128 : i32
    %mul3A_320 = arith.muli %arg1, %mul3A_319 : i32
    %mul3A_321 = arith.constant 2048 : i32
    %mul3A_322 = arith.muli %max3A_318, %mul3A_321 : i32
    %add3A_323 = arith.addi %mul3A_320, %mul3A_322 : i32
    %dma_wait3A_324 = tpu.memref_slice %arg2[%add3A_323, %mul3A_0] : memref<160000x256xf32, #tpu.memory_space<hbm>> -> memref<128x128xf32, #tpu.memory_space<hbm>>
    %dma_wait3A_325 = tpu.memref_slice %arg2[%add3A_323, %mul3A_0] : memref<160000x256xf32, #tpu.memory_space<hbm>> -> memref<128x128xf32, #tpu.memory_space<hbm>>
    tpu.wait_dma2 semaphore(%arg15 : memref<!tpu.dma_semaphore, #tpu.memory_space<semaphore_mem>>) src(%dma_wait3A_325 : memref<128x128xf32, #tpu.memory_space<hbm>>) dst(%arg8 : memref<128x128xf32, #tpu.memory_space<vmem>>)
    %barrier3A_326 = arith.constant 0 : index
    tpu.barrier barrier_id(%barrier3A_326)
    %mul3A_327 = arith.constant 208 : i32
    %mul3A_328 = arith.muli %arg1, %mul3A_327 : i32
    %add3A_329 = arith.constant 0 : i32
    %add3A_330 = arith.addi %mul3A_328, %add3A_329 : i32
    "tpu.region"() ({
      %run_scoped3A = tpu.sem_alloc : memref<!tpu.dma_semaphore, #tpu.memory_space<semaphore_mem>>
      %dma_start3A_359 = arith.constant 0 : i32
      %dma_start3A_360 = arith.constant 0 : i32
      %dma_start3A_361 = tpu.memref_slice %arg10[%dma_start3A_359, %dma_start3A_360] : memref<128x128xf32, #tpu.memory_space<vmem>> -> memref<128x128xf32, #tpu.memory_space<vmem>>
      %dma_start3A_362 = arith.constant 0 : i32
      %dma_start3A_363 = tpu.memref_slice %arg13[%add3A_330, %dma_start3A_362] : memref<3464x128xf32, #tpu.memory_space<vmem_shared>> -> memref<128x128xf32, #tpu.memory_space<vmem_shared>>
      %dma_start3A_364 = arith.constant 0 : i32
      %dma_start3A_365 = arith.constant 0 : i32
      %dma_start3A_366 = tpu.memref_slice %arg10[%dma_start3A_364, %dma_start3A_365] : memref<128x128xf32, #tpu.memory_space<vmem>> -> memref<128x128xf32, #tpu.memory_space<vmem>>
      %dma_start3A_367 = arith.constant 0 : i32
      %dma_start3A_368 = tpu.memref_slice %arg13[%add3A_330, %dma_start3A_367] : memref<3464x128xf32, #tpu.memory_space<vmem_shared>> -> memref<128x128xf32, #tpu.memory_space<vmem_shared>>
      tpu.enqueue_dma source(%dma_start3A_368 : memref<128x128xf32, #tpu.memory_space<vmem_shared>>) target(%dma_start3A_366 : memref<128x128xf32, #tpu.memory_space<vmem>>) target_semaphore(%run_scoped3A : memref<!tpu.dma_semaphore, #tpu.memory_space<semaphore_mem>>)
      %dma_wait3A_369 = arith.constant 0 : i32
      %dma_wait3A_370 = arith.constant 0 : i32
      %dma_wait3A_371 = tpu.memref_slice %arg10[%dma_wait3A_369, %dma_wait3A_370] : memref<128x128xf32, #tpu.memory_space<vmem>> -> memref<128x128xf32, #tpu.memory_space<vmem>>
      %dma_wait3A_372 = arith.constant 0 : i32
      %dma_wait3A_373 = tpu.memref_slice %arg13[%add3A_330, %dma_wait3A_372] : memref<3464x128xf32, #tpu.memory_space<vmem_shared>> -> memref<128x128xf32, #tpu.memory_space<vmem_shared>>
      %dma_wait3A_374 = arith.constant 0 : i32
      %dma_wait3A_375 = arith.constant 0 : i32
      %dma_wait3A_376 = tpu.memref_slice %arg10[%dma_wait3A_374, %dma_wait3A_375] : memref<128x128xf32, #tpu.memory_space<vmem>> -> memref<128x128xf32, #tpu.memory_space<vmem>>
      %dma_wait3A_377 = arith.constant 0 : i32
      %dma_wait3A_378 = tpu.memref_slice %arg13[%add3A_330, %dma_wait3A_377] : memref<3464x128xf32, #tpu.memory_space<vmem_shared>> -> memref<128x128xf32, #tpu.memory_space<vmem_shared>>
      tpu.wait_dma2 semaphore(%run_scoped3A : memref<!tpu.dma_semaphore, #tpu.memory_space<semaphore_mem>>) src(%dma_wait3A_378 : memref<128x128xf32, #tpu.memory_space<vmem_shared>>) dst(%dma_wait3A_376 : memref<128x128xf32, #tpu.memory_space<vmem>>)
      tpu.yield
    }) : () -> ()
    %add3A_331 = arith.constant 0 : i32
    %add3A_332 = arith.addi %mul3A_328, %add3A_331 : i32
    "tpu.region"() ({
      %run_scoped3A = tpu.sem_alloc : memref<!tpu.dma_semaphore, #tpu.memory_space<semaphore_mem>>
      %dma_start3A_359 = arith.constant 0 : i32
      %dma_start3A_360 = arith.constant 0 : i32
      %dma_start3A_361 = tpu.memref_slice %arg11[%dma_start3A_359, %dma_start3A_360] : memref<128x16xf32, #tpu.memory_space<vmem>> -> memref<128x16xf32, #tpu.memory_space<vmem>>
      %dma_start3A_362 = arith.constant 0 : i32
      %dma_start3A_363 = tpu.memref_slice %arg14[%add3A_332, %dma_start3A_362] : memref<3464x16xf32, #tpu.memory_space<vmem_shared>> -> memref<128x16xf32, #tpu.memory_space<vmem_shared>>
      %dma_start3A_364 = arith.constant 0 : i32
      %dma_start3A_365 = arith.constant 0 : i32
      %dma_start3A_366 = tpu.memref_slice %arg11[%dma_start3A_364, %dma_start3A_365] : memref<128x16xf32, #tpu.memory_space<vmem>> -> memref<128x16xf32, #tpu.memory_space<vmem>>
      %dma_start3A_367 = arith.constant 0 : i32
      %dma_start3A_368 = tpu.memref_slice %arg14[%add3A_332, %dma_start3A_367] : memref<3464x16xf32, #tpu.memory_space<vmem_shared>> -> memref<128x16xf32, #tpu.memory_space<vmem_shared>>
      tpu.enqueue_dma source(%dma_start3A_368 : memref<128x16xf32, #tpu.memory_space<vmem_shared>>) target(%dma_start3A_366 : memref<128x16xf32, #tpu.memory_space<vmem>>) target_semaphore(%run_scoped3A : memref<!tpu.dma_semaphore, #tpu.memory_space<semaphore_mem>>)
      %dma_wait3A_369 = arith.constant 0 : i32
      %dma_wait3A_370 = arith.constant 0 : i32
      %dma_wait3A_371 = tpu.memref_slice %arg11[%dma_wait3A_369, %dma_wait3A_370] : memref<128x16xf32, #tpu.memory_space<vmem>> -> memref<128x16xf32, #tpu.memory_space<vmem>>
      %dma_wait3A_372 = arith.constant 0 : i32
      %dma_wait3A_373 = tpu.memref_slice %arg14[%add3A_332, %dma_wait3A_372] : memref<3464x16xf32, #tpu.memory_space<vmem_shared>> -> memref<128x16xf32, #tpu.memory_space<vmem_shared>>
      %dma_wait3A_374 = arith.constant 0 : i32
      %dma_wait3A_375 = arith.constant 0 : i32
      %dma_wait3A_376 = tpu.memref_slice %arg11[%dma_wait3A_374, %dma_wait3A_375] : memref<128x16xf32, #tpu.memory_space<vmem>> -> memref<128x16xf32, #tpu.memory_space<vmem>>
      %dma_wait3A_377 = arith.constant 0 : i32
      %dma_wait3A_378 = tpu.memref_slice %arg14[%add3A_332, %dma_wait3A_377] : memref<3464x16xf32, #tpu.memory_space<vmem_shared>> -> memref<128x16xf32, #tpu.memory_space<vmem_shared>>
      tpu.wait_dma2 semaphore(%run_scoped3A : memref<!tpu.dma_semaphore, #tpu.memory_space<semaphore_mem>>) src(%dma_wait3A_378 : memref<128x16xf32, #tpu.memory_space<vmem_shared>>) dst(%dma_wait3A_376 : memref<128x16xf32, #tpu.memory_space<vmem>>)
      tpu.yield
    }) : () -> ()
    %scan3A_333 = arith.constant 0 : i32
    %scan3A_334 = arith.constant 0 : i32
    %scan3A_335 = arith.constant 128 : i32
    %scan3A_336 = arith.addi %scan3A_334, %scan3A_335 : i32
    %scan3A_337 = arith.constant 1 : i32
    %scan3A_338 = scf.for %scan3A_359 = %scan3A_334 to %scan3A_336 step %scan3A_337 iter_args(%scan3A_360 = %scan3A_333) -> (i32)  : i32 {
      %get3A_361 = arith.index_cast %scan3A_359 : i32 to index
      %get3A_362 = arith.constant 0 : index
      %get3A_363 = tpu.vector_load %arg11[%get3A_361, %get3A_362] {strides = array<i32>} : memref<128x16xf32, #tpu.memory_space<vmem>>, vector<1x16xf32>,
      %get3A_364 = vector.shape_cast %get3A_363 : vector<1x16xf32> to vector<16xf32>
      %max3A_365 = arith.constant 1.000000e+00 : f32
      %max3A_366 = vector.broadcast %max3A_365 : f32 to vector<16xf32>
      %max3A_367 = arith.maximumf %get3A_364, %max3A_366 : vector<16xf32>
      %div3A_368 = arith.constant 1.000000e+00 : f32
      %div3A_369 = vector.broadcast %div3A_368 : f32 to vector<16xf32>
      %div3A_370 = arith.divf %div3A_369, %max3A_367 : vector<16xf32>
      %get3A_371 = arith.index_cast %scan3A_359 : i32 to index
      %get3A_372 = arith.constant 0 : index
      %get3A_373 = tpu.vector_load %arg10[%get3A_371, %get3A_372] {strides = array<i32>} : memref<128x128xf32, #tpu.memory_space<vmem>>, vector<1x16xf32>,
      %get3A_374 = vector.shape_cast %get3A_373 : vector<1x16xf32> to vector<16xf32>
      %mul3A_375 = arith.mulf %get3A_374, %div3A_370 : vector<16xf32>
      %swap3A = arith.index_cast %scan3A_359 : i32 to index
      %swap3A_376 = arith.constant 0 : index
      %swap3A_377 = tpu.vector_load %arg10[%swap3A, %swap3A_376] {strides = array<i32>} : memref<128x128xf32, #tpu.memory_space<vmem>>, vector<1x16xf32>,
      %swap3A_378 = vector.shape_cast %swap3A_377 : vector<1x16xf32> to vector<16xf32>
      %swap3A_379 = vector.shape_cast %mul3A_375 : vector<16xf32> to vector<1x16xf32>
      tpu.vector_store %arg10[%swap3A, %swap3A_376], %swap3A_379 {strides = array<i32>} : memref<128x128xf32, #tpu.memory_space<vmem>>, vector<1x16xf32>,
      %get3A_380 = arith.index_cast %scan3A_359 : i32 to index
      %get3A_381 = arith.constant 16 : index
      %get3A_382 = tpu.vector_load %arg10[%get3A_380, %get3A_381] {strides = array<i32>} : memref<128x128xf32, #tpu.memory_space<vmem>>, vector<1x16xf32>,
      %get3A_383 = vector.shape_cast %get3A_382 : vector<1x16xf32> to vector<16xf32>
      %mul3A_384 = arith.mulf %get3A_383, %div3A_370 : vector<16xf32>
      %swap3A_385 = arith.index_cast %scan3A_359 : i32 to index
      %swap3A_386 = arith.constant 16 : index
      %swap3A_387 = tpu.vector_load %arg10[%swap3A_385, %swap3A_386] {strides = array<i32>} : memref<128x128xf32, #tpu.memory_space<vmem>>, vector<1x16xf32>,
      %swap3A_388 = vector.shape_cast %swap3A_387 : vector<1x16xf32> to vector<16xf32>
      %swap3A_389 = vector.shape_cast %mul3A_384 : vector<16xf32> to vector<1x16xf32>
      tpu.vector_store %arg10[%swap3A_385, %swap3A_386], %swap3A_389 {strides = array<i32>} : memref<128x128xf32, #tpu.memory_space<vmem>>, vector<1x16xf32>,
      %get3A_390 = arith.index_cast %scan3A_359 : i32 to index
      %get3A_391 = arith.constant 32 : index
      %get3A_392 = tpu.vector_load %arg10[%get3A_390, %get3A_391] {strides = array<i32>} : memref<128x128xf32, #tpu.memory_space<vmem>>, vector<1x16xf32>,
      %get3A_393 = vector.shape_cast %get3A_392 : vector<1x16xf32> to vector<16xf32>
      %mul3A_394 = arith.mulf %get3A_393, %div3A_370 : vector<16xf32>
      %swap3A_395 = arith.index_cast %scan3A_359 : i32 to index
      %swap3A_396 = arith.constant 32 : index
      %swap3A_397 = tpu.vector_load %arg10[%swap3A_395, %swap3A_396] {strides = array<i32>} : memref<128x128xf32, #tpu.memory_space<vmem>>, vector<1x16xf32>,
      %swap3A_398 = vector.shape_cast %swap3A_397 : vector<1x16xf32> to vector<16xf32>
      %swap3A_399 = vector.shape_cast %mul3A_394 : vector<16xf32> to vector<1x16xf32>
      tpu.vector_store %arg10[%swap3A_395, %swap3A_396], %swap3A_399 {strides = array<i32>} : memref<128x128xf32, #tpu.memory_space<vmem>>, vector<1x16xf32>,
      %get3A_400 = arith.index_cast %scan3A_359 : i32 to index
      %get3A_401 = arith.constant 48 : index
      %get3A_402 = tpu.vector_load %arg10[%get3A_400, %get3A_401] {strides = array<i32>} : memref<128x128xf32, #tpu.memory_space<vmem>>, vector<1x16xf32>,
      %get3A_403 = vector.shape_cast %get3A_402 : vector<1x16xf32> to vector<16xf32>
      %mul3A_404 = arith.mulf %get3A_403, %div3A_370 : vector<16xf32>
      %swap3A_405 = arith.index_cast %scan3A_359 : i32 to index
      %swap3A_406 = arith.constant 48 : index
      %swap3A_407 = tpu.vector_load %arg10[%swap3A_405, %swap3A_406] {strides = array<i32>} : memref<128x128xf32, #tpu.memory_space<vmem>>, vector<1x16xf32>,
      %swap3A_408 = vector.shape_cast %swap3A_407 : vector<1x16xf32> to vector<16xf32>
      %swap3A_409 = vector.shape_cast %mul3A_404 : vector<16xf32> to vector<1x16xf32>
      tpu.vector_store %arg10[%swap3A_405, %swap3A_406], %swap3A_409 {strides = array<i32>} : memref<128x128xf32, #tpu.memory_space<vmem>>, vector<1x16xf32>,
      %get3A_410 = arith.index_cast %scan3A_359 : i32 to index
      %get3A_411 = arith.constant 64 : index
      %get3A_412 = tpu.vector_load %arg10[%get3A_410, %get3A_411] {strides = array<i32>} : memref<128x128xf32, #tpu.memory_space<vmem>>, vector<1x16xf32>,
      %get3A_413 = vector.shape_cast %get3A_412 : vector<1x16xf32> to vector<16xf32>
      %mul3A_414 = arith.mulf %get3A_413, %div3A_370 : vector<16xf32>
      %swap3A_415 = arith.index_cast %scan3A_359 : i32 to index
      %swap3A_416 = arith.constant 64 : index
      %swap3A_417 = tpu.vector_load %arg10[%swap3A_415, %swap3A_416] {strides = array<i32>} : memref<128x128xf32, #tpu.memory_space<vmem>>, vector<1x16xf32>,
      %swap3A_418 = vector.shape_cast %swap3A_417 : vector<1x16xf32> to vector<16xf32>
      %swap3A_419 = vector.shape_cast %mul3A_414 : vector<16xf32> to vector<1x16xf32>
      tpu.vector_store %arg10[%swap3A_415, %swap3A_416], %swap3A_419 {strides = array<i32>} : memref<128x128xf32, #tpu.memory_space<vmem>>, vector<1x16xf32>,
      %get3A_420 = arith.index_cast %scan3A_359 : i32 to index
      %get3A_421 = arith.constant 80 : index
      %get3A_422 = tpu.vector_load %arg10[%get3A_420, %get3A_421] {strides = array<i32>} : memref<128x128xf32, #tpu.memory_space<vmem>>, vector<1x16xf32>,
      %get3A_423 = vector.shape_cast %get3A_422 : vector<1x16xf32> to vector<16xf32>
      %mul3A_424 = arith.mulf %get3A_423, %div3A_370 : vector<16xf32>
      %swap3A_425 = arith.index_cast %scan3A_359 : i32 to index
      %swap3A_426 = arith.constant 80 : index
      %swap3A_427 = tpu.vector_load %arg10[%swap3A_425, %swap3A_426] {strides = array<i32>} : memref<128x128xf32, #tpu.memory_space<vmem>>, vector<1x16xf32>,
      %swap3A_428 = vector.shape_cast %swap3A_427 : vector<1x16xf32> to vector<16xf32>
      %swap3A_429 = vector.shape_cast %mul3A_424 : vector<16xf32> to vector<1x16xf32>
      tpu.vector_store %arg10[%swap3A_425, %swap3A_426], %swap3A_429 {strides = array<i32>} : memref<128x128xf32, #tpu.memory_space<vmem>>, vector<1x16xf32>,
      %get3A_430 = arith.index_cast %scan3A_359 : i32 to index
      %get3A_431 = arith.constant 96 : index
      %get3A_432 = tpu.vector_load %arg10[%get3A_430, %get3A_431] {strides = array<i32>} : memref<128x128xf32, #tpu.memory_space<vmem>>, vector<1x16xf32>,
      %get3A_433 = vector.shape_cast %get3A_432 : vector<1x16xf32> to vector<16xf32>
      %mul3A_434 = arith.mulf %get3A_433, %div3A_370 : vector<16xf32>
      %swap3A_435 = arith.index_cast %scan3A_359 : i32 to index
      %swap3A_436 = arith.constant 96 : index
      %swap3A_437 = tpu.vector_load %arg10[%swap3A_435, %swap3A_436] {strides = array<i32>} : memref<128x128xf32, #tpu.memory_space<vmem>>, vector<1x16xf32>,
      %swap3A_438 = vector.shape_cast %swap3A_437 : vector<1x16xf32> to vector<16xf32>
      %swap3A_439 = vector.shape_cast %mul3A_434 : vector<16xf32> to vector<1x16xf32>
      tpu.vector_store %arg10[%swap3A_435, %swap3A_436], %swap3A_439 {strides = array<i32>} : memref<128x128xf32, #tpu.memory_space<vmem>>, vector<1x16xf32>,
      %get3A_440 = arith.index_cast %scan3A_359 : i32 to index
      %get3A_441 = arith.constant 112 : index
      %get3A_442 = tpu.vector_load %arg10[%get3A_440, %get3A_441] {strides = array<i32>} : memref<128x128xf32, #tpu.memory_space<vmem>>, vector<1x16xf32>,
      %get3A_443 = vector.shape_cast %get3A_442 : vector<1x16xf32> to vector<16xf32>
      %mul3A_444 = arith.mulf %get3A_443, %div3A_370 : vector<16xf32>
      %swap3A_445 = arith.index_cast %scan3A_359 : i32 to index
      %swap3A_446 = arith.constant 112 : index
      %swap3A_447 = tpu.vector_load %arg10[%swap3A_445, %swap3A_446] {strides = array<i32>} : memref<128x128xf32, #tpu.memory_space<vmem>>, vector<1x16xf32>,
      %swap3A_448 = vector.shape_cast %swap3A_447 : vector<1x16xf32> to vector<16xf32>
      %swap3A_449 = vector.shape_cast %mul3A_444 : vector<16xf32> to vector<1x16xf32>
      tpu.vector_store %arg10[%swap3A_445, %swap3A_446], %swap3A_449 {strides = array<i32>} : memref<128x128xf32, #tpu.memory_space<vmem>>, vector<1x16xf32>,
      %scan3A_450 = arith.constant 0 : i32
      scf.yield %scan3A_450 : i32
    }
    %scan3A_339 = arith.constant 128 : i32
    %add3A_340 = arith.constant 6912 : i32
    %add3A_341 = arith.addi %add3A_340, %mul3A_328 : i32
    %add3A_342 = arith.constant 0 : i32
    %add3A_343 = arith.addi %add3A_341, %add3A_342 : i32
    "tpu.region"() ({
      %run_scoped3A = tpu.sem_alloc : memref<!tpu.dma_semaphore, #tpu.memory_space<semaphore_mem>>
      %dma_start3A_359 = arith.constant 0 : i32
      %dma_start3A_360 = arith.constant 0 : i32
      %dma_start3A_361 = tpu.memref_slice %arg10[%dma_start3A_359, %dma_start3A_360] : memref<128x128xf32, #tpu.memory_space<vmem>> -> memref<128x128xf32, #tpu.memory_space<vmem>>
      %dma_start3A_362 = tpu.memref_slice %arg5[%add3A_343, %mul3A_0] : memref<10240x256xf32, #tpu.memory_space<hbm>> -> memref<128x128xf32, #tpu.memory_space<hbm>>
      %dma_start3A_363 = tpu.memref_slice %arg5[%add3A_343, %mul3A_0] : memref<10240x256xf32, #tpu.memory_space<hbm>> -> memref<128x128xf32, #tpu.memory_space<hbm>>
      %dma_start3A_364 = arith.constant 0 : i32
      %dma_start3A_365 = arith.constant 0 : i32
      %dma_start3A_366 = tpu.memref_slice %arg10[%dma_start3A_364, %dma_start3A_365] : memref<128x128xf32, #tpu.memory_space<vmem>> -> memref<128x128xf32, #tpu.memory_space<vmem>>
      tpu.enqueue_dma source(%dma_start3A_366 : memref<128x128xf32, #tpu.memory_space<vmem>>) target(%dma_start3A_363 : memref<128x128xf32, #tpu.memory_space<hbm>>) target_semaphore(%run_scoped3A : memref<!tpu.dma_semaphore, #tpu.memory_space<semaphore_mem>>)
      %dma_wait3A_367 = arith.constant 0 : i32
      %dma_wait3A_368 = arith.constant 0 : i32
      %dma_wait3A_369 = tpu.memref_slice %arg10[%dma_wait3A_367, %dma_wait3A_368] : memref<128x128xf32, #tpu.memory_space<vmem>> -> memref<128x128xf32, #tpu.memory_space<vmem>>
      %dma_wait3A_370 = tpu.memref_slice %arg5[%add3A_343, %mul3A_0] : memref<10240x256xf32, #tpu.memory_space<hbm>> -> memref<128x128xf32, #tpu.memory_space<hbm>>
      %dma_wait3A_371 = tpu.memref_slice %arg5[%add3A_343, %mul3A_0] : memref<10240x256xf32, #tpu.memory_space<hbm>> -> memref<128x128xf32, #tpu.memory_space<hbm>>
      %dma_wait3A_372 = arith.constant 0 : i32
      %dma_wait3A_373 = arith.constant 0 : i32
      %dma_wait3A_374 = tpu.memref_slice %arg10[%dma_wait3A_372, %dma_wait3A_373] : memref<128x128xf32, #tpu.memory_space<vmem>> -> memref<128x128xf32, #tpu.memory_space<vmem>>
      tpu.wait_dma2 semaphore(%run_scoped3A : memref<!tpu.dma_semaphore, #tpu.memory_space<semaphore_mem>>) src(%dma_wait3A_374 : memref<128x128xf32, #tpu.memory_space<vmem>>) dst(%dma_wait3A_371 : memref<128x128xf32, #tpu.memory_space<hbm>>)
      tpu.yield
    }) : () -> ()
    %add3A_344 = arith.constant 128 : i32
    %add3A_345 = arith.addi %mul3A_328, %add3A_344 : i32
    "tpu.region"() ({
      %run_scoped3A = tpu.sem_alloc : memref<!tpu.dma_semaphore, #tpu.memory_space<semaphore_mem>>
      %dma_start3A_359 = arith.constant 0 : i32
      %dma_start3A_360 = arith.constant 0 : i32
      %dma_start3A_361 = tpu.memref_slice %arg10[%dma_start3A_359, %dma_start3A_360] : memref<128x128xf32, #tpu.memory_space<vmem>> -> memref<80x128xf32, #tpu.memory_space<vmem>>
      %dma_start3A_362 = arith.constant 0 : i32
      %dma_start3A_363 = tpu.memref_slice %arg13[%add3A_345, %dma_start3A_362] : memref<3464x128xf32, #tpu.memory_space<vmem_shared>> -> memref<80x128xf32, #tpu.memory_space<vmem_shared>>
      %dma_start3A_364 = arith.constant 0 : i32
      %dma_start3A_365 = arith.constant 0 : i32
      %dma_start3A_366 = tpu.memref_slice %arg10[%dma_start3A_364, %dma_start3A_365] : memref<128x128xf32, #tpu.memory_space<vmem>> -> memref<80x128xf32, #tpu.memory_space<vmem>>
      %dma_start3A_367 = arith.constant 0 : i32
      %dma_start3A_368 = tpu.memref_slice %arg13[%add3A_345, %dma_start3A_367] : memref<3464x128xf32, #tpu.memory_space<vmem_shared>> -> memref<80x128xf32, #tpu.memory_space<vmem_shared>>
      tpu.enqueue_dma source(%dma_start3A_368 : memref<80x128xf32, #tpu.memory_space<vmem_shared>>) target(%dma_start3A_366 : memref<80x128xf32, #tpu.memory_space<vmem>>) target_semaphore(%run_scoped3A : memref<!tpu.dma_semaphore, #tpu.memory_space<semaphore_mem>>)
      %dma_wait3A_369 = arith.constant 0 : i32
      %dma_wait3A_370 = arith.constant 0 : i32
      %dma_wait3A_371 = tpu.memref_slice %arg10[%dma_wait3A_369, %dma_wait3A_370] : memref<128x128xf32, #tpu.memory_space<vmem>> -> memref<80x128xf32, #tpu.memory_space<vmem>>
      %dma_wait3A_372 = arith.constant 0 : i32
      %dma_wait3A_373 = tpu.memref_slice %arg13[%add3A_345, %dma_wait3A_372] : memref<3464x128xf32, #tpu.memory_space<vmem_shared>> -> memref<80x128xf32, #tpu.memory_space<vmem_shared>>
      %dma_wait3A_374 = arith.constant 0 : i32
      %dma_wait3A_375 = arith.constant 0 : i32
      %dma_wait3A_376 = tpu.memref_slice %arg10[%dma_wait3A_374, %dma_wait3A_375] : memref<128x128xf32, #tpu.memory_space<vmem>> -> memref<80x128xf32, #tpu.memory_space<vmem>>
      %dma_wait3A_377 = arith.constant 0 : i32
      %dma_wait3A_378 = tpu.memref_slice %arg13[%add3A_345, %dma_wait3A_377] : memref<3464x128xf32, #tpu.memory_space<vmem_shared>> -> memref<80x128xf32, #tpu.memory_space<vmem_shared>>
      tpu.wait_dma2 semaphore(%run_scoped3A : memref<!tpu.dma_semaphore, #tpu.memory_space<semaphore_mem>>) src(%dma_wait3A_378 : memref<80x128xf32, #tpu.memory_space<vmem_shared>>) dst(%dma_wait3A_376 : memref<80x128xf32, #tpu.memory_space<vmem>>)
      tpu.yield
    }) : () -> ()
    %add3A_346 = arith.constant 128 : i32
    %add3A_347 = arith.addi %mul3A_328, %add3A_346 : i32
    "tpu.region"() ({
      %run_scoped3A = tpu.sem_alloc : memref<!tpu.dma_semaphore, #tpu.memory_space<semaphore_mem>>
      %dma_start3A_359 = arith.constant 0 : i32
      %dma_start3A_360 = arith.constant 0 : i32
      %dma_start3A_361 = tpu.memref_slice %arg11[%dma_start3A_359, %dma_start3A_360] : memref<128x16xf32, #tpu.memory_space<vmem>> -> memref<80x16xf32, #tpu.memory_space<vmem>>
      %dma_start3A_362 = arith.constant 0 : i32
      %dma_start3A_363 = tpu.memref_slice %arg14[%add3A_347, %dma_start3A_362] : memref<3464x16xf32, #tpu.memory_space<vmem_shared>> -> memref<80x16xf32, #tpu.memory_space<vmem_shared>>
      %dma_start3A_364 = arith.constant 0 : i32
      %dma_start3A_365 = arith.constant 0 : i32
      %dma_start3A_366 = tpu.memref_slice %arg11[%dma_start3A_364, %dma_start3A_365] : memref<128x16xf32, #tpu.memory_space<vmem>> -> memref<80x16xf32, #tpu.memory_space<vmem>>
      %dma_start3A_367 = arith.constant 0 : i32
      %dma_start3A_368 = tpu.memref_slice %arg14[%add3A_347, %dma_start3A_367] : memref<3464x16xf32, #tpu.memory_space<vmem_shared>> -> memref<80x16xf32, #tpu.memory_space<vmem_shared>>
      tpu.enqueue_dma source(%dma_start3A_368 : memref<80x16xf32, #tpu.memory_space<vmem_shared>>) target(%dma_start3A_366 : memref<80x16xf32, #tpu.memory_space<vmem>>) target_semaphore(%run_scoped3A : memref<!tpu.dma_semaphore, #tpu.memory_space<semaphore_mem>>)
      %dma_wait3A_369 = arith.constant 0 : i32
      %dma_wait3A_370 = arith.constant 0 : i32
      %dma_wait3A_371 = tpu.memref_slice %arg11[%dma_wait3A_369, %dma_wait3A_370] : memref<128x16xf32, #tpu.memory_space<vmem>> -> memref<80x16xf32, #tpu.memory_space<vmem>>
      %dma_wait3A_372 = arith.constant 0 : i32
      %dma_wait3A_373 = tpu.memref_slice %arg14[%add3A_347, %dma_wait3A_372] : memref<3464x16xf32, #tpu.memory_space<vmem_shared>> -> memref<80x16xf32, #tpu.memory_space<vmem_shared>>
      %dma_wait3A_374 = arith.constant 0 : i32
      %dma_wait3A_375 = arith.constant 0 : i32
      %dma_wait3A_376 = tpu.memref_slice %arg11[%dma_wait3A_374, %dma_wait3A_375] : memref<128x16xf32, #tpu.memory_space<vmem>> -> memref<80x16xf32, #tpu.memory_space<vmem>>
      %dma_wait3A_377 = arith.constant 0 : i32
      %dma_wait3A_378 = tpu.memref_slice %arg14[%add3A_347, %dma_wait3A_377] : memref<3464x16xf32, #tpu.memory_space<vmem_shared>> -> memref<80x16xf32, #tpu.memory_space<vmem_shared>>
      tpu.wait_dma2 semaphore(%run_scoped3A : memref<!tpu.dma_semaphore, #tpu.memory_space<semaphore_mem>>) src(%dma_wait3A_378 : memref<80x16xf32, #tpu.memory_space<vmem_shared>>) dst(%dma_wait3A_376 : memref<80x16xf32, #tpu.memory_space<vmem>>)
      tpu.yield
    }) : () -> ()
    %scan3A_348 = arith.constant 0 : i32
    %scan3A_349 = arith.constant 0 : i32
    %scan3A_350 = arith.constant 80 : i32
    %scan3A_351 = arith.addi %scan3A_349, %scan3A_350 : i32
    %scan3A_352 = arith.constant 1 : i32
    %scan3A_353 = scf.for %scan3A_359 = %scan3A_349 to %scan3A_351 step %scan3A_352 iter_args(%scan3A_360 = %scan3A_348) -> (i32)  : i32 {
      %get3A_361 = arith.index_cast %scan3A_359 : i32 to index
      %get3A_362 = arith.constant 0 : index
      %get3A_363 = tpu.vector_load %arg11[%get3A_361, %get3A_362] {strides = array<i32>} : memref<128x16xf32, #tpu.memory_space<vmem>>, vector<1x16xf32>,
      %get3A_364 = vector.shape_cast %get3A_363 : vector<1x16xf32> to vector<16xf32>
      %max3A_365 = arith.constant 1.000000e+00 : f32
      %max3A_366 = vector.broadcast %max3A_365 : f32 to vector<16xf32>
      %max3A_367 = arith.maximumf %get3A_364, %max3A_366 : vector<16xf32>
      %div3A_368 = arith.constant 1.000000e+00 : f32
      %div3A_369 = vector.broadcast %div3A_368 : f32 to vector<16xf32>
      %div3A_370 = arith.divf %div3A_369, %max3A_367 : vector<16xf32>
      %get3A_371 = arith.index_cast %scan3A_359 : i32 to index
      %get3A_372 = arith.constant 0 : index
      %get3A_373 = tpu.vector_load %arg10[%get3A_371, %get3A_372] {strides = array<i32>} : memref<128x128xf32, #tpu.memory_space<vmem>>, vector<1x16xf32>,
      %get3A_374 = vector.shape_cast %get3A_373 : vector<1x16xf32> to vector<16xf32>
      %mul3A_375 = arith.mulf %get3A_374, %div3A_370 : vector<16xf32>
      %swap3A = arith.index_cast %scan3A_359 : i32 to index
      %swap3A_376 = arith.constant 0 : index
      %swap3A_377 = tpu.vector_load %arg10[%swap3A, %swap3A_376] {strides = array<i32>} : memref<128x128xf32, #tpu.memory_space<vmem>>, vector<1x16xf32>,
      %swap3A_378 = vector.shape_cast %swap3A_377 : vector<1x16xf32> to vector<16xf32>
      %swap3A_379 = vector.shape_cast %mul3A_375 : vector<16xf32> to vector<1x16xf32>
      tpu.vector_store %arg10[%swap3A, %swap3A_376], %swap3A_379 {strides = array<i32>} : memref<128x128xf32, #tpu.memory_space<vmem>>, vector<1x16xf32>,
      %get3A_380 = arith.index_cast %scan3A_359 : i32 to index
      %get3A_381 = arith.constant 16 : index
      %get3A_382 = tpu.vector_load %arg10[%get3A_380, %get3A_381] {strides = array<i32>} : memref<128x128xf32, #tpu.memory_space<vmem>>, vector<1x16xf32>,
      %get3A_383 = vector.shape_cast %get3A_382 : vector<1x16xf32> to vector<16xf32>
      %mul3A_384 = arith.mulf %get3A_383, %div3A_370 : vector<16xf32>
      %swap3A_385 = arith.index_cast %scan3A_359 : i32 to index
      %swap3A_386 = arith.constant 16 : index
      %swap3A_387 = tpu.vector_load %arg10[%swap3A_385, %swap3A_386] {strides = array<i32>} : memref<128x128xf32, #tpu.memory_space<vmem>>, vector<1x16xf32>,
      %swap3A_388 = vector.shape_cast %swap3A_387 : vector<1x16xf32> to vector<16xf32>
      %swap3A_389 = vector.shape_cast %mul3A_384 : vector<16xf32> to vector<1x16xf32>
      tpu.vector_store %arg10[%swap3A_385, %swap3A_386], %swap3A_389 {strides = array<i32>} : memref<128x128xf32, #tpu.memory_space<vmem>>, vector<1x16xf32>,
      %get3A_390 = arith.index_cast %scan3A_359 : i32 to index
      %get3A_391 = arith.constant 32 : index
      %get3A_392 = tpu.vector_load %arg10[%get3A_390, %get3A_391] {strides = array<i32>} : memref<128x128xf32, #tpu.memory_space<vmem>>, vector<1x16xf32>,
      %get3A_393 = vector.shape_cast %get3A_392 : vector<1x16xf32> to vector<16xf32>
      %mul3A_394 = arith.mulf %get3A_393, %div3A_370 : vector<16xf32>
      %swap3A_395 = arith.index_cast %scan3A_359 : i32 to index
      %swap3A_396 = arith.constant 32 : index
      %swap3A_397 = tpu.vector_load %arg10[%swap3A_395, %swap3A_396] {strides = array<i32>} : memref<128x128xf32, #tpu.memory_space<vmem>>, vector<1x16xf32>,
      %swap3A_398 = vector.shape_cast %swap3A_397 : vector<1x16xf32> to vector<16xf32>
      %swap3A_399 = vector.shape_cast %mul3A_394 : vector<16xf32> to vector<1x16xf32>
      tpu.vector_store %arg10[%swap3A_395, %swap3A_396], %swap3A_399 {strides = array<i32>} : memref<128x128xf32, #tpu.memory_space<vmem>>, vector<1x16xf32>,
      %get3A_400 = arith.index_cast %scan3A_359 : i32 to index
      %get3A_401 = arith.constant 48 : index
      %get3A_402 = tpu.vector_load %arg10[%get3A_400, %get3A_401] {strides = array<i32>} : memref<128x128xf32, #tpu.memory_space<vmem>>, vector<1x16xf32>,
      %get3A_403 = vector.shape_cast %get3A_402 : vector<1x16xf32> to vector<16xf32>
      %mul3A_404 = arith.mulf %get3A_403, %div3A_370 : vector<16xf32>
      %swap3A_405 = arith.index_cast %scan3A_359 : i32 to index
      %swap3A_406 = arith.constant 48 : index
      %swap3A_407 = tpu.vector_load %arg10[%swap3A_405, %swap3A_406] {strides = array<i32>} : memref<128x128xf32, #tpu.memory_space<vmem>>, vector<1x16xf32>,
      %swap3A_408 = vector.shape_cast %swap3A_407 : vector<1x16xf32> to vector<16xf32>
      %swap3A_409 = vector.shape_cast %mul3A_404 : vector<16xf32> to vector<1x16xf32>
      tpu.vector_store %arg10[%swap3A_405, %swap3A_406], %swap3A_409 {strides = array<i32>} : memref<128x128xf32, #tpu.memory_space<vmem>>, vector<1x16xf32>,
      %get3A_410 = arith.index_cast %scan3A_359 : i32 to index
      %get3A_411 = arith.constant 64 : index
      %get3A_412 = tpu.vector_load %arg10[%get3A_410, %get3A_411] {strides = array<i32>} : memref<128x128xf32, #tpu.memory_space<vmem>>, vector<1x16xf32>,
      %get3A_413 = vector.shape_cast %get3A_412 : vector<1x16xf32> to vector<16xf32>
      %mul3A_414 = arith.mulf %get3A_413, %div3A_370 : vector<16xf32>
      %swap3A_415 = arith.index_cast %scan3A_359 : i32 to index
      %swap3A_416 = arith.constant 64 : index
      %swap3A_417 = tpu.vector_load %arg10[%swap3A_415, %swap3A_416] {strides = array<i32>} : memref<128x128xf32, #tpu.memory_space<vmem>>, vector<1x16xf32>,
      %swap3A_418 = vector.shape_cast %swap3A_417 : vector<1x16xf32> to vector<16xf32>
      %swap3A_419 = vector.shape_cast %mul3A_414 : vector<16xf32> to vector<1x16xf32>
      tpu.vector_store %arg10[%swap3A_415, %swap3A_416], %swap3A_419 {strides = array<i32>} : memref<128x128xf32, #tpu.memory_space<vmem>>, vector<1x16xf32>,
      %get3A_420 = arith.index_cast %scan3A_359 : i32 to index
      %get3A_421 = arith.constant 80 : index
      %get3A_422 = tpu.vector_load %arg10[%get3A_420, %get3A_421] {strides = array<i32>} : memref<128x128xf32, #tpu.memory_space<vmem>>, vector<1x16xf32>,
      %get3A_423 = vector.shape_cast %get3A_422 : vector<1x16xf32> to vector<16xf32>
      %mul3A_424 = arith.mulf %get3A_423, %div3A_370 : vector<16xf32>
      %swap3A_425 = arith.index_cast %scan3A_359 : i32 to index
      %swap3A_426 = arith.constant 80 : index
      %swap3A_427 = tpu.vector_load %arg10[%swap3A_425, %swap3A_426] {strides = array<i32>} : memref<128x128xf32, #tpu.memory_space<vmem>>, vector<1x16xf32>,
      %swap3A_428 = vector.shape_cast %swap3A_427 : vector<1x16xf32> to vector<16xf32>
      %swap3A_429 = vector.shape_cast %mul3A_424 : vector<16xf32> to vector<1x16xf32>
      tpu.vector_store %arg10[%swap3A_425, %swap3A_426], %swap3A_429 {strides = array<i32>} : memref<128x128xf32, #tpu.memory_space<vmem>>, vector<1x16xf32>,
      %get3A_430 = arith.index_cast %scan3A_359 : i32 to index
      %get3A_431 = arith.constant 96 : index
      %get3A_432 = tpu.vector_load %arg10[%get3A_430, %get3A_431] {strides = array<i32>} : memref<128x128xf32, #tpu.memory_space<vmem>>, vector<1x16xf32>,
      %get3A_433 = vector.shape_cast %get3A_432 : vector<1x16xf32> to vector<16xf32>
      %mul3A_434 = arith.mulf %get3A_433, %div3A_370 : vector<16xf32>
      %swap3A_435 = arith.index_cast %scan3A_359 : i32 to index
      %swap3A_436 = arith.constant 96 : index
      %swap3A_437 = tpu.vector_load %arg10[%swap3A_435, %swap3A_436] {strides = array<i32>} : memref<128x128xf32, #tpu.memory_space<vmem>>, vector<1x16xf32>,
      %swap3A_438 = vector.shape_cast %swap3A_437 : vector<1x16xf32> to vector<16xf32>
      %swap3A_439 = vector.shape_cast %mul3A_434 : vector<16xf32> to vector<1x16xf32>
      tpu.vector_store %arg10[%swap3A_435, %swap3A_436], %swap3A_439 {strides = array<i32>} : memref<128x128xf32, #tpu.memory_space<vmem>>, vector<1x16xf32>,
      %get3A_440 = arith.index_cast %scan3A_359 : i32 to index
      %get3A_441 = arith.constant 112 : index
      %get3A_442 = tpu.vector_load %arg10[%get3A_440, %get3A_441] {strides = array<i32>} : memref<128x128xf32, #tpu.memory_space<vmem>>, vector<1x16xf32>,
      %get3A_443 = vector.shape_cast %get3A_442 : vector<1x16xf32> to vector<16xf32>
      %mul3A_444 = arith.mulf %get3A_443, %div3A_370 : vector<16xf32>
      %swap3A_445 = arith.index_cast %scan3A_359 : i32 to index
      %swap3A_446 = arith.constant 112 : index
      %swap3A_447 = tpu.vector_load %arg10[%swap3A_445, %swap3A_446] {strides = array<i32>} : memref<128x128xf32, #tpu.memory_space<vmem>>, vector<1x16xf32>,
      %swap3A_448 = vector.shape_cast %swap3A_447 : vector<1x16xf32> to vector<16xf32>
      %swap3A_449 = vector.shape_cast %mul3A_444 : vector<16xf32> to vector<1x16xf32>
      tpu.vector_store %arg10[%swap3A_445, %swap3A_446], %swap3A_449 {strides = array<i32>} : memref<128x128xf32, #tpu.memory_space<vmem>>, vector<1x16xf32>,
      %scan3A_450 = arith.constant 0 : i32
      scf.yield %scan3A_450 : i32
    }
    %scan3A_354 = arith.constant 80 : i32
    %add3A_355 = arith.constant 6912 : i32
    %add3A_356 = arith.addi %add3A_355, %mul3A_328 : i32
    %add3A_357 = arith.constant 128 : i32
    %add3A_358 = arith.addi %add3A_356, %add3A_357 : i32
    "tpu.region"() ({
      %run_scoped3A = tpu.sem_alloc : memref<!tpu.dma_semaphore, #tpu.memory_space<semaphore_mem>>
      %dma_start3A_359 = arith.constant 0 : i32
      %dma_start3A_360 = arith.constant 0 : i32
      %dma_start3A_361 = tpu.memref_slice %arg10[%dma_start3A_359, %dma_start3A_360] : memref<128x128xf32, #tpu.memory_space<vmem>> -> memref<80x128xf32, #tpu.memory_space<vmem>>
      %dma_start3A_362 = tpu.memref_slice %arg5[%add3A_358, %mul3A_0] : memref<10240x256xf32, #tpu.memory_space<hbm>> -> memref<80x128xf32, #tpu.memory_space<hbm>>
      %dma_start3A_363 = tpu.memref_slice %arg5[%add3A_358, %mul3A_0] : memref<10240x256xf32, #tpu.memory_space<hbm>> -> memref<80x128xf32, #tpu.memory_space<hbm>>
      %dma_start3A_364 = arith.constant 0 : i32
      %dma_start3A_365 = arith.constant 0 : i32
      %dma_start3A_366 = tpu.memref_slice %arg10[%dma_start3A_364, %dma_start3A_365] : memref<128x128xf32, #tpu.memory_space<vmem>> -> memref<80x128xf32, #tpu.memory_space<vmem>>
      tpu.enqueue_dma source(%dma_start3A_366 : memref<80x128xf32, #tpu.memory_space<vmem>>) target(%dma_start3A_363 : memref<80x128xf32, #tpu.memory_space<hbm>>) target_semaphore(%run_scoped3A : memref<!tpu.dma_semaphore, #tpu.memory_space<semaphore_mem>>)
      %dma_wait3A_367 = arith.constant 0 : i32
      %dma_wait3A_368 = arith.constant 0 : i32
      %dma_wait3A_369 = tpu.memref_slice %arg10[%dma_wait3A_367, %dma_wait3A_368] : memref<128x128xf32, #tpu.memory_space<vmem>> -> memref<80x128xf32, #tpu.memory_space<vmem>>
      %dma_wait3A_370 = tpu.memref_slice %arg5[%add3A_358, %mul3A_0] : memref<10240x256xf32, #tpu.memory_space<hbm>> -> memref<80x128xf32, #tpu.memory_space<hbm>>
      %dma_wait3A_371 = tpu.memref_slice %arg5[%add3A_358, %mul3A_0] : memref<10240x256xf32, #tpu.memory_space<hbm>> -> memref<80x128xf32, #tpu.memory_space<hbm>>
      %dma_wait3A_372 = arith.constant 0 : i32
      %dma_wait3A_373 = arith.constant 0 : i32
      %dma_wait3A_374 = tpu.memref_slice %arg10[%dma_wait3A_372, %dma_wait3A_373] : memref<128x128xf32, #tpu.memory_space<vmem>> -> memref<80x128xf32, #tpu.memory_space<vmem>>
      tpu.wait_dma2 semaphore(%run_scoped3A : memref<!tpu.dma_semaphore, #tpu.memory_space<semaphore_mem>>) src(%dma_wait3A_374 : memref<80x128xf32, #tpu.memory_space<vmem>>) dst(%dma_wait3A_371 : memref<80x128xf32, #tpu.memory_space<hbm>>)
      tpu.yield
    }) : () -> ()
    return
  }
}

</mosaic_0001>

<sc_bundles>
// kernel: kernel.3.cloned.1.call-start
scs
__scs_entry_jumppad:
0x0: {  	(pc) =	sbr.rel $0x88, $3  }
0x1: {  	(tag) =	ssettag $0x0;
	lr =	simm.s32 $0x1  }
0x2: {  	[smem:$0x3F9F] =	sst lr;
	_ =	strace $0xD0000000  }
0x3: {  	_ = 	snop  }
0x4: {  	_ = 	snop  }
0x5: {  	_ = 	snop  }
0x6: {  	_ = 	snop  }
0x7: {  	_ = 	snop  }
__scs_overlays_trampoline_lowered:
0x8: {  	[smem:$0x3FAE] =	sst s0  }
0x9: {  	[smem:$0x3FAF] =	sst s1  }
0xa: {  	[smem:$0x3FB0] =	sst s2  }
0xb: {  	[smem:$0x3FB1] =	sst s3  }
0xc: {  	[smem:$0x3FB2] =	sst s4  }
0xd: {  	[smem:$0x3FB3] =	sst s5  }
0xe: {  	[smem:$0x3FB4] =	sst s6  }
0xf: {  	[smem:$0x3FB5] =	sst s7  }
0x10: {  	[smem:$0x3FB6] =	sst s8  }
0x11: {  	[smem:$0x3FB7] =	sst s9;
	s0 =	simm.s32 @!p0 $0x0  }
0x12: {  	s1 =	sld [smem:$0x3F9D];
	s0 =	simm.s32 @p0 $0x1  }
0x13: {  	[smem:$0x3FB8] =	sst s0;
	s0 =	simm.s32 @!p1 $0x0  }
0x14: {  	s2 =	sld [smem:$0x3F9C];
	s0 =	simm.s32 @p1 $0x1  }
0x15: {  	[smem:$0x3FB9] =	sst s0;
	s0 =	simm.s32 @!p2 $0x0  }
0x16: {  	s3 =	sld [smem:$0x3FDB];
	s0 =	simm.s32 @p2 $0x1  }
0x17: {  	s4 =	simm.s32 $0x1BF5;
	[smem:$0x3FBB] =	sst s0  }
0x18: {  	s0 =	sld [smem:$0x3F9E];
	_ =	swait.ge [sflag:s4], $0x0  }
0x19: {  	s7 =	sld [smem:$0x3F9F]  }
0x1a: {  	s8 =	sadd.s32 $0xFFFFE003, lr  }
0x1b: {  	s9 =	sadd.s32 $0xFFFFFEF7, lr;
	s5 =	simm.s32 $0xFFFFFFFF;
	p2 =	slt.u32 s8, $0xFFFFF086  }
0x1c: {  	p1 =	slt.u32 s9, $0xF7A;
	s5 =	simm.s32 @!p2 $0x0  }
0x1d: {  	s5 =	simm.s32 @p1 $0x1;
	p0 =	seq.s32 s7, s2  }
0x1e: {  	s7 =	smul.u32 @!p0 $0xF7A, s2;
	p2 =	seq.s32 @!p0 s5, $0x0  }
0x1f: {  	s9 =	smul.u32 $0xF7A, s1;
	s8 =	simm.s32 @!p0 $0x1BF5;
	p2 =	por !p2, p0  }
0x20: {  	[sflag:s8] =	ssyncset.s32 @!p0 $0xFFFFF086;
	s6 =	sadd.s32 @!p0 s3, s7;
	s7 =	simm.s32 @!p0 $0x108  }
0x21: {  	s3 =	sadd.s32 s3, s9;
	s6 =	sadd.s32 @!p0 $0x88, s6;
	s7 =	simm.s32 @p2 $0x1082  }
0x22: {  	[simem:s7], [sflag:s8] =	dma.local @!p0 [hbm:s6], $0xF7A  }
0x23: {  	s9 =	sor.u32 $0xD0000000, s2;
	s6 =	simm.s32 $0x108;
	_ =	swait.ge @!p0 [sflag:s8], $0x0  }
0x24: {  	s3 =	sadd.s32 $0x88, s3;
	s6 =	simm.s32 @!p1 $0x1082;
	[sflag:s4] =	ssyncset.s32 $0xFFFFF086  }
0x25: {  	[simem:s6], [sflag:s4] =	dma.local [hbm:s3], $0xF7A  }
0x26: {  	[smem:$0x3F9F] =	sst s1;
	(tag) =	ssettag s2;
	_ =	strace s9  }
0x27: {  	s1 =	sld [smem:$0x3FAF]  }
0x28: {  	s2 =	sld [smem:$0x3FB0]  }
0x29: {  	s4 =	sld [smem:$0x3FB2]  }
0x2a: {  	p0 =	seq.s32 s5, $0x0;
	s5 =	sld [smem:$0x3FB3]  }
0x2b: {  	s6 =	sld [smem:$0x3FB4]  }
0x2c: {  	s7 =	sld [smem:$0x3FB5]  }
0x2d: {  	s3 =	simm.s32 $0x108;
	s8 =	sld [smem:$0x3FB6]  }
0x2e: {  	s3 =	simm.s32 @!p0 $0x1082;
	s9 =	sld [smem:$0x3FB7]  }
0x2f: {  	lr =	sadd.s32 s0, s3;
	s0 =	sld [smem:$0x3FAE]  }
0x30: {  	s3 =	sld [smem:$0x3FB1]  }
0x31: {  	[smem:$0x3FBA] =	sst s10  }
0x32: {  	s10 =	sld [smem:$0x3FB8];
	_ =	sdelay $0x3  }
0x33: {  	p0 =	seq.s32 s10, $0x1;
	s10 =	sld [smem:$0x3FBA];
	_ =	sdelay $0x3  }
0x34: {  	[smem:$0x3FBA] =	sst s10  }
0x35: {  	s10 =	sld [smem:$0x3FB9];
	_ =	sdelay $0x3  }
0x36: {  	p1 =	seq.s32 s10, $0x1;
	s10 =	sld [smem:$0x3FBA];
	_ =	sdelay $0x3  }
0x37: {  	[smem:$0x3FBA] =	sst s10  }
0x38: {  	s10 =	sld [smem:$0x3FBB]  }
0x39: {  	_ = 	snop;
	(pc) =	sbr.ind lr, $3  }
0x3a: {  	_ = 	snop  }
0x3b: {  	_ = 	snop  }
0x3c: {  	p2 =	seq.s32 s10, $0x1;
	s10 =	sld [smem:$0x3FBA]  }
0x3d: {  	_ =	shalt  }
0x3e: {  	_ =	shalt  }
0x3f: {  	_ =	shalt  }
0x40: {  	_ =	shalt  }
0x41: {  	_ =	shalt  }
0x42: {  	_ =	shalt  }
0x43: {  	_ =	shalt  }
0x44: {  	_ =	shalt  }
0x45: {  	_ =	shalt  }
0x46: {  	_ =	shalt  }
0x47: {  	_ =	shalt  }
0x48: {  	_ =	shalt  }
0x49: {  	_ =	shalt  }
0x4a: {  	_ =	shalt  }
0x4b: {  	_ =	shalt  }
0x4c: {  	_ =	shalt  }
0x4d: {  	_ =	shalt  }
0x4e: {  	_ =	shalt  }
0x4f: {  	_ =	shalt  }
0x50: {  	_ =	shalt  }
0x51: {  	_ =	shalt  }
0x52: {  	_ =	shalt  }
0x53: {  	_ =	shalt  }
0x54: {  	_ =	shalt  }
0x55: {  	_ =	shalt  }
0x56: {  	_ =	shalt  }
0x57: {  	_ =	shalt  }
0x58: {  	_ =	shalt  }
0x59: {  	_ =	shalt  }
0x5a: {  	_ =	shalt  }
0x5b: {  	_ =	shalt  }
0x5c: {  	_ =	shalt  }
0x5d: {  	_ =	shalt  }
0x5e: {  	_ =	shalt  }
0x5f: {  	_ =	shalt  }
0x60: {  	_ =	shalt  }
0x61: {  	_ =	shalt  }
0x62: {  	_ =	shalt  }
0x63: {  	_ =	shalt  }
0x64: {  	_ =	shalt  }
0x65: {  	_ =	shalt  }
0x66: {  	_ =	shalt  }
0x67: {  	_ =	shalt  }
0x68: {  	_ =	shalt  }
0x69: {  	_ =	shalt  }
0x6a: {  	_ =	shalt  }
0x6b: {  	_ =	shalt  }
0x6c: {  	_ =	shalt  }
0x6d: {  	_ =	shalt  }
0x6e: {  	_ =	shalt  }
0x6f: {  	_ =	shalt  }
0x70: {  	_ =	shalt  }
0x71: {  	_ =	shalt  }
0x72: {  	_ =	shalt  }
0x73: {  	_ =	shalt  }
0x74: {  	_ =	shalt  }
0x75: {  	_ =	shalt  }
0x76: {  	_ =	shalt  }
0x77: {  	_ =	shalt  }
0x78: {  	_ =	shalt  }
0x79: {  	_ =	shalt  }
0x7a: {  	_ =	shalt  }
0x7b: {  	_ =	shalt  }
0x7c: {  	_ =	shalt  }
0x7d: {  	_ =	shalt  }
0x7e: {  	_ =	shalt  }
0x7f: {  	_ =	shalt  }
0x80: {  	_ =	shalt  }
0x81: {  	_ =	shalt  }
0x82: {  	_ =	shalt  }
0x83: {  	_ =	shalt  }
0x84: {  	_ =	shalt  }
0x85: {  	_ =	shalt  }
0x86: {  	_ =	shalt  }
0x87: {  	_ =	shalt  }
.Lfunc_end0:
.L_simem_size_0:
called_computation.1_lowered:
.L_overlay_start_0:
0x88: {  	s2 =	sld [smem:$0x3FD9]  }
0x89: {  	s3 =	sld [smem:$0x3FFE];
	_ =	sdelay $0x1  }
0x8a: {  	s1 =	srdreg.scid  }
0x8b: {  	s0 =	sand.u32 $0x1, s1  }
0x8c: {  	s17 =	sshll.u32 s0, $0xA;
	s2 =	sadd.s32 s3, s2  }
0x8d: {  	s2 =	sadd.s32 s2, s17  }
0x8e: {  	[smem:$0x3FC6] =	sst s2  }
0x8f: {  	_ = 	snop  }
0x90: {  	s2 =	sld [smem:$0x3FD0];
	(tm) =	ssettm $0x1  }
0x91: {  	s18 =	sld [smem:$0x3FFB];
	_ =	sdelay $0x3  }
0x92: {  	_ =	strace s18  }
0x93: {  	s3 =	sld [smem:$0x3FFC];
	_ =	sdelay $0x3  }
0x94: {  	_ =	strace s3  }
0x95: {  	s3 =	sld [smem:$0x3FFD];
	_ =	sdelay $0x3  }
0x96: {  	_ =	strace s3  }
0x97: {  	_ =	strace $0x8FFFFFFF  }
0x98: {  	s19 =	sld [smem:$0x3FDB];
	_ =	sdelay $0x1  }
0x99: {  	s4 =	simm.s32 $_scs_section_size  }
0x9a: {  	s5 =	simm.s32 $_size__tile_overlayer_lowered;
	s6 =	simm.s32 $_tile_overlayer_lowered  }
0x9b: {  	s22 =	simm.s32 $0x1BFF;
	s21 =	sshll.u32 s6, $0x1;
	s3 =	sadd.s32 s4, s19  }
0x9c: {  	s7 =	simm.s32 $0x0;
	s20 =	sshll.u32 s5, $0x1;
	s5 =	sadd.s32 s21, s3  }
0x9d: {  	[timem:s7], [sflag:s22] =	dma.local [hbm:s5], s20  }
0x9e: {  	_ =	swait.ge [sflag:s22], s20  }
0x9f: {  	s4 =	ssub.s32 $0x0, s20;
	[sflag:s22] =	ssyncset.done $0x0  }
0xa0: {  	[sflag:s22] =	ssyncadd.s32 s4;
	_ =	sdelay $0x1  }
0xa1: {  	s23 =	simm.s32 $0x1B8B  }
0xa2: {  	_ =	swait.ge [sflag:s23], $0x1  }
0xa3: {  	[sflag:s23] =	ssyncset.done $0x0  }
0xa4: {  	s25 =	simm.s32 $0x1B8E;
	s24 =	sld [smem:$0x3FFE];
	[sflag:s23] =	ssyncadd.s32 $0xFFFFFFFF  }
0xa5: {  	s26 =	simm.s32 $execute0_lowered;
	[smem:$0x3FD2] =	sst s25  }
0xa6: {  	s5 =	sshll.u32 s26, $0x1;
	_ =	strace $0x80000049;
	[dreg:$0x1] =	wrdreg $0xFFFFFFFF  }
0xa7: {  	s28 =	simm.s32 $_size_execute0_lowered;
	s3 =	sadd.s32 s3, s5;
	[dreg:$0x0] =	wrdreg $0x0  }
0xa8: {  	s5 =	sshll.u32 s28, $0x1;
	[dreg:$0x2] =	wrdreg s3  }
0xa9: {  	[dreg:$0x3] =	wrdreg s5  }
0xaa: {  	[dreg:$0x4] =	wrdreg $0xC0  }
0xab: {  	_ =	task [dreg:s7], $0x5FFFF  }
0xac: {  	[dreg:$0x1] =	wrdreg $0xFFFFFFFF  }
0xad: {  	[dreg:$0x0] =	wrdreg $0x60  }
0xae: {  	[dreg:$0x2] =	wrdreg s24  }
0xaf: {  	[dreg:$0x3] =	wrdreg s2  }
0xb0: {  	[dreg:$0x4] =	wrdreg $0xFC100  }
0xb1: {  	[dreg:$0x5] =	wrdreg $0x168500  }
0xb2: {  	[dreg:$0x6] =	wrdreg $0x9  }
0xb3: {  	_ =	task.clear_ibuf [dreg:s7], $0x7FFFF;
	_ =	strace $0x90000049  }
0xb4: {  	s29 =	simm.s32 $0x9;
	_ =	strace $0x8000004B  }
0xb5: {  	_ =	swait.ge [sflag:s29], $0x1  }
0xb6: {  	[sflag:s29] =	ssyncadd.s32 $0xFFFFFFFF  }
0xb7: {  	_ =	strace $0x9000004B  }
0xb8: {  	_ =	sfence  }
0xb9: {  	s30 =	sld [smem:$0x0];
	_ =	sdelay $0x2  }
0xba: {  	s31 =	sshll.u32 s1, $0xD;
	s1 =	sshrl.u32 s1, $0x2  }
0xbb: {  	s3 =	sand.u32 $0x4000, s31;
	s1 =	sadd.s32 s1, s30  }
0xbc: {  	s0 =	sor.u32 s3, s0;
	s1 =	sshll.u32 s1, $0x11  }
0xbd: {  	s0 =	sor.u32 s1, s0  }
0xbe: {  	s0 =	sadd.s32 $0x8F2B, s0  }
0xbf: {  	[sflag:s0] =	ssyncadd.remote.s32 $0x1  }
0xc0: {  	_ =	sfence.sel $0xFFFF  }
0xc1: {  	[dreg:$0x0] =	wrdreg $0xFFFFFFFF;
	(pc) =	sbr.abs _section_cstart, $3  }
0xc2: {  	[dreg:$0x1] =	wrdreg $0xFFFFFFFF  }
0xc3: {  	_ =	task.clear_ibuf [dreg:s7], $0x2FFFF;
	_ =	strace $0x9FFFFFFF  }
0xc4: {  	(tm) =	ssettm $0x7FFFFFFF  }
0xc5: {  	_ =	shalt  }
tec
execute0_lowered:
.L_overlay_start_1:
0x0: {  	(tag) =	ssettag $0x1  }
0x1: {  	s1 =	rddreg [dreg:$0x0]  }
0x2: {  	s0 =	rddreg [dreg:$0x1]  }
0x3: {  	s2 =	rddreg [dreg:$0x2]  }
0x4: {  	s4 =	rddreg [dreg:$0x3];
	s16 =	stileid.u32  }
0x5: {  	s26 =	simm.s32 $0x0;
	s5 =	srdreg.scid;
	s6 =	smul.u32 $0x1B000, s16  }
0x6: {  	s28 =	simm.s32 $0xAC10;
	s29 =	simm.s32 $0x3;
	s8 =	smul.u32 $0xD8, s16  }
0x7: {  	s30 =	simm.s32 $0xEC10;
	[smem:$0x7FF] =	sst s26;
	s11 =	smul.u32 $0x3600, s16  }
0x8: {  	s3 =	sshll.u32 s16, $0x1;
	s5 =	sand.u32 $0x1, s5;
	s14 =	smul.u32 $0x580, s16  }
0x9: {  	s10 =	sadd.s32 $0x4E2200, s1;
	s21 =	sshll.u32 s16, $0xF;
	s22 =	smul.u32 $0xD800, s16  }
0xa: {  	s15 =	smul.u32 $0x2C00, s16;
	_ =	strace $0x8000004A;
	s7 =	ssub.s32 $0x2, s5  }
0xb: {  	s3 =	sadd.s32 s3, s1;
	s5 =	sshll.u32 s5, $0x7;
	s9 =	sshrl.u32 s7, $0x1  }
0xc: {  	s6 =	sshrl.u32 s6, $0x2;
	s13 =	sadd.s32 $0x80, s8;
	s19 =	sshrl.u32 s11, $0x2  }
0xd: {  	s3 =	sadd.s32 $0x4E2000, s3;
	s11 =	sor.u32 s5, s21;
	s23 =	sadd.s32 s0, s14  }
0xe: {  	s21 =	smul.u32 $0xD000, s16;
	s12 =	ssub.s32 s7, s9;
	s31 =	sadd.s32 s6, s2  }
0xf: {  	s8 =	sshll.u32 s13, $0x7;
	s20 =	sshll.u32 s13, $0x4;
	[dreg:$0x5] =	wrdreg s3  }
0x10: {  	s7 =	sadd.s32 s19, s4;
	[dreg:$0x6] =	wrdreg s23;
	s24 =	sshrl.u32 s11, $0x3  }
0x11: {  	s13 =	sshll.u32 s13, $0x8;
	s3 =	sor.u32 s5, s22;
	s19 =	sshrl.u32 s15, $0x3  }
0x12: {  	s15 =	smul.u32 $0x1A000, s16;
	s8 =	sadd.s32 s8, s2;
	s9 =	sadd.s32 s20, s4  }
0x13: {  	s13 =	sor.u32 s5, s13;
	s25 =	sadd.s32 s1, s24;
	s6 =	sshrl.u32 s3, $0x3  }
0x14: {  	s20 =	sadd.s32 $0xD8000, s3;
	s3 =	sadd.s32 $0xE0000, s3;
	s0 =	sadd.s32 s0, s19  }
0x15: {  	s24 =	sor.u32 s5, s21;
	s5 =	simm.s32 $0x100;
	[dreg:$0x7] =	wrdreg s25  }
0x16: {  	s13 =	sshrl.u32 s13, $0x3;
	s17 =	sadd.s32 s10, s6;
	s22 =	sshrl.u32 s20, $0x3  }
0x17: {  	s3 =	sshrl.u32 s3, $0x3;
	s25 =	smul.u32 $0xD0, s16;
	s14 =	sadd.s32 $0x1B0000, s24  }
0x18: {  	s19 =	sadd.s32 $0x5800, s0;
	s0 =	sadd.s32 $0xB000, s0;
	[dreg:$0x8] =	wrdreg s17  }
0x19: {  	s20 =	sshrl.u32 s15, $0x2;
	s15 =	simm.s32 $0x0;
	[dreg:$0xe] =	wrdreg s19  }
0x1a: {  	s18 =	sadd.s32 s10, s13;
	s23 =	sadd.s32 s10, s22;
	[dreg:$0xf] =	wrdreg s0  }
0x1b: {  	s3 =	sadd.s32 s10, s3;
	s13 =	sshrl.u32 s14, $0x3;
	[dreg:$0x9] =	wrdreg s18  }
0x1c: {  	s17 =	smul.u32 $0x3400, s16;
	s0 =	sadd.s32 s20, s2;
	[dreg:$0xa] =	wrdreg s23  }
0x1d: {  	s14 =	simm.s32 $0x2;
	[dreg:$0xb] =	wrdreg s3;
	s3 =	sadd.s32 $0x1B8000, s24  }
0x1e: {  	s18 =	sadd.s32 s10, s13;
	[dreg:$0x10] =	wrdreg s0;
	s22 =	sadd.s32 $0x80, s25  }
0x1f: {  	s25 =	smax.u32 s12, $0x1;
	s12 =	simm.s32 $0x6C10;
	s13 =	simm.s32 $0xF410  }
0x20: {  	s3 =	sshrl.u32 s3, $0x3;
	[dreg:$0xc] =	wrdreg s18;
	s21 =	sshrl.u32 s17, $0x2  }
0x21: {  	s23 =	sshll.u32 s22, $0x7;
	[dreg:$0x14] =	wrdreg s25;
	s3 =	sadd.s32 s10, s3  }
0x22: {  	s25 =	simm.s32 $0x10;
	s0 =	sadd.s32 s21, s4;
	[dreg:$0xd] =	wrdreg s3  }
0x23: {  	[dreg:$0x11] =	wrdreg s0;
	s3 =	sshll.u32 s22, $0x4;
	s0 =	sadd.s32 s23, s2  }
0x24: {  	s10 =	simm.s32 $0x2C10;
	[dreg:$0x12] =	wrdreg s0;
	s24 =	sadd.s32 s3, s4  }
0x25: {  	v0 =	vimm.f32 $1.000000000e+00;
	v1 =	vimm.f32 $0.0e+00;
	s0 =	simm.s32 $0x1;
	s3 =	simm.s32 $0x80;
	[dreg:$0x13] =	wrdreg s24  }
.LBB2_1:
0x26: {  	s16 =	simm.s32 $0x0  }
0x27: {  	s17 =	simm.s32 $0xAC50;
	[tilespmem:s16+$0xF410] =	vst v0  }
0x28: {  	[tilespmem:s17+$0x20] =	vst v1  }
0x29: {  	[tilespmem:s17+$0x10] =	vst v1  }
0x2a: {  	[tilespmem:s17+$0x0] =	vst v1  }
0x2b: {  	[tilespmem:s17+$0xFFFFFFF0] =	vst v1  }
0x2c: {  	[tilespmem:s17+$0xFFFFFFE0] =	vst v1  }
0x2d: {  	[tilespmem:s17+$0xFFFFFFD0] =	vst v1  }
0x2e: {  	[tilespmem:s17+$0xFFFFFFC0] =	vst v1  }
0x2f: {  	s18 =	simm.s32 $0x40;
	[tilespmem:s17+$0x30] =	vst v1  }
.LBB2_2:
0x30: {  	p0 =	sne.s32 s18, $0x1FC0;
	[tilespmem:s16+$0xEC10] =	vst v1;
	s16 =	sshra.s32 s18, $0x2  }
0x31: {  	s17 =	sadd.s32 $0x80, s17;
	[tilespmem:s16+$0xF410] =	vst v0  }
0x32: {  	[tilespmem:s17+$0x20] =	vst v1  }
0x33: {  	[tilespmem:s17+$0x10] =	vst v1  }
0x34: {  	[tilespmem:s17+$0x0] =	vst v1  }
.Ltmp0:
0x35: {  	[tilespmem:s17+$0xFFFFFFF0] =	vst v1;
	(pc) =	sbr.rel @p0 .LBB2_2-.Ltmp0, $4  }
0x36: {  	[tilespmem:s17+$0xFFFFFFE0] =	vst v1  }
0x37: {  	[tilespmem:s17+$0xFFFFFFD0] =	vst v1  }
0x38: {  	[tilespmem:s17+$0xFFFFFFC0] =	vst v1  }
0x39: {  	s18 =	sadd.s32 $0x40, s18;
	[tilespmem:s17+$0x30] =	vst v1  }
0x3a: {  	[tilespmem:s16+$0xEC10] =	vst v1  }
0x3b: {  	[spmem:s31] =	stream.linear.scatter [tilespmem:s28], [sflag:$0x3], $0x4000, $0x38;
	[tilespmem:$0x175D8] =	vst v63  }
0x3c: {  	_ =	swait.ge [sflag:s29], $0x4000  }
0x3d: {  	[sflag:s29] =	ssyncset.done $0x0  }
0x3e: {  	[sflag:s29] =	ssyncadd.s32 $0xFFFFC000  }
0x3f: {  	[spmem:s7] =	stream.linear.scatter [tilespmem:s30], [sflag:$0x3], $0x800, $0x38;
	[tilespmem:$0x175D8] =	vst v63  }
0x40: {  	_ =	swait.ge [sflag:s29], $0x800  }
0x41: {  	[sflag:s29] =	ssyncset.done $0x0  }
0x42: {  	[sflag:s29] =	ssyncadd.s32 $0xFFFFF800  }
0x43: {  	[spmem:s8] =	stream.linear.scatter [tilespmem:s28], [sflag:$0x3], $0x2C00, $0x38;
	[tilespmem:$0x175D8] =	vst v63  }
0x44: {  	_ =	swait.ge [sflag:s29], $0x2C00  }
0x45: {  	[sflag:s29] =	ssyncset.done $0x0  }
0x46: {  	[sflag:s29] =	ssyncadd.s32 $0xFFFFD400  }
0x47: {  	[spmem:s9] =	stream.linear.scatter [tilespmem:s30], [sflag:$0x3], $0x580, $0x38;
	[tilespmem:$0x175D8] =	vst v63  }
0x48: {  	_ =	swait.ge [sflag:s29], $0x580  }
0x49: {  	[sflag:s29] =	ssyncset.done $0x0  }
0x4a: {  	s20 =	simm.s32 $0x0;
	s6 =	rddreg [dreg:$0x5];
	[sflag:s29] =	ssyncadd.s32 $0xFFFFFA80  }
0x4b: {  	[tilespmem:s20], [sflag:$0x3] =	stream.linear.gather [hbm4b:s6+s20], $0x10, $0x38;
	[tilespmem:$0x175D8] =	vst v63  }
0x4c: {  	_ =	swait.ge [sflag:s29], $0x10  }
0x4d: {  	[sflag:s29] =	ssyncset.done $0x0  }
0x4e: {  	[sflag:s29] =	ssyncadd.s32 $0xFFFFFFF0  }
0x4f: {  	[bflag:$0x0] =	sbarrier.arrive $0xFFFF  }
0x50: {  	v2 =	vld [tilespmem:$0x0];
	_ =	sdelay $0x4  }
0x51: {  	(v2sf) =	vpush v2, $0x2  }
0x52: {  	(v2sf) =	vpush v2, $0x3  }
0x53: {  	(v2sf) =	vpush v2, $0x0;
	_ =	sdelay $0x8  }
0x54: {  	(v2sf) =	vpush v2, $0x1  }
0x55: {  	(v2sf) =	vpush v2, $0x4  }
0x56: {  	s24 =	rddreg [dreg:$0x6]  }
0x57: {  	[tilespmem:s25], [sflag:$0x3] =	stream.linear.gather [hbm4b:s24+s20], $0x2C00, $0x38;
	[tilespmem:$0x175D8] =	vst v63  }
0x58: {  	s19 =	spop (v2sf)  }
0x59: {  	s17 =	spop (v2sf)  }
0x5a: {  	s21 =	spop (v2sf)  }
0x5b: {  	s16 =	simm.s32 $0x1;
	s22 =	sadd.s32 $0x1, s21;
	p0 =	slt.u32 s21, $0x7FFFFFFF  }
0x5c: {  	s16 =	simm.s32 @!p0 $0x0;
	s23 =	sshra.s32 s22, $0x1F  }
0x5d: {  	s24 =	sand.u32 $0x1, s22;
	s23 =	sadd.s32 s16, s23  }
0x5e: {  	p1 =	seq.s32 s24, $0x1;
	p6 =	sne.s32 s23, $0x1  }
0x5f: {  	s6 =	sshrl.u32 s22, $0x1F;
	p0 =	por !p6, !p1  }
0x60: {  	s22 =	sadd.s32 s6, s22;
	s23 =	simm.s32 $0x1;
	p0 =	por !p0, !p0  }
0x61: {  	s22 =	sshra.s32 s22, $0x1;
	s23 =	simm.s32 @!p0 $0x0  }
0x62: {  	s24 =	ssub.s32 s22, s23  }
0x63: {  	s18 =	spop (v2sf);
	p0 =	slt.s32 s24, $0x1  }
.Ltmp1:
0x64: {  	s16 =	spop (v2sf);
	(pc) =	sbr.rel @p0 .LBB2_9-.Ltmp1, $4  }
0x65: {  	_ =	swait.ge [sflag:s29], $0x2C00  }
0x66: {  	[sflag:s29] =	ssyncset.done $0x0  }
0x67: {  	[sflag:s29] =	ssyncadd.s32 $0xFFFFD400;
	s23 =	rddreg [dreg:$0x7]  }
0x68: {  	[tilespmem:s10], [sflag:$0x1] =	stream.strided.gather [hbm4b:s23+s3], $0x4000, s5, s3, $0x38;
	[tilespmem:$0x175D8] =	vst v63  }
0x69: {  	s22 =	sadd.s32 $0xFFFFFFFF, s21;
	s23 =	simm.s32 $0x1;
	p2 =	sne.s32 s24, $0x1  }
.Ltmp2:
0x6a: {  	p0 =	sgt.s32 s22, $0x1;
	s25 =	smov.u32 s22;
	(pc) =	sbr.rel @!p2 .LBB2_5-.Ltmp2, $4  }
0x6b: {  	s30 =	smov.u32 s9;
	s25 =	smov.u32 @p0 s23  }
0x6c: {  	s9 =	smov.u32 s8;
	s8 =	smov.u32 s7;
	p0 =	sgt.s32 s25, $0x0  }
0x6d: {  	s7 =	smov.u32 s31;
	s24 =	sadd.s32 $0xFFFFFFFF, s24;
	s25 =	simm.s32 @!p0 $0x0  }
0x6e: {  	p1 =	por $0x0, $0x0;
	p0 =	sgt.s32 s21, $0x1;
	s26 =	sshll.u32 s25, $0x13  }
0x6f: {  	s23 =	sor.u32 s11, s26  }
0x70: {  	p1 =	sgt.s32 s21, $0x0;
	s23 =	sshrl.u32 s23, $0x3  }
0x71: {  	p2 =	sgt.s32 s22, $0x2;
	s25 =	smov.u32 s22;
	s23 =	sadd.s32 s1, s23  }
0x72: {  	[tilespmem:s12], [sflag:$0x2] =	stream.strided.gather [hbm4b:s23+s3], $0x4000, s5, s3, $0x38;
	[tilespmem:$0x175D8] =	vst v63  }
0x73: {  	s31 =	simm.s32 $0x80;
	s20 =	simm.s32 @!p1 $0x2800;
	s23 =	simm.s32 $0x2  }
0x74: {  	s20 =	sadd.s32 $0x10, s20;
	_ =	swait.ge [sflag:s0], $0x4000;
	s25 =	smov.u32 @p2 s23  }
0x75: {  	p2 =	sne.s32 s24, $0x1;
	[sflag:s0] =	ssyncset.done $0x0;
	p1 =	sgt.s32 s25, $0x0  }
0x76: {  	s24 =	sadd.s32 $0xFFFFFFFF, s24;
	[sflag:s0] =	ssyncadd.s32 $0xFFFFC000;
	s25 =	simm.s32 @!p1 $0x0  }
0x77: {  	[spmem:s2] =	stream.indirect.scatter.add.f32 [tilespmem:s10], [sflag:$0x3], $0x80, s20, s3, $0xb8;
	[tilespmem:$0x175D8] =	vst v63  }
0x78: {  	p1 =	por p0, p0;
	p0 =	sgt.s32 s22, $0x3;
	_ =	swait.ge [sflag:s29], $0x4000  }
0x79: {  	s25 =	sshll.u32 s25, $0x13;
	s31 =	simm.s32 @!p1 $0x2800;
	[sflag:s29] =	ssyncset.done $0x0  }
0x7a: {  	s23 =	sor.u32 s11, s25;
	s25 =	smov.u32 s22;
	[sflag:s29] =	ssyncadd.s32 $0xFFFFC000  }
0x7b: {  	[spmem:s4] =	stream.indirect.scatter.add.f32 [tilespmem:s13], [sflag:$0x3], $0x10, s20, s3, $0xb8;
	[tilespmem:$0x175D8] =	vst v63  }
0x7c: {  	s26 =	sshrl.u32 s23, $0x3;
	s23 =	simm.s32 $0x3;
	_ =	swait.ge [sflag:s29], $0x800  }
0x7d: {  	p1 =	por $0x1, $0x1;
	s25 =	smov.u32 @p0 s23;
	[sflag:s29] =	ssyncset.done $0x0  }
.Ltmp3:
0x7e: {  	s20 =	sadd.s32 s1, s26;
	[sflag:s29] =	ssyncadd.s32 $0xFFFFF800;
	(pc) =	sbr.rel @!p2 .LBB2_8-.Ltmp3, $4  }
0x7f: {  	[tilespmem:s10], [sflag:$0x1] =	stream.strided.gather [hbm4b:s20+s3], $0x4000, s5, s3, $0x38;
	[tilespmem:$0x175D8] =	vst v63  }
0x80: {  	s31 =	sadd.s32 $0x10, s31;
	p3 =	sgt.s32 s25, $0x0;
	_ =	swait.ge [sflag:s14], $0x4000  }
0x81: {  	p0 =	sgt.s32 s21, $0x3;
	s25 =	simm.s32 @!p3 $0x0;
	[sflag:s14] =	ssyncset.done $0x0  }
0x82: {  	s26 =	sshll.u32 s25, $0x13;
	s20 =	simm.s32 $0x100;
	[sflag:s14] =	ssyncadd.s32 $0xFFFFC000  }
.LBB2_7:
0x83: {  	[spmem:s2] =	stream.indirect.scatter.add.f32 [tilespmem:s12], [sflag:$0x3], $0x80, s31, s3, $0xb8;
	[tilespmem:$0x175D8] =	vst v63  }
0x84: {  	p2 =	sne.s32 s24, $0x1;
	s24 =	sadd.s32 $0xFFFFFFFF, s24;
	_ =	swait.ge [sflag:s29], $0x4000  }
0x85: {  	s25 =	smov.u32 s20;
	p3 =	por p0, p0;
	[sflag:s29] =	ssyncset.done $0x0  }
0x86: {  	s26 =	sor.u32 s11, s26;
	[sflag:s29] =	ssyncadd.s32 $0xFFFFC000  }
0x87: {  	s6 =	sadd.s32 $0xFFFFFFFF, s23;
	s26 =	sshrl.u32 s26, $0x3  }
0x88: {  	[spmem:s4] =	stream.indirect.scatter.add.f32 [tilespmem:s13], [sflag:$0x3], $0x10, s31, s3, $0xb8;
	[tilespmem:$0x175D8] =	vst v63  }
0x89: {  	p0 =	slt.s32 s6, s21;
	_ =	swait.ge [sflag:s29], $0x800  }
0x8a: {  	s6 =	sadd.s32 s1, s26;
	s26 =	sadd.s32 $0x1, s23;
	[sflag:s29] =	ssyncset.done $0x0  }
0x8b: {  	p4 =	slt.s32 s26, s22;
	[sflag:s29] =	ssyncadd.s32 $0xFFFFF800  }
0x8c: {  	[tilespmem:s12], [sflag:$0x2] =	stream.strided.gather [hbm4b:s6+s3], $0x4000, s5, s3, $0x38;
	[tilespmem:$0x175D8] =	vst v63  }
0x8d: {  	s31 =	smov.u32 s22;
	s6 =	smov.u32 s20;
	_ =	swait.ge [sflag:s0], $0x4000  }
0x8e: {  	s31 =	smov.u32 @p4 s26;
	s6 =	simm.s32 @!p0 $0x2800;
	[sflag:s0] =	ssyncset.done $0x0  }
0x8f: {  	p0 =	sgt.s32 s31, $0x0;
	s6 =	sadd.s32 $0x10, s6;
	[sflag:s0] =	ssyncadd.s32 $0xFFFFC000  }
0x90: {  	[spmem:s2] =	stream.indirect.scatter.add.f32 [tilespmem:s10], [sflag:$0x3], $0x80, s6, s3, $0xb8;
	[tilespmem:$0x175D8] =	vst v63  }
0x91: {  	s23 =	sadd.s32 $0x2, s23;
	s31 =	simm.s32 @!p0 $0x0;
	_ =	swait.ge [sflag:s29], $0x4000  }
0x92: {  	s20 =	sadd.s32 $0x100, s20;
	s26 =	sshll.u32 s31, $0x13;
	[sflag:s29] =	ssyncset.done $0x0  }
0x93: {  	p0 =	slt.s32 s23, s22;
	s26 =	sor.u32 s11, s26;
	[sflag:s29] =	ssyncadd.s32 $0xFFFFC000  }
0x94: {  	[spmem:s4] =	stream.indirect.scatter.add.f32 [tilespmem:s13], [sflag:$0x3], $0x10, s6, s3, $0xb8;
	[tilespmem:$0x175D8] =	vst v63  }
0x95: {  	s6 =	sshrl.u32 s26, $0x3;
	s26 =	smov.u32 s22;
	_ =	swait.ge [sflag:s29], $0x800  }
0x96: {  	s6 =	sadd.s32 s1, s6;
	s26 =	smov.u32 @p0 s23;
	[sflag:s29] =	ssyncset.done $0x0  }
.Ltmp4:
0x97: {  	p0 =	slt.s32 s23, s21;
	[sflag:s29] =	ssyncadd.s32 $0xFFFFF800;
	(pc) =	sbr.rel @p2 .LBB2_7-.Ltmp4, $4  }
0x98: {  	[tilespmem:s10], [sflag:$0x1] =	stream.strided.gather [hbm4b:s6+s3], $0x4000, s5, s3, $0x38;
	[tilespmem:$0x175D8] =	vst v63  }
0x99: {  	p4 =	sgt.s32 s26, $0x0;
	s6 =	sadd.s32 $0x80, s25;
	_ =	swait.ge [sflag:s14], $0x4000  }
0x9a: {  	s26 =	simm.s32 @!p4 $0x0;
	s6 =	simm.s32 @!p3 $0x2800;
	[sflag:s14] =	ssyncset.done $0x0  }
0x9b: {  	s26 =	sshll.u32 s26, $0x13;
	s31 =	sadd.s32 $0x10, s6;
	[sflag:s14] =	ssyncadd.s32 $0xFFFFC000  }
.LBB2_8:
0x9c: {  	[spmem:s2] =	stream.indirect.scatter.add.f32 @p1 [tilespmem:s12], [sflag:$0x3], $0x80, s31, s3, $0xb8;
	[tilespmem:$0x175D8] =	vst v63  }
0x9d: {  	_ =	swait.ge @p1 [sflag:s29], $0x4000  }
0x9e: {  	[sflag:s29] =	ssyncset.done @p1 $0x0  }
0x9f: {  	[sflag:s29] =	ssyncadd.s32 @p1 $0xFFFFC000  }
0xa0: {  	[spmem:s4] =	stream.indirect.scatter.add.f32 @p1 [tilespmem:s13], [sflag:$0x3], $0x10, s31, s3, $0xb8;
	[tilespmem:$0x175D8] =	vst v63  }
0xa1: {  	s6 =	sor.u32 s11, s26;
	_ =	swait.ge @p1 [sflag:s29], $0x800  }
0xa2: {  	s24 =	sadd.s32 $0xFFFFFFFF, s23;
	s6 =	sshrl.u32 s6, $0x3;
	[sflag:s29] =	ssyncset.done @p1 $0x0  }
0xa3: {  	s6 =	sadd.s32 s1, s6;
	[sflag:s29] =	ssyncadd.s32 @p1 $0xFFFFF800;
	p1 =	slt.s32 s24, s21  }
0xa4: {  	[tilespmem:s12], [sflag:$0x2] =	stream.strided.gather [hbm4b:s6+s3], $0x4000, s5, s3, $0x38;
	[tilespmem:$0x175D8] =	vst v63  }
0xa5: {  	s21 =	smov.u32 s20;
	s6 =	sadd.s32 $0x1, s23;
	_ =	swait.ge [sflag:s0], $0x4000  }
0xa6: {  	s21 =	simm.s32 @!p1 $0x2800;
	p2 =	slt.s32 s6, s22;
	[sflag:s0] =	ssyncset.done $0x0  }
0xa7: {  	s24 =	sadd.s32 $0x10, s21;
	s22 =	smov.u32 @p2 s6;
	[sflag:s0] =	ssyncadd.s32 $0xFFFFC000  }
0xa8: {  	[spmem:s2] =	stream.indirect.scatter.add.f32 [tilespmem:s10], [sflag:$0x3], $0x80, s24, s3, $0xb8;
	[tilespmem:$0x175D8] =	vst v63  }
0xa9: {  	p1 =	sgt.s32 s22, $0x0;
	_ =	swait.ge [sflag:s29], $0x4000  }
0xaa: {  	s22 =	simm.s32 @!p1 $0x0;
	[sflag:s29] =	ssyncset.done $0x0  }
0xab: {  	s25 =	sshll.u32 s22, $0x13;
	[sflag:s29] =	ssyncadd.s32 $0xFFFFC000  }
0xac: {  	[spmem:s4] =	stream.indirect.scatter.add.f32 [tilespmem:s13], [sflag:$0x3], $0x10, s24, s3, $0xb8;
	[tilespmem:$0x175D8] =	vst v63  }
0xad: {  	s26 =	sor.u32 s11, s25;
	_ =	swait.ge [sflag:s29], $0x800  }
0xae: {  	s6 =	sshrl.u32 s26, $0x3;
	[sflag:s29] =	ssyncset.done $0x0  }
0xaf: {  	s6 =	sadd.s32 s1, s6;
	[sflag:s29] =	ssyncadd.s32 $0xFFFFF800  }
0xb0: {  	[tilespmem:s10], [sflag:$0x1] =	stream.strided.gather [hbm4b:s6+s3], $0x4000, s5, s3, $0x38;
	[tilespmem:$0x175D8] =	vst v63  }
0xb1: {  	p0 =	por p0, p0;
	s6 =	sadd.s32 $0x80, s20;
	_ =	swait.ge [sflag:s14], $0x4000  }
0xb2: {  	s6 =	simm.s32 @!p0 $0x2800;
	[sflag:s14] =	ssyncset.done $0x0  }
0xb3: {  	s6 =	sadd.s32 $0x10, s6;
	[sflag:s14] =	ssyncadd.s32 $0xFFFFC000  }
0xb4: {  	[spmem:s2] =	stream.indirect.scatter.add.f32 [tilespmem:s12], [sflag:$0x3], $0x80, s6, s3, $0xb8;
	[tilespmem:$0x175D8] =	vst v63  }
0xb5: {  	_ =	swait.ge [sflag:s29], $0x4000  }
0xb6: {  	[sflag:s29] =	ssyncset.done $0x0  }
0xb7: {  	s31 =	smov.u32 s7;
	[sflag:s29] =	ssyncadd.s32 $0xFFFFC000  }
0xb8: {  	[spmem:s4] =	stream.indirect.scatter.add.f32 [tilespmem:s13], [sflag:$0x3], $0x10, s6, s3, $0xb8;
	[tilespmem:$0x175D8] =	vst v63  }
0xb9: {  	s7 =	smov.u32 s8;
	s8 =	smov.u32 s9;
	_ =	swait.ge [sflag:s29], $0x800  }
0xba: {  	s9 =	smov.u32 s30;
	s30 =	simm.s32 $0xEC10;
	[sflag:s29] =	ssyncset.done $0x0  }
0xbb: {  	s25 =	simm.s32 $0x10;
	s26 =	simm.s32 $0x0;
	[sflag:s29] =	ssyncadd.s32 $0xFFFFF800  }
.LBB2_9:
0xbc: {  	_ =	swait.ge [sflag:s0], $0x4000  }
0xbd: {  	[sflag:s0] =	ssyncset.done $0x0  }
0xbe: {  	[sflag:s0] =	ssyncadd.s32 $0xFFFFC000  }
0xbf: {  	[bflag:$0x0] =	sbarrier.arrive $0xFFFF  }
0xc0: {  	[tilespmem:s28], [sflag:$0x3] =	stream.linear.gather [spmem:s31], $0x4000, $0x38;
	[tilespmem:$0x175D8] =	vst v63  }
0xc1: {  	_ =	swait.ge [sflag:s29], $0x4000  }
0xc2: {  	[sflag:s29] =	ssyncset.done $0x0  }
0xc3: {  	[sflag:s29] =	ssyncadd.s32 $0xFFFFC000  }
0xc4: {  	[tilespmem:s30], [sflag:$0x3] =	stream.linear.gather [spmem:s7], $0x800, $0x38;
	[tilespmem:$0x175D8] =	vst v63  }
0xc5: {  	_ =	swait.ge [sflag:s29], $0x800  }
0xc6: {  	[sflag:s29] =	ssyncset.done $0x0  }
0xc7: {  	s6 =	simm.s32 $0x0;
	[sflag:s29] =	ssyncadd.s32 $0xFFFFF800  }
0xc8: {  	v2 =	vld [tilespmem:s6+$0xEC10];
	_ =	sdelay $0x4  }
0xc9: {  	v2 =	vmax.f32 v2, $1.000000000e+00  }
0xca: {  	(erf) = vrcp.f32 v2;
	_ =	sdelay $0x3  }
0xcb: {  	s20 =	simm.s32 $0xAC50  }
0xcc: {  	v2 =	vld [tilespmem:s20+$0xFFFFFFC0]  }
0xcd: {  	v3 =	vld [tilespmem:s20+$0xFFFFFFD0]  }
0xce: {  	v4 =	vld [tilespmem:s20+$0xFFFFFFE0]  }
0xcf: {  	v8 =	vld [tilespmem:s20+$0x10]  }
0xd0: {  	v5 =	vld [tilespmem:s20+$0xFFFFFFF0];
	v7 =	vpop (erf)  }
0xd1: {  	v6 =	vld [tilespmem:s20+$0x0];
	v2 =	vmul.f32 v7, v2  }
0xd2: {  	v9 =	vld [tilespmem:s20+$0x20];
	v3 =	vmul.f32 v3, v7  }
0xd3: {  	v10 =	vld [tilespmem:s20+$0x30];
	v4 =	vmul.f32 v4, v7;
	[tilespmem:s20+$0xFFFFFFC0] =	vst v2  }
0xd4: {  	v63 =	vmul.f32 v8, v7;
	[tilespmem:s20+$0xFFFFFFD0] =	vst v3  }
0xd5: {  	v2 =	vmul.f32 v5, v7;
	[tilespmem:s20+$0xFFFFFFE0] =	vst v4  }
0xd6: {  	v3 =	vmul.f32 v6, v7;
	[tilespmem:s20+$0x10] =	vst v63  }
0xd7: {  	[tilespmem:s20+$0xFFFFFFF0] =	vst v2;
	v2 =	vmul.f32 v9, v7  }
0xd8: {  	[tilespmem:s20+$0x0] =	vst v3;
	v3 =	vmul.f32 v10, v7  }
0xd9: {  	[tilespmem:s20+$0x20] =	vst v2  }
0xda: {  	s22 =	simm.s32 $0x10;
	s21 =	simm.s32 $0x80;
	[tilespmem:s20+$0x30] =	vst v3  }
.LBB2_10:
0xdb: {  	p0 =	sne.s32 s21, $0x1FC0;
	v2 =	vld [tilespmem:s22+$0xEC10];
	_ =	sdelay $0x4  }
0xdc: {  	v2 =	vmax.f32 v2, $1.000000000e+00  }
0xdd: {  	s20 =	sadd.s32 $0x80, s20;
	(erf) = vrcp.f32 v2  }
0xde: {  	v2 =	vld [tilespmem:s20+$0xFFFFFFF0]  }
0xdf: {  	v3 =	vld [tilespmem:s20+$0x30]  }
0xe0: {  	v4 =	vld [tilespmem:s20+$0x10]  }
0xe1: {  	v5 =	vld [tilespmem:s20+$0xFFFFFFD0]  }
0xe2: {  	v6 =	vld [tilespmem:s20+$0xFFFFFFC0]  }
0xe3: {  	v7 =	vld [tilespmem:s20+$0xFFFFFFE0]  }
0xe4: {  	v8 =	vld [tilespmem:s20+$0x0]  }
0xe5: {  	v9 =	vld [tilespmem:s20+$0x20]  }
0xe6: {  	v10 =	vpop (erf)  }
0xe7: {  	v6 =	vmul.f32 v10, v6;
	v5 =	vmul.f32 v5, v10  }
0xe8: {  	v2 =	vmul.f32 v2, v10;
	v7 =	vmul.f32 v7, v10  }
0xe9: {  	v4 =	vmul.f32 v4, v10;
	[tilespmem:s20+$0xFFFFFFC0] =	vst v6;
	v6 =	vmul.f32 v8, v10  }
0xea: {  	v3 =	vmul.f32 v3, v10;
	[tilespmem:s20+$0xFFFFFFD0] =	vst v5;
	v5 =	vmul.f32 v9, v10  }
0xeb: {  	[tilespmem:s20+$0xFFFFFFE0] =	vst v7  }
.Ltmp5:
0xec: {  	[tilespmem:s20+$0xFFFFFFF0] =	vst v2;
	(pc) =	sbr.rel @p0 .LBB2_10-.Ltmp5, $4  }
0xed: {  	[tilespmem:s20+$0x0] =	vst v6  }
0xee: {  	[tilespmem:s20+$0x10] =	vst v4  }
0xef: {  	[tilespmem:s20+$0x20] =	vst v5  }
0xf0: {  	s22 =	sshra.s32 s21, $0x2;
	s21 =	sadd.s32 $0x40, s21;
	[tilespmem:s20+$0x30] =	vst v3  }
0xf1: {  	v2 =	vld [tilespmem:s22+$0xEC10];
	_ =	sdelay $0x4  }
0xf2: {  	v2 =	vmax.f32 v2, $1.000000000e+00  }
0xf3: {  	(erf) = vrcp.f32 v2;
	_ =	sdelay $0x3  }
0xf4: {  	s6 =	sadd.s32 $0x80, s20  }
0xf5: {  	v2 =	vld [tilespmem:s6+$0xFFFFFFC0]  }
0xf6: {  	v3 =	vld [tilespmem:s6+$0xFFFFFFD0]  }
0xf7: {  	v4 =	vld [tilespmem:s6+$0xFFFFFFE0]  }
0xf8: {  	v8 =	vld [tilespmem:s6+$0x10]  }
0xf9: {  	v5 =	vld [tilespmem:s6+$0xFFFFFFF0];
	v7 =	vpop (erf)  }
0xfa: {  	v6 =	vld [tilespmem:s6+$0x0];
	v2 =	vmul.f32 v7, v2  }
0xfb: {  	v9 =	vld [tilespmem:s6+$0x20];
	v3 =	vmul.f32 v3, v7  }
0xfc: {  	v10 =	vld [tilespmem:s6+$0x30];
	v4 =	vmul.f32 v4, v7;
	[tilespmem:s6+$0xFFFFFFC0] =	vst v2  }
0xfd: {  	v55 =	vmul.f32 v8, v7;
	[tilespmem:s6+$0xFFFFFFD0] =	vst v3  }
0xfe: {  	v2 =	vmul.f32 v5, v7;
	[tilespmem:s6+$0xFFFFFFE0] =	vst v4  }
0xff: {  	v3 =	vmul.f32 v6, v7;
	[tilespmem:s6+$0x10] =	vst v55  }
0x100: {  	[tilespmem:s6+$0xFFFFFFF0] =	vst v2;
	v2 =	vmul.f32 v9, v7  }
0x101: {  	[tilespmem:s6+$0x0] =	vst v3;
	v3 =	vmul.f32 v10, v7  }
0x102: {  	[tilespmem:s6+$0x20] =	vst v2  }
0x103: {  	s23 =	rddreg [dreg:$0x8];
	[tilespmem:s6+$0x30] =	vst v3  }
0x104: {  	[hbm4b:s23+s3] =	stream.strided.scatter [tilespmem:s28], [sflag:$0x3], $0x4000, s5, s3, $0x38;
	[tilespmem:$0x175D8] =	vst v63  }
0x105: {  	_ =	swait.ge [sflag:s29], $0x4000  }
0x106: {  	[sflag:s29] =	ssyncset.done $0x0  }
0x107: {  	[sflag:s29] =	ssyncadd.s32 $0xFFFFC000  }
0x108: {  	[tilespmem:s28], [sflag:$0x3] =	stream.linear.gather [spmem:s8], $0x2C00, $0x38;
	[tilespmem:$0x175D8] =	vst v63  }
0x109: {  	_ =	swait.ge [sflag:s29], $0x2C00  }
0x10a: {  	[sflag:s29] =	ssyncset.done $0x0  }
0x10b: {  	[sflag:s29] =	ssyncadd.s32 $0xFFFFD400  }
0x10c: {  	[tilespmem:s30], [sflag:$0x3] =	stream.linear.gather [spmem:s9], $0x580, $0x38;
	[tilespmem:$0x175D8] =	vst v63  }
0x10d: {  	_ =	swait.ge [sflag:s29], $0x580  }
0x10e: {  	[sflag:s29] =	ssyncset.done $0x0  }
0x10f: {  	s24 =	simm.s32 $0x0;
	[sflag:s29] =	ssyncadd.s32 $0xFFFFFA80  }
0x110: {  	v2 =	vld [tilespmem:s24+$0xEC10];
	_ =	sdelay $0x4  }
0x111: {  	v2 =	vmax.f32 v2, $1.000000000e+00  }
0x112: {  	(erf) = vrcp.f32 v2;
	_ =	sdelay $0x3  }
0x113: {  	s20 =	simm.s32 $0xAC50  }
0x114: {  	v2 =	vld [tilespmem:s20+$0xFFFFFFC0]  }
0x115: {  	v3 =	vld [tilespmem:s20+$0xFFFFFFD0]  }
0x116: {  	v56 =	vld [tilespmem:s20+$0xFFFFFFE0]  }
0x117: {  	v60 =	vld [tilespmem:s20+$0x10]  }
0x118: {  	v57 =	vld [tilespmem:s20+$0xFFFFFFF0];
	v59 =	vpop (erf)  }
0x119: {  	v58 =	vld [tilespmem:s20+$0x0];
	v2 =	vmul.f32 v59, v2  }
0x11a: {  	v61 =	vld [tilespmem:s20+$0x20];
	v3 =	vmul.f32 v3, v59  }
0x11b: {  	v62 =	vld [tilespmem:s20+$0x30];
	v4 =	vmul.f32 v56, v59;
	[tilespmem:s20+$0xFFFFFFC0] =	vst v2  }
0x11c: {  	v63 =	vmul.f32 v60, v59;
	[tilespmem:s20+$0xFFFFFFD0] =	vst v3  }
0x11d: {  	v2 =	vmul.f32 v57, v59;
	[tilespmem:s20+$0xFFFFFFE0] =	vst v4  }
0x11e: {  	v3 =	vmul.f32 v58, v59;
	[tilespmem:s20+$0x10] =	vst v63  }
0x11f: {  	[tilespmem:s20+$0xFFFFFFF0] =	vst v2;
	v2 =	vmul.f32 v61, v59  }
0x120: {  	[tilespmem:s20+$0x0] =	vst v3;
	v3 =	vmul.f32 v62, v59  }
0x121: {  	[tilespmem:s20+$0x20] =	vst v2  }
0x122: {  	s22 =	simm.s32 $0x10;
	s21 =	simm.s32 $0x80;
	[tilespmem:s20+$0x30] =	vst v3  }
.LBB2_12:
0x123: {  	p0 =	sne.s32 s21, $0x15C0;
	v2 =	vld [tilespmem:s22+$0xEC10];
	_ =	sdelay $0x4  }
0x124: {  	v2 =	vmax.f32 v2, $1.000000000e+00  }
0x125: {  	s20 =	sadd.s32 $0x80, s20;
	(erf) = vrcp.f32 v2  }
0x126: {  	v2 =	vld [tilespmem:s20+$0xFFFFFFF0]  }
0x127: {  	v3 =	vld [tilespmem:s20+$0x30]  }
0x128: {  	v4 =	vld [tilespmem:s20+$0x10]  }
0x129: {  	v5 =	vld [tilespmem:s20+$0xFFFFFFD0]  }
0x12a: {  	v6 =	vld [tilespmem:s20+$0xFFFFFFC0]  }
0x12b: {  	v7 =	vld [tilespmem:s20+$0xFFFFFFE0]  }
0x12c: {  	v8 =	vld [tilespmem:s20+$0x0]  }
0x12d: {  	v9 =	vld [tilespmem:s20+$0x20]  }
0x12e: {  	v10 =	vpop (erf)  }
0x12f: {  	v6 =	vmul.f32 v10, v6;
	v5 =	vmul.f32 v5, v10  }
0x130: {  	v2 =	vmul.f32 v2, v10;
	v7 =	vmul.f32 v7, v10  }
0x131: {  	v4 =	vmul.f32 v4, v10;
	[tilespmem:s20+$0xFFFFFFC0] =	vst v6;
	v6 =	vmul.f32 v8, v10  }
0x132: {  	v3 =	vmul.f32 v3, v10;
	[tilespmem:s20+$0xFFFFFFD0] =	vst v5;
	v5 =	vmul.f32 v9, v10  }
0x133: {  	[tilespmem:s20+$0xFFFFFFE0] =	vst v7  }
.Ltmp6:
0x134: {  	[tilespmem:s20+$0xFFFFFFF0] =	vst v2;
	(pc) =	sbr.rel @p0 .LBB2_12-.Ltmp6, $4  }
0x135: {  	[tilespmem:s20+$0x0] =	vst v6  }
0x136: {  	[tilespmem:s20+$0x10] =	vst v4  }
0x137: {  	[tilespmem:s20+$0x20] =	vst v5  }
0x138: {  	s22 =	sshra.s32 s21, $0x2;
	s21 =	sadd.s32 $0x40, s21;
	[tilespmem:s20+$0x30] =	vst v3  }
0x139: {  	v2 =	vld [tilespmem:s22+$0xEC10];
	_ =	sdelay $0x4  }
0x13a: {  	v2 =	vmax.f32 v2, $1.000000000e+00  }
0x13b: {  	(erf) = vrcp.f32 v2;
	_ =	sdelay $0x3  }
0x13c: {  	s6 =	sadd.s32 $0x80, s20  }
0x13d: {  	v2 =	vld [tilespmem:s6+$0xFFFFFFC0]  }
0x13e: {  	v3 =	vld [tilespmem:s6+$0xFFFFFFD0]  }
0x13f: {  	v4 =	vld [tilespmem:s6+$0xFFFFFFE0]  }
0x140: {  	v8 =	vld [tilespmem:s6+$0x10]  }
0x141: {  	v5 =	vld [tilespmem:s6+$0xFFFFFFF0];
	v7 =	vpop (erf)  }
0x142: {  	v6 =	vld [tilespmem:s6+$0x0];
	v2 =	vmul.f32 v7, v2  }
0x143: {  	v9 =	vld [tilespmem:s6+$0x20];
	v3 =	vmul.f32 v3, v7  }
0x144: {  	v10 =	vld [tilespmem:s6+$0x30];
	v4 =	vmul.f32 v4, v7;
	[tilespmem:s6+$0xFFFFFFC0] =	vst v2  }
0x145: {  	v63 =	vmul.f32 v8, v7;
	[tilespmem:s6+$0xFFFFFFD0] =	vst v3  }
0x146: {  	v2 =	vmul.f32 v5, v7;
	[tilespmem:s6+$0xFFFFFFE0] =	vst v4  }
0x147: {  	v3 =	vmul.f32 v6, v7;
	[tilespmem:s6+$0x10] =	vst v63  }
0x148: {  	[tilespmem:s6+$0xFFFFFFF0] =	vst v2;
	v2 =	vmul.f32 v9, v7  }
0x149: {  	[tilespmem:s6+$0x0] =	vst v3;
	v3 =	vmul.f32 v10, v7  }
0x14a: {  	[tilespmem:s6+$0x20] =	vst v2  }
0x14b: {  	s24 =	rddreg [dreg:$0x9];
	[tilespmem:s6+$0x30] =	vst v3  }
0x14c: {  	[hbm4b:s24+s3] =	stream.strided.scatter [tilespmem:s28], [sflag:$0x3], $0x2C00, s5, s3, $0x38;
	[tilespmem:$0x175D8] =	vst v63  }
0x14d: {  	_ =	swait.ge [sflag:s29], $0x2C00  }
0x14e: {  	[sflag:s29] =	ssyncset.done $0x0  }
0x14f: {  	s20 =	simm.s32 $0xAC50;
	[sflag:s29] =	ssyncadd.s32 $0xFFFFD400  }
0x150: {  	[tilespmem:s20+$0xFFFFFFD0] =	vst v1  }
0x151: {  	[tilespmem:s20+$0xFFFFFFE0] =	vst v1  }
0x152: {  	[tilespmem:s20+$0xFFFFFFF0] =	vst v1  }
0x153: {  	[tilespmem:s20+$0x0] =	vst v1  }
0x154: {  	[tilespmem:s20+$0x10] =	vst v1  }
0x155: {  	[tilespmem:s20+$0x20] =	vst v1  }
0x156: {  	[tilespmem:s20+$0x30] =	vst v1  }
0x157: {  	s22 =	simm.s32 $0x0;
	s21 =	simm.s32 $0x40;
	[tilespmem:s20+$0xFFFFFFC0] =	vst v1  }
.LBB2_14:
0x158: {  	p0 =	sne.s32 s21, $0x1FC0;
	[tilespmem:s22+$0xEC10] =	vst v1;
	s20 =	sadd.s32 $0x80, s20  }
0x159: {  	[tilespmem:s20+$0xFFFFFFD0] =	vst v1  }
0x15a: {  	[tilespmem:s20+$0xFFFFFFE0] =	vst v1  }
0x15b: {  	[tilespmem:s20+$0xFFFFFFF0] =	vst v1  }
.Ltmp7:
0x15c: {  	[tilespmem:s20+$0x0] =	vst v1;
	(pc) =	sbr.rel @p0 .LBB2_14-.Ltmp7, $4  }
0x15d: {  	[tilespmem:s20+$0x10] =	vst v1  }
0x15e: {  	[tilespmem:s20+$0x20] =	vst v1  }
0x15f: {  	[tilespmem:s20+$0x30] =	vst v1  }
0x160: {  	s22 =	sshra.s32 s21, $0x2;
	s21 =	sadd.s32 $0x40, s21;
	[tilespmem:s20+$0xFFFFFFC0] =	vst v1  }
0x161: {  	[tilespmem:s22+$0xEC10] =	vst v1  }
0x162: {  	[spmem:s31] =	stream.linear.scatter [tilespmem:s28], [sflag:$0x3], $0x4000, $0x38;
	[tilespmem:$0x175D8] =	vst v63  }
0x163: {  	_ =	swait.ge [sflag:s29], $0x4000  }
0x164: {  	[sflag:s29] =	ssyncset.done $0x0  }
0x165: {  	[sflag:s29] =	ssyncadd.s32 $0xFFFFC000  }
0x166: {  	[spmem:s7] =	stream.linear.scatter [tilespmem:s30], [sflag:$0x3], $0x800, $0x38;
	[tilespmem:$0x175D8] =	vst v63  }
0x167: {  	_ =	swait.ge [sflag:s29], $0x800  }
0x168: {  	[sflag:s29] =	ssyncset.done $0x0  }
0x169: {  	[sflag:s29] =	ssyncadd.s32 $0xFFFFF800  }
0x16a: {  	[spmem:s8] =	stream.linear.scatter [tilespmem:s28], [sflag:$0x3], $0x2C00, $0x38;
	[tilespmem:$0x175D8] =	vst v63  }
0x16b: {  	_ =	swait.ge [sflag:s29], $0x2C00  }
0x16c: {  	[sflag:s29] =	ssyncset.done $0x0  }
0x16d: {  	[sflag:s29] =	ssyncadd.s32 $0xFFFFD400  }
0x16e: {  	[spmem:s9] =	stream.linear.scatter [tilespmem:s30], [sflag:$0x3], $0x580, $0x38;
	[tilespmem:$0x175D8] =	vst v63  }
0x16f: {  	_ =	swait.ge [sflag:s29], $0x580  }
0x170: {  	[sflag:s29] =	ssyncset.done $0x0  }
0x171: {  	[sflag:s29] =	ssyncadd.s32 $0xFFFFFA80  }
0x172: {  	[bflag:$0x0] =	sbarrier.arrive $0xFFFF  }
0x173: {  	s23 =	ssub.s32 s18, s19;
	s6 =	rddreg [dreg:$0xe]  }
0x174: {  	[tilespmem:s25], [sflag:$0x3] =	stream.linear.gather [hbm4b:s6+s26], $0x2C00, $0x38;
	[tilespmem:$0x175D8] =	vst v63  }
0x175: {  	s21 =	sadd.s32 $0x1, s23;
	p0 =	slt.u32 s23, $0x7FFFFFFF;
	s6 =	simm.s32 $0x1  }
0x176: {  	s20 =	sadd.s32 $0xFFFFFFFF, s18;
	s24 =	sshra.s32 s21, $0x1F;
	s6 =	simm.s32 @!p0 $0x0  }
0x177: {  	s23 =	smov.u32 s20;
	s6 =	sadd.s32 s6, s24;
	s24 =	sand.u32 $0x1, s21  }
0x178: {  	p0 =	slt.s32 s19, s20;
	p5 =	sne.s32 s6, $0x1;
	p6 =	seq.s32 s24, $0x1  }
0x179: {  	s22 =	sshrl.u32 s21, $0x1F;
	s23 =	smov.u32 @p0 s19;
	p0 =	por !p5, !p6  }
0x17a: {  	s6 =	sadd.s32 s22, s21;
	s22 =	simm.s32 $0x1;
	p0 =	por !p0, !p0  }
0x17b: {  	s6 =	sshra.s32 s6, $0x1;
	s22 =	simm.s32 @!p0 $0x0  }
0x17c: {  	p1 =	sgt.s32 s23, $0x0;
	s22 =	ssub.s32 s6, s22  }
0x17d: {  	s23 =	simm.s32 @!p1 $0x0;
	p0 =	slt.s32 s22, $0x1  }
.Ltmp8:
0x17e: {  	s23 =	sshll.u32 s23, $0x13;
	(pc) =	sbr.rel @p0 .LBB2_22-.Ltmp8, $4  }
0x17f: {  	_ =	swait.ge [sflag:s29], $0x2C00;
	s21 =	sor.u32 s11, s23  }
0x180: {  	[sflag:s29] =	ssyncset.done $0x0;
	s21 =	sshrl.u32 s21, $0x3  }
0x181: {  	[sflag:s29] =	ssyncadd.s32 $0xFFFFD400;
	s24 =	sadd.s32 s1, s21  }
0x182: {  	[tilespmem:s10], [sflag:$0x1] =	stream.strided.gather [hbm4b:s24+s3], $0x4000, s5, s3, $0x38;
	[tilespmem:$0x175D8] =	vst v63  }
0x183: {  	s22 =	ssub.s32 $0x0, s22  }
0x184: {  	s21 =	sadd.s32 $0x2, s19;
	s22 =	sadd.s32 $0x1, s22  }
0x185: {  	s6 =	sadd.s32 $0xFFFFFFFF, s21;
	p2 =	seq.s32 s22, $0x0  }
.Ltmp9:
0x186: {  	s23 =	smov.u32 s20;
	p0 =	slt.s32 s6, s20;
	(pc) =	sbr.rel @p2 .LBB2_17-.Ltmp9, $4  }
0x187: {  	s23 =	smov.u32 @p0 s6  }
0x188: {  	p0 =	sgt.s32 s23, $0x0  }
0x189: {  	s19 =	sshll.u32 s19, $0x7;
	p1 =	slt.s32 s6, s18;
	s23 =	simm.s32 @!p0 $0x0  }
0x18a: {  	p0 =	por p1, p1;
	p1 =	por $0x0, $0x0;
	s25 =	sshll.u32 s23, $0x13  }
0x18b: {  	s6 =	sor.u32 s11, s25  }
0x18c: {  	s23 =	sadd.s32 $0xFFFFFFFE, s21;
	s6 =	sshrl.u32 s6, $0x3  }
0x18d: {  	s22 =	sadd.s32 $0x1, s22;
	p1 =	slt.s32 s23, s18;
	s6 =	sadd.s32 s1, s6  }
0x18e: {  	[tilespmem:s12], [sflag:$0x2] =	stream.strided.gather [hbm4b:s6+s3], $0x4000, s5, s3, $0x38;
	[tilespmem:$0x175D8] =	vst v63  }
0x18f: {  	s23 =	smov.u32 s20;
	s6 =	smov.u32 s19;
	_ =	swait.ge [sflag:s0], $0x4000  }
0x190: {  	s6 =	simm.s32 @!p1 $0x2800;
	p1 =	slt.s32 s21, s20;
	[sflag:s0] =	ssyncset.done $0x0  }
0x191: {  	s6 =	sadd.s32 $0x10, s6;
	s23 =	smov.u32 @p1 s21;
	[sflag:s0] =	ssyncadd.s32 $0xFFFFC000  }
0x192: {  	[spmem:s2] =	stream.indirect.scatter.add.f32 [tilespmem:s10], [sflag:$0x3], $0x80, s6, s3, $0xb8;
	[tilespmem:$0x175D8] =	vst v63  }
0x193: {  	p3 =	seq.s32 s22, $0x0;
	p1 =	sgt.s32 s23, $0x0;
	_ =	swait.ge [sflag:s29], $0x4000  }
0x194: {  	s21 =	sadd.s32 $0x2, s21;
	s23 =	simm.s32 @!p1 $0x0;
	[sflag:s29] =	ssyncset.done $0x0  }
0x195: {  	s24 =	sadd.s32 $0xFFFFFFFF, s21;
	s25 =	sshll.u32 s23, $0x13;
	[sflag:s29] =	ssyncadd.s32 $0xFFFFC000  }
0x196: {  	[spmem:s4] =	stream.indirect.scatter.add.f32 [tilespmem:s13], [sflag:$0x3], $0x10, s6, s3, $0xb8;
	[tilespmem:$0x175D8] =	vst v63  }
0x197: {  	p1 =	slt.s32 s24, s20;
	s6 =	sor.u32 s11, s25;
	_ =	swait.ge [sflag:s29], $0x800  }
0x198: {  	p2 =	slt.s32 s24, s18;
	s6 =	sshrl.u32 s6, $0x3;
	[sflag:s29] =	ssyncset.done $0x0  }
0x199: {  	s23 =	sadd.s32 $0x80, s19;
	s6 =	sadd.s32 s1, s6;
	[sflag:s29] =	ssyncadd.s32 $0xFFFFF800  }
0x19a: {  	[tilespmem:s10], [sflag:$0x1] =	stream.strided.gather [hbm4b:s6+s3], $0x4000, s5, s3, $0x38;
	[tilespmem:$0x175D8] =	vst v63  }
0x19b: {  	s23 =	simm.s32 @!p0 $0x2800;
	s6 =	smov.u32 s20;
	_ =	swait.ge [sflag:s14], $0x4000  }
.Ltmp10:
0x19c: {  	s6 =	smov.u32 @p1 s24;
	s24 =	sadd.s32 $0x10, s23;
	(pc) =	sbr.rel @p3 .LBB2_19-.Ltmp10, $4  }
0x19d: {  	p1 =	por $0x1, $0x1;
	[sflag:s14] =	ssyncset.done $0x0;
	p0 =	sgt.s32 s6, $0x0  }
0x19e: {  	s23 =	smov.u32 s19;
	[sflag:s14] =	ssyncadd.s32 $0xFFFFC000;
	s6 =	simm.s32 @!p0 $0x0  }
0x19f: {  	[spmem:s2] =	stream.indirect.scatter.add.f32 [tilespmem:s12], [sflag:$0x3], $0x80, s24, s3, $0xb8;
	[tilespmem:$0x175D8] =	vst v63  }
0x1a0: {  	p0 =	por p2, p2;
	s25 =	sshll.u32 s6, $0x13;
	_ =	swait.ge [sflag:s29], $0x4000  }
.LBB2_20:
0x1a1: {  	s22 =	sadd.s32 $0x1, s22;
	[sflag:s29] =	ssyncset.done $0x0;
	s23 =	sadd.s32 $0x100, s23  }
0x1a2: {  	p2 =	seq.s32 s22, $0x0;
	[sflag:s29] =	ssyncadd.s32 $0xFFFFC000  }
0x1a3: {  	[spmem:s4] =	stream.indirect.scatter.add.f32 [tilespmem:s13], [sflag:$0x3], $0x10, s24, s3, $0xb8;
	[tilespmem:$0x175D8] =	vst v63  }
0x1a4: {  	s6 =	sor.u32 s11, s25;
	_ =	swait.ge [sflag:s29], $0x800  }
0x1a5: {  	s6 =	sshrl.u32 s6, $0x3;
	[sflag:s29] =	ssyncset.done $0x0  }
0x1a6: {  	s24 =	sadd.s32 $0xFFFFFFFE, s21;
	s6 =	sadd.s32 s1, s6;
	[sflag:s29] =	ssyncadd.s32 $0xFFFFF800  }
0x1a7: {  	[tilespmem:s12], [sflag:$0x2] =	stream.strided.gather [hbm4b:s6+s3], $0x4000, s5, s3, $0x38;
	[tilespmem:$0x175D8] =	vst v63  }
0x1a8: {  	p3 =	slt.s32 s24, s18;
	s6 =	smov.u32 s23;
	_ =	swait.ge [sflag:s0], $0x4000  }
0x1a9: {  	s24 =	smov.u32 s20;
	s6 =	simm.s32 @!p3 $0x2800;
	[sflag:s0] =	ssyncset.done $0x0  }
0x1aa: {  	p3 =	slt.s32 s21, s20;
	s6 =	sadd.s32 $0x10, s6;
	[sflag:s0] =	ssyncadd.s32 $0xFFFFC000  }
0x1ab: {  	[spmem:s2] =	stream.indirect.scatter.add.f32 [tilespmem:s10], [sflag:$0x3], $0x80, s6, s3, $0xb8;
	[tilespmem:$0x175D8] =	vst v63  }
0x1ac: {  	s24 =	smov.u32 @p3 s21;
	_ =	swait.ge [sflag:s29], $0x4000  }
0x1ad: {  	p3 =	sgt.s32 s24, $0x0;
	[sflag:s29] =	ssyncset.done $0x0  }
0x1ae: {  	s24 =	simm.s32 @!p3 $0x0;
	[sflag:s29] =	ssyncadd.s32 $0xFFFFC000  }
0x1af: {  	[spmem:s4] =	stream.indirect.scatter.add.f32 [tilespmem:s13], [sflag:$0x3], $0x10, s6, s3, $0xb8;
	[tilespmem:$0x175D8] =	vst v63  }
0x1b0: {  	s6 =	sshll.u32 s24, $0x13;
	s24 =	sadd.s32 $0x80, s23;
	_ =	swait.ge [sflag:s29], $0x800  }
0x1b1: {  	s21 =	sadd.s32 $0x2, s21;
	s6 =	sor.u32 s11, s6;
	[sflag:s29] =	ssyncset.done $0x0  }
0x1b2: {  	s25 =	sadd.s32 $0xFFFFFFFF, s21;
	s6 =	sshrl.u32 s6, $0x3;
	[sflag:s29] =	ssyncadd.s32 $0xFFFFF800  }
0x1b3: {  	p4 =	slt.s32 s25, s20;
	p3 =	slt.s32 s25, s18;
	s6 =	sadd.s32 s1, s6  }
0x1b4: {  	[tilespmem:s10], [sflag:$0x1] =	stream.strided.gather [hbm4b:s6+s3], $0x4000, s5, s3, $0x38;
	[tilespmem:$0x175D8] =	vst v63  }
0x1b5: {  	s24 =	simm.s32 @!p0 $0x2800;
	s6 =	smov.u32 s20  }
.Ltmp11:
0x1b6: {  	s6 =	smov.u32 @p4 s25;
	_ =	swait.ge [sflag:s14], $0x4000;
	(pc) =	sbr.rel @!p2 .LBB2_20-.Ltmp11, $4  }
0x1b7: {  	s24 =	sadd.s32 $0x10, s24;
	p0 =	sgt.s32 s6, $0x0;
	[sflag:s14] =	ssyncset.done $0x0  }
0x1b8: {  	s6 =	simm.s32 @!p0 $0x0;
	[sflag:s14] =	ssyncadd.s32 $0xFFFFC000;
	p0 =	por p3, p3  }
0x1b9: {  	[spmem:s2] =	stream.indirect.scatter.add.f32 [tilespmem:s12], [sflag:$0x3], $0x80, s24, s3, $0xb8;
	[tilespmem:$0x175D8] =	vst v63  }
0x1ba: {  	s25 =	sshll.u32 s6, $0x13;
	_ =	swait.ge [sflag:s29], $0x4000  }
.LBB2_21:
0x1bb: {  	[sflag:s29] =	ssyncset.done @p1 $0x0  }
0x1bc: {  	[sflag:s29] =	ssyncadd.s32 @p1 $0xFFFFC000  }
0x1bd: {  	[spmem:s4] =	stream.indirect.scatter.add.f32 @p1 [tilespmem:s13], [sflag:$0x3], $0x10, s24, s3, $0xb8;
	[tilespmem:$0x175D8] =	vst v63  }
0x1be: {  	s6 =	sor.u32 s11, s25;
	s22 =	sadd.s32 @p1 $0x100, s23;
	_ =	swait.ge @p1 [sflag:s29], $0x800  }
0x1bf: {  	s6 =	sshrl.u32 s6, $0x3;
	s19 =	smov.u32 @p1 s22;
	[sflag:s29] =	ssyncset.done @p1 $0x0  }
0x1c0: {  	s6 =	sadd.s32 s1, s6;
	s24 =	sadd.s32 $0xFFFFFFFE, s21;
	[sflag:s29] =	ssyncadd.s32 @p1 $0xFFFFF800  }
0x1c1: {  	[tilespmem:s12], [sflag:$0x2] =	stream.strided.gather [hbm4b:s6+s3], $0x4000, s5, s3, $0x38;
	[tilespmem:$0x175D8] =	vst v63  }
0x1c2: {  	p1 =	slt.s32 s24, s18;
	s6 =	smov.u32 s19;
	_ =	swait.ge [sflag:s0], $0x4000  }
0x1c3: {  	s6 =	simm.s32 @!p1 $0x2800;
	p1 =	slt.s32 s21, s20;
	[sflag:s0] =	ssyncset.done $0x0  }
0x1c4: {  	s6 =	sadd.s32 $0x10, s6;
	s20 =	smov.u32 @p1 s21;
	[sflag:s0] =	ssyncadd.s32 $0xFFFFC000  }
0x1c5: {  	[spmem:s2] =	stream.indirect.scatter.add.f32 [tilespmem:s10], [sflag:$0x3], $0x80, s6, s3, $0xb8;
	[tilespmem:$0x175D8] =	vst v63  }
0x1c6: {  	p1 =	sgt.s32 s20, $0x0;
	_ =	swait.ge [sflag:s29], $0x4000  }
0x1c7: {  	s20 =	simm.s32 @!p1 $0x0;
	[sflag:s29] =	ssyncset.done $0x0  }
0x1c8: {  	s25 =	sshll.u32 s20, $0x13;
	[sflag:s29] =	ssyncadd.s32 $0xFFFFC000  }
0x1c9: {  	[spmem:s4] =	stream.indirect.scatter.add.f32 [tilespmem:s13], [sflag:$0x3], $0x10, s6, s3, $0xb8;
	[tilespmem:$0x175D8] =	vst v63  }
0x1ca: {  	s6 =	sor.u32 s11, s25;
	_ =	swait.ge [sflag:s29], $0x800  }
0x1cb: {  	s6 =	sshrl.u32 s6, $0x3;
	[sflag:s29] =	ssyncset.done $0x0  }
0x1cc: {  	s6 =	sadd.s32 s1, s6;
	[sflag:s29] =	ssyncadd.s32 $0xFFFFF800  }
0x1cd: {  	[tilespmem:s10], [sflag:$0x1] =	stream.strided.gather [hbm4b:s6+s3], $0x4000, s5, s3, $0x38;
	[tilespmem:$0x175D8] =	vst v63  }
0x1ce: {  	s6 =	sadd.s32 $0x80, s19;
	_ =	swait.ge [sflag:s14], $0x4000  }
0x1cf: {  	s6 =	simm.s32 @!p0 $0x2800;
	[sflag:s14] =	ssyncset.done $0x0  }
0x1d0: {  	s6 =	sadd.s32 $0x10, s6;
	[sflag:s14] =	ssyncadd.s32 $0xFFFFC000  }
0x1d1: {  	[spmem:s2] =	stream.indirect.scatter.add.f32 [tilespmem:s12], [sflag:$0x3], $0x80, s6, s3, $0xb8;
	[tilespmem:$0x175D8] =	vst v63  }
0x1d2: {  	_ =	swait.ge [sflag:s29], $0x4000  }
0x1d3: {  	[sflag:s29] =	ssyncset.done $0x0  }
0x1d4: {  	[sflag:s29] =	ssyncadd.s32 $0xFFFFC000  }
0x1d5: {  	[spmem:s4] =	stream.indirect.scatter.add.f32 [tilespmem:s13], [sflag:$0x3], $0x10, s6, s3, $0xb8;
	[tilespmem:$0x175D8] =	vst v63  }
0x1d6: {  	_ =	swait.ge [sflag:s29], $0x800  }
0x1d7: {  	[sflag:s29] =	ssyncset.done $0x0  }
0x1d8: {  	s25 =	simm.s32 $0x10;
	[sflag:s29] =	ssyncadd.s32 $0xFFFFF800  }
.LBB2_22:
0x1d9: {  	_ =	swait.ge [sflag:s0], $0x4000  }
0x1da: {  	[sflag:s0] =	ssyncset.done $0x0  }
0x1db: {  	[sflag:s0] =	ssyncadd.s32 $0xFFFFC000  }
0x1dc: {  	[bflag:$0x0] =	sbarrier.arrive $0xFFFF  }
0x1dd: {  	[tilespmem:s28], [sflag:$0x3] =	stream.linear.gather [spmem:s31], $0x4000, $0x38;
	[tilespmem:$0x175D8] =	vst v63  }
0x1de: {  	_ =	swait.ge [sflag:s29], $0x4000  }
0x1df: {  	[sflag:s29] =	ssyncset.done $0x0  }
0x1e0: {  	[sflag:s29] =	ssyncadd.s32 $0xFFFFC000  }
0x1e1: {  	[tilespmem:s30], [sflag:$0x3] =	stream.linear.gather [spmem:s7], $0x800, $0x38;
	[tilespmem:$0x175D8] =	vst v63  }
0x1e2: {  	_ =	swait.ge [sflag:s29], $0x800  }
0x1e3: {  	[sflag:s29] =	ssyncset.done $0x0  }
0x1e4: {  	s6 =	simm.s32 $0x0;
	[sflag:s29] =	ssyncadd.s32 $0xFFFFF800  }
0x1e5: {  	v2 =	vld [tilespmem:s6+$0xEC10];
	_ =	sdelay $0x4  }
0x1e6: {  	v2 =	vmax.f32 v2, $1.000000000e+00  }
0x1e7: {  	(erf) = vrcp.f32 v2;
	_ =	sdelay $0x3  }
0x1e8: {  	s18 =	simm.s32 $0xAC50  }
0x1e9: {  	v2 =	vld [tilespmem:s18+$0xFFFFFFC0]  }
0x1ea: {  	v3 =	vld [tilespmem:s18+$0xFFFFFFD0]  }
0x1eb: {  	v4 =	vld [tilespmem:s18+$0xFFFFFFE0]  }
0x1ec: {  	v8 =	vld [tilespmem:s18+$0x10]  }
0x1ed: {  	v5 =	vld [tilespmem:s18+$0xFFFFFFF0];
	v7 =	vpop (erf)  }
0x1ee: {  	v6 =	vld [tilespmem:s18+$0x0];
	v2 =	vmul.f32 v7, v2  }
0x1ef: {  	v9 =	vld [tilespmem:s18+$0x20];
	v3 =	vmul.f32 v3, v7  }
0x1f0: {  	v10 =	vld [tilespmem:s18+$0x30];
	v4 =	vmul.f32 v4, v7;
	[tilespmem:s18+$0xFFFFFFC0] =	vst v2  }
0x1f1: {  	v63 =	vmul.f32 v8, v7;
	[tilespmem:s18+$0xFFFFFFD0] =	vst v3  }
0x1f2: {  	v2 =	vmul.f32 v5, v7;
	[tilespmem:s18+$0xFFFFFFE0] =	vst v4  }
0x1f3: {  	v3 =	vmul.f32 v6, v7;
	[tilespmem:s18+$0x10] =	vst v63  }
0x1f4: {  	[tilespmem:s18+$0xFFFFFFF0] =	vst v2;
	v2 =	vmul.f32 v9, v7  }
0x1f5: {  	[tilespmem:s18+$0x0] =	vst v3;
	v3 =	vmul.f32 v10, v7  }
0x1f6: {  	[tilespmem:s18+$0x20] =	vst v2  }
0x1f7: {  	s20 =	simm.s32 $0x10;
	s19 =	simm.s32 $0x80;
	[tilespmem:s18+$0x30] =	vst v3  }
.LBB2_23:
0x1f8: {  	p0 =	sne.s32 s19, $0x1FC0;
	v2 =	vld [tilespmem:s20+$0xEC10];
	_ =	sdelay $0x4  }
0x1f9: {  	v2 =	vmax.f32 v2, $1.000000000e+00  }
0x1fa: {  	s18 =	sadd.s32 $0x80, s18;
	(erf) = vrcp.f32 v2  }
0x1fb: {  	v2 =	vld [tilespmem:s18+$0xFFFFFFF0]  }
0x1fc: {  	v3 =	vld [tilespmem:s18+$0x30]  }
0x1fd: {  	v4 =	vld [tilespmem:s18+$0x10]  }
0x1fe: {  	v5 =	vld [tilespmem:s18+$0xFFFFFFD0]  }
0x1ff: {  	v6 =	vld [tilespmem:s18+$0xFFFFFFC0]  }
0x200: {  	v7 =	vld [tilespmem:s18+$0xFFFFFFE0]  }
0x201: {  	v8 =	vld [tilespmem:s18+$0x0]  }
0x202: {  	v9 =	vld [tilespmem:s18+$0x20]  }
0x203: {  	v10 =	vpop (erf)  }
0x204: {  	v6 =	vmul.f32 v10, v6;
	v5 =	vmul.f32 v5, v10  }
0x205: {  	v2 =	vmul.f32 v2, v10;
	v7 =	vmul.f32 v7, v10  }
0x206: {  	v4 =	vmul.f32 v4, v10;
	[tilespmem:s18+$0xFFFFFFC0] =	vst v6;
	v6 =	vmul.f32 v8, v10  }
0x207: {  	v3 =	vmul.f32 v3, v10;
	[tilespmem:s18+$0xFFFFFFD0] =	vst v5;
	v5 =	vmul.f32 v9, v10  }
0x208: {  	[tilespmem:s18+$0xFFFFFFE0] =	vst v7  }
.Ltmp12:
0x209: {  	[tilespmem:s18+$0xFFFFFFF0] =	vst v2;
	(pc) =	sbr.rel @p0 .LBB2_23-.Ltmp12, $4  }
0x20a: {  	[tilespmem:s18+$0x0] =	vst v6  }
0x20b: {  	[tilespmem:s18+$0x10] =	vst v4  }
0x20c: {  	[tilespmem:s18+$0x20] =	vst v5  }
0x20d: {  	s20 =	sshra.s32 s19, $0x2;
	s19 =	sadd.s32 $0x40, s19;
	[tilespmem:s18+$0x30] =	vst v3  }
0x20e: {  	v2 =	vld [tilespmem:s20+$0xEC10];
	_ =	sdelay $0x4  }
0x20f: {  	v2 =	vmax.f32 v2, $1.000000000e+00  }
0x210: {  	(erf) = vrcp.f32 v2;
	_ =	sdelay $0x3  }
0x211: {  	s6 =	sadd.s32 $0x80, s18  }
0x212: {  	v2 =	vld [tilespmem:s6+$0xFFFFFFC0]  }
0x213: {  	v3 =	vld [tilespmem:s6+$0xFFFFFFD0]  }
0x214: {  	v4 =	vld [tilespmem:s6+$0xFFFFFFE0]  }
0x215: {  	v8 =	vld [tilespmem:s6+$0x10]  }
0x216: {  	v5 =	vld [tilespmem:s6+$0xFFFFFFF0];
	v7 =	vpop (erf)  }
0x217: {  	v6 =	vld [tilespmem:s6+$0x0];
	v2 =	vmul.f32 v7, v2  }
0x218: {  	v9 =	vld [tilespmem:s6+$0x20];
	v3 =	vmul.f32 v3, v7  }
0x219: {  	v10 =	vld [tilespmem:s6+$0x30];
	v4 =	vmul.f32 v4, v7;
	[tilespmem:s6+$0xFFFFFFC0] =	vst v2  }
0x21a: {  	v55 =	vmul.f32 v8, v7;
	[tilespmem:s6+$0xFFFFFFD0] =	vst v3  }
0x21b: {  	v2 =	vmul.f32 v5, v7;
	[tilespmem:s6+$0xFFFFFFE0] =	vst v4  }
0x21c: {  	v3 =	vmul.f32 v6, v7;
	[tilespmem:s6+$0x10] =	vst v55  }
0x21d: {  	[tilespmem:s6+$0xFFFFFFF0] =	vst v2;
	v2 =	vmul.f32 v9, v7  }
0x21e: {  	[tilespmem:s6+$0x0] =	vst v3;
	v3 =	vmul.f32 v10, v7  }
0x21f: {  	[tilespmem:s6+$0x20] =	vst v2  }
0x220: {  	s23 =	rddreg [dreg:$0xa];
	[tilespmem:s6+$0x30] =	vst v3  }
0x221: {  	[hbm4b:s23+s3] =	stream.strided.scatter [tilespmem:s28], [sflag:$0x3], $0x4000, s5, s3, $0x38;
	[tilespmem:$0x175D8] =	vst v63  }
0x222: {  	_ =	swait.ge [sflag:s29], $0x4000  }
0x223: {  	[sflag:s29] =	ssyncset.done $0x0  }
0x224: {  	[sflag:s29] =	ssyncadd.s32 $0xFFFFC000  }
0x225: {  	[tilespmem:s28], [sflag:$0x3] =	stream.linear.gather [spmem:s8], $0x2C00, $0x38;
	[tilespmem:$0x175D8] =	vst v63  }
0x226: {  	_ =	swait.ge [sflag:s29], $0x2C00  }
0x227: {  	[sflag:s29] =	ssyncset.done $0x0  }
0x228: {  	[sflag:s29] =	ssyncadd.s32 $0xFFFFD400  }
0x229: {  	[tilespmem:s30], [sflag:$0x3] =	stream.linear.gather [spmem:s9], $0x580, $0x38;
	[tilespmem:$0x175D8] =	vst v63  }
0x22a: {  	_ =	swait.ge [sflag:s29], $0x580  }
0x22b: {  	[sflag:s29] =	ssyncset.done $0x0  }
0x22c: {  	s24 =	simm.s32 $0x0;
	[sflag:s29] =	ssyncadd.s32 $0xFFFFFA80  }
0x22d: {  	v2 =	vld [tilespmem:s24+$0xEC10];
	_ =	sdelay $0x4  }
0x22e: {  	v2 =	vmax.f32 v2, $1.000000000e+00  }
0x22f: {  	(erf) = vrcp.f32 v2;
	_ =	sdelay $0x3  }
0x230: {  	s18 =	simm.s32 $0xAC50  }
0x231: {  	v2 =	vld [tilespmem:s18+$0xFFFFFFC0]  }
0x232: {  	v3 =	vld [tilespmem:s18+$0xFFFFFFD0]  }
0x233: {  	v56 =	vld [tilespmem:s18+$0xFFFFFFE0]  }
0x234: {  	v60 =	vld [tilespmem:s18+$0x10]  }
0x235: {  	v57 =	vld [tilespmem:s18+$0xFFFFFFF0];
	v59 =	vpop (erf)  }
0x236: {  	v58 =	vld [tilespmem:s18+$0x0];
	v2 =	vmul.f32 v59, v2  }
0x237: {  	v61 =	vld [tilespmem:s18+$0x20];
	v3 =	vmul.f32 v3, v59  }
0x238: {  	v62 =	vld [tilespmem:s18+$0x30];
	v4 =	vmul.f32 v56, v59;
	[tilespmem:s18+$0xFFFFFFC0] =	vst v2  }
0x239: {  	v63 =	vmul.f32 v60, v59;
	[tilespmem:s18+$0xFFFFFFD0] =	vst v3  }
0x23a: {  	v2 =	vmul.f32 v57, v59;
	[tilespmem:s18+$0xFFFFFFE0] =	vst v4  }
0x23b: {  	v3 =	vmul.f32 v58, v59;
	[tilespmem:s18+$0x10] =	vst v63  }
0x23c: {  	[tilespmem:s18+$0xFFFFFFF0] =	vst v2;
	v2 =	vmul.f32 v61, v59  }
0x23d: {  	[tilespmem:s18+$0x0] =	vst v3;
	v3 =	vmul.f32 v62, v59  }
0x23e: {  	[tilespmem:s18+$0x20] =	vst v2  }
0x23f: {  	s20 =	simm.s32 $0x10;
	s19 =	simm.s32 $0x80;
	[tilespmem:s18+$0x30] =	vst v3  }
.LBB2_25:
0x240: {  	p0 =	sne.s32 s19, $0x15C0;
	v2 =	vld [tilespmem:s20+$0xEC10];
	_ =	sdelay $0x4  }
0x241: {  	v2 =	vmax.f32 v2, $1.000000000e+00  }
0x242: {  	s18 =	sadd.s32 $0x80, s18;
	(erf) = vrcp.f32 v2  }
0x243: {  	v2 =	vld [tilespmem:s18+$0xFFFFFFF0]  }
0x244: {  	v3 =	vld [tilespmem:s18+$0x30]  }
0x245: {  	v4 =	vld [tilespmem:s18+$0x10]  }
0x246: {  	v5 =	vld [tilespmem:s18+$0xFFFFFFD0]  }
0x247: {  	v6 =	vld [tilespmem:s18+$0xFFFFFFC0]  }
0x248: {  	v7 =	vld [tilespmem:s18+$0xFFFFFFE0]  }
0x249: {  	v8 =	vld [tilespmem:s18+$0x0]  }
0x24a: {  	v9 =	vld [tilespmem:s18+$0x20]  }
0x24b: {  	v10 =	vpop (erf)  }
0x24c: {  	v6 =	vmul.f32 v10, v6;
	v5 =	vmul.f32 v5, v10  }
0x24d: {  	v2 =	vmul.f32 v2, v10;
	v7 =	vmul.f32 v7, v10  }
0x24e: {  	v4 =	vmul.f32 v4, v10;
	[tilespmem:s18+$0xFFFFFFC0] =	vst v6;
	v6 =	vmul.f32 v8, v10  }
0x24f: {  	v3 =	vmul.f32 v3, v10;
	[tilespmem:s18+$0xFFFFFFD0] =	vst v5;
	v5 =	vmul.f32 v9, v10  }
0x250: {  	[tilespmem:s18+$0xFFFFFFE0] =	vst v7  }
.Ltmp13:
0x251: {  	[tilespmem:s18+$0xFFFFFFF0] =	vst v2;
	(pc) =	sbr.rel @p0 .LBB2_25-.Ltmp13, $4  }
0x252: {  	[tilespmem:s18+$0x0] =	vst v6  }
0x253: {  	[tilespmem:s18+$0x10] =	vst v4  }
0x254: {  	[tilespmem:s18+$0x20] =	vst v5  }
0x255: {  	s20 =	sshra.s32 s19, $0x2;
	s19 =	sadd.s32 $0x40, s19;
	[tilespmem:s18+$0x30] =	vst v3  }
0x256: {  	v2 =	vld [tilespmem:s20+$0xEC10];
	_ =	sdelay $0x4  }
0x257: {  	v2 =	vmax.f32 v2, $1.000000000e+00  }
0x258: {  	(erf) = vrcp.f32 v2;
	_ =	sdelay $0x3  }
0x259: {  	s6 =	sadd.s32 $0x80, s18  }
0x25a: {  	v2 =	vld [tilespmem:s6+$0xFFFFFFC0]  }
0x25b: {  	v3 =	vld [tilespmem:s6+$0xFFFFFFD0]  }
0x25c: {  	v4 =	vld [tilespmem:s6+$0xFFFFFFE0]  }
0x25d: {  	v8 =	vld [tilespmem:s6+$0x10]  }
0x25e: {  	v5 =	vld [tilespmem:s6+$0xFFFFFFF0];
	v7 =	vpop (erf)  }
0x25f: {  	v6 =	vld [tilespmem:s6+$0x0];
	v2 =	vmul.f32 v7, v2  }
0x260: {  	v9 =	vld [tilespmem:s6+$0x20];
	v3 =	vmul.f32 v3, v7  }
0x261: {  	v10 =	vld [tilespmem:s6+$0x30];
	v4 =	vmul.f32 v4, v7;
	[tilespmem:s6+$0xFFFFFFC0] =	vst v2  }
0x262: {  	v63 =	vmul.f32 v8, v7;
	[tilespmem:s6+$0xFFFFFFD0] =	vst v3  }
0x263: {  	v2 =	vmul.f32 v5, v7;
	[tilespmem:s6+$0xFFFFFFE0] =	vst v4  }
0x264: {  	v3 =	vmul.f32 v6, v7;
	[tilespmem:s6+$0x10] =	vst v63  }
0x265: {  	[tilespmem:s6+$0xFFFFFFF0] =	vst v2;
	v2 =	vmul.f32 v9, v7  }
0x266: {  	[tilespmem:s6+$0x0] =	vst v3;
	v3 =	vmul.f32 v10, v7  }
0x267: {  	[tilespmem:s6+$0x20] =	vst v2  }
0x268: {  	s24 =	rddreg [dreg:$0xb];
	[tilespmem:s6+$0x30] =	vst v3  }
0x269: {  	[hbm4b:s24+s3] =	stream.strided.scatter [tilespmem:s28], [sflag:$0x3], $0x2C00, s5, s3, $0x38;
	[tilespmem:$0x175D8] =	vst v63  }
0x26a: {  	_ =	swait.ge [sflag:s29], $0x2C00  }
0x26b: {  	[sflag:s29] =	ssyncset.done $0x0  }
0x26c: {  	s18 =	simm.s32 $0xAC50;
	[sflag:s29] =	ssyncadd.s32 $0xFFFFD400  }
0x26d: {  	[tilespmem:s18+$0xFFFFFFD0] =	vst v1  }
0x26e: {  	[tilespmem:s18+$0xFFFFFFE0] =	vst v1  }
0x26f: {  	[tilespmem:s18+$0xFFFFFFF0] =	vst v1  }
0x270: {  	[tilespmem:s18+$0x0] =	vst v1  }
0x271: {  	[tilespmem:s18+$0x10] =	vst v1  }
0x272: {  	[tilespmem:s18+$0x20] =	vst v1  }
0x273: {  	[tilespmem:s18+$0x30] =	vst v1  }
0x274: {  	s20 =	simm.s32 $0x0;
	s19 =	simm.s32 $0x40;
	[tilespmem:s18+$0xFFFFFFC0] =	vst v1  }
.LBB2_27:
0x275: {  	p0 =	sne.s32 s19, $0x1FC0;
	[tilespmem:s20+$0xEC10] =	vst v1;
	s18 =	sadd.s32 $0x80, s18  }
0x276: {  	[tilespmem:s18+$0xFFFFFFD0] =	vst v1  }
0x277: {  	[tilespmem:s18+$0xFFFFFFE0] =	vst v1  }
0x278: {  	[tilespmem:s18+$0xFFFFFFF0] =	vst v1  }
.Ltmp14:
0x279: {  	[tilespmem:s18+$0x0] =	vst v1;
	(pc) =	sbr.rel @p0 .LBB2_27-.Ltmp14, $4  }
0x27a: {  	[tilespmem:s18+$0x10] =	vst v1  }
0x27b: {  	[tilespmem:s18+$0x20] =	vst v1  }
0x27c: {  	[tilespmem:s18+$0x30] =	vst v1  }
0x27d: {  	s20 =	sshra.s32 s19, $0x2;
	s19 =	sadd.s32 $0x40, s19;
	[tilespmem:s18+$0xFFFFFFC0] =	vst v1  }
0x27e: {  	[tilespmem:s20+$0xEC10] =	vst v1  }
0x27f: {  	[spmem:s31] =	stream.linear.scatter [tilespmem:s28], [sflag:$0x3], $0x4000, $0x38;
	[tilespmem:$0x175D8] =	vst v63  }
0x280: {  	_ =	swait.ge [sflag:s29], $0x4000  }
0x281: {  	[sflag:s29] =	ssyncset.done $0x0  }
0x282: {  	[sflag:s29] =	ssyncadd.s32 $0xFFFFC000  }
0x283: {  	[spmem:s7] =	stream.linear.scatter [tilespmem:s30], [sflag:$0x3], $0x800, $0x38;
	[tilespmem:$0x175D8] =	vst v63  }
0x284: {  	_ =	swait.ge [sflag:s29], $0x800  }
0x285: {  	[sflag:s29] =	ssyncset.done $0x0  }
0x286: {  	[sflag:s29] =	ssyncadd.s32 $0xFFFFF800  }
0x287: {  	[spmem:s8] =	stream.linear.scatter [tilespmem:s28], [sflag:$0x3], $0x2C00, $0x38;
	[tilespmem:$0x175D8] =	vst v63  }
0x288: {  	_ =	swait.ge [sflag:s29], $0x2C00  }
0x289: {  	[sflag:s29] =	ssyncset.done $0x0  }
0x28a: {  	[sflag:s29] =	ssyncadd.s32 $0xFFFFD400  }
0x28b: {  	[spmem:s9] =	stream.linear.scatter [tilespmem:s30], [sflag:$0x3], $0x580, $0x38;
	[tilespmem:$0x175D8] =	vst v63  }
0x28c: {  	_ =	swait.ge [sflag:s29], $0x580  }
0x28d: {  	[sflag:s29] =	ssyncset.done $0x0  }
0x28e: {  	[sflag:s29] =	ssyncadd.s32 $0xFFFFFA80  }
0x28f: {  	[bflag:$0x0] =	sbarrier.arrive $0xFFFF  }
0x290: {  	s23 =	ssub.s32 s16, s17;
	s6 =	rddreg [dreg:$0xf]  }
0x291: {  	[tilespmem:s25], [sflag:$0x3] =	stream.linear.gather [hbm4b:s6+s26], $0x2C00, $0x38;
	[tilespmem:$0x175D8] =	vst v63  }
0x292: {  	s19 =	sadd.s32 $0x1, s23;
	p0 =	slt.u32 s23, $0x7FFFFFFF;
	s6 =	simm.s32 $0x1  }
0x293: {  	s18 =	sadd.s32 $0xFFFFFFFF, s16;
	s24 =	sshra.s32 s19, $0x1F;
	s6 =	simm.s32 @!p0 $0x0  }
0x294: {  	s21 =	smov.u32 s18;
	s20 =	sand.u32 $0x1, s19;
	s6 =	sadd.s32 s6, s24  }
0x295: {  	p6 =	seq.s32 s20, $0x1;
	p0 =	slt.s32 s17, s18;
	p5 =	sne.s32 s6, $0x1  }
0x296: {  	s22 =	sshrl.u32 s19, $0x1F;
	s21 =	smov.u32 @p0 s17;
	p0 =	por !p5, !p6  }
0x297: {  	s20 =	simm.s32 $0x1;
	s6 =	sadd.s32 s22, s19;
	p0 =	por !p0, !p0  }
0x298: {  	s6 =	sshra.s32 s6, $0x1;
	s20 =	simm.s32 @!p0 $0x0  }
0x299: {  	p1 =	sgt.s32 s21, $0x0;
	s20 =	ssub.s32 s6, s20  }
0x29a: {  	s21 =	simm.s32 @!p1 $0x0;
	p0 =	slt.s32 s20, $0x1  }
.Ltmp15:
0x29b: {  	s23 =	sshll.u32 s21, $0x13;
	(pc) =	sbr.rel @p0 .LBB2_35-.Ltmp15, $4  }
0x29c: {  	_ =	swait.ge [sflag:s29], $0x2C00;
	s19 =	sor.u32 s11, s23  }
0x29d: {  	[sflag:s29] =	ssyncset.done $0x0;
	s19 =	sshrl.u32 s19, $0x3  }
0x29e: {  	[sflag:s29] =	ssyncadd.s32 $0xFFFFD400;
	s24 =	sadd.s32 s1, s19  }
0x29f: {  	[tilespmem:s10], [sflag:$0x1] =	stream.strided.gather [hbm4b:s24+s3], $0x4000, s5, s3, $0x38;
	[tilespmem:$0x175D8] =	vst v63  }
0x2a0: {  	s20 =	ssub.s32 $0x0, s20  }
0x2a1: {  	s19 =	sadd.s32 $0x2, s17;
	s20 =	sadd.s32 $0x1, s20  }
0x2a2: {  	s6 =	sadd.s32 $0xFFFFFFFF, s19;
	p2 =	seq.s32 s20, $0x0  }
.Ltmp16:
0x2a3: {  	s21 =	smov.u32 s18;
	p0 =	slt.s32 s6, s18;
	(pc) =	sbr.rel @p2 .LBB2_30-.Ltmp16, $4  }
0x2a4: {  	s21 =	smov.u32 @p0 s6  }
0x2a5: {  	p0 =	sgt.s32 s21, $0x0  }
0x2a6: {  	s17 =	sshll.u32 s17, $0x7;
	p1 =	slt.s32 s6, s16;
	s21 =	simm.s32 @!p0 $0x0  }
0x2a7: {  	p0 =	por p1, p1;
	p1 =	por $0x0, $0x0;
	s23 =	sshll.u32 s21, $0x13  }
0x2a8: {  	s6 =	sor.u32 s11, s23  }
0x2a9: {  	s21 =	sadd.s32 $0xFFFFFFFE, s19;
	s6 =	sshrl.u32 s6, $0x3  }
0x2aa: {  	s20 =	sadd.s32 $0x1, s20;
	p1 =	slt.s32 s21, s16;
	s6 =	sadd.s32 s1, s6  }
0x2ab: {  	[tilespmem:s12], [sflag:$0x2] =	stream.strided.gather [hbm4b:s6+s3], $0x4000, s5, s3, $0x38;
	[tilespmem:$0x175D8] =	vst v63  }
0x2ac: {  	s21 =	smov.u32 s18;
	s6 =	smov.u32 s17;
	_ =	swait.ge [sflag:s0], $0x4000  }
0x2ad: {  	s6 =	simm.s32 @!p1 $0x2800;
	p1 =	slt.s32 s19, s18;
	[sflag:s0] =	ssyncset.done $0x0  }
0x2ae: {  	s6 =	sadd.s32 $0x10, s6;
	s21 =	smov.u32 @p1 s19;
	[sflag:s0] =	ssyncadd.s32 $0xFFFFC000  }
0x2af: {  	[spmem:s2] =	stream.indirect.scatter.add.f32 [tilespmem:s10], [sflag:$0x3], $0x80, s6, s3, $0xb8;
	[tilespmem:$0x175D8] =	vst v63  }
0x2b0: {  	p3 =	seq.s32 s20, $0x0;
	p1 =	sgt.s32 s21, $0x0;
	_ =	swait.ge [sflag:s29], $0x4000  }
0x2b1: {  	s19 =	sadd.s32 $0x2, s19;
	s21 =	simm.s32 @!p1 $0x0;
	[sflag:s29] =	ssyncset.done $0x0  }
0x2b2: {  	s22 =	sadd.s32 $0xFFFFFFFF, s19;
	s24 =	sshll.u32 s21, $0x13;
	[sflag:s29] =	ssyncadd.s32 $0xFFFFC000  }
0x2b3: {  	[spmem:s4] =	stream.indirect.scatter.add.f32 [tilespmem:s13], [sflag:$0x3], $0x10, s6, s3, $0xb8;
	[tilespmem:$0x175D8] =	vst v63  }
0x2b4: {  	p1 =	slt.s32 s22, s18;
	s6 =	sor.u32 s11, s24;
	_ =	swait.ge [sflag:s29], $0x800  }
0x2b5: {  	p2 =	slt.s32 s22, s16;
	s6 =	sshrl.u32 s6, $0x3;
	[sflag:s29] =	ssyncset.done $0x0  }
0x2b6: {  	s21 =	sadd.s32 $0x80, s17;
	s6 =	sadd.s32 s1, s6;
	[sflag:s29] =	ssyncadd.s32 $0xFFFFF800  }
0x2b7: {  	[tilespmem:s10], [sflag:$0x1] =	stream.strided.gather [hbm4b:s6+s3], $0x4000, s5, s3, $0x38;
	[tilespmem:$0x175D8] =	vst v63  }
0x2b8: {  	s21 =	simm.s32 @!p0 $0x2800;
	s6 =	smov.u32 s18;
	_ =	swait.ge [sflag:s14], $0x4000  }
.Ltmp17:
0x2b9: {  	s6 =	smov.u32 @p1 s22;
	s22 =	sadd.s32 $0x10, s21;
	(pc) =	sbr.rel @p3 .LBB2_32-.Ltmp17, $4  }
0x2ba: {  	p1 =	por $0x1, $0x1;
	[sflag:s14] =	ssyncset.done $0x0;
	p0 =	sgt.s32 s6, $0x0  }
0x2bb: {  	s21 =	smov.u32 s17;
	[sflag:s14] =	ssyncadd.s32 $0xFFFFC000;
	s6 =	simm.s32 @!p0 $0x0  }
0x2bc: {  	[spmem:s2] =	stream.indirect.scatter.add.f32 [tilespmem:s12], [sflag:$0x3], $0x80, s22, s3, $0xb8;
	[tilespmem:$0x175D8] =	vst v63  }
0x2bd: {  	p0 =	por p2, p2;
	s23 =	sshll.u32 s6, $0x13;
	_ =	swait.ge [sflag:s29], $0x4000  }
.LBB2_33:
0x2be: {  	s20 =	sadd.s32 $0x1, s20;
	[sflag:s29] =	ssyncset.done $0x0;
	s21 =	sadd.s32 $0x100, s21  }
0x2bf: {  	p2 =	seq.s32 s20, $0x0;
	[sflag:s29] =	ssyncadd.s32 $0xFFFFC000  }
0x2c0: {  	[spmem:s4] =	stream.indirect.scatter.add.f32 [tilespmem:s13], [sflag:$0x3], $0x10, s22, s3, $0xb8;
	[tilespmem:$0x175D8] =	vst v63  }
0x2c1: {  	s6 =	sor.u32 s11, s23;
	_ =	swait.ge [sflag:s29], $0x800  }
0x2c2: {  	s6 =	sshrl.u32 s6, $0x3;
	[sflag:s29] =	ssyncset.done $0x0  }
0x2c3: {  	s22 =	sadd.s32 $0xFFFFFFFE, s19;
	s6 =	sadd.s32 s1, s6;
	[sflag:s29] =	ssyncadd.s32 $0xFFFFF800  }
0x2c4: {  	[tilespmem:s12], [sflag:$0x2] =	stream.strided.gather [hbm4b:s6+s3], $0x4000, s5, s3, $0x38;
	[tilespmem:$0x175D8] =	vst v63  }
0x2c5: {  	p3 =	slt.s32 s22, s16;
	s6 =	smov.u32 s21;
	_ =	swait.ge [sflag:s0], $0x4000  }
0x2c6: {  	s22 =	smov.u32 s18;
	s6 =	simm.s32 @!p3 $0x2800;
	[sflag:s0] =	ssyncset.done $0x0  }
0x2c7: {  	p3 =	slt.s32 s19, s18;
	s6 =	sadd.s32 $0x10, s6;
	[sflag:s0] =	ssyncadd.s32 $0xFFFFC000  }
0x2c8: {  	[spmem:s2] =	stream.indirect.scatter.add.f32 [tilespmem:s10], [sflag:$0x3], $0x80, s6, s3, $0xb8;
	[tilespmem:$0x175D8] =	vst v63  }
0x2c9: {  	s22 =	smov.u32 @p3 s19;
	_ =	swait.ge [sflag:s29], $0x4000  }
0x2ca: {  	p3 =	sgt.s32 s22, $0x0;
	[sflag:s29] =	ssyncset.done $0x0  }
0x2cb: {  	s22 =	simm.s32 @!p3 $0x0;
	[sflag:s29] =	ssyncadd.s32 $0xFFFFC000  }
0x2cc: {  	[spmem:s4] =	stream.indirect.scatter.add.f32 [tilespmem:s13], [sflag:$0x3], $0x10, s6, s3, $0xb8;
	[tilespmem:$0x175D8] =	vst v63  }
0x2cd: {  	s6 =	sshll.u32 s22, $0x13;
	s22 =	sadd.s32 $0x80, s21;
	_ =	swait.ge [sflag:s29], $0x800  }
0x2ce: {  	s19 =	sadd.s32 $0x2, s19;
	s6 =	sor.u32 s11, s6;
	[sflag:s29] =	ssyncset.done $0x0  }
0x2cf: {  	s23 =	sadd.s32 $0xFFFFFFFF, s19;
	s6 =	sshrl.u32 s6, $0x3;
	[sflag:s29] =	ssyncadd.s32 $0xFFFFF800  }
0x2d0: {  	p4 =	slt.s32 s23, s18;
	p3 =	slt.s32 s23, s16;
	s6 =	sadd.s32 s1, s6  }
0x2d1: {  	[tilespmem:s10], [sflag:$0x1] =	stream.strided.gather [hbm4b:s6+s3], $0x4000, s5, s3, $0x38;
	[tilespmem:$0x175D8] =	vst v63  }
0x2d2: {  	s22 =	simm.s32 @!p0 $0x2800;
	s6 =	smov.u32 s18  }
.Ltmp18:
0x2d3: {  	s6 =	smov.u32 @p4 s23;
	_ =	swait.ge [sflag:s14], $0x4000;
	(pc) =	sbr.rel @!p2 .LBB2_33-.Ltmp18, $4  }
0x2d4: {  	s22 =	sadd.s32 $0x10, s22;
	p0 =	sgt.s32 s6, $0x0;
	[sflag:s14] =	ssyncset.done $0x0  }
0x2d5: {  	s6 =	simm.s32 @!p0 $0x0;
	[sflag:s14] =	ssyncadd.s32 $0xFFFFC000;
	p0 =	por p3, p3  }
0x2d6: {  	[spmem:s2] =	stream.indirect.scatter.add.f32 [tilespmem:s12], [sflag:$0x3], $0x80, s22, s3, $0xb8;
	[tilespmem:$0x175D8] =	vst v63  }
0x2d7: {  	s23 =	sshll.u32 s6, $0x13;
	_ =	swait.ge [sflag:s29], $0x4000  }
.LBB2_34:
0x2d8: {  	[sflag:s29] =	ssyncset.done @p1 $0x0  }
0x2d9: {  	[sflag:s29] =	ssyncadd.s32 @p1 $0xFFFFC000  }
0x2da: {  	[spmem:s4] =	stream.indirect.scatter.add.f32 @p1 [tilespmem:s13], [sflag:$0x3], $0x10, s22, s3, $0xb8;
	[tilespmem:$0x175D8] =	vst v63  }
0x2db: {  	s6 =	sor.u32 s11, s23;
	s20 =	sadd.s32 @p1 $0x100, s21;
	_ =	swait.ge @p1 [sflag:s29], $0x800  }
0x2dc: {  	s23 =	sadd.s32 $0xFFFFFFFE, s19;
	s6 =	sshrl.u32 s6, $0x3;
	[sflag:s29] =	ssyncset.done @p1 $0x0  }
0x2dd: {  	s17 =	smov.u32 @p1 s20;
	s6 =	sadd.s32 s1, s6;
	[sflag:s29] =	ssyncadd.s32 @p1 $0xFFFFF800  }
0x2de: {  	[tilespmem:s12], [sflag:$0x2] =	stream.strided.gather [hbm4b:s6+s3], $0x4000, s5, s3, $0x38;
	[tilespmem:$0x175D8] =	vst v63  }
0x2df: {  	p1 =	slt.s32 s23, s16;
	s6 =	smov.u32 s17;
	_ =	swait.ge [sflag:s0], $0x4000  }
0x2e0: {  	s6 =	simm.s32 @!p1 $0x2800;
	p1 =	slt.s32 s19, s18;
	[sflag:s0] =	ssyncset.done $0x0  }
0x2e1: {  	s6 =	sadd.s32 $0x10, s6;
	s18 =	smov.u32 @p1 s19;
	[sflag:s0] =	ssyncadd.s32 $0xFFFFC000  }
0x2e2: {  	[spmem:s2] =	stream.indirect.scatter.add.f32 [tilespmem:s10], [sflag:$0x3], $0x80, s6, s3, $0xb8;
	[tilespmem:$0x175D8] =	vst v63  }
0x2e3: {  	p1 =	sgt.s32 s18, $0x0;
	_ =	swait.ge [sflag:s29], $0x4000  }
0x2e4: {  	s18 =	simm.s32 @!p1 $0x0;
	[sflag:s29] =	ssyncset.done $0x0  }
0x2e5: {  	s24 =	sshll.u32 s18, $0x13;
	[sflag:s29] =	ssyncadd.s32 $0xFFFFC000  }
0x2e6: {  	[spmem:s4] =	stream.indirect.scatter.add.f32 [tilespmem:s13], [sflag:$0x3], $0x10, s6, s3, $0xb8;
	[tilespmem:$0x175D8] =	vst v63  }
0x2e7: {  	s6 =	sor.u32 s11, s24;
	_ =	swait.ge [sflag:s29], $0x800  }
0x2e8: {  	s6 =	sshrl.u32 s6, $0x3;
	[sflag:s29] =	ssyncset.done $0x0  }
0x2e9: {  	s6 =	sadd.s32 s1, s6;
	[sflag:s29] =	ssyncadd.s32 $0xFFFFF800  }
0x2ea: {  	[tilespmem:s10], [sflag:$0x1] =	stream.strided.gather [hbm4b:s6+s3], $0x4000, s5, s3, $0x38;
	[tilespmem:$0x175D8] =	vst v63  }
0x2eb: {  	s6 =	sadd.s32 $0x80, s17;
	_ =	swait.ge [sflag:s14], $0x4000  }
0x2ec: {  	s6 =	simm.s32 @!p0 $0x2800;
	[sflag:s14] =	ssyncset.done $0x0  }
0x2ed: {  	s6 =	sadd.s32 $0x10, s6;
	[sflag:s14] =	ssyncadd.s32 $0xFFFFC000  }
0x2ee: {  	[spmem:s2] =	stream.indirect.scatter.add.f32 [tilespmem:s12], [sflag:$0x3], $0x80, s6, s3, $0xb8;
	[tilespmem:$0x175D8] =	vst v63  }
0x2ef: {  	_ =	swait.ge [sflag:s29], $0x4000  }
0x2f0: {  	[sflag:s29] =	ssyncset.done $0x0  }
0x2f1: {  	[sflag:s29] =	ssyncadd.s32 $0xFFFFC000  }
0x2f2: {  	[spmem:s4] =	stream.indirect.scatter.add.f32 [tilespmem:s13], [sflag:$0x3], $0x10, s6, s3, $0xb8;
	[tilespmem:$0x175D8] =	vst v63  }
0x2f3: {  	_ =	swait.ge [sflag:s29], $0x800  }
0x2f4: {  	[sflag:s29] =	ssyncset.done $0x0  }
0x2f5: {  	[sflag:s29] =	ssyncadd.s32 $0xFFFFF800  }
.LBB2_35:
0x2f6: {  	_ =	swait.ge [sflag:s0], $0x4000  }
0x2f7: {  	[sflag:s0] =	ssyncset.done $0x0  }
0x2f8: {  	[sflag:s0] =	ssyncadd.s32 $0xFFFFC000  }
0x2f9: {  	[bflag:$0x0] =	sbarrier.arrive $0xFFFF  }
0x2fa: {  	s6 =	rddreg [dreg:$0x10]  }
0x2fb: {  	[tilespmem:s28], [sflag:$0x3] =	stream.linear.gather [spmem:s6], $0x4000, $0x38;
	[tilespmem:$0x175D8] =	vst v63  }
0x2fc: {  	_ =	swait.ge [sflag:s29], $0x4000  }
0x2fd: {  	[sflag:s29] =	ssyncset.done $0x0  }
0x2fe: {  	s23 =	rddreg [dreg:$0x11];
	[sflag:s29] =	ssyncadd.s32 $0xFFFFC000  }
0x2ff: {  	[tilespmem:s30], [sflag:$0x3] =	stream.linear.gather [spmem:s23], $0x800, $0x38;
	[tilespmem:$0x175D8] =	vst v63  }
0x300: {  	_ =	swait.ge [sflag:s29], $0x800  }
0x301: {  	[sflag:s29] =	ssyncset.done $0x0  }
0x302: {  	s24 =	simm.s32 $0x0;
	[sflag:s29] =	ssyncadd.s32 $0xFFFFF800  }
0x303: {  	v2 =	vld [tilespmem:s24+$0xEC10];
	_ =	sdelay $0x4  }
0x304: {  	v2 =	vmax.f32 v2, $1.000000000e+00  }
0x305: {  	(erf) = vrcp.f32 v2;
	_ =	sdelay $0x3  }
0x306: {  	s16 =	simm.s32 $0xAC50  }
0x307: {  	v2 =	vld [tilespmem:s16+$0xFFFFFFC0]  }
0x308: {  	v3 =	vld [tilespmem:s16+$0xFFFFFFD0]  }
0x309: {  	v4 =	vld [tilespmem:s16+$0xFFFFFFE0]  }
0x30a: {  	v8 =	vld [tilespmem:s16+$0x10]  }
0x30b: {  	v5 =	vld [tilespmem:s16+$0xFFFFFFF0];
	v7 =	vpop (erf)  }
0x30c: {  	v6 =	vld [tilespmem:s16+$0x0];
	v2 =	vmul.f32 v7, v2  }
0x30d: {  	v9 =	vld [tilespmem:s16+$0x20];
	v3 =	vmul.f32 v3, v7  }
0x30e: {  	v10 =	vld [tilespmem:s16+$0x30];
	v4 =	vmul.f32 v4, v7;
	[tilespmem:s16+$0xFFFFFFC0] =	vst v2  }
0x30f: {  	v63 =	vmul.f32 v8, v7;
	[tilespmem:s16+$0xFFFFFFD0] =	vst v3  }
0x310: {  	v2 =	vmul.f32 v5, v7;
	[tilespmem:s16+$0xFFFFFFE0] =	vst v4  }
0x311: {  	v3 =	vmul.f32 v6, v7;
	[tilespmem:s16+$0x10] =	vst v63  }
0x312: {  	[tilespmem:s16+$0xFFFFFFF0] =	vst v2;
	v2 =	vmul.f32 v9, v7  }
0x313: {  	[tilespmem:s16+$0x0] =	vst v3;
	v3 =	vmul.f32 v10, v7  }
0x314: {  	[tilespmem:s16+$0x20] =	vst v2  }
0x315: {  	s18 =	simm.s32 $0x10;
	s17 =	simm.s32 $0x80;
	[tilespmem:s16+$0x30] =	vst v3  }
.LBB2_36:
0x316: {  	p0 =	sne.s32 s17, $0x1FC0;
	v2 =	vld [tilespmem:s18+$0xEC10];
	_ =	sdelay $0x4  }
0x317: {  	v2 =	vmax.f32 v2, $1.000000000e+00  }
0x318: {  	s16 =	sadd.s32 $0x80, s16;
	(erf) = vrcp.f32 v2  }
0x319: {  	v2 =	vld [tilespmem:s16+$0xFFFFFFF0]  }
0x31a: {  	v3 =	vld [tilespmem:s16+$0x30]  }
0x31b: {  	v4 =	vld [tilespmem:s16+$0x10]  }
0x31c: {  	v5 =	vld [tilespmem:s16+$0xFFFFFFD0]  }
0x31d: {  	v6 =	vld [tilespmem:s16+$0xFFFFFFC0]  }
0x31e: {  	v7 =	vld [tilespmem:s16+$0xFFFFFFE0]  }
0x31f: {  	v8 =	vld [tilespmem:s16+$0x0]  }
0x320: {  	v9 =	vld [tilespmem:s16+$0x20]  }
0x321: {  	v10 =	vpop (erf)  }
0x322: {  	v6 =	vmul.f32 v10, v6;
	v5 =	vmul.f32 v5, v10  }
0x323: {  	v2 =	vmul.f32 v2, v10;
	v7 =	vmul.f32 v7, v10  }
0x324: {  	v4 =	vmul.f32 v4, v10;
	[tilespmem:s16+$0xFFFFFFC0] =	vst v6;
	v6 =	vmul.f32 v8, v10  }
0x325: {  	v3 =	vmul.f32 v3, v10;
	[tilespmem:s16+$0xFFFFFFD0] =	vst v5;
	v5 =	vmul.f32 v9, v10  }
0x326: {  	[tilespmem:s16+$0xFFFFFFE0] =	vst v7  }
.Ltmp19:
0x327: {  	[tilespmem:s16+$0xFFFFFFF0] =	vst v2;
	(pc) =	sbr.rel @p0 .LBB2_36-.Ltmp19, $4  }
0x328: {  	[tilespmem:s16+$0x0] =	vst v6  }
0x329: {  	[tilespmem:s16+$0x10] =	vst v4  }
0x32a: {  	[tilespmem:s16+$0x20] =	vst v5  }
0x32b: {  	s18 =	sshra.s32 s17, $0x2;
	s17 =	sadd.s32 $0x40, s17;
	[tilespmem:s16+$0x30] =	vst v3  }
0x32c: {  	v2 =	vld [tilespmem:s18+$0xEC10];
	_ =	sdelay $0x4  }
0x32d: {  	v2 =	vmax.f32 v2, $1.000000000e+00  }
0x32e: {  	(erf) = vrcp.f32 v2;
	_ =	sdelay $0x3  }
0x32f: {  	s6 =	sadd.s32 $0x80, s16  }
0x330: {  	v2 =	vld [tilespmem:s6+$0xFFFFFFC0]  }
0x331: {  	v3 =	vld [tilespmem:s6+$0xFFFFFFD0]  }
0x332: {  	v4 =	vld [tilespmem:s6+$0xFFFFFFE0]  }
0x333: {  	v8 =	vld [tilespmem:s6+$0x10]  }
0x334: {  	v5 =	vld [tilespmem:s6+$0xFFFFFFF0];
	v7 =	vpop (erf)  }
0x335: {  	v6 =	vld [tilespmem:s6+$0x0];
	v2 =	vmul.f32 v7, v2  }
0x336: {  	v9 =	vld [tilespmem:s6+$0x20];
	v3 =	vmul.f32 v3, v7  }
0x337: {  	v10 =	vld [tilespmem:s6+$0x30];
	v4 =	vmul.f32 v4, v7;
	[tilespmem:s6+$0xFFFFFFC0] =	vst v2  }
0x338: {  	v55 =	vmul.f32 v8, v7;
	[tilespmem:s6+$0xFFFFFFD0] =	vst v3  }
0x339: {  	v2 =	vmul.f32 v5, v7;
	[tilespmem:s6+$0xFFFFFFE0] =	vst v4  }
0x33a: {  	v3 =	vmul.f32 v6, v7;
	[tilespmem:s6+$0x10] =	vst v55  }
0x33b: {  	[tilespmem:s6+$0xFFFFFFF0] =	vst v2;
	v2 =	vmul.f32 v9, v7  }
0x33c: {  	[tilespmem:s6+$0x0] =	vst v3;
	v3 =	vmul.f32 v10, v7  }
0x33d: {  	[tilespmem:s6+$0x20] =	vst v2  }
0x33e: {  	s21 =	rddreg [dreg:$0xc];
	[tilespmem:s6+$0x30] =	vst v3  }
0x33f: {  	[hbm4b:s21+s3] =	stream.strided.scatter [tilespmem:s28], [sflag:$0x3], $0x4000, s5, s3, $0x38;
	[tilespmem:$0x175D8] =	vst v63  }
0x340: {  	_ =	swait.ge [sflag:s29], $0x4000  }
0x341: {  	[sflag:s29] =	ssyncset.done $0x0  }
0x342: {  	s22 =	rddreg [dreg:$0x12];
	[sflag:s29] =	ssyncadd.s32 $0xFFFFC000  }
0x343: {  	[tilespmem:s28], [sflag:$0x3] =	stream.linear.gather [spmem:s22], $0x2800, $0x38;
	[tilespmem:$0x175D8] =	vst v63  }
0x344: {  	_ =	swait.ge [sflag:s29], $0x2800  }
0x345: {  	[sflag:s29] =	ssyncset.done $0x0  }
0x346: {  	s23 =	rddreg [dreg:$0x13];
	[sflag:s29] =	ssyncadd.s32 $0xFFFFD800  }
0x347: {  	[tilespmem:s30], [sflag:$0x3] =	stream.linear.gather [spmem:s23], $0x500, $0x38;
	[tilespmem:$0x175D8] =	vst v63  }
0x348: {  	_ =	swait.ge [sflag:s29], $0x500  }
0x349: {  	[sflag:s29] =	ssyncset.done $0x0  }
0x34a: {  	s24 =	simm.s32 $0x0;
	[sflag:s29] =	ssyncadd.s32 $0xFFFFFB00  }
0x34b: {  	v2 =	vld [tilespmem:s24+$0xEC10];
	_ =	sdelay $0x4  }
0x34c: {  	v2 =	vmax.f32 v2, $1.000000000e+00  }
0x34d: {  	(erf) = vrcp.f32 v2;
	_ =	sdelay $0x3  }
0x34e: {  	s16 =	simm.s32 $0xAC50  }
0x34f: {  	v2 =	vld [tilespmem:s16+$0xFFFFFFC0]  }
0x350: {  	v3 =	vld [tilespmem:s16+$0xFFFFFFD0]  }
0x351: {  	v56 =	vld [tilespmem:s16+$0xFFFFFFE0]  }
0x352: {  	v60 =	vld [tilespmem:s16+$0x10]  }
0x353: {  	v57 =	vld [tilespmem:s16+$0xFFFFFFF0];
	v59 =	vpop (erf)  }
0x354: {  	v58 =	vld [tilespmem:s16+$0x0];
	v2 =	vmul.f32 v59, v2  }
0x355: {  	v61 =	vld [tilespmem:s16+$0x20];
	v3 =	vmul.f32 v3, v59  }
0x356: {  	v62 =	vld [tilespmem:s16+$0x30];
	v4 =	vmul.f32 v56, v59;
	[tilespmem:s16+$0xFFFFFFC0] =	vst v2  }
0x357: {  	v63 =	vmul.f32 v60, v59;
	[tilespmem:s16+$0xFFFFFFD0] =	vst v3  }
0x358: {  	v2 =	vmul.f32 v57, v59;
	[tilespmem:s16+$0xFFFFFFE0] =	vst v4  }
0x359: {  	v3 =	vmul.f32 v58, v59;
	[tilespmem:s16+$0x10] =	vst v63  }
0x35a: {  	[tilespmem:s16+$0xFFFFFFF0] =	vst v2;
	v2 =	vmul.f32 v61, v59  }
0x35b: {  	[tilespmem:s16+$0x0] =	vst v3;
	v3 =	vmul.f32 v62, v59  }
0x35c: {  	[tilespmem:s16+$0x20] =	vst v2  }
0x35d: {  	s18 =	simm.s32 $0x10;
	s17 =	simm.s32 $0x80;
	[tilespmem:s16+$0x30] =	vst v3  }
.LBB2_38:
0x35e: {  	p0 =	sne.s32 s17, $0x13C0;
	v2 =	vld [tilespmem:s18+$0xEC10];
	_ =	sdelay $0x4  }
0x35f: {  	v2 =	vmax.f32 v2, $1.000000000e+00  }
0x360: {  	s16 =	sadd.s32 $0x80, s16;
	(erf) = vrcp.f32 v2  }
0x361: {  	v2 =	vld [tilespmem:s16+$0xFFFFFFF0]  }
0x362: {  	v3 =	vld [tilespmem:s16+$0x30]  }
0x363: {  	v4 =	vld [tilespmem:s16+$0x10]  }
0x364: {  	v5 =	vld [tilespmem:s16+$0xFFFFFFD0]  }
0x365: {  	v6 =	vld [tilespmem:s16+$0xFFFFFFC0]  }
0x366: {  	v7 =	vld [tilespmem:s16+$0xFFFFFFE0]  }
0x367: {  	v8 =	vld [tilespmem:s16+$0x0]  }
0x368: {  	v9 =	vld [tilespmem:s16+$0x20]  }
0x369: {  	v10 =	vpop (erf)  }
0x36a: {  	v6 =	vmul.f32 v10, v6;
	v5 =	vmul.f32 v5, v10  }
0x36b: {  	v2 =	vmul.f32 v2, v10;
	v7 =	vmul.f32 v7, v10  }
0x36c: {  	v4 =	vmul.f32 v4, v10;
	[tilespmem:s16+$0xFFFFFFC0] =	vst v6;
	v6 =	vmul.f32 v8, v10  }
0x36d: {  	v3 =	vmul.f32 v3, v10;
	[tilespmem:s16+$0xFFFFFFD0] =	vst v5;
	v5 =	vmul.f32 v9, v10  }
0x36e: {  	[tilespmem:s16+$0xFFFFFFE0] =	vst v7  }
.Ltmp20:
0x36f: {  	[tilespmem:s16+$0xFFFFFFF0] =	vst v2;
	(pc) =	sbr.rel @p0 .LBB2_38-.Ltmp20, $4  }
0x370: {  	[tilespmem:s16+$0x0] =	vst v6  }
0x371: {  	[tilespmem:s16+$0x10] =	vst v4  }
0x372: {  	[tilespmem:s16+$0x20] =	vst v5  }
0x373: {  	s18 =	sshra.s32 s17, $0x2;
	s17 =	sadd.s32 $0x40, s17;
	[tilespmem:s16+$0x30] =	vst v3  }
0x374: {  	v2 =	vld [tilespmem:s18+$0xEC10];
	_ =	sdelay $0x4  }
0x375: {  	v2 =	vmax.f32 v2, $1.000000000e+00  }
0x376: {  	(erf) = vrcp.f32 v2;
	_ =	sdelay $0x3  }
0x377: {  	s6 =	sadd.s32 $0x80, s16  }
0x378: {  	v2 =	vld [tilespmem:s6+$0xFFFFFFC0]  }
0x379: {  	v3 =	vld [tilespmem:s6+$0xFFFFFFD0]  }
0x37a: {  	v4 =	vld [tilespmem:s6+$0xFFFFFFE0]  }
0x37b: {  	v8 =	vld [tilespmem:s6+$0x10]  }
0x37c: {  	v5 =	vld [tilespmem:s6+$0xFFFFFFF0];
	v7 =	vpop (erf)  }
0x37d: {  	v6 =	vld [tilespmem:s6+$0x0];
	v2 =	vmul.f32 v7, v2  }
0x37e: {  	v9 =	vld [tilespmem:s6+$0x20];
	v3 =	vmul.f32 v3, v7  }
0x37f: {  	v10 =	vld [tilespmem:s6+$0x30];
	v4 =	vmul.f32 v4, v7;
	[tilespmem:s6+$0xFFFFFFC0] =	vst v2  }
0x380: {  	v63 =	vmul.f32 v8, v7;
	[tilespmem:s6+$0xFFFFFFD0] =	vst v3  }
0x381: {  	v2 =	vmul.f32 v5, v7;
	[tilespmem:s6+$0xFFFFFFE0] =	vst v4  }
0x382: {  	v3 =	vmul.f32 v6, v7;
	[tilespmem:s6+$0x10] =	vst v63  }
0x383: {  	[tilespmem:s6+$0xFFFFFFF0] =	vst v2;
	v2 =	vmul.f32 v9, v7  }
0x384: {  	[tilespmem:s6+$0x0] =	vst v3;
	v3 =	vmul.f32 v10, v7  }
0x385: {  	[tilespmem:s6+$0x20] =	vst v2  }
0x386: {  	s23 =	rddreg [dreg:$0xd];
	[tilespmem:s6+$0x30] =	vst v3  }
0x387: {  	[hbm4b:s23+s3] =	stream.strided.scatter [tilespmem:s28], [sflag:$0x3], $0x2800, s5, s3, $0x38;
	[tilespmem:$0x175D8] =	vst v63  }
0x388: {  	_ =	swait.ge [sflag:s29], $0x2800  }
0x389: {  	s15 =	sadd.s32 $0x1, s15;
	s24 =	rddreg [dreg:$0x14]  }
0x38a: {  	p0 =	sne.s32 s15, s24  }
.Ltmp21:
0x38b: {  	_ = 	snop;
	(pc) =	sbr.rel @p0 .LBB2_1-.Ltmp21, $4  }
.Ltmp22:
0x38c: {  	_ = 	snop;
	(pc) =	sbr.rel @!p0 .LBB2_40-.Ltmp22, $4  }
0x38d: {  	_ = 	snop  }
0x38e: {  	[sflag:s29] =	ssyncset.done $0x0  }
0x38f: {  	[sflag:s29] =	ssyncadd.s32 $0xFFFFD800  }
0x390: {  	_ = 	snop  }
.LBB2_5:
.Ltmp23:
0x391: {  	(pc) =	sbr.rel .LBB2_8-.Ltmp23, $2  }
0x392: {  	_ =	sdelay $0x2  }
0x393: {  	_ = 	snop  }
.LBB2_17:
.Ltmp24:
0x394: {  	(pc) =	sbr.rel .LBB2_21-.Ltmp24, $2  }
0x395: {  	_ =	sdelay $0x2  }
0x396: {  	s23 =	smov.u32 s19  }
.LBB2_30:
.Ltmp25:
0x397: {  	(pc) =	sbr.rel .LBB2_34-.Ltmp25, $2  }
0x398: {  	_ =	sdelay $0x2  }
0x399: {  	s21 =	smov.u32 s17  }
.LBB2_19:
.Ltmp26:
0x39a: {  	(pc) =	sbr.rel .LBB2_21-.Ltmp26, $2  }
0x39b: {  	_ =	sdelay $0x2  }
0x39c: {  	s23 =	smov.u32 s19  }
.LBB2_32:
.Ltmp27:
0x39d: {  	(pc) =	sbr.rel .LBB2_34-.Ltmp27, $2  }
0x39e: {  	_ =	sdelay $0x2  }
0x39f: {  	s21 =	smov.u32 s17  }
.LBB2_40:
0x3a0: {  	_ =	sfence.sel $0x180000  }
0x3a1: {  	[bflag:$0x0] =	sbarrier.arrive $0xFFFF  }
0x3a2: {  	_ =	strace $0x9000004A  }
0x3a3: {  	s0 =	stileid.u32;
	[bflag:$0x2] =	sbarrier.arrive $0xFFFF  }
0x3a4: {  	p0 =	sne.s32 s0, $0x0;
	s0 =	rddreg [dreg:$0x4]  }
0x3a5: {  	s0 =	sadd.s32 @!p0 $0x100000, s0  }
0x3a6: {  	[sflag:s0] =	ssyncadd.tile.s32 @!p0 $0x1;
	_ =	shalt  }
.Lfunc_end2:
_tile_overlayer_lowered:
.L_overlay_start_2:
0x3a7: {  	(tag) =	ssettag $0x2  }
0x3a8: {  	s0 =	rddreg [dreg:$0x0];
	s2 =	stileid.u32  }
0x3a9: {  	s1 =	rddreg [dreg:$0x1];
	p0 =	sne.s32 s2, $0x0  }
0x3aa: {  	s3 =	rddreg [dreg:$0x2];
	[bflag:$0x3] =	sbarrier.arrive $0xFFFF;
	s2 =	simm.s32 @!p0 $0x1C03  }
0x3ab: {  	[timem:s3], [sflag:s2] =	dma.local @!p0 [hbm:s0], s1  }
0x3ac: {  	s0 =	simm.s32 @!p0 $0x3  }
0x3ad: {  	_ =	swait.ge @!p0 [sflag:s0], s1  }
0x3ae: {  	s1 =	ssub.s32 @!p0 $0x0, s1;
	[sflag:s0] =	ssyncset.done @!p0 $0x0  }
0x3af: {  	[sflag:s0] =	ssyncadd.s32 @!p0 s1  }
0x3b0: {  	[bflag:$0x3] =	sbarrier.arrive $0xFFFF  }
0x3b1: {  	_ =	shalt  }

// kernel: sparse-core-data-format-call.cloned.1.call-start
scs
called_computation_lowered:
.L_overlay_start_0:
0x0: {  	s2 =	sld [smem:$0x3FD9]  }
0x1: {  	s3 =	sld [smem:$0x3FFE];
	_ =	sdelay $0x1  }
0x2: {  	s1 =	srdreg.scid  }
0x3: {  	s0 =	sand.u32 $0x1, s1  }
0x4: {  	s18 =	sshll.u32 s0, $0xA;
	s2 =	sadd.s32 s3, s2  }
0x5: {  	s2 =	sadd.s32 s2, s18  }
0x6: {  	[smem:$0x3FC6] =	sst s2  }
0x7: {  	_ = 	snop  }
0x8: {  	s2 =	sld [smem:$0x3FC9];
	(tm) =	ssettm $0x1  }
0x9: {  	s19 =	sld [smem:$0x3FFB];
	_ =	sdelay $0x3  }
0xa: {  	_ =	strace s19  }
0xb: {  	s3 =	sld [smem:$0x3FFC];
	_ =	sdelay $0x3  }
0xc: {  	_ =	strace s3  }
0xd: {  	s3 =	sld [smem:$0x3FFD];
	_ =	sdelay $0x3  }
0xe: {  	_ =	strace s3  }
0xf: {  	_ =	strace $0x8FFFFFFF  }
0x10: {  	s20 =	sld [smem:$0x3FDB];
	_ =	sdelay $0x1  }
0x11: {  	s4 =	simm.s32 $_scs_section_size  }
0x12: {  	s5 =	simm.s32 $_size__tile_overlayer_lowered;
	s6 =	simm.s32 $_tile_overlayer_lowered  }
0x13: {  	s23 =	simm.s32 $0x1BFF;
	s22 =	sshll.u32 s6, $0x1;
	s3 =	sadd.s32 s4, s20  }
0x14: {  	s7 =	simm.s32 $0x0;
	s21 =	sshll.u32 s5, $0x1;
	s5 =	sadd.s32 s22, s3  }
0x15: {  	[timem:s7], [sflag:s23] =	dma.local [hbm:s5], s21  }
0x16: {  	_ =	swait.ge [sflag:s23], s21  }
0x17: {  	s4 =	ssub.s32 $0x0, s21;
	[sflag:s23] =	ssyncset.done $0x0  }
0x18: {  	[sflag:s23] =	ssyncadd.s32 s4;
	_ =	sdelay $0x1  }
0x19: {  	s24 =	simm.s32 $0x1B8B  }
0x1a: {  	_ =	swait.ge [sflag:s24], $0x1  }
0x1b: {  	[sflag:s24] =	ssyncset.done $0x0  }
0x1c: {  	s26 =	simm.s32 $0x1B8E;
	s25 =	sld [smem:$0x3FFE];
	[sflag:s24] =	ssyncadd.s32 $0xFFFFFFFF  }
0x1d: {  	s27 =	simm.s32 $execute0_lowered;
	[smem:$0x3FD2] =	sst s26  }
0x1e: {  	s5 =	sshll.u32 s27, $0x1;
	_ =	strace $0x80000046;
	[dreg:$0x1] =	wrdreg $0xFFFFFFFF  }
0x1f: {  	s28 =	simm.s32 $_size_execute0_lowered;
	s3 =	sadd.s32 s3, s5;
	[dreg:$0x0] =	wrdreg $0x0  }
0x20: {  	s5 =	sshll.u32 s28, $0x1;
	[dreg:$0x2] =	wrdreg s3  }
0x21: {  	[dreg:$0x3] =	wrdreg s5  }
0x22: {  	[dreg:$0x4] =	wrdreg $0xC0  }
0x23: {  	_ =	task [dreg:s7], $0x5FFFF  }
0x24: {  	[dreg:$0x1] =	wrdreg $0xFFFFFFFF  }
0x25: {  	[dreg:$0x0] =	wrdreg $0x60  }
0x26: {  	[dreg:$0x2] =	wrdreg s2  }
0x27: {  	[dreg:$0x3] =	wrdreg s25  }
0x28: {  	[dreg:$0x4] =	wrdreg $0x9  }
0x29: {  	_ =	task.clear_ibuf [dreg:s7], $0x5FFFF;
	_ =	strace $0x90000046  }
0x2a: {  	s29 =	simm.s32 $0x9;
	_ =	strace $0x80000048  }
0x2b: {  	_ =	swait.ge [sflag:s29], $0x1  }
0x2c: {  	[sflag:s29] =	ssyncadd.s32 $0xFFFFFFFF  }
0x2d: {  	_ =	strace $0x90000048  }
0x2e: {  	_ =	sfence  }
0x2f: {  	s30 =	sld [smem:$0x0];
	_ =	sdelay $0x2  }
0x30: {  	s31 =	sshll.u32 s1, $0xD;
	s1 =	sshrl.u32 s1, $0x2  }
0x31: {  	s3 =	sand.u32 $0x4000, s31;
	s1 =	sadd.s32 s1, s30  }
0x32: {  	s0 =	sor.u32 s3, s0;
	s1 =	sshll.u32 s1, $0x11  }
0x33: {  	s0 =	sor.u32 s1, s0  }
0x34: {  	s0 =	sadd.s32 $0x8F2B, s0  }
0x35: {  	[sflag:s0] =	ssyncadd.remote.s32 $0x1  }
0x36: {  	_ =	sfence.sel $0xFFFF  }
0x37: {  	[dreg:$0x0] =	wrdreg $0xFFFFFFFF;
	(pc) =	sbr.abs _section_cstart, $3  }
0x38: {  	[dreg:$0x1] =	wrdreg $0xFFFFFFFF  }
0x39: {  	_ =	task.clear_ibuf [dreg:s7], $0x2FFFF;
	_ =	strace $0x9FFFFFFF  }
0x3a: {  	(tm) =	ssettm $0x7FFFFFFF  }
0x3b: {  	_ =	shalt  }
tec
execute0_lowered:
.L_overlay_start_1:
0x0: {  	(tag) =	ssettag $0x1  }
0x1: {  	s0 =	srdreg.scid  }
0x2: {  	s1 =	sshll.u32 s0, $0x4  }
0x3: {  	s2 =	rddreg [dreg:$0x0];
	s0 =	stileid.u32;
	s1 =	sand.u32 $0x10, s1  }
0x4: {  	s4 =	rddreg [dreg:$0x1];
	s1 =	sor.u32 s0, s1  }
0x5: {  	s7 =	simm.s32 $0x1;
	s8 =	simm.s32 $0x2;
	s3 =	sshll.u32 s1, $0x3  }
0x6: {  	s9 =	simm.s32 $0x0;
	s12 =	simm.s32 $0x0;
	s6 =	ssub.s32 $0x4E20, s3  }
.Ltmp0:
0x7: {  	s11 =	simm.s32 $0x0;
	s5 =	sand.u32 $0xF8, s6;
	(pc) =	sbr.rel .LBB1_1-.Ltmp0, $4  }
0x8: {  	s1 =	rddreg [dreg:$0x2];
	_ =	strace $0x80000047;
	p0 =	sne.s32 s5, $0x0  }
0x9: {  	s6 =	sshrl.u32 s6, $0x8;
	s5 =	simm.s32 $0x1;
	s7 =	simm.s32 @!p0 $0x0  }
0xa: {  	s10 =	smov.u32 s3;
	[sflag:s5] =	ssyncpa.u1 $0x0;
	s6 =	sadd.s32 s7, s6  }
0xb: {  	[sflag:s8] =	ssyncpa.u1 $0x0;
	s8 =	simm.s32 $0x0;
	s7 =	sadd.s32 $0x1, s6  }
.LBB1_9:
0xc: {  	s14 =	sadd.s32 $0x100, s10  }
0xd: {  	p1 =	sgt.s32 s14, $0x4E1F  }
0xe: {  	s14 =	smov.u32 @p1 s3;
	p1 =	sne.s32 s11, s7  }
.Ltmp1:
0xf: {  	p0 =	slt.u32 s11, $0x2;
	(pc) =	sbr.rel @!p1 .LBB1_10-.Ltmp1, $4  }
0x10: {  	s13 =	simm.s32 @!p0 $0x2  }
0x11: {  	s15 =	sadd.s32 $0x1, s11;
	_ =	swait.ge @!p0 [sflag:s13], $0x4000  }
0x12: {  	s12 =	smov.u32 s10;
	s9 =	sadd.s32 $0x4000, s9;
	[sflag:s13] =	ssyncset.done @!p0 $0x0  }
0x13: {  	s11 =	smov.u32 s15;
	s10 =	smov.u32 s14;
	[sflag:s13] =	ssyncadd.s32 @!p0 $0xFFFFC000  }
.LBB1_1:
0x14: {  	p0 =	sge.u32 s11, s6  }
0x15: {  	s13 =	sxor.u32 @!p0 $0xFFFFFFFF, s11  }
0x16: {  	s31 =	sadd.s32 $0xFFFFFFFF, s11;
	s14 =	sshll.u32 @!p0 s10, $0x8;
	s13 =	sshll.u32 @!p0 s13, $0xE  }
0x17: {  	s15 =	simm.s32 @!p0 $0x0;
	s14 =	sadd.s32 @!p0 s2, s14;
	s13 =	sand.u32 @!p0 $0x4000, s13  }
0x18: {  	[tilespmem:s13], [sflag:$0x1] =	stream.linear.gather @!p0 [hbm4b:s14+s15], $0x4000, $0x38;
	[tilespmem:$0x10000] =	vst v63  }
0x19: {  	p0 =	sge.u32 s31, s6  }
.Ltmp2:
0x1a: {  	_ = 	snop;
	(pc) =	sbr.rel @p0 .LBB1_9-.Ltmp2, $1  }
0x1b: {  	_ =	sdelay $0x3  }
0x1c: {  	s13 =	sshll.u32 s9, $0x2;
	_ =	swait.ge [sflag:s5], $0x4000;
	s14 =	sshll.u32 s11, $0xE  }
0x1d: {  	s16 =	simm.s32 $0x0;
	s17 =	simm.s32 $0x0;
	s15 =	sand.u32 $0x10000, s13  }
0x1e: {  	[sflag:s5] =	ssyncset.done $0x0;
	s31 =	sand.u32 $0x4000, s14;
	s14 =	sshrl.u32 s15, $0x2  }
0x1f: {  	[sflag:s5] =	ssyncadd.s32 $0xFFFFC000;
	s13 =	sor.u32 $0x8000, s31;
	s15 =	sor.u32 $0x8000, s14  }
.LBB1_3:
0x20: {  	s18 =	sshra.s32 s16, $0x2  }
0x21: {  	v0 =	vmov s18;
	_ =	sdelay $0x3  }
0x22: {  	p1 =	por $0x1, $0x1;
	s18 =	simm.s32 $0x0  }
.LBB1_4:
0x23: {  	_ = 	snop  }
0x24: {  	s19 =	sshll.u32 s18, $0xA  }
0x25: {  	s19 =	sand.u32 $0x3FFFFC00, s19  }
0x26: {  	s19 =	sadd.s32 s19, s14  }
0x27: {  	v5 =	vld.idx.msk [tilespmem:v0+s19+$0x70 ss:$0x1], $0xffff  }
0x28: {  	v6 =	vld.idx.msk [tilespmem:v0+s19+$0x10 ss:$0x1], $0xffff  }
0x29: {  	v7 =	vld.idx.msk [tilespmem:v0+s19+$0x20 ss:$0x1], $0xffff  }
0x2a: {  	s31 =	sshll.u32 s18, $0x7;
	v1 =	vld.idx.msk [tilespmem:v0+s19+$0x30 ss:$0x1], $0xffff  }
0x2b: {  	s18 =	sand.u32 $0x3FFFFF80, s31;
	v2 =	vld.idx.msk [tilespmem:v0+s19+$0x40 ss:$0x1], $0xffff  }
0x2c: {  	s18 =	sadd.s32 s18, s15;
	v3 =	vld.idx.msk [tilespmem:v0+s19+$0x50 ss:$0x1], $0xffff  }
0x2d: {  	v4 =	vld.idx.msk [tilespmem:v0+s19+$0x60 ss:$0x1], $0xffff;
	[tilespmem:v0+s18+$0x70 ss:$0x1] =	vst.idx.msk $0xffff, v5  }
0x2e: {  	v5 =	vld.idx.msk [tilespmem:v0+s19+$0x0 ss:$0x1], $0xffff;
	[tilespmem:v0+s18+$0x10 ss:$0x1] =	vst.idx.msk $0xffff, v6;
	s19 =	sadd.s32 $0x80, s19  }
0x2f: {  	p0 =	por p1, p1;
	s20 =	simm.s32 $0x6;
	[tilespmem:v0+s18+$0x20 ss:$0x1] =	vst.idx.msk $0xffff, v7;
	v6 =	vld.idx.msk [tilespmem:v0+s19+$0x70 ss:$0x1], $0xffff  }
.LBB1_5:
0x30: {  	p1 =	sne.s32 s20, $0x1;
	v7 =	vld.idx.msk [tilespmem:v0+s19+$0x10 ss:$0x1], $0xffff;
	[tilespmem:v0+s18+$0x30 ss:$0x1] =	vst.idx.msk $0xffff, v1  }
0x31: {  	v8 =	vld.idx.msk [tilespmem:v0+s19+$0x20 ss:$0x1], $0xffff;
	[tilespmem:v0+s18+$0x40 ss:$0x1] =	vst.idx.msk $0xffff, v2  }
0x32: {  	v1 =	vld.idx.msk [tilespmem:v0+s19+$0x30 ss:$0x1], $0xffff;
	[tilespmem:v0+s18+$0x50 ss:$0x1] =	vst.idx.msk $0xffff, v3  }
.Ltmp3:
0x33: {  	v2 =	vld.idx.msk [tilespmem:v0+s19+$0x40 ss:$0x1], $0xffff;
	[tilespmem:v0+s18+$0x60 ss:$0x1] =	vst.idx.msk $0xffff, v4;
	(pc) =	sbr.rel @p1 .LBB1_5-.Ltmp3, $4  }
0x34: {  	v3 =	vld.idx.msk [tilespmem:v0+s19+$0x50 ss:$0x1], $0xffff;
	[tilespmem:v0+s18+$0x0 ss:$0x1] =	vst.idx.msk $0xffff, v5;
	s18 =	sadd.s32 $0x100, s18  }
0x35: {  	v4 =	vld.idx.msk [tilespmem:v0+s19+$0x60 ss:$0x1], $0xffff;
	[tilespmem:v0+s18+$0x70 ss:$0x1] =	vst.idx.msk $0xffff, v6  }
0x36: {  	v5 =	vld.idx.msk [tilespmem:v0+s19+$0x0 ss:$0x1], $0xffff;
	[tilespmem:v0+s18+$0x10 ss:$0x1] =	vst.idx.msk $0xffff, v7;
	s19 =	sadd.s32 $0x80, s19  }
0x37: {  	s20 =	sadd.s32 $0xFFFFFFFF, s20;
	v6 =	vld.idx.msk [tilespmem:v0+s19+$0x70 ss:$0x1], $0xffff;
	[tilespmem:v0+s18+$0x20 ss:$0x1] =	vst.idx.msk $0xffff, v8  }
0x38: {  	_ =	sdelay $0x3  }
0x39: {  	[tilespmem:v0+s18+$0x30 ss:$0x1] =	vst.idx.msk $0xffff, v1  }
0x3a: {  	v1 =	vld.idx.msk [tilespmem:v0+s19+$0x10 ss:$0x1], $0xffff;
	[tilespmem:v0+s18+$0x40 ss:$0x1] =	vst.idx.msk $0xffff, v2  }
0x3b: {  	v2 =	vld.idx.msk [tilespmem:v0+s19+$0x20 ss:$0x1], $0xffff;
	[tilespmem:v0+s18+$0x50 ss:$0x1] =	vst.idx.msk $0xffff, v3  }
0x3c: {  	v61 =	vld.idx.msk [tilespmem:v0+s19+$0x40 ss:$0x1], $0xffff;
	[tilespmem:v0+s18+$0x60 ss:$0x1] =	vst.idx.msk $0xffff, v4  }
0x3d: {  	s31 =	sadd.s32 $0x100, s18;
	v62 =	vld.idx.msk [tilespmem:v0+s19+$0x50 ss:$0x1], $0xffff;
	[tilespmem:v0+s18+$0x0 ss:$0x1] =	vst.idx.msk $0xffff, v5  }
0x3e: {  	v63 =	vld.idx.msk [tilespmem:v0+s19+$0x60 ss:$0x1], $0xffff;
	[tilespmem:v0+s31+$0x70 ss:$0x1] =	vst.idx.msk $0xffff, v6  }
0x3f: {  	v3 =	vld.idx.msk [tilespmem:v0+s19+$0x30 ss:$0x1], $0xffff;
	[tilespmem:v0+s31+$0x10 ss:$0x1] =	vst.idx.msk $0xffff, v1  }
0x40: {  	v1 =	vld.idx.msk [tilespmem:v0+s19+$0x0 ss:$0x1], $0xffff;
	[tilespmem:v0+s31+$0x20 ss:$0x1] =	vst.idx.msk $0xffff, v2  }
.Ltmp4:
0x41: {  	[tilespmem:v0+s31+$0x40 ss:$0x1] =	vst.idx.msk $0xffff, v61;
	(pc) =	sbr.rel @p0 .LBB1_4-.Ltmp4, $4  }
0x42: {  	[tilespmem:v0+s31+$0x50 ss:$0x1] =	vst.idx.msk $0xffff, v62  }
0x43: {  	[tilespmem:v0+s31+$0x60 ss:$0x1] =	vst.idx.msk $0xffff, v63  }
0x44: {  	[tilespmem:v0+s31+$0x30 ss:$0x1] =	vst.idx.msk $0xffff, v3  }
0x45: {  	p1 =	por $0x0, $0x0;
	s18 =	simm.s32 $0x1;
	[tilespmem:v0+s31+$0x0 ss:$0x1] =	vst.idx.msk $0xffff, v1  }
0x46: {  	s17 =	sadd.s32 $0x1, s17  }
0x47: {  	p0 =	sne.s32 s17, $0x8  }
.Ltmp5:
0x48: {  	_ = 	snop;
	(pc) =	sbr.rel @p0 .LBB1_3-.Ltmp5, $2  }
0x49: {  	_ =	sdelay $0x2  }
0x4a: {  	s16 =	sadd.s32 $0x2000, s16  }
.Ltmp6:
0x4b: {  	(pc) =	sbr.rel .LBB1_9-.Ltmp6, $4  }
0x4c: {  	_ = 	snop  }
0x4d: {  	s12 =	sshll.u32 s12, $0x8  }
0x4e: {  	s12 =	sadd.s32 s4, s12  }
0x4f: {  	[hbm4b:s12+s8] =	stream.linear.scatter [tilespmem:s13], [sflag:$0x2], $0x4000, $0x38;
	[tilespmem:$0x10000] =	vst v63  }
.LBB1_10:
0x50: {  	_ =	sfence.sel $0x180000  }
0x51: {  	s2 =	simm.s32 $0x1;
	[bflag:$0x0] =	sbarrier.arrive $0xFFFF  }
0x52: {  	s31 =	simm.s32 $0x2;
	[sflag:s2] =	ssyncpa.u1 $0x1  }
0x53: {  	[sflag:s31] =	ssyncpa.u1 $0x1  }
0x54: {  	p0 =	sne.s32 s0, $0x0;
	_ =	strace $0x90000047  }
0x55: {  	s0 =	sadd.s32 @!p0 $0x100000, s1;
	[bflag:$0x2] =	sbarrier.arrive $0xFFFF  }
0x56: {  	[sflag:s0] =	ssyncadd.tile.s32 @!p0 $0x1;
	_ =	shalt  }
.Lfunc_end1:
_tile_overlayer_lowered:
.L_overlay_start_2:
0x57: {  	(tag) =	ssettag $0x2  }
0x58: {  	s0 =	rddreg [dreg:$0x0];
	s2 =	stileid.u32  }
0x59: {  	s1 =	rddreg [dreg:$0x1];
	p0 =	sne.s32 s2, $0x0  }
0x5a: {  	s3 =	rddreg [dreg:$0x2];
	[bflag:$0x3] =	sbarrier.arrive $0xFFFF;
	s2 =	simm.s32 @!p0 $0x1C01  }
0x5b: {  	[timem:s3], [sflag:s2] =	dma.local @!p0 [hbm:s0], s1  }
0x5c: {  	s0 =	simm.s32 @!p0 $0x1  }
0x5d: {  	_ =	swait.ge @!p0 [sflag:s0], s1  }
0x5e: {  	s1 =	ssub.s32 @!p0 $0x0, s1;
	[sflag:s0] =	ssyncset.done @!p0 $0x0  }
0x5f: {  	[sflag:s0] =	ssyncadd.s32 @!p0 s1  }
0x60: {  	[bflag:$0x3] =	sbarrier.arrive $0xFFFF  }
0x61: {  	_ =	shalt  }

</sc_bundles>
